<compile_context>
chip_gen: v7x
topology: tpu7x:2x2x1
jax: 0.10.2.dev20260603
libtpu: 0.0.44.dev20260713+nightly
codegen_flags: <defaults>
</compile_context>

<pallas_src>
import functools

import jax
import jax.numpy as jnp
from jax import lax
from jax.experimental import pallas as pl
from jax.experimental.pallas import tpu as pltpu
from jax.experimental.pallas import tpu_sc as plsc

_N_SRC = 100000
_N_DST = 100000
_N_EDGE = 6400000
_ROW = 128
_R = _N_EDGE // _ROW
_K = 16
_UNITS = _R // _K
_NCORES = 2
_NSUB = 16
_NW = _NCORES * _NSUB
_UBASE = _UNITS // _NW
_UREM = _UNITS % _NW
_PAD = 100096
_ZS = _PAD // _NSUB


def _sc_aggregate(xs_flat, src2, dst2):
  mesh = plsc.VectorSubcoreMesh(core_axis_name="c", subcore_axis_name="s")

  @functools.partial(
      pl.kernel,
      out_type=jax.ShapeDtypeStruct((_NCORES * _PAD,), jnp.float32),
      mesh=mesh,
      compiler_params=pltpu.CompilerParams(needs_layout_passes=False),
      scratch_types=[
          pltpu.VMEM((_N_SRC,), jnp.float32),
          pltpu.VMEM((_K, _ROW), jnp.int32),
          pltpu.VMEM((_K, _ROW), jnp.int32),
          pltpu.VMEM((_K, _ROW), jnp.float32),
          pltpu.VMEM((2048,), jnp.float32),
          pltpu.VMEM_SHARED((_PAD,), jnp.float32),
      ],
  )
  def body(xs_hbm, src_hbm, dst_hbm, out_hbm,
           xs_v, src_v, dst_v, val_v, zb_v, agg_sh):
    c = lax.axis_index("c")
    s = lax.axis_index("s")
    wid = s * _NCORES + c

    zv = jnp.zeros((16,), jnp.float32)
    for i in range(2048 // 16):
      zb_v[pl.ds(i * 16, 16)] = zv
    for j in range(_ZS // 2048):
      pltpu.sync_copy(zb_v, agg_sh.at[pl.ds(s * _ZS + j * 2048, 2048)])
    pltpu.sync_copy(zb_v.at[pl.ds(0, _ZS % 2048)],
                    agg_sh.at[pl.ds(s * _ZS + (_ZS // 2048) * 2048,
                                    _ZS % 2048)])
    pltpu.sync_copy(xs_hbm, xs_v)
    plsc.subcore_barrier()

    nunits = _UBASE + jnp.where(wid < _UREM, 1, 0)
    start = wid * _UBASE + jnp.minimum(wid, _UREM)

    def unit(u, carry):
      row0 = (start + u) * _K
      pltpu.sync_copy(src_hbm.at[pl.ds(row0, _K)], src_v)
      pltpu.sync_copy(dst_hbm.at[pl.ds(row0, _K)], dst_v)
      for k in range(_K):
        for i in range(_ROW // 16):
          idx = src_v[k, pl.ds(i * 16, 16)]
          val_v[k, pl.ds(i * 16, 16)] = plsc.load_gather(xs_v, [idx])
      for k in range(_K):
        pltpu.sync_copy(val_v.at[k], agg_sh.at[dst_v.at[k]], add=True)
      return carry

    lax.fori_loop(0, nunits, unit, 0)

    plsc.subcore_barrier()
    for j in range(_ZS // 2048):
      pltpu.sync_copy(agg_sh.at[pl.ds(s * _ZS + j * 2048, 2048)], zb_v)
      pltpu.sync_copy(zb_v, out_hbm.at[pl.ds(c * _PAD + s * _ZS + j * 2048,
                                             2048)])
    tail = _ZS % 2048
    toff = s * _ZS + (_ZS // 2048) * 2048
    pltpu.sync_copy(agg_sh.at[pl.ds(toff, tail)], zb_v.at[pl.ds(0, tail)])
    pltpu.sync_copy(zb_v.at[pl.ds(0, tail)],
                    out_hbm.at[pl.ds(c * _PAD + toff, tail)])

  return body(xs_flat, src2, dst2)


def _finalize(agg3, xd_pad, w_rel, b_rel, w_root):
  def body(a_ref, xd_ref, wr_ref, br_ref, wk_ref, o_ref):
    o_ref[...] = ((a_ref[0] + a_ref[1]) * wr_ref[0, 0]
                  + br_ref[0, 0] + xd_ref[...] * wk_ref[0, 0])

  scalar = pl.BlockSpec(memory_space=pltpu.SMEM)
  return pl.pallas_call(
      body,
      out_shape=jax.ShapeDtypeStruct(xd_pad.shape, jnp.float32),
      in_specs=[pl.BlockSpec(memory_space=pltpu.VMEM),
                pl.BlockSpec(memory_space=pltpu.VMEM),
                scalar, scalar, scalar],
  )(agg3, xd_pad, w_rel, b_rel, w_root)


def kernel(x_s, x_d, edge_index, W_rel, b_rel, W_root):
  src2 = edge_index[0].astype(jnp.int32).reshape(_R, _ROW)
  dst2 = edge_index[1].astype(jnp.int32).reshape(_R, _ROW)
  xs_flat = x_s.reshape(_N_SRC)

  agg = _sc_aggregate(xs_flat, src2, dst2)
  agg3 = agg.reshape(_NCORES, _PAD // 128, 128)
  xd_pad = jnp.pad(x_d.reshape(_N_DST), (0, _PAD - _N_DST)).reshape(
      _PAD // 128, 128)
  y = _finalize(agg3, xd_pad, W_rel.reshape(1, 1), b_rel.reshape(1, 1),
                W_root.reshape(1, 1))
  return y.reshape(_PAD)[:_N_DST].reshape(_N_DST, 1)

# --- scband reference (transcript-rebuilt; emitter-appended) ---
"""Pipeline reference for scband-gnnmodel-simple-2929167695878 (READ-ONLY COPY).

The authoritative reference and input builder live on the scoring server;
editing this copy changes nothing except your own understanding.
"""

import jax, jax.numpy as jnp
import numpy as np

NS = 100000
ND = 100000
E = 6400000
D_IN = 1
D_OUT = 1

def setup_inputs(seed: int = 0) -> dict:
    key = jax.random.key(seed)
    k1, k2, k3, k4, k5, k6 = jax.random.split(key, 6)
    x_s = jax.random.normal(k1, (NS, D_IN), dtype=jnp.float32)
    x_d = jax.random.normal(k2, (ND, D_IN), dtype=jnp.float32)
    src = jax.random.randint(k3, (E,), 0, NS, dtype=jnp.int64)
    dst = jax.random.randint(k4, (E,), 0, ND, dtype=jnp.int64)
    edge_index = jnp.stack([src, dst], axis=0)
    # GraphConv params: lin_rel (weight+bias) applied to aggregated neighbor feats,
    # lin_root (weight, no bias) applied to dst node feats.
    W_rel = jax.random.normal(k5, (D_OUT, D_IN), dtype=jnp.float32) / np.sqrt(D_IN)
    b_rel = jnp.zeros((D_OUT,), dtype=jnp.float32)
    W_root = jax.random.normal(k6, (D_OUT, D_IN), dtype=jnp.float32) / np.sqrt(D_IN)
    return {"x_s": x_s, "x_d": x_d, "edge_index": edge_index,
            "W_rel": W_rel, "b_rel": b_rel, "W_root": W_root}

def reference(x_s, x_d, edge_index, W_rel, b_rel, W_root):
    # GraphConv (bipartite, aggr='add'):
    # y_i = W_rel @ (sum_{(j->i) in E} x_s[j]) + b_rel + W_root @ x_d[i]
    src = edge_index[0]
    dst = edge_index[1]
    msgs = jnp.take(x_s, src, axis=0)                      # gather  [E, D_IN]
    agg = jax.ops.segment_sum(msgs, dst, num_segments=x_d.shape[0])  # scatter-add [ND, D_IN]
    y = agg @ W_rel.T + b_rel + x_d @ W_root.T
    return y

if __name__ == "__main__":
    import jax
    _d = setup_inputs()
    print(jax.jit(kernel)(*tuple(_d.values())))

</pallas_src>

<mosaic_0001>
#map = affine_map<(d0, d1) -> (0)>
#map1 = affine_map<(d0, d1) -> (0, 0)>
module attributes {stable_mosaic.version = 14 : i64} {
  func.func @body(%arg0: i32, %arg1: i32, %arg2: memref<100000xf32, #tpu.memory_space<hbm>>, %arg3: memref<50000x128xi32, #tpu.memory_space<hbm>>, %arg4: memref<50000x128xi32, #tpu.memory_space<hbm>>, %arg5: memref<200192xf32, #tpu.memory_space<hbm>>, %arg6: memref<100000xf32, #tpu.memory_space<vmem>>, %arg7: memref<16x128xi32, #tpu.memory_space<vmem>>, %arg8: memref<16x128xi32, #tpu.memory_space<vmem>>, %arg9: memref<16x128xf32, #tpu.memory_space<vmem>>, %arg10: memref<2048xf32, #tpu.memory_space<vmem>>, %arg11: memref<100096xf32, #tpu.memory_space<vmem_shared>>) attributes {dimension_semantics = [#tpu.dimension_semantics<core_parallel>, #tpu.dimension_semantics<subcore_parallel>], iteration_bounds = array<i64: 2, 16>, scalar_prefetch = 0 : i64, scratch_operands = 6 : i64, tpu.core_type = #tpu.core_type<sc_vector_subcore>, window_params = [{transform_indices = #map}, {transform_indices = #map1}, {transform_indices = #map1}, {transform_indices = #map}]} {
    %mul3A = arith.constant 2 : i32
    %mul3A_0 = arith.muli %arg1, %mul3A : i32
    %add3A = arith.addi %mul3A_0, %arg0 : i32
    %broadcast_in_dim3A = arith.constant 0.000000e+00 : f32
    %broadcast_in_dim3A_1 = vector.broadcast %broadcast_in_dim3A : f32 to vector<16xf32>
    %swap3A = arith.constant 0 : index
    %swap3A_2 = tpu.vector_load %arg10[%swap3A] {strides = array<i32>} : memref<2048xf32, #tpu.memory_space<vmem>>, vector<16xf32>,
    tpu.vector_store %arg10[%swap3A], %broadcast_in_dim3A_1 {strides = array<i32>} : memref<2048xf32, #tpu.memory_space<vmem>>, vector<16xf32>,
    %swap3A_3 = arith.constant 16 : index
    %swap3A_4 = tpu.vector_load %arg10[%swap3A_3] {strides = array<i32>} : memref<2048xf32, #tpu.memory_space<vmem>>, vector<16xf32>,
    tpu.vector_store %arg10[%swap3A_3], %broadcast_in_dim3A_1 {strides = array<i32>} : memref<2048xf32, #tpu.memory_space<vmem>>, vector<16xf32>,
    %swap3A_5 = arith.constant 32 : index
    %swap3A_6 = tpu.vector_load %arg10[%swap3A_5] {strides = array<i32>} : memref<2048xf32, #tpu.memory_space<vmem>>, vector<16xf32>,
    tpu.vector_store %arg10[%swap3A_5], %broadcast_in_dim3A_1 {strides = array<i32>} : memref<2048xf32, #tpu.memory_space<vmem>>, vector<16xf32>,
    %swap3A_7 = arith.constant 48 : index
    %swap3A_8 = tpu.vector_load %arg10[%swap3A_7] {strides = array<i32>} : memref<2048xf32, #tpu.memory_space<vmem>>, vector<16xf32>,
    tpu.vector_store %arg10[%swap3A_7], %broadcast_in_dim3A_1 {strides = array<i32>} : memref<2048xf32, #tpu.memory_space<vmem>>, vector<16xf32>,
    %swap3A_9 = arith.constant 64 : index
    %swap3A_10 = tpu.vector_load %arg10[%swap3A_9] {strides = array<i32>} : memref<2048xf32, #tpu.memory_space<vmem>>, vector<16xf32>,
    tpu.vector_store %arg10[%swap3A_9], %broadcast_in_dim3A_1 {strides = array<i32>} : memref<2048xf32, #tpu.memory_space<vmem>>, vector<16xf32>,
    %swap3A_11 = arith.constant 80 : index
    %swap3A_12 = tpu.vector_load %arg10[%swap3A_11] {strides = array<i32>} : memref<2048xf32, #tpu.memory_space<vmem>>, vector<16xf32>,
    tpu.vector_store %arg10[%swap3A_11], %broadcast_in_dim3A_1 {strides = array<i32>} : memref<2048xf32, #tpu.memory_space<vmem>>, vector<16xf32>,
    %swap3A_13 = arith.constant 96 : index
    %swap3A_14 = tpu.vector_load %arg10[%swap3A_13] {strides = array<i32>} : memref<2048xf32, #tpu.memory_space<vmem>>, vector<16xf32>,
    tpu.vector_store %arg10[%swap3A_13], %broadcast_in_dim3A_1 {strides = array<i32>} : memref<2048xf32, #tpu.memory_space<vmem>>, vector<16xf32>,
    %swap3A_15 = arith.constant 112 : index
    %swap3A_16 = tpu.vector_load %arg10[%swap3A_15] {strides = array<i32>} : memref<2048xf32, #tpu.memory_space<vmem>>, vector<16xf32>,
    tpu.vector_store %arg10[%swap3A_15], %broadcast_in_dim3A_1 {strides = array<i32>} : memref<2048xf32, #tpu.memory_space<vmem>>, vector<16xf32>,
    %swap3A_17 = arith.constant 128 : index
    %swap3A_18 = tpu.vector_load %arg10[%swap3A_17] {strides = array<i32>} : memref<2048xf32, #tpu.memory_space<vmem>>, vector<16xf32>,
    tpu.vector_store %arg10[%swap3A_17], %broadcast_in_dim3A_1 {strides = array<i32>} : memref<2048xf32, #tpu.memory_space<vmem>>, vector<16xf32>,
    %swap3A_19 = arith.constant 144 : index
    %swap3A_20 = tpu.vector_load %arg10[%swap3A_19] {strides = array<i32>} : memref<2048xf32, #tpu.memory_space<vmem>>, vector<16xf32>,
    tpu.vector_store %arg10[%swap3A_19], %broadcast_in_dim3A_1 {strides = array<i32>} : memref<2048xf32, #tpu.memory_space<vmem>>, vector<16xf32>,
    %swap3A_21 = arith.constant 160 : index
    %swap3A_22 = tpu.vector_load %arg10[%swap3A_21] {strides = array<i32>} : memref<2048xf32, #tpu.memory_space<vmem>>, vector<16xf32>,
    tpu.vector_store %arg10[%swap3A_21], %broadcast_in_dim3A_1 {strides = array<i32>} : memref<2048xf32, #tpu.memory_space<vmem>>, vector<16xf32>,
    %swap3A_23 = arith.constant 176 : index
    %swap3A_24 = tpu.vector_load %arg10[%swap3A_23] {strides = array<i32>} : memref<2048xf32, #tpu.memory_space<vmem>>, vector<16xf32>,
    tpu.vector_store %arg10[%swap3A_23], %broadcast_in_dim3A_1 {strides = array<i32>} : memref<2048xf32, #tpu.memory_space<vmem>>, vector<16xf32>,
    %swap3A_25 = arith.constant 192 : index
    %swap3A_26 = tpu.vector_load %arg10[%swap3A_25] {strides = array<i32>} : memref<2048xf32, #tpu.memory_space<vmem>>, vector<16xf32>,
    tpu.vector_store %arg10[%swap3A_25], %broadcast_in_dim3A_1 {strides = array<i32>} : memref<2048xf32, #tpu.memory_space<vmem>>, vector<16xf32>,
    %swap3A_27 = arith.constant 208 : index
    %swap3A_28 = tpu.vector_load %arg10[%swap3A_27] {strides = array<i32>} : memref<2048xf32, #tpu.memory_space<vmem>>, vector<16xf32>,
    tpu.vector_store %arg10[%swap3A_27], %broadcast_in_dim3A_1 {strides = array<i32>} : memref<2048xf32, #tpu.memory_space<vmem>>, vector<16xf32>,
    %swap3A_29 = arith.constant 224 : index
    %swap3A_30 = tpu.vector_load %arg10[%swap3A_29] {strides = array<i32>} : memref<2048xf32, #tpu.memory_space<vmem>>, vector<16xf32>,
    tpu.vector_store %arg10[%swap3A_29], %broadcast_in_dim3A_1 {strides = array<i32>} : memref<2048xf32, #tpu.memory_space<vmem>>, vector<16xf32>,
    %swap3A_31 = arith.constant 240 : index
    %swap3A_32 = tpu.vector_load %arg10[%swap3A_31] {strides = array<i32>} : memref<2048xf32, #tpu.memory_space<vmem>>, vector<16xf32>,
    tpu.vector_store %arg10[%swap3A_31], %broadcast_in_dim3A_1 {strides = array<i32>} : memref<2048xf32, #tpu.memory_space<vmem>>, vector<16xf32>,
    %swap3A_33 = arith.constant 256 : index
    %swap3A_34 = tpu.vector_load %arg10[%swap3A_33] {strides = array<i32>} : memref<2048xf32, #tpu.memory_space<vmem>>, vector<16xf32>,
    tpu.vector_store %arg10[%swap3A_33], %broadcast_in_dim3A_1 {strides = array<i32>} : memref<2048xf32, #tpu.memory_space<vmem>>, vector<16xf32>,
    %swap3A_35 = arith.constant 272 : index
    %swap3A_36 = tpu.vector_load %arg10[%swap3A_35] {strides = array<i32>} : memref<2048xf32, #tpu.memory_space<vmem>>, vector<16xf32>,
    tpu.vector_store %arg10[%swap3A_35], %broadcast_in_dim3A_1 {strides = array<i32>} : memref<2048xf32, #tpu.memory_space<vmem>>, vector<16xf32>,
    %swap3A_37 = arith.constant 288 : index
    %swap3A_38 = tpu.vector_load %arg10[%swap3A_37] {strides = array<i32>} : memref<2048xf32, #tpu.memory_space<vmem>>, vector<16xf32>,
    tpu.vector_store %arg10[%swap3A_37], %broadcast_in_dim3A_1 {strides = array<i32>} : memref<2048xf32, #tpu.memory_space<vmem>>, vector<16xf32>,
    %swap3A_39 = arith.constant 304 : index
    %swap3A_40 = tpu.vector_load %arg10[%swap3A_39] {strides = array<i32>} : memref<2048xf32, #tpu.memory_space<vmem>>, vector<16xf32>,
    tpu.vector_store %arg10[%swap3A_39], %broadcast_in_dim3A_1 {strides = array<i32>} : memref<2048xf32, #tpu.memory_space<vmem>>, vector<16xf32>,
    %swap3A_41 = arith.constant 320 : index
    %swap3A_42 = tpu.vector_load %arg10[%swap3A_41] {strides = array<i32>} : memref<2048xf32, #tpu.memory_space<vmem>>, vector<16xf32>,
    tpu.vector_store %arg10[%swap3A_41], %broadcast_in_dim3A_1 {strides = array<i32>} : memref<2048xf32, #tpu.memory_space<vmem>>, vector<16xf32>,
    %swap3A_43 = arith.constant 336 : index
    %swap3A_44 = tpu.vector_load %arg10[%swap3A_43] {strides = array<i32>} : memref<2048xf32, #tpu.memory_space<vmem>>, vector<16xf32>,
    tpu.vector_store %arg10[%swap3A_43], %broadcast_in_dim3A_1 {strides = array<i32>} : memref<2048xf32, #tpu.memory_space<vmem>>, vector<16xf32>,
    %swap3A_45 = arith.constant 352 : index
    %swap3A_46 = tpu.vector_load %arg10[%swap3A_45] {strides = array<i32>} : memref<2048xf32, #tpu.memory_space<vmem>>, vector<16xf32>,
    tpu.vector_store %arg10[%swap3A_45], %broadcast_in_dim3A_1 {strides = array<i32>} : memref<2048xf32, #tpu.memory_space<vmem>>, vector<16xf32>,
    %swap3A_47 = arith.constant 368 : index
    %swap3A_48 = tpu.vector_load %arg10[%swap3A_47] {strides = array<i32>} : memref<2048xf32, #tpu.memory_space<vmem>>, vector<16xf32>,
    tpu.vector_store %arg10[%swap3A_47], %broadcast_in_dim3A_1 {strides = array<i32>} : memref<2048xf32, #tpu.memory_space<vmem>>, vector<16xf32>,
    %swap3A_49 = arith.constant 384 : index
    %swap3A_50 = tpu.vector_load %arg10[%swap3A_49] {strides = array<i32>} : memref<2048xf32, #tpu.memory_space<vmem>>, vector<16xf32>,
    tpu.vector_store %arg10[%swap3A_49], %broadcast_in_dim3A_1 {strides = array<i32>} : memref<2048xf32, #tpu.memory_space<vmem>>, vector<16xf32>,
    %swap3A_51 = arith.constant 400 : index
    %swap3A_52 = tpu.vector_load %arg10[%swap3A_51] {strides = array<i32>} : memref<2048xf32, #tpu.memory_space<vmem>>, vector<16xf32>,
    tpu.vector_store %arg10[%swap3A_51], %broadcast_in_dim3A_1 {strides = array<i32>} : memref<2048xf32, #tpu.memory_space<vmem>>, vector<16xf32>,
    %swap3A_53 = arith.constant 416 : index
    %swap3A_54 = tpu.vector_load %arg10[%swap3A_53] {strides = array<i32>} : memref<2048xf32, #tpu.memory_space<vmem>>, vector<16xf32>,
    tpu.vector_store %arg10[%swap3A_53], %broadcast_in_dim3A_1 {strides = array<i32>} : memref<2048xf32, #tpu.memory_space<vmem>>, vector<16xf32>,
    %swap3A_55 = arith.constant 432 : index
    %swap3A_56 = tpu.vector_load %arg10[%swap3A_55] {strides = array<i32>} : memref<2048xf32, #tpu.memory_space<vmem>>, vector<16xf32>,
    tpu.vector_store %arg10[%swap3A_55], %broadcast_in_dim3A_1 {strides = array<i32>} : memref<2048xf32, #tpu.memory_space<vmem>>, vector<16xf32>,
    %swap3A_57 = arith.constant 448 : index
    %swap3A_58 = tpu.vector_load %arg10[%swap3A_57] {strides = array<i32>} : memref<2048xf32, #tpu.memory_space<vmem>>, vector<16xf32>,
    tpu.vector_store %arg10[%swap3A_57], %broadcast_in_dim3A_1 {strides = array<i32>} : memref<2048xf32, #tpu.memory_space<vmem>>, vector<16xf32>,
    %swap3A_59 = arith.constant 464 : index
    %swap3A_60 = tpu.vector_load %arg10[%swap3A_59] {strides = array<i32>} : memref<2048xf32, #tpu.memory_space<vmem>>, vector<16xf32>,
    tpu.vector_store %arg10[%swap3A_59], %broadcast_in_dim3A_1 {strides = array<i32>} : memref<2048xf32, #tpu.memory_space<vmem>>, vector<16xf32>,
    %swap3A_61 = arith.constant 480 : index
    %swap3A_62 = tpu.vector_load %arg10[%swap3A_61] {strides = array<i32>} : memref<2048xf32, #tpu.memory_space<vmem>>, vector<16xf32>,
    tpu.vector_store %arg10[%swap3A_61], %broadcast_in_dim3A_1 {strides = array<i32>} : memref<2048xf32, #tpu.memory_space<vmem>>, vector<16xf32>,
    %swap3A_63 = arith.constant 496 : index
    %swap3A_64 = tpu.vector_load %arg10[%swap3A_63] {strides = array<i32>} : memref<2048xf32, #tpu.memory_space<vmem>>, vector<16xf32>,
    tpu.vector_store %arg10[%swap3A_63], %broadcast_in_dim3A_1 {strides = array<i32>} : memref<2048xf32, #tpu.memory_space<vmem>>, vector<16xf32>,
    %swap3A_65 = arith.constant 512 : index
    %swap3A_66 = tpu.vector_load %arg10[%swap3A_65] {strides = array<i32>} : memref<2048xf32, #tpu.memory_space<vmem>>, vector<16xf32>,
    tpu.vector_store %arg10[%swap3A_65], %broadcast_in_dim3A_1 {strides = array<i32>} : memref<2048xf32, #tpu.memory_space<vmem>>, vector<16xf32>,
    %swap3A_67 = arith.constant 528 : index
    %swap3A_68 = tpu.vector_load %arg10[%swap3A_67] {strides = array<i32>} : memref<2048xf32, #tpu.memory_space<vmem>>, vector<16xf32>,
    tpu.vector_store %arg10[%swap3A_67], %broadcast_in_dim3A_1 {strides = array<i32>} : memref<2048xf32, #tpu.memory_space<vmem>>, vector<16xf32>,
    %swap3A_69 = arith.constant 544 : index
    %swap3A_70 = tpu.vector_load %arg10[%swap3A_69] {strides = array<i32>} : memref<2048xf32, #tpu.memory_space<vmem>>, vector<16xf32>,
    tpu.vector_store %arg10[%swap3A_69], %broadcast_in_dim3A_1 {strides = array<i32>} : memref<2048xf32, #tpu.memory_space<vmem>>, vector<16xf32>,
    %swap3A_71 = arith.constant 560 : index
    %swap3A_72 = tpu.vector_load %arg10[%swap3A_71] {strides = array<i32>} : memref<2048xf32, #tpu.memory_space<vmem>>, vector<16xf32>,
    tpu.vector_store %arg10[%swap3A_71], %broadcast_in_dim3A_1 {strides = array<i32>} : memref<2048xf32, #tpu.memory_space<vmem>>, vector<16xf32>,
    %swap3A_73 = arith.constant 576 : index
    %swap3A_74 = tpu.vector_load %arg10[%swap3A_73] {strides = array<i32>} : memref<2048xf32, #tpu.memory_space<vmem>>, vector<16xf32>,
    tpu.vector_store %arg10[%swap3A_73], %broadcast_in_dim3A_1 {strides = array<i32>} : memref<2048xf32, #tpu.memory_space<vmem>>, vector<16xf32>,
    %swap3A_75 = arith.constant 592 : index
    %swap3A_76 = tpu.vector_load %arg10[%swap3A_75] {strides = array<i32>} : memref<2048xf32, #tpu.memory_space<vmem>>, vector<16xf32>,
    tpu.vector_store %arg10[%swap3A_75], %broadcast_in_dim3A_1 {strides = array<i32>} : memref<2048xf32, #tpu.memory_space<vmem>>, vector<16xf32>,
    %swap3A_77 = arith.constant 608 : index
    %swap3A_78 = tpu.vector_load %arg10[%swap3A_77] {strides = array<i32>} : memref<2048xf32, #tpu.memory_space<vmem>>, vector<16xf32>,
    tpu.vector_store %arg10[%swap3A_77], %broadcast_in_dim3A_1 {strides = array<i32>} : memref<2048xf32, #tpu.memory_space<vmem>>, vector<16xf32>,
    %swap3A_79 = arith.constant 624 : index
    %swap3A_80 = tpu.vector_load %arg10[%swap3A_79] {strides = array<i32>} : memref<2048xf32, #tpu.memory_space<vmem>>, vector<16xf32>,
    tpu.vector_store %arg10[%swap3A_79], %broadcast_in_dim3A_1 {strides = array<i32>} : memref<2048xf32, #tpu.memory_space<vmem>>, vector<16xf32>,
    %swap3A_81 = arith.constant 640 : index
    %swap3A_82 = tpu.vector_load %arg10[%swap3A_81] {strides = array<i32>} : memref<2048xf32, #tpu.memory_space<vmem>>, vector<16xf32>,
    tpu.vector_store %arg10[%swap3A_81], %broadcast_in_dim3A_1 {strides = array<i32>} : memref<2048xf32, #tpu.memory_space<vmem>>, vector<16xf32>,
    %swap3A_83 = arith.constant 656 : index
    %swap3A_84 = tpu.vector_load %arg10[%swap3A_83] {strides = array<i32>} : memref<2048xf32, #tpu.memory_space<vmem>>, vector<16xf32>,
    tpu.vector_store %arg10[%swap3A_83], %broadcast_in_dim3A_1 {strides = array<i32>} : memref<2048xf32, #tpu.memory_space<vmem>>, vector<16xf32>,
    %swap3A_85 = arith.constant 672 : index
    %swap3A_86 = tpu.vector_load %arg10[%swap3A_85] {strides = array<i32>} : memref<2048xf32, #tpu.memory_space<vmem>>, vector<16xf32>,
    tpu.vector_store %arg10[%swap3A_85], %broadcast_in_dim3A_1 {strides = array<i32>} : memref<2048xf32, #tpu.memory_space<vmem>>, vector<16xf32>,
    %swap3A_87 = arith.constant 688 : index
    %swap3A_88 = tpu.vector_load %arg10[%swap3A_87] {strides = array<i32>} : memref<2048xf32, #tpu.memory_space<vmem>>, vector<16xf32>,
    tpu.vector_store %arg10[%swap3A_87], %broadcast_in_dim3A_1 {strides = array<i32>} : memref<2048xf32, #tpu.memory_space<vmem>>, vector<16xf32>,
    %swap3A_89 = arith.constant 704 : index
    %swap3A_90 = tpu.vector_load %arg10[%swap3A_89] {strides = array<i32>} : memref<2048xf32, #tpu.memory_space<vmem>>, vector<16xf32>,
    tpu.vector_store %arg10[%swap3A_89], %broadcast_in_dim3A_1 {strides = array<i32>} : memref<2048xf32, #tpu.memory_space<vmem>>, vector<16xf32>,
    %swap3A_91 = arith.constant 720 : index
    %swap3A_92 = tpu.vector_load %arg10[%swap3A_91] {strides = array<i32>} : memref<2048xf32, #tpu.memory_space<vmem>>, vector<16xf32>,
    tpu.vector_store %arg10[%swap3A_91], %broadcast_in_dim3A_1 {strides = array<i32>} : memref<2048xf32, #tpu.memory_space<vmem>>, vector<16xf32>,
    %swap3A_93 = arith.constant 736 : index
    %swap3A_94 = tpu.vector_load %arg10[%swap3A_93] {strides = array<i32>} : memref<2048xf32, #tpu.memory_space<vmem>>, vector<16xf32>,
    tpu.vector_store %arg10[%swap3A_93], %broadcast_in_dim3A_1 {strides = array<i32>} : memref<2048xf32, #tpu.memory_space<vmem>>, vector<16xf32>,
    %swap3A_95 = arith.constant 752 : index
    %swap3A_96 = tpu.vector_load %arg10[%swap3A_95] {strides = array<i32>} : memref<2048xf32, #tpu.memory_space<vmem>>, vector<16xf32>,
    tpu.vector_store %arg10[%swap3A_95], %broadcast_in_dim3A_1 {strides = array<i32>} : memref<2048xf32, #tpu.memory_space<vmem>>, vector<16xf32>,
    %swap3A_97 = arith.constant 768 : index
    %swap3A_98 = tpu.vector_load %arg10[%swap3A_97] {strides = array<i32>} : memref<2048xf32, #tpu.memory_space<vmem>>, vector<16xf32>,
    tpu.vector_store %arg10[%swap3A_97], %broadcast_in_dim3A_1 {strides = array<i32>} : memref<2048xf32, #tpu.memory_space<vmem>>, vector<16xf32>,
    %swap3A_99 = arith.constant 784 : index
    %swap3A_100 = tpu.vector_load %arg10[%swap3A_99] {strides = array<i32>} : memref<2048xf32, #tpu.memory_space<vmem>>, vector<16xf32>,
    tpu.vector_store %arg10[%swap3A_99], %broadcast_in_dim3A_1 {strides = array<i32>} : memref<2048xf32, #tpu.memory_space<vmem>>, vector<16xf32>,
    %swap3A_101 = arith.constant 800 : index
    %swap3A_102 = tpu.vector_load %arg10[%swap3A_101] {strides = array<i32>} : memref<2048xf32, #tpu.memory_space<vmem>>, vector<16xf32>,
    tpu.vector_store %arg10[%swap3A_101], %broadcast_in_dim3A_1 {strides = array<i32>} : memref<2048xf32, #tpu.memory_space<vmem>>, vector<16xf32>,
    %swap3A_103 = arith.constant 816 : index
    %swap3A_104 = tpu.vector_load %arg10[%swap3A_103] {strides = array<i32>} : memref<2048xf32, #tpu.memory_space<vmem>>, vector<16xf32>,
    tpu.vector_store %arg10[%swap3A_103], %broadcast_in_dim3A_1 {strides = array<i32>} : memref<2048xf32, #tpu.memory_space<vmem>>, vector<16xf32>,
    %swap3A_105 = arith.constant 832 : index
    %swap3A_106 = tpu.vector_load %arg10[%swap3A_105] {strides = array<i32>} : memref<2048xf32, #tpu.memory_space<vmem>>, vector<16xf32>,
    tpu.vector_store %arg10[%swap3A_105], %broadcast_in_dim3A_1 {strides = array<i32>} : memref<2048xf32, #tpu.memory_space<vmem>>, vector<16xf32>,
    %swap3A_107 = arith.constant 848 : index
    %swap3A_108 = tpu.vector_load %arg10[%swap3A_107] {strides = array<i32>} : memref<2048xf32, #tpu.memory_space<vmem>>, vector<16xf32>,
    tpu.vector_store %arg10[%swap3A_107], %broadcast_in_dim3A_1 {strides = array<i32>} : memref<2048xf32, #tpu.memory_space<vmem>>, vector<16xf32>,
    %swap3A_109 = arith.constant 864 : index
    %swap3A_110 = tpu.vector_load %arg10[%swap3A_109] {strides = array<i32>} : memref<2048xf32, #tpu.memory_space<vmem>>, vector<16xf32>,
    tpu.vector_store %arg10[%swap3A_109], %broadcast_in_dim3A_1 {strides = array<i32>} : memref<2048xf32, #tpu.memory_space<vmem>>, vector<16xf32>,
    %swap3A_111 = arith.constant 880 : index
    %swap3A_112 = tpu.vector_load %arg10[%swap3A_111] {strides = array<i32>} : memref<2048xf32, #tpu.memory_space<vmem>>, vector<16xf32>,
    tpu.vector_store %arg10[%swap3A_111], %broadcast_in_dim3A_1 {strides = array<i32>} : memref<2048xf32, #tpu.memory_space<vmem>>, vector<16xf32>,
    %swap3A_113 = arith.constant 896 : index
    %swap3A_114 = tpu.vector_load %arg10[%swap3A_113] {strides = array<i32>} : memref<2048xf32, #tpu.memory_space<vmem>>, vector<16xf32>,
    tpu.vector_store %arg10[%swap3A_113], %broadcast_in_dim3A_1 {strides = array<i32>} : memref<2048xf32, #tpu.memory_space<vmem>>, vector<16xf32>,
    %swap3A_115 = arith.constant 912 : index
    %swap3A_116 = tpu.vector_load %arg10[%swap3A_115] {strides = array<i32>} : memref<2048xf32, #tpu.memory_space<vmem>>, vector<16xf32>,
    tpu.vector_store %arg10[%swap3A_115], %broadcast_in_dim3A_1 {strides = array<i32>} : memref<2048xf32, #tpu.memory_space<vmem>>, vector<16xf32>,
    %swap3A_117 = arith.constant 928 : index
    %swap3A_118 = tpu.vector_load %arg10[%swap3A_117] {strides = array<i32>} : memref<2048xf32, #tpu.memory_space<vmem>>, vector<16xf32>,
    tpu.vector_store %arg10[%swap3A_117], %broadcast_in_dim3A_1 {strides = array<i32>} : memref<2048xf32, #tpu.memory_space<vmem>>, vector<16xf32>,
    %swap3A_119 = arith.constant 944 : index
    %swap3A_120 = tpu.vector_load %arg10[%swap3A_119] {strides = array<i32>} : memref<2048xf32, #tpu.memory_space<vmem>>, vector<16xf32>,
    tpu.vector_store %arg10[%swap3A_119], %broadcast_in_dim3A_1 {strides = array<i32>} : memref<2048xf32, #tpu.memory_space<vmem>>, vector<16xf32>,
    %swap3A_121 = arith.constant 960 : index
    %swap3A_122 = tpu.vector_load %arg10[%swap3A_121] {strides = array<i32>} : memref<2048xf32, #tpu.memory_space<vmem>>, vector<16xf32>,
    tpu.vector_store %arg10[%swap3A_121], %broadcast_in_dim3A_1 {strides = array<i32>} : memref<2048xf32, #tpu.memory_space<vmem>>, vector<16xf32>,
    %swap3A_123 = arith.constant 976 : index
    %swap3A_124 = tpu.vector_load %arg10[%swap3A_123] {strides = array<i32>} : memref<2048xf32, #tpu.memory_space<vmem>>, vector<16xf32>,
    tpu.vector_store %arg10[%swap3A_123], %broadcast_in_dim3A_1 {strides = array<i32>} : memref<2048xf32, #tpu.memory_space<vmem>>, vector<16xf32>,
    %swap3A_125 = arith.constant 992 : index
    %swap3A_126 = tpu.vector_load %arg10[%swap3A_125] {strides = array<i32>} : memref<2048xf32, #tpu.memory_space<vmem>>, vector<16xf32>,
    tpu.vector_store %arg10[%swap3A_125], %broadcast_in_dim3A_1 {strides = array<i32>} : memref<2048xf32, #tpu.memory_space<vmem>>, vector<16xf32>,
    %swap3A_127 = arith.constant 1008 : index
    %swap3A_128 = tpu.vector_load %arg10[%swap3A_127] {strides = array<i32>} : memref<2048xf32, #tpu.memory_space<vmem>>, vector<16xf32>,
    tpu.vector_store %arg10[%swap3A_127], %broadcast_in_dim3A_1 {strides = array<i32>} : memref<2048xf32, #tpu.memory_space<vmem>>, vector<16xf32>,
    %swap3A_129 = arith.constant 1024 : index
    %swap3A_130 = tpu.vector_load %arg10[%swap3A_129] {strides = array<i32>} : memref<2048xf32, #tpu.memory_space<vmem>>, vector<16xf32>,
    tpu.vector_store %arg10[%swap3A_129], %broadcast_in_dim3A_1 {strides = array<i32>} : memref<2048xf32, #tpu.memory_space<vmem>>, vector<16xf32>,
    %swap3A_131 = arith.constant 1040 : index
    %swap3A_132 = tpu.vector_load %arg10[%swap3A_131] {strides = array<i32>} : memref<2048xf32, #tpu.memory_space<vmem>>, vector<16xf32>,
    tpu.vector_store %arg10[%swap3A_131], %broadcast_in_dim3A_1 {strides = array<i32>} : memref<2048xf32, #tpu.memory_space<vmem>>, vector<16xf32>,
    %swap3A_133 = arith.constant 1056 : index
    %swap3A_134 = tpu.vector_load %arg10[%swap3A_133] {strides = array<i32>} : memref<2048xf32, #tpu.memory_space<vmem>>, vector<16xf32>,
    tpu.vector_store %arg10[%swap3A_133], %broadcast_in_dim3A_1 {strides = array<i32>} : memref<2048xf32, #tpu.memory_space<vmem>>, vector<16xf32>,
    %swap3A_135 = arith.constant 1072 : index
    %swap3A_136 = tpu.vector_load %arg10[%swap3A_135] {strides = array<i32>} : memref<2048xf32, #tpu.memory_space<vmem>>, vector<16xf32>,
    tpu.vector_store %arg10[%swap3A_135], %broadcast_in_dim3A_1 {strides = array<i32>} : memref<2048xf32, #tpu.memory_space<vmem>>, vector<16xf32>,
    %swap3A_137 = arith.constant 1088 : index
    %swap3A_138 = tpu.vector_load %arg10[%swap3A_137] {strides = array<i32>} : memref<2048xf32, #tpu.memory_space<vmem>>, vector<16xf32>,
    tpu.vector_store %arg10[%swap3A_137], %broadcast_in_dim3A_1 {strides = array<i32>} : memref<2048xf32, #tpu.memory_space<vmem>>, vector<16xf32>,
    %swap3A_139 = arith.constant 1104 : index
    %swap3A_140 = tpu.vector_load %arg10[%swap3A_139] {strides = array<i32>} : memref<2048xf32, #tpu.memory_space<vmem>>, vector<16xf32>,
    tpu.vector_store %arg10[%swap3A_139], %broadcast_in_dim3A_1 {strides = array<i32>} : memref<2048xf32, #tpu.memory_space<vmem>>, vector<16xf32>,
    %swap3A_141 = arith.constant 1120 : index
    %swap3A_142 = tpu.vector_load %arg10[%swap3A_141] {strides = array<i32>} : memref<2048xf32, #tpu.memory_space<vmem>>, vector<16xf32>,
    tpu.vector_store %arg10[%swap3A_141], %broadcast_in_dim3A_1 {strides = array<i32>} : memref<2048xf32, #tpu.memory_space<vmem>>, vector<16xf32>,
    %swap3A_143 = arith.constant 1136 : index
    %swap3A_144 = tpu.vector_load %arg10[%swap3A_143] {strides = array<i32>} : memref<2048xf32, #tpu.memory_space<vmem>>, vector<16xf32>,
    tpu.vector_store %arg10[%swap3A_143], %broadcast_in_dim3A_1 {strides = array<i32>} : memref<2048xf32, #tpu.memory_space<vmem>>, vector<16xf32>,
    %swap3A_145 = arith.constant 1152 : index
    %swap3A_146 = tpu.vector_load %arg10[%swap3A_145] {strides = array<i32>} : memref<2048xf32, #tpu.memory_space<vmem>>, vector<16xf32>,
    tpu.vector_store %arg10[%swap3A_145], %broadcast_in_dim3A_1 {strides = array<i32>} : memref<2048xf32, #tpu.memory_space<vmem>>, vector<16xf32>,
    %swap3A_147 = arith.constant 1168 : index
    %swap3A_148 = tpu.vector_load %arg10[%swap3A_147] {strides = array<i32>} : memref<2048xf32, #tpu.memory_space<vmem>>, vector<16xf32>,
    tpu.vector_store %arg10[%swap3A_147], %broadcast_in_dim3A_1 {strides = array<i32>} : memref<2048xf32, #tpu.memory_space<vmem>>, vector<16xf32>,
    %swap3A_149 = arith.constant 1184 : index
    %swap3A_150 = tpu.vector_load %arg10[%swap3A_149] {strides = array<i32>} : memref<2048xf32, #tpu.memory_space<vmem>>, vector<16xf32>,
    tpu.vector_store %arg10[%swap3A_149], %broadcast_in_dim3A_1 {strides = array<i32>} : memref<2048xf32, #tpu.memory_space<vmem>>, vector<16xf32>,
    %swap3A_151 = arith.constant 1200 : index
    %swap3A_152 = tpu.vector_load %arg10[%swap3A_151] {strides = array<i32>} : memref<2048xf32, #tpu.memory_space<vmem>>, vector<16xf32>,
    tpu.vector_store %arg10[%swap3A_151], %broadcast_in_dim3A_1 {strides = array<i32>} : memref<2048xf32, #tpu.memory_space<vmem>>, vector<16xf32>,
    %swap3A_153 = arith.constant 1216 : index
    %swap3A_154 = tpu.vector_load %arg10[%swap3A_153] {strides = array<i32>} : memref<2048xf32, #tpu.memory_space<vmem>>, vector<16xf32>,
    tpu.vector_store %arg10[%swap3A_153], %broadcast_in_dim3A_1 {strides = array<i32>} : memref<2048xf32, #tpu.memory_space<vmem>>, vector<16xf32>,
    %swap3A_155 = arith.constant 1232 : index
    %swap3A_156 = tpu.vector_load %arg10[%swap3A_155] {strides = array<i32>} : memref<2048xf32, #tpu.memory_space<vmem>>, vector<16xf32>,
    tpu.vector_store %arg10[%swap3A_155], %broadcast_in_dim3A_1 {strides = array<i32>} : memref<2048xf32, #tpu.memory_space<vmem>>, vector<16xf32>,
    %swap3A_157 = arith.constant 1248 : index
    %swap3A_158 = tpu.vector_load %arg10[%swap3A_157] {strides = array<i32>} : memref<2048xf32, #tpu.memory_space<vmem>>, vector<16xf32>,
    tpu.vector_store %arg10[%swap3A_157], %broadcast_in_dim3A_1 {strides = array<i32>} : memref<2048xf32, #tpu.memory_space<vmem>>, vector<16xf32>,
    %swap3A_159 = arith.constant 1264 : index
    %swap3A_160 = tpu.vector_load %arg10[%swap3A_159] {strides = array<i32>} : memref<2048xf32, #tpu.memory_space<vmem>>, vector<16xf32>,
    tpu.vector_store %arg10[%swap3A_159], %broadcast_in_dim3A_1 {strides = array<i32>} : memref<2048xf32, #tpu.memory_space<vmem>>, vector<16xf32>,
    %swap3A_161 = arith.constant 1280 : index
    %swap3A_162 = tpu.vector_load %arg10[%swap3A_161] {strides = array<i32>} : memref<2048xf32, #tpu.memory_space<vmem>>, vector<16xf32>,
    tpu.vector_store %arg10[%swap3A_161], %broadcast_in_dim3A_1 {strides = array<i32>} : memref<2048xf32, #tpu.memory_space<vmem>>, vector<16xf32>,
    %swap3A_163 = arith.constant 1296 : index
    %swap3A_164 = tpu.vector_load %arg10[%swap3A_163] {strides = array<i32>} : memref<2048xf32, #tpu.memory_space<vmem>>, vector<16xf32>,
    tpu.vector_store %arg10[%swap3A_163], %broadcast_in_dim3A_1 {strides = array<i32>} : memref<2048xf32, #tpu.memory_space<vmem>>, vector<16xf32>,
    %swap3A_165 = arith.constant 1312 : index
    %swap3A_166 = tpu.vector_load %arg10[%swap3A_165] {strides = array<i32>} : memref<2048xf32, #tpu.memory_space<vmem>>, vector<16xf32>,
    tpu.vector_store %arg10[%swap3A_165], %broadcast_in_dim3A_1 {strides = array<i32>} : memref<2048xf32, #tpu.memory_space<vmem>>, vector<16xf32>,
    %swap3A_167 = arith.constant 1328 : index
    %swap3A_168 = tpu.vector_load %arg10[%swap3A_167] {strides = array<i32>} : memref<2048xf32, #tpu.memory_space<vmem>>, vector<16xf32>,
    tpu.vector_store %arg10[%swap3A_167], %broadcast_in_dim3A_1 {strides = array<i32>} : memref<2048xf32, #tpu.memory_space<vmem>>, vector<16xf32>,
    %swap3A_169 = arith.constant 1344 : index
    %swap3A_170 = tpu.vector_load %arg10[%swap3A_169] {strides = array<i32>} : memref<2048xf32, #tpu.memory_space<vmem>>, vector<16xf32>,
    tpu.vector_store %arg10[%swap3A_169], %broadcast_in_dim3A_1 {strides = array<i32>} : memref<2048xf32, #tpu.memory_space<vmem>>, vector<16xf32>,
    %swap3A_171 = arith.constant 1360 : index
    %swap3A_172 = tpu.vector_load %arg10[%swap3A_171] {strides = array<i32>} : memref<2048xf32, #tpu.memory_space<vmem>>, vector<16xf32>,
    tpu.vector_store %arg10[%swap3A_171], %broadcast_in_dim3A_1 {strides = array<i32>} : memref<2048xf32, #tpu.memory_space<vmem>>, vector<16xf32>,
    %swap3A_173 = arith.constant 1376 : index
    %swap3A_174 = tpu.vector_load %arg10[%swap3A_173] {strides = array<i32>} : memref<2048xf32, #tpu.memory_space<vmem>>, vector<16xf32>,
    tpu.vector_store %arg10[%swap3A_173], %broadcast_in_dim3A_1 {strides = array<i32>} : memref<2048xf32, #tpu.memory_space<vmem>>, vector<16xf32>,
    %swap3A_175 = arith.constant 1392 : index
    %swap3A_176 = tpu.vector_load %arg10[%swap3A_175] {strides = array<i32>} : memref<2048xf32, #tpu.memory_space<vmem>>, vector<16xf32>,
    tpu.vector_store %arg10[%swap3A_175], %broadcast_in_dim3A_1 {strides = array<i32>} : memref<2048xf32, #tpu.memory_space<vmem>>, vector<16xf32>,
    %swap3A_177 = arith.constant 1408 : index
    %swap3A_178 = tpu.vector_load %arg10[%swap3A_177] {strides = array<i32>} : memref<2048xf32, #tpu.memory_space<vmem>>, vector<16xf32>,
    tpu.vector_store %arg10[%swap3A_177], %broadcast_in_dim3A_1 {strides = array<i32>} : memref<2048xf32, #tpu.memory_space<vmem>>, vector<16xf32>,
    %swap3A_179 = arith.constant 1424 : index
    %swap3A_180 = tpu.vector_load %arg10[%swap3A_179] {strides = array<i32>} : memref<2048xf32, #tpu.memory_space<vmem>>, vector<16xf32>,
    tpu.vector_store %arg10[%swap3A_179], %broadcast_in_dim3A_1 {strides = array<i32>} : memref<2048xf32, #tpu.memory_space<vmem>>, vector<16xf32>,
    %swap3A_181 = arith.constant 1440 : index
    %swap3A_182 = tpu.vector_load %arg10[%swap3A_181] {strides = array<i32>} : memref<2048xf32, #tpu.memory_space<vmem>>, vector<16xf32>,
    tpu.vector_store %arg10[%swap3A_181], %broadcast_in_dim3A_1 {strides = array<i32>} : memref<2048xf32, #tpu.memory_space<vmem>>, vector<16xf32>,
    %swap3A_183 = arith.constant 1456 : index
    %swap3A_184 = tpu.vector_load %arg10[%swap3A_183] {strides = array<i32>} : memref<2048xf32, #tpu.memory_space<vmem>>, vector<16xf32>,
    tpu.vector_store %arg10[%swap3A_183], %broadcast_in_dim3A_1 {strides = array<i32>} : memref<2048xf32, #tpu.memory_space<vmem>>, vector<16xf32>,
    %swap3A_185 = arith.constant 1472 : index
    %swap3A_186 = tpu.vector_load %arg10[%swap3A_185] {strides = array<i32>} : memref<2048xf32, #tpu.memory_space<vmem>>, vector<16xf32>,
    tpu.vector_store %arg10[%swap3A_185], %broadcast_in_dim3A_1 {strides = array<i32>} : memref<2048xf32, #tpu.memory_space<vmem>>, vector<16xf32>,
    %swap3A_187 = arith.constant 1488 : index
    %swap3A_188 = tpu.vector_load %arg10[%swap3A_187] {strides = array<i32>} : memref<2048xf32, #tpu.memory_space<vmem>>, vector<16xf32>,
    tpu.vector_store %arg10[%swap3A_187], %broadcast_in_dim3A_1 {strides = array<i32>} : memref<2048xf32, #tpu.memory_space<vmem>>, vector<16xf32>,
    %swap3A_189 = arith.constant 1504 : index
    %swap3A_190 = tpu.vector_load %arg10[%swap3A_189] {strides = array<i32>} : memref<2048xf32, #tpu.memory_space<vmem>>, vector<16xf32>,
    tpu.vector_store %arg10[%swap3A_189], %broadcast_in_dim3A_1 {strides = array<i32>} : memref<2048xf32, #tpu.memory_space<vmem>>, vector<16xf32>,
    %swap3A_191 = arith.constant 1520 : index
    %swap3A_192 = tpu.vector_load %arg10[%swap3A_191] {strides = array<i32>} : memref<2048xf32, #tpu.memory_space<vmem>>, vector<16xf32>,
    tpu.vector_store %arg10[%swap3A_191], %broadcast_in_dim3A_1 {strides = array<i32>} : memref<2048xf32, #tpu.memory_space<vmem>>, vector<16xf32>,
    %swap3A_193 = arith.constant 1536 : index
    %swap3A_194 = tpu.vector_load %arg10[%swap3A_193] {strides = array<i32>} : memref<2048xf32, #tpu.memory_space<vmem>>, vector<16xf32>,
    tpu.vector_store %arg10[%swap3A_193], %broadcast_in_dim3A_1 {strides = array<i32>} : memref<2048xf32, #tpu.memory_space<vmem>>, vector<16xf32>,
    %swap3A_195 = arith.constant 1552 : index
    %swap3A_196 = tpu.vector_load %arg10[%swap3A_195] {strides = array<i32>} : memref<2048xf32, #tpu.memory_space<vmem>>, vector<16xf32>,
    tpu.vector_store %arg10[%swap3A_195], %broadcast_in_dim3A_1 {strides = array<i32>} : memref<2048xf32, #tpu.memory_space<vmem>>, vector<16xf32>,
    %swap3A_197 = arith.constant 1568 : index
    %swap3A_198 = tpu.vector_load %arg10[%swap3A_197] {strides = array<i32>} : memref<2048xf32, #tpu.memory_space<vmem>>, vector<16xf32>,
    tpu.vector_store %arg10[%swap3A_197], %broadcast_in_dim3A_1 {strides = array<i32>} : memref<2048xf32, #tpu.memory_space<vmem>>, vector<16xf32>,
    %swap3A_199 = arith.constant 1584 : index
    %swap3A_200 = tpu.vector_load %arg10[%swap3A_199] {strides = array<i32>} : memref<2048xf32, #tpu.memory_space<vmem>>, vector<16xf32>,
    tpu.vector_store %arg10[%swap3A_199], %broadcast_in_dim3A_1 {strides = array<i32>} : memref<2048xf32, #tpu.memory_space<vmem>>, vector<16xf32>,
    %swap3A_201 = arith.constant 1600 : index
    %swap3A_202 = tpu.vector_load %arg10[%swap3A_201] {strides = array<i32>} : memref<2048xf32, #tpu.memory_space<vmem>>, vector<16xf32>,
    tpu.vector_store %arg10[%swap3A_201], %broadcast_in_dim3A_1 {strides = array<i32>} : memref<2048xf32, #tpu.memory_space<vmem>>, vector<16xf32>,
    %swap3A_203 = arith.constant 1616 : index
    %swap3A_204 = tpu.vector_load %arg10[%swap3A_203] {strides = array<i32>} : memref<2048xf32, #tpu.memory_space<vmem>>, vector<16xf32>,
    tpu.vector_store %arg10[%swap3A_203], %broadcast_in_dim3A_1 {strides = array<i32>} : memref<2048xf32, #tpu.memory_space<vmem>>, vector<16xf32>,
    %swap3A_205 = arith.constant 1632 : index
    %swap3A_206 = tpu.vector_load %arg10[%swap3A_205] {strides = array<i32>} : memref<2048xf32, #tpu.memory_space<vmem>>, vector<16xf32>,
    tpu.vector_store %arg10[%swap3A_205], %broadcast_in_dim3A_1 {strides = array<i32>} : memref<2048xf32, #tpu.memory_space<vmem>>, vector<16xf32>,
    %swap3A_207 = arith.constant 1648 : index
    %swap3A_208 = tpu.vector_load %arg10[%swap3A_207] {strides = array<i32>} : memref<2048xf32, #tpu.memory_space<vmem>>, vector<16xf32>,
    tpu.vector_store %arg10[%swap3A_207], %broadcast_in_dim3A_1 {strides = array<i32>} : memref<2048xf32, #tpu.memory_space<vmem>>, vector<16xf32>,
    %swap3A_209 = arith.constant 1664 : index
    %swap3A_210 = tpu.vector_load %arg10[%swap3A_209] {strides = array<i32>} : memref<2048xf32, #tpu.memory_space<vmem>>, vector<16xf32>,
    tpu.vector_store %arg10[%swap3A_209], %broadcast_in_dim3A_1 {strides = array<i32>} : memref<2048xf32, #tpu.memory_space<vmem>>, vector<16xf32>,
    %swap3A_211 = arith.constant 1680 : index
    %swap3A_212 = tpu.vector_load %arg10[%swap3A_211] {strides = array<i32>} : memref<2048xf32, #tpu.memory_space<vmem>>, vector<16xf32>,
    tpu.vector_store %arg10[%swap3A_211], %broadcast_in_dim3A_1 {strides = array<i32>} : memref<2048xf32, #tpu.memory_space<vmem>>, vector<16xf32>,
    %swap3A_213 = arith.constant 1696 : index
    %swap3A_214 = tpu.vector_load %arg10[%swap3A_213] {strides = array<i32>} : memref<2048xf32, #tpu.memory_space<vmem>>, vector<16xf32>,
    tpu.vector_store %arg10[%swap3A_213], %broadcast_in_dim3A_1 {strides = array<i32>} : memref<2048xf32, #tpu.memory_space<vmem>>, vector<16xf32>,
    %swap3A_215 = arith.constant 1712 : index
    %swap3A_216 = tpu.vector_load %arg10[%swap3A_215] {strides = array<i32>} : memref<2048xf32, #tpu.memory_space<vmem>>, vector<16xf32>,
    tpu.vector_store %arg10[%swap3A_215], %broadcast_in_dim3A_1 {strides = array<i32>} : memref<2048xf32, #tpu.memory_space<vmem>>, vector<16xf32>,
    %swap3A_217 = arith.constant 1728 : index
    %swap3A_218 = tpu.vector_load %arg10[%swap3A_217] {strides = array<i32>} : memref<2048xf32, #tpu.memory_space<vmem>>, vector<16xf32>,
    tpu.vector_store %arg10[%swap3A_217], %broadcast_in_dim3A_1 {strides = array<i32>} : memref<2048xf32, #tpu.memory_space<vmem>>, vector<16xf32>,
    %swap3A_219 = arith.constant 1744 : index
    %swap3A_220 = tpu.vector_load %arg10[%swap3A_219] {strides = array<i32>} : memref<2048xf32, #tpu.memory_space<vmem>>, vector<16xf32>,
    tpu.vector_store %arg10[%swap3A_219], %broadcast_in_dim3A_1 {strides = array<i32>} : memref<2048xf32, #tpu.memory_space<vmem>>, vector<16xf32>,
    %swap3A_221 = arith.constant 1760 : index
    %swap3A_222 = tpu.vector_load %arg10[%swap3A_221] {strides = array<i32>} : memref<2048xf32, #tpu.memory_space<vmem>>, vector<16xf32>,
    tpu.vector_store %arg10[%swap3A_221], %broadcast_in_dim3A_1 {strides = array<i32>} : memref<2048xf32, #tpu.memory_space<vmem>>, vector<16xf32>,
    %swap3A_223 = arith.constant 1776 : index
    %swap3A_224 = tpu.vector_load %arg10[%swap3A_223] {strides = array<i32>} : memref<2048xf32, #tpu.memory_space<vmem>>, vector<16xf32>,
    tpu.vector_store %arg10[%swap3A_223], %broadcast_in_dim3A_1 {strides = array<i32>} : memref<2048xf32, #tpu.memory_space<vmem>>, vector<16xf32>,
    %swap3A_225 = arith.constant 1792 : index
    %swap3A_226 = tpu.vector_load %arg10[%swap3A_225] {strides = array<i32>} : memref<2048xf32, #tpu.memory_space<vmem>>, vector<16xf32>,
    tpu.vector_store %arg10[%swap3A_225], %broadcast_in_dim3A_1 {strides = array<i32>} : memref<2048xf32, #tpu.memory_space<vmem>>, vector<16xf32>,
    %swap3A_227 = arith.constant 1808 : index
    %swap3A_228 = tpu.vector_load %arg10[%swap3A_227] {strides = array<i32>} : memref<2048xf32, #tpu.memory_space<vmem>>, vector<16xf32>,
    tpu.vector_store %arg10[%swap3A_227], %broadcast_in_dim3A_1 {strides = array<i32>} : memref<2048xf32, #tpu.memory_space<vmem>>, vector<16xf32>,
    %swap3A_229 = arith.constant 1824 : index
    %swap3A_230 = tpu.vector_load %arg10[%swap3A_229] {strides = array<i32>} : memref<2048xf32, #tpu.memory_space<vmem>>, vector<16xf32>,
    tpu.vector_store %arg10[%swap3A_229], %broadcast_in_dim3A_1 {strides = array<i32>} : memref<2048xf32, #tpu.memory_space<vmem>>, vector<16xf32>,
    %swap3A_231 = arith.constant 1840 : index
    %swap3A_232 = tpu.vector_load %arg10[%swap3A_231] {strides = array<i32>} : memref<2048xf32, #tpu.memory_space<vmem>>, vector<16xf32>,
    tpu.vector_store %arg10[%swap3A_231], %broadcast_in_dim3A_1 {strides = array<i32>} : memref<2048xf32, #tpu.memory_space<vmem>>, vector<16xf32>,
    %swap3A_233 = arith.constant 1856 : index
    %swap3A_234 = tpu.vector_load %arg10[%swap3A_233] {strides = array<i32>} : memref<2048xf32, #tpu.memory_space<vmem>>, vector<16xf32>,
    tpu.vector_store %arg10[%swap3A_233], %broadcast_in_dim3A_1 {strides = array<i32>} : memref<2048xf32, #tpu.memory_space<vmem>>, vector<16xf32>,
    %swap3A_235 = arith.constant 1872 : index
    %swap3A_236 = tpu.vector_load %arg10[%swap3A_235] {strides = array<i32>} : memref<2048xf32, #tpu.memory_space<vmem>>, vector<16xf32>,
    tpu.vector_store %arg10[%swap3A_235], %broadcast_in_dim3A_1 {strides = array<i32>} : memref<2048xf32, #tpu.memory_space<vmem>>, vector<16xf32>,
    %swap3A_237 = arith.constant 1888 : index
    %swap3A_238 = tpu.vector_load %arg10[%swap3A_237] {strides = array<i32>} : memref<2048xf32, #tpu.memory_space<vmem>>, vector<16xf32>,
    tpu.vector_store %arg10[%swap3A_237], %broadcast_in_dim3A_1 {strides = array<i32>} : memref<2048xf32, #tpu.memory_space<vmem>>, vector<16xf32>,
    %swap3A_239 = arith.constant 1904 : index
    %swap3A_240 = tpu.vector_load %arg10[%swap3A_239] {strides = array<i32>} : memref<2048xf32, #tpu.memory_space<vmem>>, vector<16xf32>,
    tpu.vector_store %arg10[%swap3A_239], %broadcast_in_dim3A_1 {strides = array<i32>} : memref<2048xf32, #tpu.memory_space<vmem>>, vector<16xf32>,
    %swap3A_241 = arith.constant 1920 : index
    %swap3A_242 = tpu.vector_load %arg10[%swap3A_241] {strides = array<i32>} : memref<2048xf32, #tpu.memory_space<vmem>>, vector<16xf32>,
    tpu.vector_store %arg10[%swap3A_241], %broadcast_in_dim3A_1 {strides = array<i32>} : memref<2048xf32, #tpu.memory_space<vmem>>, vector<16xf32>,
    %swap3A_243 = arith.constant 1936 : index
    %swap3A_244 = tpu.vector_load %arg10[%swap3A_243] {strides = array<i32>} : memref<2048xf32, #tpu.memory_space<vmem>>, vector<16xf32>,
    tpu.vector_store %arg10[%swap3A_243], %broadcast_in_dim3A_1 {strides = array<i32>} : memref<2048xf32, #tpu.memory_space<vmem>>, vector<16xf32>,
    %swap3A_245 = arith.constant 1952 : index
    %swap3A_246 = tpu.vector_load %arg10[%swap3A_245] {strides = array<i32>} : memref<2048xf32, #tpu.memory_space<vmem>>, vector<16xf32>,
    tpu.vector_store %arg10[%swap3A_245], %broadcast_in_dim3A_1 {strides = array<i32>} : memref<2048xf32, #tpu.memory_space<vmem>>, vector<16xf32>,
    %swap3A_247 = arith.constant 1968 : index
    %swap3A_248 = tpu.vector_load %arg10[%swap3A_247] {strides = array<i32>} : memref<2048xf32, #tpu.memory_space<vmem>>, vector<16xf32>,
    tpu.vector_store %arg10[%swap3A_247], %broadcast_in_dim3A_1 {strides = array<i32>} : memref<2048xf32, #tpu.memory_space<vmem>>, vector<16xf32>,
    %swap3A_249 = arith.constant 1984 : index
    %swap3A_250 = tpu.vector_load %arg10[%swap3A_249] {strides = array<i32>} : memref<2048xf32, #tpu.memory_space<vmem>>, vector<16xf32>,
    tpu.vector_store %arg10[%swap3A_249], %broadcast_in_dim3A_1 {strides = array<i32>} : memref<2048xf32, #tpu.memory_space<vmem>>, vector<16xf32>,
    %swap3A_251 = arith.constant 2000 : index
    %swap3A_252 = tpu.vector_load %arg10[%swap3A_251] {strides = array<i32>} : memref<2048xf32, #tpu.memory_space<vmem>>, vector<16xf32>,
    tpu.vector_store %arg10[%swap3A_251], %broadcast_in_dim3A_1 {strides = array<i32>} : memref<2048xf32, #tpu.memory_space<vmem>>, vector<16xf32>,
    %swap3A_253 = arith.constant 2016 : index
    %swap3A_254 = tpu.vector_load %arg10[%swap3A_253] {strides = array<i32>} : memref<2048xf32, #tpu.memory_space<vmem>>, vector<16xf32>,
    tpu.vector_store %arg10[%swap3A_253], %broadcast_in_dim3A_1 {strides = array<i32>} : memref<2048xf32, #tpu.memory_space<vmem>>, vector<16xf32>,
    %swap3A_255 = arith.constant 2032 : index
    %swap3A_256 = tpu.vector_load %arg10[%swap3A_255] {strides = array<i32>} : memref<2048xf32, #tpu.memory_space<vmem>>, vector<16xf32>,
    tpu.vector_store %arg10[%swap3A_255], %broadcast_in_dim3A_1 {strides = array<i32>} : memref<2048xf32, #tpu.memory_space<vmem>>, vector<16xf32>,
    %mul3A_257 = arith.constant 6256 : i32
    %mul3A_258 = arith.muli %arg1, %mul3A_257 : i32
    %add3A_259 = arith.constant 0 : i32
    %add3A_260 = arith.addi %mul3A_258, %add3A_259 : i32
    "tpu.region"() ({
      %run_scoped3A = tpu.sem_alloc : memref<!tpu.dma_semaphore, #tpu.memory_space<semaphore_mem>>
      %dma_start3A = tpu.memref_slice %arg11[%add3A_260] : memref<100096xf32, #tpu.memory_space<vmem_shared>> -> memref<2048xf32, #tpu.memory_space<vmem_shared>>
      %dma_start3A_331 = tpu.memref_slice %arg11[%add3A_260] : memref<100096xf32, #tpu.memory_space<vmem_shared>> -> memref<2048xf32, #tpu.memory_space<vmem_shared>>
      tpu.enqueue_dma source(%arg10 : memref<2048xf32, #tpu.memory_space<vmem>>) target(%dma_start3A_331 : memref<2048xf32, #tpu.memory_space<vmem_shared>>) target_semaphore(%run_scoped3A : memref<!tpu.dma_semaphore, #tpu.memory_space<semaphore_mem>>)
      %dma_wait3A = tpu.memref_slice %arg11[%add3A_260] : memref<100096xf32, #tpu.memory_space<vmem_shared>> -> memref<2048xf32, #tpu.memory_space<vmem_shared>>
      %dma_wait3A_332 = tpu.memref_slice %arg11[%add3A_260] : memref<100096xf32, #tpu.memory_space<vmem_shared>> -> memref<2048xf32, #tpu.memory_space<vmem_shared>>
      tpu.wait_dma2 semaphore(%run_scoped3A : memref<!tpu.dma_semaphore, #tpu.memory_space<semaphore_mem>>) src(%arg10 : memref<2048xf32, #tpu.memory_space<vmem>>) dst(%dma_wait3A_332 : memref<2048xf32, #tpu.memory_space<vmem_shared>>)
      tpu.yield
    }) : () -> ()
    %mul3A_261 = arith.constant 6256 : i32
    %mul3A_262 = arith.muli %arg1, %mul3A_261 : i32
    %add3A_263 = arith.constant 2048 : i32
    %add3A_264 = arith.addi %mul3A_262, %add3A_263 : i32
    "tpu.region"() ({
      %run_scoped3A = tpu.sem_alloc : memref<!tpu.dma_semaphore, #tpu.memory_space<semaphore_mem>>
      %dma_start3A = tpu.memref_slice %arg11[%add3A_264] : memref<100096xf32, #tpu.memory_space<vmem_shared>> -> memref<2048xf32, #tpu.memory_space<vmem_shared>>
      %dma_start3A_331 = tpu.memref_slice %arg11[%add3A_264] : memref<100096xf32, #tpu.memory_space<vmem_shared>> -> memref<2048xf32, #tpu.memory_space<vmem_shared>>
      tpu.enqueue_dma source(%arg10 : memref<2048xf32, #tpu.memory_space<vmem>>) target(%dma_start3A_331 : memref<2048xf32, #tpu.memory_space<vmem_shared>>) target_semaphore(%run_scoped3A : memref<!tpu.dma_semaphore, #tpu.memory_space<semaphore_mem>>)
      %dma_wait3A = tpu.memref_slice %arg11[%add3A_264] : memref<100096xf32, #tpu.memory_space<vmem_shared>> -> memref<2048xf32, #tpu.memory_space<vmem_shared>>
      %dma_wait3A_332 = tpu.memref_slice %arg11[%add3A_264] : memref<100096xf32, #tpu.memory_space<vmem_shared>> -> memref<2048xf32, #tpu.memory_space<vmem_shared>>
      tpu.wait_dma2 semaphore(%run_scoped3A : memref<!tpu.dma_semaphore, #tpu.memory_space<semaphore_mem>>) src(%arg10 : memref<2048xf32, #tpu.memory_space<vmem>>) dst(%dma_wait3A_332 : memref<2048xf32, #tpu.memory_space<vmem_shared>>)
      tpu.yield
    }) : () -> ()
    %mul3A_265 = arith.constant 6256 : i32
    %mul3A_266 = arith.muli %arg1, %mul3A_265 : i32
    %add3A_267 = arith.constant 4096 : i32
    %add3A_268 = arith.addi %mul3A_266, %add3A_267 : i32
    "tpu.region"() ({
      %run_scoped3A = tpu.sem_alloc : memref<!tpu.dma_semaphore, #tpu.memory_space<semaphore_mem>>
      %dma_start3A = tpu.memref_slice %arg11[%add3A_268] : memref<100096xf32, #tpu.memory_space<vmem_shared>> -> memref<2048xf32, #tpu.memory_space<vmem_shared>>
      %dma_start3A_331 = tpu.memref_slice %arg11[%add3A_268] : memref<100096xf32, #tpu.memory_space<vmem_shared>> -> memref<2048xf32, #tpu.memory_space<vmem_shared>>
      tpu.enqueue_dma source(%arg10 : memref<2048xf32, #tpu.memory_space<vmem>>) target(%dma_start3A_331 : memref<2048xf32, #tpu.memory_space<vmem_shared>>) target_semaphore(%run_scoped3A : memref<!tpu.dma_semaphore, #tpu.memory_space<semaphore_mem>>)
      %dma_wait3A = tpu.memref_slice %arg11[%add3A_268] : memref<100096xf32, #tpu.memory_space<vmem_shared>> -> memref<2048xf32, #tpu.memory_space<vmem_shared>>
      %dma_wait3A_332 = tpu.memref_slice %arg11[%add3A_268] : memref<100096xf32, #tpu.memory_space<vmem_shared>> -> memref<2048xf32, #tpu.memory_space<vmem_shared>>
      tpu.wait_dma2 semaphore(%run_scoped3A : memref<!tpu.dma_semaphore, #tpu.memory_space<semaphore_mem>>) src(%arg10 : memref<2048xf32, #tpu.memory_space<vmem>>) dst(%dma_wait3A_332 : memref<2048xf32, #tpu.memory_space<vmem_shared>>)
      tpu.yield
    }) : () -> ()
    %mul3A_269 = arith.constant 6256 : i32
    %mul3A_270 = arith.muli %arg1, %mul3A_269 : i32
    %add3A_271 = arith.constant 6144 : i32
    %add3A_272 = arith.addi %mul3A_270, %add3A_271 : i32
    "tpu.region"() ({
      %run_scoped3A = tpu.sem_alloc : memref<!tpu.dma_semaphore, #tpu.memory_space<semaphore_mem>>
      %dma_start3A = arith.constant 0 : i32
      %dma_start3A_331 = tpu.memref_slice %arg10[%dma_start3A] : memref<2048xf32, #tpu.memory_space<vmem>> -> memref<112xf32, #tpu.memory_space<vmem>>
      %dma_start3A_332 = tpu.memref_slice %arg11[%add3A_272] : memref<100096xf32, #tpu.memory_space<vmem_shared>> -> memref<112xf32, #tpu.memory_space<vmem_shared>>
      %dma_start3A_333 = tpu.memref_slice %arg11[%add3A_272] : memref<100096xf32, #tpu.memory_space<vmem_shared>> -> memref<112xf32, #tpu.memory_space<vmem_shared>>
      %dma_start3A_334 = arith.constant 0 : i32
      %dma_start3A_335 = tpu.memref_slice %arg10[%dma_start3A_334] : memref<2048xf32, #tpu.memory_space<vmem>> -> memref<112xf32, #tpu.memory_space<vmem>>
      tpu.enqueue_dma source(%dma_start3A_335 : memref<112xf32, #tpu.memory_space<vmem>>) target(%dma_start3A_333 : memref<112xf32, #tpu.memory_space<vmem_shared>>) target_semaphore(%run_scoped3A : memref<!tpu.dma_semaphore, #tpu.memory_space<semaphore_mem>>)
      %dma_wait3A = arith.constant 0 : i32
      %dma_wait3A_336 = tpu.memref_slice %arg10[%dma_wait3A] : memref<2048xf32, #tpu.memory_space<vmem>> -> memref<112xf32, #tpu.memory_space<vmem>>
      %dma_wait3A_337 = tpu.memref_slice %arg11[%add3A_272] : memref<100096xf32, #tpu.memory_space<vmem_shared>> -> memref<112xf32, #tpu.memory_space<vmem_shared>>
      %dma_wait3A_338 = tpu.memref_slice %arg11[%add3A_272] : memref<100096xf32, #tpu.memory_space<vmem_shared>> -> memref<112xf32, #tpu.memory_space<vmem_shared>>
      %dma_wait3A_339 = arith.constant 0 : i32
      %dma_wait3A_340 = tpu.memref_slice %arg10[%dma_wait3A_339] : memref<2048xf32, #tpu.memory_space<vmem>> -> memref<112xf32, #tpu.memory_space<vmem>>
      tpu.wait_dma2 semaphore(%run_scoped3A : memref<!tpu.dma_semaphore, #tpu.memory_space<semaphore_mem>>) src(%dma_wait3A_340 : memref<112xf32, #tpu.memory_space<vmem>>) dst(%dma_wait3A_338 : memref<112xf32, #tpu.memory_space<vmem_shared>>)
      tpu.yield
    }) : () -> ()
    "tpu.region"() ({
      %run_scoped3A = tpu.sem_alloc : memref<!tpu.dma_semaphore, #tpu.memory_space<semaphore_mem>>
      tpu.enqueue_dma source(%arg2 : memref<100000xf32, #tpu.memory_space<hbm>>) target(%arg6 : memref<100000xf32, #tpu.memory_space<vmem>>) target_semaphore(%run_scoped3A : memref<!tpu.dma_semaphore, #tpu.memory_space<semaphore_mem>>)
      tpu.wait_dma2 semaphore(%run_scoped3A : memref<!tpu.dma_semaphore, #tpu.memory_space<semaphore_mem>>) src(%arg2 : memref<100000xf32, #tpu.memory_space<hbm>>) dst(%arg6 : memref<100000xf32, #tpu.memory_space<vmem>>)
      tpu.yield
    }) : () -> ()
    %barrier3A = arith.constant 0 : index
    tpu.barrier barrier_id(%barrier3A)
    %lt3A = arith.constant 21 : i32
    %lt3A_273 = arith.cmpi slt, %add3A, %lt3A : i32
    %jit3A = arith.constant 1 : i32
    %jit3A_274 = arith.constant 0 : i32
    %select_n3A = arith.select %lt3A_273, %jit3A, %jit3A_274 : i32
    %add3A_275 = arith.constant 97 : i32
    %add3A_276 = arith.addi %add3A_275, %select_n3A : i32
    %mul3A_277 = arith.constant 97 : i32
    %mul3A_278 = arith.muli %add3A, %mul3A_277 : i32
    %min3A = arith.constant 21 : i32
    %min3A_279 = arith.minsi %add3A, %min3A : i32
    %add3A_280 = arith.addi %mul3A_278, %min3A_279 : i32
    %while3A = arith.constant 0 : i32
    %while3A_281 = arith.constant 0 : i32
    %while3A_282 = arith.subi %add3A_276, %while3A_281 : i32
    %while3A_283 = arith.addi %while3A_281, %while3A_282 : i32
    %while3A_284 = arith.constant 1 : i32
    %while3A_285 = arith.divsi %while3A_282, %while3A_284 : i32
    %while3A_286 = arith.muli %while3A_285, %while3A_284 : i32
    %while3A_287 = arith.addi %while3A_281, %while3A_286 : i32
    %while3A_288 = arith.constant 1 : i32
    scf.for %while3A_331 = %while3A_281 to %while3A_287 step %while3A_288  : i32 {
      %add3A_332 = arith.addi %add3A_280, %while3A_331 : i32
      %mul3A_333 = arith.constant 16 : i32
      %mul3A_334 = arith.muli %add3A_332, %mul3A_333 : i32
      "tpu.region"() ({
        %run_scoped3A_1516 = tpu.sem_alloc : memref<!tpu.dma_semaphore, #tpu.memory_space<semaphore_mem>>
        %dma_start3A = arith.constant 0 : i32
        %dma_start3A_1517 = tpu.memref_slice %arg3[%mul3A_334, %dma_start3A] : memref<50000x128xi32, #tpu.memory_space<hbm>> -> memref<16x128xi32, #tpu.memory_space<hbm>>
        %dma_start3A_1518 = arith.constant 0 : i32
        %dma_start3A_1519 = tpu.memref_slice %arg3[%mul3A_334, %dma_start3A_1518] : memref<50000x128xi32, #tpu.memory_space<hbm>> -> memref<16x128xi32, #tpu.memory_space<hbm>>
        tpu.enqueue_dma source(%dma_start3A_1519 : memref<16x128xi32, #tpu.memory_space<hbm>>) target(%arg7 : memref<16x128xi32, #tpu.memory_space<vmem>>) target_semaphore(%run_scoped3A_1516 : memref<!tpu.dma_semaphore, #tpu.memory_space<semaphore_mem>>)
        %dma_wait3A = arith.constant 0 : i32
        %dma_wait3A_1520 = tpu.memref_slice %arg3[%mul3A_334, %dma_wait3A] : memref<50000x128xi32, #tpu.memory_space<hbm>> -> memref<16x128xi32, #tpu.memory_space<hbm>>
        %dma_wait3A_1521 = arith.constant 0 : i32
        %dma_wait3A_1522 = tpu.memref_slice %arg3[%mul3A_334, %dma_wait3A_1521] : memref<50000x128xi32, #tpu.memory_space<hbm>> -> memref<16x128xi32, #tpu.memory_space<hbm>>
        tpu.wait_dma2 semaphore(%run_scoped3A_1516 : memref<!tpu.dma_semaphore, #tpu.memory_space<semaphore_mem>>) src(%dma_wait3A_1522 : memref<16x128xi32, #tpu.memory_space<hbm>>) dst(%arg7 : memref<16x128xi32, #tpu.memory_space<vmem>>)
        tpu.yield
      }) : () -> ()
      "tpu.region"() ({
        %run_scoped3A_1516 = tpu.sem_alloc : memref<!tpu.dma_semaphore, #tpu.memory_space<semaphore_mem>>
        %dma_start3A = arith.constant 0 : i32
        %dma_start3A_1517 = tpu.memref_slice %arg4[%mul3A_334, %dma_start3A] : memref<50000x128xi32, #tpu.memory_space<hbm>> -> memref<16x128xi32, #tpu.memory_space<hbm>>
        %dma_start3A_1518 = arith.constant 0 : i32
        %dma_start3A_1519 = tpu.memref_slice %arg4[%mul3A_334, %dma_start3A_1518] : memref<50000x128xi32, #tpu.memory_space<hbm>> -> memref<16x128xi32, #tpu.memory_space<hbm>>
        tpu.enqueue_dma source(%dma_start3A_1519 : memref<16x128xi32, #tpu.memory_space<hbm>>) target(%arg8 : memref<16x128xi32, #tpu.memory_space<vmem>>) target_semaphore(%run_scoped3A_1516 : memref<!tpu.dma_semaphore, #tpu.memory_space<semaphore_mem>>)
        %dma_wait3A = arith.constant 0 : i32
        %dma_wait3A_1520 = tpu.memref_slice %arg4[%mul3A_334, %dma_wait3A] : memref<50000x128xi32, #tpu.memory_space<hbm>> -> memref<16x128xi32, #tpu.memory_space<hbm>>
        %dma_wait3A_1521 = arith.constant 0 : i32
        %dma_wait3A_1522 = tpu.memref_slice %arg4[%mul3A_334, %dma_wait3A_1521] : memref<50000x128xi32, #tpu.memory_space<hbm>> -> memref<16x128xi32, #tpu.memory_space<hbm>>
        tpu.wait_dma2 semaphore(%run_scoped3A_1516 : memref<!tpu.dma_semaphore, #tpu.memory_space<semaphore_mem>>) src(%dma_wait3A_1522 : memref<16x128xi32, #tpu.memory_space<hbm>>) dst(%arg8 : memref<16x128xi32, #tpu.memory_space<vmem>>)
        tpu.yield
      }) : () -> ()
      %get3A = arith.constant 0 : i32
      %get3A_335 = arith.index_cast %get3A : i32 to index
      %get3A_336 = arith.constant 0 : index
      %get3A_337 = tpu.vector_load %arg7[%get3A_335, %get3A_336] {strides = array<i32>} : memref<16x128xi32, #tpu.memory_space<vmem>>, vector<16xi32>,
      %gather3A = tpu.vector_load_idx %arg6[%get3A_337] : memref<100000xf32, #tpu.memory_space<vmem>>[vector<16xi32>], vector<16xf32>,
      %swap3A_338 = arith.constant 0 : i32
      %swap3A_339 = arith.index_cast %swap3A_338 : i32 to index
      %swap3A_340 = arith.constant 0 : index
      %swap3A_341 = tpu.vector_load %arg9[%swap3A_339, %swap3A_340] {strides = array<i32>} : memref<16x128xf32, #tpu.memory_space<vmem>>, vector<16xf32>,
      tpu.vector_store %arg9[%swap3A_339, %swap3A_340], %gather3A {strides = array<i32>} : memref<16x128xf32, #tpu.memory_space<vmem>>, vector<16xf32>,
      %get3A_342 = arith.constant 0 : i32
      %get3A_343 = arith.index_cast %get3A_342 : i32 to index
      %get3A_344 = arith.constant 16 : index
      %get3A_345 = tpu.vector_load %arg7[%get3A_343, %get3A_344] {strides = array<i32>} : memref<16x128xi32, #tpu.memory_space<vmem>>, vector<16xi32>,
      %gather3A_346 = tpu.vector_load_idx %arg6[%get3A_345] : memref<100000xf32, #tpu.memory_space<vmem>>[vector<16xi32>], vector<16xf32>,
      %swap3A_347 = arith.constant 0 : i32
      %swap3A_348 = arith.index_cast %swap3A_347 : i32 to index
      %swap3A_349 = arith.constant 16 : index
      %swap3A_350 = tpu.vector_load %arg9[%swap3A_348, %swap3A_349] {strides = array<i32>} : memref<16x128xf32, #tpu.memory_space<vmem>>, vector<16xf32>,
      tpu.vector_store %arg9[%swap3A_348, %swap3A_349], %gather3A_346 {strides = array<i32>} : memref<16x128xf32, #tpu.memory_space<vmem>>, vector<16xf32>,
      %get3A_351 = arith.constant 0 : i32
      %get3A_352 = arith.index_cast %get3A_351 : i32 to index
      %get3A_353 = arith.constant 32 : index
      %get3A_354 = tpu.vector_load %arg7[%get3A_352, %get3A_353] {strides = array<i32>} : memref<16x128xi32, #tpu.memory_space<vmem>>, vector<16xi32>,
      %gather3A_355 = tpu.vector_load_idx %arg6[%get3A_354] : memref<100000xf32, #tpu.memory_space<vmem>>[vector<16xi32>], vector<16xf32>,
      %swap3A_356 = arith.constant 0 : i32
      %swap3A_357 = arith.index_cast %swap3A_356 : i32 to index
      %swap3A_358 = arith.constant 32 : index
      %swap3A_359 = tpu.vector_load %arg9[%swap3A_357, %swap3A_358] {strides = array<i32>} : memref<16x128xf32, #tpu.memory_space<vmem>>, vector<16xf32>,
      tpu.vector_store %arg9[%swap3A_357, %swap3A_358], %gather3A_355 {strides = array<i32>} : memref<16x128xf32, #tpu.memory_space<vmem>>, vector<16xf32>,
      %get3A_360 = arith.constant 0 : i32
      %get3A_361 = arith.index_cast %get3A_360 : i32 to index
      %get3A_362 = arith.constant 48 : index
      %get3A_363 = tpu.vector_load %arg7[%get3A_361, %get3A_362] {strides = array<i32>} : memref<16x128xi32, #tpu.memory_space<vmem>>, vector<16xi32>,
      %gather3A_364 = tpu.vector_load_idx %arg6[%get3A_363] : memref<100000xf32, #tpu.memory_space<vmem>>[vector<16xi32>], vector<16xf32>,
      %swap3A_365 = arith.constant 0 : i32
      %swap3A_366 = arith.index_cast %swap3A_365 : i32 to index
      %swap3A_367 = arith.constant 48 : index
      %swap3A_368 = tpu.vector_load %arg9[%swap3A_366, %swap3A_367] {strides = array<i32>} : memref<16x128xf32, #tpu.memory_space<vmem>>, vector<16xf32>,
      tpu.vector_store %arg9[%swap3A_366, %swap3A_367], %gather3A_364 {strides = array<i32>} : memref<16x128xf32, #tpu.memory_space<vmem>>, vector<16xf32>,
      %get3A_369 = arith.constant 0 : i32
      %get3A_370 = arith.index_cast %get3A_369 : i32 to index
      %get3A_371 = arith.constant 64 : index
      %get3A_372 = tpu.vector_load %arg7[%get3A_370, %get3A_371] {strides = array<i32>} : memref<16x128xi32, #tpu.memory_space<vmem>>, vector<16xi32>,
      %gather3A_373 = tpu.vector_load_idx %arg6[%get3A_372] : memref<100000xf32, #tpu.memory_space<vmem>>[vector<16xi32>], vector<16xf32>,
      %swap3A_374 = arith.constant 0 : i32
      %swap3A_375 = arith.index_cast %swap3A_374 : i32 to index
      %swap3A_376 = arith.constant 64 : index
      %swap3A_377 = tpu.vector_load %arg9[%swap3A_375, %swap3A_376] {strides = array<i32>} : memref<16x128xf32, #tpu.memory_space<vmem>>, vector<16xf32>,
      tpu.vector_store %arg9[%swap3A_375, %swap3A_376], %gather3A_373 {strides = array<i32>} : memref<16x128xf32, #tpu.memory_space<vmem>>, vector<16xf32>,
      %get3A_378 = arith.constant 0 : i32
      %get3A_379 = arith.index_cast %get3A_378 : i32 to index
      %get3A_380 = arith.constant 80 : index
      %get3A_381 = tpu.vector_load %arg7[%get3A_379, %get3A_380] {strides = array<i32>} : memref<16x128xi32, #tpu.memory_space<vmem>>, vector<16xi32>,
      %gather3A_382 = tpu.vector_load_idx %arg6[%get3A_381] : memref<100000xf32, #tpu.memory_space<vmem>>[vector<16xi32>], vector<16xf32>,
      %swap3A_383 = arith.constant 0 : i32
      %swap3A_384 = arith.index_cast %swap3A_383 : i32 to index
      %swap3A_385 = arith.constant 80 : index
      %swap3A_386 = tpu.vector_load %arg9[%swap3A_384, %swap3A_385] {strides = array<i32>} : memref<16x128xf32, #tpu.memory_space<vmem>>, vector<16xf32>,
      tpu.vector_store %arg9[%swap3A_384, %swap3A_385], %gather3A_382 {strides = array<i32>} : memref<16x128xf32, #tpu.memory_space<vmem>>, vector<16xf32>,
      %get3A_387 = arith.constant 0 : i32
      %get3A_388 = arith.index_cast %get3A_387 : i32 to index
      %get3A_389 = arith.constant 96 : index
      %get3A_390 = tpu.vector_load %arg7[%get3A_388, %get3A_389] {strides = array<i32>} : memref<16x128xi32, #tpu.memory_space<vmem>>, vector<16xi32>,
      %gather3A_391 = tpu.vector_load_idx %arg6[%get3A_390] : memref<100000xf32, #tpu.memory_space<vmem>>[vector<16xi32>], vector<16xf32>,
      %swap3A_392 = arith.constant 0 : i32
      %swap3A_393 = arith.index_cast %swap3A_392 : i32 to index
      %swap3A_394 = arith.constant 96 : index
      %swap3A_395 = tpu.vector_load %arg9[%swap3A_393, %swap3A_394] {strides = array<i32>} : memref<16x128xf32, #tpu.memory_space<vmem>>, vector<16xf32>,
      tpu.vector_store %arg9[%swap3A_393, %swap3A_394], %gather3A_391 {strides = array<i32>} : memref<16x128xf32, #tpu.memory_space<vmem>>, vector<16xf32>,
      %get3A_396 = arith.constant 0 : i32
      %get3A_397 = arith.index_cast %get3A_396 : i32 to index
      %get3A_398 = arith.constant 112 : index
      %get3A_399 = tpu.vector_load %arg7[%get3A_397, %get3A_398] {strides = array<i32>} : memref<16x128xi32, #tpu.memory_space<vmem>>, vector<16xi32>,
      %gather3A_400 = tpu.vector_load_idx %arg6[%get3A_399] : memref<100000xf32, #tpu.memory_space<vmem>>[vector<16xi32>], vector<16xf32>,
      %swap3A_401 = arith.constant 0 : i32
      %swap3A_402 = arith.index_cast %swap3A_401 : i32 to index
      %swap3A_403 = arith.constant 112 : index
      %swap3A_404 = tpu.vector_load %arg9[%swap3A_402, %swap3A_403] {strides = array<i32>} : memref<16x128xf32, #tpu.memory_space<vmem>>, vector<16xf32>,
      tpu.vector_store %arg9[%swap3A_402, %swap3A_403], %gather3A_400 {strides = array<i32>} : memref<16x128xf32, #tpu.memory_space<vmem>>, vector<16xf32>,
      %get3A_405 = arith.constant 1 : i32
      %get3A_406 = arith.index_cast %get3A_405 : i32 to index
      %get3A_407 = arith.constant 0 : index
      %get3A_408 = tpu.vector_load %arg7[%get3A_406, %get3A_407] {strides = array<i32>} : memref<16x128xi32, #tpu.memory_space<vmem>>, vector<16xi32>,
      %gather3A_409 = tpu.vector_load_idx %arg6[%get3A_408] : memref<100000xf32, #tpu.memory_space<vmem>>[vector<16xi32>], vector<16xf32>,
      %swap3A_410 = arith.constant 1 : i32
      %swap3A_411 = arith.index_cast %swap3A_410 : i32 to index
      %swap3A_412 = arith.constant 0 : index
      %swap3A_413 = tpu.vector_load %arg9[%swap3A_411, %swap3A_412] {strides = array<i32>} : memref<16x128xf32, #tpu.memory_space<vmem>>, vector<16xf32>,
      tpu.vector_store %arg9[%swap3A_411, %swap3A_412], %gather3A_409 {strides = array<i32>} : memref<16x128xf32, #tpu.memory_space<vmem>>, vector<16xf32>,
      %get3A_414 = arith.constant 1 : i32
      %get3A_415 = arith.index_cast %get3A_414 : i32 to index
      %get3A_416 = arith.constant 16 : index
      %get3A_417 = tpu.vector_load %arg7[%get3A_415, %get3A_416] {strides = array<i32>} : memref<16x128xi32, #tpu.memory_space<vmem>>, vector<16xi32>,
      %gather3A_418 = tpu.vector_load_idx %arg6[%get3A_417] : memref<100000xf32, #tpu.memory_space<vmem>>[vector<16xi32>], vector<16xf32>,
      %swap3A_419 = arith.constant 1 : i32
      %swap3A_420 = arith.index_cast %swap3A_419 : i32 to index
      %swap3A_421 = arith.constant 16 : index
      %swap3A_422 = tpu.vector_load %arg9[%swap3A_420, %swap3A_421] {strides = array<i32>} : memref<16x128xf32, #tpu.memory_space<vmem>>, vector<16xf32>,
      tpu.vector_store %arg9[%swap3A_420, %swap3A_421], %gather3A_418 {strides = array<i32>} : memref<16x128xf32, #tpu.memory_space<vmem>>, vector<16xf32>,
      %get3A_423 = arith.constant 1 : i32
      %get3A_424 = arith.index_cast %get3A_423 : i32 to index
      %get3A_425 = arith.constant 32 : index
      %get3A_426 = tpu.vector_load %arg7[%get3A_424, %get3A_425] {strides = array<i32>} : memref<16x128xi32, #tpu.memory_space<vmem>>, vector<16xi32>,
      %gather3A_427 = tpu.vector_load_idx %arg6[%get3A_426] : memref<100000xf32, #tpu.memory_space<vmem>>[vector<16xi32>], vector<16xf32>,
      %swap3A_428 = arith.constant 1 : i32
      %swap3A_429 = arith.index_cast %swap3A_428 : i32 to index
      %swap3A_430 = arith.constant 32 : index
      %swap3A_431 = tpu.vector_load %arg9[%swap3A_429, %swap3A_430] {strides = array<i32>} : memref<16x128xf32, #tpu.memory_space<vmem>>, vector<16xf32>,
      tpu.vector_store %arg9[%swap3A_429, %swap3A_430], %gather3A_427 {strides = array<i32>} : memref<16x128xf32, #tpu.memory_space<vmem>>, vector<16xf32>,
      %get3A_432 = arith.constant 1 : i32
      %get3A_433 = arith.index_cast %get3A_432 : i32 to index
      %get3A_434 = arith.constant 48 : index
      %get3A_435 = tpu.vector_load %arg7[%get3A_433, %get3A_434] {strides = array<i32>} : memref<16x128xi32, #tpu.memory_space<vmem>>, vector<16xi32>,
      %gather3A_436 = tpu.vector_load_idx %arg6[%get3A_435] : memref<100000xf32, #tpu.memory_space<vmem>>[vector<16xi32>], vector<16xf32>,
      %swap3A_437 = arith.constant 1 : i32
      %swap3A_438 = arith.index_cast %swap3A_437 : i32 to index
      %swap3A_439 = arith.constant 48 : index
      %swap3A_440 = tpu.vector_load %arg9[%swap3A_438, %swap3A_439] {strides = array<i32>} : memref<16x128xf32, #tpu.memory_space<vmem>>, vector<16xf32>,
      tpu.vector_store %arg9[%swap3A_438, %swap3A_439], %gather3A_436 {strides = array<i32>} : memref<16x128xf32, #tpu.memory_space<vmem>>, vector<16xf32>,
      %get3A_441 = arith.constant 1 : i32
      %get3A_442 = arith.index_cast %get3A_441 : i32 to index
      %get3A_443 = arith.constant 64 : index
      %get3A_444 = tpu.vector_load %arg7[%get3A_442, %get3A_443] {strides = array<i32>} : memref<16x128xi32, #tpu.memory_space<vmem>>, vector<16xi32>,
      %gather3A_445 = tpu.vector_load_idx %arg6[%get3A_444] : memref<100000xf32, #tpu.memory_space<vmem>>[vector<16xi32>], vector<16xf32>,
      %swap3A_446 = arith.constant 1 : i32
      %swap3A_447 = arith.index_cast %swap3A_446 : i32 to index
      %swap3A_448 = arith.constant 64 : index
      %swap3A_449 = tpu.vector_load %arg9[%swap3A_447, %swap3A_448] {strides = array<i32>} : memref<16x128xf32, #tpu.memory_space<vmem>>, vector<16xf32>,
      tpu.vector_store %arg9[%swap3A_447, %swap3A_448], %gather3A_445 {strides = array<i32>} : memref<16x128xf32, #tpu.memory_space<vmem>>, vector<16xf32>,
      %get3A_450 = arith.constant 1 : i32
      %get3A_451 = arith.index_cast %get3A_450 : i32 to index
      %get3A_452 = arith.constant 80 : index
      %get3A_453 = tpu.vector_load %arg7[%get3A_451, %get3A_452] {strides = array<i32>} : memref<16x128xi32, #tpu.memory_space<vmem>>, vector<16xi32>,
      %gather3A_454 = tpu.vector_load_idx %arg6[%get3A_453] : memref<100000xf32, #tpu.memory_space<vmem>>[vector<16xi32>], vector<16xf32>,
      %swap3A_455 = arith.constant 1 : i32
      %swap3A_456 = arith.index_cast %swap3A_455 : i32 to index
      %swap3A_457 = arith.constant 80 : index
      %swap3A_458 = tpu.vector_load %arg9[%swap3A_456, %swap3A_457] {strides = array<i32>} : memref<16x128xf32, #tpu.memory_space<vmem>>, vector<16xf32>,
      tpu.vector_store %arg9[%swap3A_456, %swap3A_457], %gather3A_454 {strides = array<i32>} : memref<16x128xf32, #tpu.memory_space<vmem>>, vector<16xf32>,
      %get3A_459 = arith.constant 1 : i32
      %get3A_460 = arith.index_cast %get3A_459 : i32 to index
      %get3A_461 = arith.constant 96 : index
      %get3A_462 = tpu.vector_load %arg7[%get3A_460, %get3A_461] {strides = array<i32>} : memref<16x128xi32, #tpu.memory_space<vmem>>, vector<16xi32>,
      %gather3A_463 = tpu.vector_load_idx %arg6[%get3A_462] : memref<100000xf32, #tpu.memory_space<vmem>>[vector<16xi32>], vector<16xf32>,
      %swap3A_464 = arith.constant 1 : i32
      %swap3A_465 = arith.index_cast %swap3A_464 : i32 to index
      %swap3A_466 = arith.constant 96 : index
      %swap3A_467 = tpu.vector_load %arg9[%swap3A_465, %swap3A_466] {strides = array<i32>} : memref<16x128xf32, #tpu.memory_space<vmem>>, vector<16xf32>,
      tpu.vector_store %arg9[%swap3A_465, %swap3A_466], %gather3A_463 {strides = array<i32>} : memref<16x128xf32, #tpu.memory_space<vmem>>, vector<16xf32>,
      %get3A_468 = arith.constant 1 : i32
      %get3A_469 = arith.index_cast %get3A_468 : i32 to index
      %get3A_470 = arith.constant 112 : index
      %get3A_471 = tpu.vector_load %arg7[%get3A_469, %get3A_470] {strides = array<i32>} : memref<16x128xi32, #tpu.memory_space<vmem>>, vector<16xi32>,
      %gather3A_472 = tpu.vector_load_idx %arg6[%get3A_471] : memref<100000xf32, #tpu.memory_space<vmem>>[vector<16xi32>], vector<16xf32>,
      %swap3A_473 = arith.constant 1 : i32
      %swap3A_474 = arith.index_cast %swap3A_473 : i32 to index
      %swap3A_475 = arith.constant 112 : index
      %swap3A_476 = tpu.vector_load %arg9[%swap3A_474, %swap3A_475] {strides = array<i32>} : memref<16x128xf32, #tpu.memory_space<vmem>>, vector<16xf32>,
      tpu.vector_store %arg9[%swap3A_474, %swap3A_475], %gather3A_472 {strides = array<i32>} : memref<16x128xf32, #tpu.memory_space<vmem>>, vector<16xf32>,
      %get3A_477 = arith.constant 2 : i32
      %get3A_478 = arith.index_cast %get3A_477 : i32 to index
      %get3A_479 = arith.constant 0 : index
      %get3A_480 = tpu.vector_load %arg7[%get3A_478, %get3A_479] {strides = array<i32>} : memref<16x128xi32, #tpu.memory_space<vmem>>, vector<16xi32>,
      %gather3A_481 = tpu.vector_load_idx %arg6[%get3A_480] : memref<100000xf32, #tpu.memory_space<vmem>>[vector<16xi32>], vector<16xf32>,
      %swap3A_482 = arith.constant 2 : i32
      %swap3A_483 = arith.index_cast %swap3A_482 : i32 to index
      %swap3A_484 = arith.constant 0 : index
      %swap3A_485 = tpu.vector_load %arg9[%swap3A_483, %swap3A_484] {strides = array<i32>} : memref<16x128xf32, #tpu.memory_space<vmem>>, vector<16xf32>,
      tpu.vector_store %arg9[%swap3A_483, %swap3A_484], %gather3A_481 {strides = array<i32>} : memref<16x128xf32, #tpu.memory_space<vmem>>, vector<16xf32>,
      %get3A_486 = arith.constant 2 : i32
      %get3A_487 = arith.index_cast %get3A_486 : i32 to index
      %get3A_488 = arith.constant 16 : index
      %get3A_489 = tpu.vector_load %arg7[%get3A_487, %get3A_488] {strides = array<i32>} : memref<16x128xi32, #tpu.memory_space<vmem>>, vector<16xi32>,
      %gather3A_490 = tpu.vector_load_idx %arg6[%get3A_489] : memref<100000xf32, #tpu.memory_space<vmem>>[vector<16xi32>], vector<16xf32>,
      %swap3A_491 = arith.constant 2 : i32
      %swap3A_492 = arith.index_cast %swap3A_491 : i32 to index
      %swap3A_493 = arith.constant 16 : index
      %swap3A_494 = tpu.vector_load %arg9[%swap3A_492, %swap3A_493] {strides = array<i32>} : memref<16x128xf32, #tpu.memory_space<vmem>>, vector<16xf32>,
      tpu.vector_store %arg9[%swap3A_492, %swap3A_493], %gather3A_490 {strides = array<i32>} : memref<16x128xf32, #tpu.memory_space<vmem>>, vector<16xf32>,
      %get3A_495 = arith.constant 2 : i32
      %get3A_496 = arith.index_cast %get3A_495 : i32 to index
      %get3A_497 = arith.constant 32 : index
      %get3A_498 = tpu.vector_load %arg7[%get3A_496, %get3A_497] {strides = array<i32>} : memref<16x128xi32, #tpu.memory_space<vmem>>, vector<16xi32>,
      %gather3A_499 = tpu.vector_load_idx %arg6[%get3A_498] : memref<100000xf32, #tpu.memory_space<vmem>>[vector<16xi32>], vector<16xf32>,
      %swap3A_500 = arith.constant 2 : i32
      %swap3A_501 = arith.index_cast %swap3A_500 : i32 to index
      %swap3A_502 = arith.constant 32 : index
      %swap3A_503 = tpu.vector_load %arg9[%swap3A_501, %swap3A_502] {strides = array<i32>} : memref<16x128xf32, #tpu.memory_space<vmem>>, vector<16xf32>,
      tpu.vector_store %arg9[%swap3A_501, %swap3A_502], %gather3A_499 {strides = array<i32>} : memref<16x128xf32, #tpu.memory_space<vmem>>, vector<16xf32>,
      %get3A_504 = arith.constant 2 : i32
      %get3A_505 = arith.index_cast %get3A_504 : i32 to index
      %get3A_506 = arith.constant 48 : index
      %get3A_507 = tpu.vector_load %arg7[%get3A_505, %get3A_506] {strides = array<i32>} : memref<16x128xi32, #tpu.memory_space<vmem>>, vector<16xi32>,
      %gather3A_508 = tpu.vector_load_idx %arg6[%get3A_507] : memref<100000xf32, #tpu.memory_space<vmem>>[vector<16xi32>], vector<16xf32>,
      %swap3A_509 = arith.constant 2 : i32
      %swap3A_510 = arith.index_cast %swap3A_509 : i32 to index
      %swap3A_511 = arith.constant 48 : index
      %swap3A_512 = tpu.vector_load %arg9[%swap3A_510, %swap3A_511] {strides = array<i32>} : memref<16x128xf32, #tpu.memory_space<vmem>>, vector<16xf32>,
      tpu.vector_store %arg9[%swap3A_510, %swap3A_511], %gather3A_508 {strides = array<i32>} : memref<16x128xf32, #tpu.memory_space<vmem>>, vector<16xf32>,
      %get3A_513 = arith.constant 2 : i32
      %get3A_514 = arith.index_cast %get3A_513 : i32 to index
      %get3A_515 = arith.constant 64 : index
      %get3A_516 = tpu.vector_load %arg7[%get3A_514, %get3A_515] {strides = array<i32>} : memref<16x128xi32, #tpu.memory_space<vmem>>, vector<16xi32>,
      %gather3A_517 = tpu.vector_load_idx %arg6[%get3A_516] : memref<100000xf32, #tpu.memory_space<vmem>>[vector<16xi32>], vector<16xf32>,
      %swap3A_518 = arith.constant 2 : i32
      %swap3A_519 = arith.index_cast %swap3A_518 : i32 to index
      %swap3A_520 = arith.constant 64 : index
      %swap3A_521 = tpu.vector_load %arg9[%swap3A_519, %swap3A_520] {strides = array<i32>} : memref<16x128xf32, #tpu.memory_space<vmem>>, vector<16xf32>,
      tpu.vector_store %arg9[%swap3A_519, %swap3A_520], %gather3A_517 {strides = array<i32>} : memref<16x128xf32, #tpu.memory_space<vmem>>, vector<16xf32>,
      %get3A_522 = arith.constant 2 : i32
      %get3A_523 = arith.index_cast %get3A_522 : i32 to index
      %get3A_524 = arith.constant 80 : index
      %get3A_525 = tpu.vector_load %arg7[%get3A_523, %get3A_524] {strides = array<i32>} : memref<16x128xi32, #tpu.memory_space<vmem>>, vector<16xi32>,
      %gather3A_526 = tpu.vector_load_idx %arg6[%get3A_525] : memref<100000xf32, #tpu.memory_space<vmem>>[vector<16xi32>], vector<16xf32>,
      %swap3A_527 = arith.constant 2 : i32
      %swap3A_528 = arith.index_cast %swap3A_527 : i32 to index
      %swap3A_529 = arith.constant 80 : index
      %swap3A_530 = tpu.vector_load %arg9[%swap3A_528, %swap3A_529] {strides = array<i32>} : memref<16x128xf32, #tpu.memory_space<vmem>>, vector<16xf32>,
      tpu.vector_store %arg9[%swap3A_528, %swap3A_529], %gather3A_526 {strides = array<i32>} : memref<16x128xf32, #tpu.memory_space<vmem>>, vector<16xf32>,
      %get3A_531 = arith.constant 2 : i32
      %get3A_532 = arith.index_cast %get3A_531 : i32 to index
      %get3A_533 = arith.constant 96 : index
      %get3A_534 = tpu.vector_load %arg7[%get3A_532, %get3A_533] {strides = array<i32>} : memref<16x128xi32, #tpu.memory_space<vmem>>, vector<16xi32>,
      %gather3A_535 = tpu.vector_load_idx %arg6[%get3A_534] : memref<100000xf32, #tpu.memory_space<vmem>>[vector<16xi32>], vector<16xf32>,
      %swap3A_536 = arith.constant 2 : i32
      %swap3A_537 = arith.index_cast %swap3A_536 : i32 to index
      %swap3A_538 = arith.constant 96 : index
      %swap3A_539 = tpu.vector_load %arg9[%swap3A_537, %swap3A_538] {strides = array<i32>} : memref<16x128xf32, #tpu.memory_space<vmem>>, vector<16xf32>,
      tpu.vector_store %arg9[%swap3A_537, %swap3A_538], %gather3A_535 {strides = array<i32>} : memref<16x128xf32, #tpu.memory_space<vmem>>, vector<16xf32>,
      %get3A_540 = arith.constant 2 : i32
      %get3A_541 = arith.index_cast %get3A_540 : i32 to index
      %get3A_542 = arith.constant 112 : index
      %get3A_543 = tpu.vector_load %arg7[%get3A_541, %get3A_542] {strides = array<i32>} : memref<16x128xi32, #tpu.memory_space<vmem>>, vector<16xi32>,
      %gather3A_544 = tpu.vector_load_idx %arg6[%get3A_543] : memref<100000xf32, #tpu.memory_space<vmem>>[vector<16xi32>], vector<16xf32>,
      %swap3A_545 = arith.constant 2 : i32
      %swap3A_546 = arith.index_cast %swap3A_545 : i32 to index
      %swap3A_547 = arith.constant 112 : index
      %swap3A_548 = tpu.vector_load %arg9[%swap3A_546, %swap3A_547] {strides = array<i32>} : memref<16x128xf32, #tpu.memory_space<vmem>>, vector<16xf32>,
      tpu.vector_store %arg9[%swap3A_546, %swap3A_547], %gather3A_544 {strides = array<i32>} : memref<16x128xf32, #tpu.memory_space<vmem>>, vector<16xf32>,
      %get3A_549 = arith.constant 3 : i32
      %get3A_550 = arith.index_cast %get3A_549 : i32 to index
      %get3A_551 = arith.constant 0 : index
      %get3A_552 = tpu.vector_load %arg7[%get3A_550, %get3A_551] {strides = array<i32>} : memref<16x128xi32, #tpu.memory_space<vmem>>, vector<16xi32>,
      %gather3A_553 = tpu.vector_load_idx %arg6[%get3A_552] : memref<100000xf32, #tpu.memory_space<vmem>>[vector<16xi32>], vector<16xf32>,
      %swap3A_554 = arith.constant 3 : i32
      %swap3A_555 = arith.index_cast %swap3A_554 : i32 to index
      %swap3A_556 = arith.constant 0 : index
      %swap3A_557 = tpu.vector_load %arg9[%swap3A_555, %swap3A_556] {strides = array<i32>} : memref<16x128xf32, #tpu.memory_space<vmem>>, vector<16xf32>,
      tpu.vector_store %arg9[%swap3A_555, %swap3A_556], %gather3A_553 {strides = array<i32>} : memref<16x128xf32, #tpu.memory_space<vmem>>, vector<16xf32>,
      %get3A_558 = arith.constant 3 : i32
      %get3A_559 = arith.index_cast %get3A_558 : i32 to index
      %get3A_560 = arith.constant 16 : index
      %get3A_561 = tpu.vector_load %arg7[%get3A_559, %get3A_560] {strides = array<i32>} : memref<16x128xi32, #tpu.memory_space<vmem>>, vector<16xi32>,
      %gather3A_562 = tpu.vector_load_idx %arg6[%get3A_561] : memref<100000xf32, #tpu.memory_space<vmem>>[vector<16xi32>], vector<16xf32>,
      %swap3A_563 = arith.constant 3 : i32
      %swap3A_564 = arith.index_cast %swap3A_563 : i32 to index
      %swap3A_565 = arith.constant 16 : index
      %swap3A_566 = tpu.vector_load %arg9[%swap3A_564, %swap3A_565] {strides = array<i32>} : memref<16x128xf32, #tpu.memory_space<vmem>>, vector<16xf32>,
      tpu.vector_store %arg9[%swap3A_564, %swap3A_565], %gather3A_562 {strides = array<i32>} : memref<16x128xf32, #tpu.memory_space<vmem>>, vector<16xf32>,
      %get3A_567 = arith.constant 3 : i32
      %get3A_568 = arith.index_cast %get3A_567 : i32 to index
      %get3A_569 = arith.constant 32 : index
      %get3A_570 = tpu.vector_load %arg7[%get3A_568, %get3A_569] {strides = array<i32>} : memref<16x128xi32, #tpu.memory_space<vmem>>, vector<16xi32>,
      %gather3A_571 = tpu.vector_load_idx %arg6[%get3A_570] : memref<100000xf32, #tpu.memory_space<vmem>>[vector<16xi32>], vector<16xf32>,
      %swap3A_572 = arith.constant 3 : i32
      %swap3A_573 = arith.index_cast %swap3A_572 : i32 to index
      %swap3A_574 = arith.constant 32 : index
      %swap3A_575 = tpu.vector_load %arg9[%swap3A_573, %swap3A_574] {strides = array<i32>} : memref<16x128xf32, #tpu.memory_space<vmem>>, vector<16xf32>,
      tpu.vector_store %arg9[%swap3A_573, %swap3A_574], %gather3A_571 {strides = array<i32>} : memref<16x128xf32, #tpu.memory_space<vmem>>, vector<16xf32>,
      %get3A_576 = arith.constant 3 : i32
      %get3A_577 = arith.index_cast %get3A_576 : i32 to index
      %get3A_578 = arith.constant 48 : index
      %get3A_579 = tpu.vector_load %arg7[%get3A_577, %get3A_578] {strides = array<i32>} : memref<16x128xi32, #tpu.memory_space<vmem>>, vector<16xi32>,
      %gather3A_580 = tpu.vector_load_idx %arg6[%get3A_579] : memref<100000xf32, #tpu.memory_space<vmem>>[vector<16xi32>], vector<16xf32>,
      %swap3A_581 = arith.constant 3 : i32
      %swap3A_582 = arith.index_cast %swap3A_581 : i32 to index
      %swap3A_583 = arith.constant 48 : index
      %swap3A_584 = tpu.vector_load %arg9[%swap3A_582, %swap3A_583] {strides = array<i32>} : memref<16x128xf32, #tpu.memory_space<vmem>>, vector<16xf32>,
      tpu.vector_store %arg9[%swap3A_582, %swap3A_583], %gather3A_580 {strides = array<i32>} : memref<16x128xf32, #tpu.memory_space<vmem>>, vector<16xf32>,
      %get3A_585 = arith.constant 3 : i32
      %get3A_586 = arith.index_cast %get3A_585 : i32 to index
      %get3A_587 = arith.constant 64 : index
      %get3A_588 = tpu.vector_load %arg7[%get3A_586, %get3A_587] {strides = array<i32>} : memref<16x128xi32, #tpu.memory_space<vmem>>, vector<16xi32>,
      %gather3A_589 = tpu.vector_load_idx %arg6[%get3A_588] : memref<100000xf32, #tpu.memory_space<vmem>>[vector<16xi32>], vector<16xf32>,
      %swap3A_590 = arith.constant 3 : i32
      %swap3A_591 = arith.index_cast %swap3A_590 : i32 to index
      %swap3A_592 = arith.constant 64 : index
      %swap3A_593 = tpu.vector_load %arg9[%swap3A_591, %swap3A_592] {strides = array<i32>} : memref<16x128xf32, #tpu.memory_space<vmem>>, vector<16xf32>,
      tpu.vector_store %arg9[%swap3A_591, %swap3A_592], %gather3A_589 {strides = array<i32>} : memref<16x128xf32, #tpu.memory_space<vmem>>, vector<16xf32>,
      %get3A_594 = arith.constant 3 : i32
      %get3A_595 = arith.index_cast %get3A_594 : i32 to index
      %get3A_596 = arith.constant 80 : index
      %get3A_597 = tpu.vector_load %arg7[%get3A_595, %get3A_596] {strides = array<i32>} : memref<16x128xi32, #tpu.memory_space<vmem>>, vector<16xi32>,
      %gather3A_598 = tpu.vector_load_idx %arg6[%get3A_597] : memref<100000xf32, #tpu.memory_space<vmem>>[vector<16xi32>], vector<16xf32>,
      %swap3A_599 = arith.constant 3 : i32
      %swap3A_600 = arith.index_cast %swap3A_599 : i32 to index
      %swap3A_601 = arith.constant 80 : index
      %swap3A_602 = tpu.vector_load %arg9[%swap3A_600, %swap3A_601] {strides = array<i32>} : memref<16x128xf32, #tpu.memory_space<vmem>>, vector<16xf32>,
      tpu.vector_store %arg9[%swap3A_600, %swap3A_601], %gather3A_598 {strides = array<i32>} : memref<16x128xf32, #tpu.memory_space<vmem>>, vector<16xf32>,
      %get3A_603 = arith.constant 3 : i32
      %get3A_604 = arith.index_cast %get3A_603 : i32 to index
      %get3A_605 = arith.constant 96 : index
      %get3A_606 = tpu.vector_load %arg7[%get3A_604, %get3A_605] {strides = array<i32>} : memref<16x128xi32, #tpu.memory_space<vmem>>, vector<16xi32>,
      %gather3A_607 = tpu.vector_load_idx %arg6[%get3A_606] : memref<100000xf32, #tpu.memory_space<vmem>>[vector<16xi32>], vector<16xf32>,
      %swap3A_608 = arith.constant 3 : i32
      %swap3A_609 = arith.index_cast %swap3A_608 : i32 to index
      %swap3A_610 = arith.constant 96 : index
      %swap3A_611 = tpu.vector_load %arg9[%swap3A_609, %swap3A_610] {strides = array<i32>} : memref<16x128xf32, #tpu.memory_space<vmem>>, vector<16xf32>,
      tpu.vector_store %arg9[%swap3A_609, %swap3A_610], %gather3A_607 {strides = array<i32>} : memref<16x128xf32, #tpu.memory_space<vmem>>, vector<16xf32>,
      %get3A_612 = arith.constant 3 : i32
      %get3A_613 = arith.index_cast %get3A_612 : i32 to index
      %get3A_614 = arith.constant 112 : index
      %get3A_615 = tpu.vector_load %arg7[%get3A_613, %get3A_614] {strides = array<i32>} : memref<16x128xi32, #tpu.memory_space<vmem>>, vector<16xi32>,
      %gather3A_616 = tpu.vector_load_idx %arg6[%get3A_615] : memref<100000xf32, #tpu.memory_space<vmem>>[vector<16xi32>], vector<16xf32>,
      %swap3A_617 = arith.constant 3 : i32
      %swap3A_618 = arith.index_cast %swap3A_617 : i32 to index
      %swap3A_619 = arith.constant 112 : index
      %swap3A_620 = tpu.vector_load %arg9[%swap3A_618, %swap3A_619] {strides = array<i32>} : memref<16x128xf32, #tpu.memory_space<vmem>>, vector<16xf32>,
      tpu.vector_store %arg9[%swap3A_618, %swap3A_619], %gather3A_616 {strides = array<i32>} : memref<16x128xf32, #tpu.memory_space<vmem>>, vector<16xf32>,
      %get3A_621 = arith.constant 4 : i32
      %get3A_622 = arith.index_cast %get3A_621 : i32 to index
      %get3A_623 = arith.constant 0 : index
      %get3A_624 = tpu.vector_load %arg7[%get3A_622, %get3A_623] {strides = array<i32>} : memref<16x128xi32, #tpu.memory_space<vmem>>, vector<16xi32>,
      %gather3A_625 = tpu.vector_load_idx %arg6[%get3A_624] : memref<100000xf32, #tpu.memory_space<vmem>>[vector<16xi32>], vector<16xf32>,
      %swap3A_626 = arith.constant 4 : i32
      %swap3A_627 = arith.index_cast %swap3A_626 : i32 to index
      %swap3A_628 = arith.constant 0 : index
      %swap3A_629 = tpu.vector_load %arg9[%swap3A_627, %swap3A_628] {strides = array<i32>} : memref<16x128xf32, #tpu.memory_space<vmem>>, vector<16xf32>,
      tpu.vector_store %arg9[%swap3A_627, %swap3A_628], %gather3A_625 {strides = array<i32>} : memref<16x128xf32, #tpu.memory_space<vmem>>, vector<16xf32>,
      %get3A_630 = arith.constant 4 : i32
      %get3A_631 = arith.index_cast %get3A_630 : i32 to index
      %get3A_632 = arith.constant 16 : index
      %get3A_633 = tpu.vector_load %arg7[%get3A_631, %get3A_632] {strides = array<i32>} : memref<16x128xi32, #tpu.memory_space<vmem>>, vector<16xi32>,
      %gather3A_634 = tpu.vector_load_idx %arg6[%get3A_633] : memref<100000xf32, #tpu.memory_space<vmem>>[vector<16xi32>], vector<16xf32>,
      %swap3A_635 = arith.constant 4 : i32
      %swap3A_636 = arith.index_cast %swap3A_635 : i32 to index
      %swap3A_637 = arith.constant 16 : index
      %swap3A_638 = tpu.vector_load %arg9[%swap3A_636, %swap3A_637] {strides = array<i32>} : memref<16x128xf32, #tpu.memory_space<vmem>>, vector<16xf32>,
      tpu.vector_store %arg9[%swap3A_636, %swap3A_637], %gather3A_634 {strides = array<i32>} : memref<16x128xf32, #tpu.memory_space<vmem>>, vector<16xf32>,
      %get3A_639 = arith.constant 4 : i32
      %get3A_640 = arith.index_cast %get3A_639 : i32 to index
      %get3A_641 = arith.constant 32 : index
      %get3A_642 = tpu.vector_load %arg7[%get3A_640, %get3A_641] {strides = array<i32>} : memref<16x128xi32, #tpu.memory_space<vmem>>, vector<16xi32>,
      %gather3A_643 = tpu.vector_load_idx %arg6[%get3A_642] : memref<100000xf32, #tpu.memory_space<vmem>>[vector<16xi32>], vector<16xf32>,
      %swap3A_644 = arith.constant 4 : i32
      %swap3A_645 = arith.index_cast %swap3A_644 : i32 to index
      %swap3A_646 = arith.constant 32 : index
      %swap3A_647 = tpu.vector_load %arg9[%swap3A_645, %swap3A_646] {strides = array<i32>} : memref<16x128xf32, #tpu.memory_space<vmem>>, vector<16xf32>,
      tpu.vector_store %arg9[%swap3A_645, %swap3A_646], %gather3A_643 {strides = array<i32>} : memref<16x128xf32, #tpu.memory_space<vmem>>, vector<16xf32>,
      %get3A_648 = arith.constant 4 : i32
      %get3A_649 = arith.index_cast %get3A_648 : i32 to index
      %get3A_650 = arith.constant 48 : index
      %get3A_651 = tpu.vector_load %arg7[%get3A_649, %get3A_650] {strides = array<i32>} : memref<16x128xi32, #tpu.memory_space<vmem>>, vector<16xi32>,
      %gather3A_652 = tpu.vector_load_idx %arg6[%get3A_651] : memref<100000xf32, #tpu.memory_space<vmem>>[vector<16xi32>], vector<16xf32>,
      %swap3A_653 = arith.constant 4 : i32
      %swap3A_654 = arith.index_cast %swap3A_653 : i32 to index
      %swap3A_655 = arith.constant 48 : index
      %swap3A_656 = tpu.vector_load %arg9[%swap3A_654, %swap3A_655] {strides = array<i32>} : memref<16x128xf32, #tpu.memory_space<vmem>>, vector<16xf32>,
      tpu.vector_store %arg9[%swap3A_654, %swap3A_655], %gather3A_652 {strides = array<i32>} : memref<16x128xf32, #tpu.memory_space<vmem>>, vector<16xf32>,
      %get3A_657 = arith.constant 4 : i32
      %get3A_658 = arith.index_cast %get3A_657 : i32 to index
      %get3A_659 = arith.constant 64 : index
      %get3A_660 = tpu.vector_load %arg7[%get3A_658, %get3A_659] {strides = array<i32>} : memref<16x128xi32, #tpu.memory_space<vmem>>, vector<16xi32>,
      %gather3A_661 = tpu.vector_load_idx %arg6[%get3A_660] : memref<100000xf32, #tpu.memory_space<vmem>>[vector<16xi32>], vector<16xf32>,
      %swap3A_662 = arith.constant 4 : i32
      %swap3A_663 = arith.index_cast %swap3A_662 : i32 to index
      %swap3A_664 = arith.constant 64 : index
      %swap3A_665 = tpu.vector_load %arg9[%swap3A_663, %swap3A_664] {strides = array<i32>} : memref<16x128xf32, #tpu.memory_space<vmem>>, vector<16xf32>,
      tpu.vector_store %arg9[%swap3A_663, %swap3A_664], %gather3A_661 {strides = array<i32>} : memref<16x128xf32, #tpu.memory_space<vmem>>, vector<16xf32>,
      %get3A_666 = arith.constant 4 : i32
      %get3A_667 = arith.index_cast %get3A_666 : i32 to index
      %get3A_668 = arith.constant 80 : index
      %get3A_669 = tpu.vector_load %arg7[%get3A_667, %get3A_668] {strides = array<i32>} : memref<16x128xi32, #tpu.memory_space<vmem>>, vector<16xi32>,
      %gather3A_670 = tpu.vector_load_idx %arg6[%get3A_669] : memref<100000xf32, #tpu.memory_space<vmem>>[vector<16xi32>], vector<16xf32>,
      %swap3A_671 = arith.constant 4 : i32
      %swap3A_672 = arith.index_cast %swap3A_671 : i32 to index
      %swap3A_673 = arith.constant 80 : index
      %swap3A_674 = tpu.vector_load %arg9[%swap3A_672, %swap3A_673] {strides = array<i32>} : memref<16x128xf32, #tpu.memory_space<vmem>>, vector<16xf32>,
      tpu.vector_store %arg9[%swap3A_672, %swap3A_673], %gather3A_670 {strides = array<i32>} : memref<16x128xf32, #tpu.memory_space<vmem>>, vector<16xf32>,
      %get3A_675 = arith.constant 4 : i32
      %get3A_676 = arith.index_cast %get3A_675 : i32 to index
      %get3A_677 = arith.constant 96 : index
      %get3A_678 = tpu.vector_load %arg7[%get3A_676, %get3A_677] {strides = array<i32>} : memref<16x128xi32, #tpu.memory_space<vmem>>, vector<16xi32>,
      %gather3A_679 = tpu.vector_load_idx %arg6[%get3A_678] : memref<100000xf32, #tpu.memory_space<vmem>>[vector<16xi32>], vector<16xf32>,
      %swap3A_680 = arith.constant 4 : i32
      %swap3A_681 = arith.index_cast %swap3A_680 : i32 to index
      %swap3A_682 = arith.constant 96 : index
      %swap3A_683 = tpu.vector_load %arg9[%swap3A_681, %swap3A_682] {strides = array<i32>} : memref<16x128xf32, #tpu.memory_space<vmem>>, vector<16xf32>,
      tpu.vector_store %arg9[%swap3A_681, %swap3A_682], %gather3A_679 {strides = array<i32>} : memref<16x128xf32, #tpu.memory_space<vmem>>, vector<16xf32>,
      %get3A_684 = arith.constant 4 : i32
      %get3A_685 = arith.index_cast %get3A_684 : i32 to index
      %get3A_686 = arith.constant 112 : index
      %get3A_687 = tpu.vector_load %arg7[%get3A_685, %get3A_686] {strides = array<i32>} : memref<16x128xi32, #tpu.memory_space<vmem>>, vector<16xi32>,
      %gather3A_688 = tpu.vector_load_idx %arg6[%get3A_687] : memref<100000xf32, #tpu.memory_space<vmem>>[vector<16xi32>], vector<16xf32>,
      %swap3A_689 = arith.constant 4 : i32
      %swap3A_690 = arith.index_cast %swap3A_689 : i32 to index
      %swap3A_691 = arith.constant 112 : index
      %swap3A_692 = tpu.vector_load %arg9[%swap3A_690, %swap3A_691] {strides = array<i32>} : memref<16x128xf32, #tpu.memory_space<vmem>>, vector<16xf32>,
      tpu.vector_store %arg9[%swap3A_690, %swap3A_691], %gather3A_688 {strides = array<i32>} : memref<16x128xf32, #tpu.memory_space<vmem>>, vector<16xf32>,
      %get3A_693 = arith.constant 5 : i32
      %get3A_694 = arith.index_cast %get3A_693 : i32 to index
      %get3A_695 = arith.constant 0 : index
      %get3A_696 = tpu.vector_load %arg7[%get3A_694, %get3A_695] {strides = array<i32>} : memref<16x128xi32, #tpu.memory_space<vmem>>, vector<16xi32>,
      %gather3A_697 = tpu.vector_load_idx %arg6[%get3A_696] : memref<100000xf32, #tpu.memory_space<vmem>>[vector<16xi32>], vector<16xf32>,
      %swap3A_698 = arith.constant 5 : i32
      %swap3A_699 = arith.index_cast %swap3A_698 : i32 to index
      %swap3A_700 = arith.constant 0 : index
      %swap3A_701 = tpu.vector_load %arg9[%swap3A_699, %swap3A_700] {strides = array<i32>} : memref<16x128xf32, #tpu.memory_space<vmem>>, vector<16xf32>,
      tpu.vector_store %arg9[%swap3A_699, %swap3A_700], %gather3A_697 {strides = array<i32>} : memref<16x128xf32, #tpu.memory_space<vmem>>, vector<16xf32>,
      %get3A_702 = arith.constant 5 : i32
      %get3A_703 = arith.index_cast %get3A_702 : i32 to index
      %get3A_704 = arith.constant 16 : index
      %get3A_705 = tpu.vector_load %arg7[%get3A_703, %get3A_704] {strides = array<i32>} : memref<16x128xi32, #tpu.memory_space<vmem>>, vector<16xi32>,
      %gather3A_706 = tpu.vector_load_idx %arg6[%get3A_705] : memref<100000xf32, #tpu.memory_space<vmem>>[vector<16xi32>], vector<16xf32>,
      %swap3A_707 = arith.constant 5 : i32
      %swap3A_708 = arith.index_cast %swap3A_707 : i32 to index
      %swap3A_709 = arith.constant 16 : index
      %swap3A_710 = tpu.vector_load %arg9[%swap3A_708, %swap3A_709] {strides = array<i32>} : memref<16x128xf32, #tpu.memory_space<vmem>>, vector<16xf32>,
      tpu.vector_store %arg9[%swap3A_708, %swap3A_709], %gather3A_706 {strides = array<i32>} : memref<16x128xf32, #tpu.memory_space<vmem>>, vector<16xf32>,
      %get3A_711 = arith.constant 5 : i32
      %get3A_712 = arith.index_cast %get3A_711 : i32 to index
      %get3A_713 = arith.constant 32 : index
      %get3A_714 = tpu.vector_load %arg7[%get3A_712, %get3A_713] {strides = array<i32>} : memref<16x128xi32, #tpu.memory_space<vmem>>, vector<16xi32>,
      %gather3A_715 = tpu.vector_load_idx %arg6[%get3A_714] : memref<100000xf32, #tpu.memory_space<vmem>>[vector<16xi32>], vector<16xf32>,
      %swap3A_716 = arith.constant 5 : i32
      %swap3A_717 = arith.index_cast %swap3A_716 : i32 to index
      %swap3A_718 = arith.constant 32 : index
      %swap3A_719 = tpu.vector_load %arg9[%swap3A_717, %swap3A_718] {strides = array<i32>} : memref<16x128xf32, #tpu.memory_space<vmem>>, vector<16xf32>,
      tpu.vector_store %arg9[%swap3A_717, %swap3A_718], %gather3A_715 {strides = array<i32>} : memref<16x128xf32, #tpu.memory_space<vmem>>, vector<16xf32>,
      %get3A_720 = arith.constant 5 : i32
      %get3A_721 = arith.index_cast %get3A_720 : i32 to index
      %get3A_722 = arith.constant 48 : index
      %get3A_723 = tpu.vector_load %arg7[%get3A_721, %get3A_722] {strides = array<i32>} : memref<16x128xi32, #tpu.memory_space<vmem>>, vector<16xi32>,
      %gather3A_724 = tpu.vector_load_idx %arg6[%get3A_723] : memref<100000xf32, #tpu.memory_space<vmem>>[vector<16xi32>], vector<16xf32>,
      %swap3A_725 = arith.constant 5 : i32
      %swap3A_726 = arith.index_cast %swap3A_725 : i32 to index
      %swap3A_727 = arith.constant 48 : index
      %swap3A_728 = tpu.vector_load %arg9[%swap3A_726, %swap3A_727] {strides = array<i32>} : memref<16x128xf32, #tpu.memory_space<vmem>>, vector<16xf32>,
      tpu.vector_store %arg9[%swap3A_726, %swap3A_727], %gather3A_724 {strides = array<i32>} : memref<16x128xf32, #tpu.memory_space<vmem>>, vector<16xf32>,
      %get3A_729 = arith.constant 5 : i32
      %get3A_730 = arith.index_cast %get3A_729 : i32 to index
      %get3A_731 = arith.constant 64 : index
      %get3A_732 = tpu.vector_load %arg7[%get3A_730, %get3A_731] {strides = array<i32>} : memref<16x128xi32, #tpu.memory_space<vmem>>, vector<16xi32>,
      %gather3A_733 = tpu.vector_load_idx %arg6[%get3A_732] : memref<100000xf32, #tpu.memory_space<vmem>>[vector<16xi32>], vector<16xf32>,
      %swap3A_734 = arith.constant 5 : i32
      %swap3A_735 = arith.index_cast %swap3A_734 : i32 to index
      %swap3A_736 = arith.constant 64 : index
      %swap3A_737 = tpu.vector_load %arg9[%swap3A_735, %swap3A_736] {strides = array<i32>} : memref<16x128xf32, #tpu.memory_space<vmem>>, vector<16xf32>,
      tpu.vector_store %arg9[%swap3A_735, %swap3A_736], %gather3A_733 {strides = array<i32>} : memref<16x128xf32, #tpu.memory_space<vmem>>, vector<16xf32>,
      %get3A_738 = arith.constant 5 : i32
      %get3A_739 = arith.index_cast %get3A_738 : i32 to index
      %get3A_740 = arith.constant 80 : index
      %get3A_741 = tpu.vector_load %arg7[%get3A_739, %get3A_740] {strides = array<i32>} : memref<16x128xi32, #tpu.memory_space<vmem>>, vector<16xi32>,
      %gather3A_742 = tpu.vector_load_idx %arg6[%get3A_741] : memref<100000xf32, #tpu.memory_space<vmem>>[vector<16xi32>], vector<16xf32>,
      %swap3A_743 = arith.constant 5 : i32
      %swap3A_744 = arith.index_cast %swap3A_743 : i32 to index
      %swap3A_745 = arith.constant 80 : index
      %swap3A_746 = tpu.vector_load %arg9[%swap3A_744, %swap3A_745] {strides = array<i32>} : memref<16x128xf32, #tpu.memory_space<vmem>>, vector<16xf32>,
      tpu.vector_store %arg9[%swap3A_744, %swap3A_745], %gather3A_742 {strides = array<i32>} : memref<16x128xf32, #tpu.memory_space<vmem>>, vector<16xf32>,
      %get3A_747 = arith.constant 5 : i32
      %get3A_748 = arith.index_cast %get3A_747 : i32 to index
      %get3A_749 = arith.constant 96 : index
      %get3A_750 = tpu.vector_load %arg7[%get3A_748, %get3A_749] {strides = array<i32>} : memref<16x128xi32, #tpu.memory_space<vmem>>, vector<16xi32>,
      %gather3A_751 = tpu.vector_load_idx %arg6[%get3A_750] : memref<100000xf32, #tpu.memory_space<vmem>>[vector<16xi32>], vector<16xf32>,
      %swap3A_752 = arith.constant 5 : i32
      %swap3A_753 = arith.index_cast %swap3A_752 : i32 to index
      %swap3A_754 = arith.constant 96 : index
      %swap3A_755 = tpu.vector_load %arg9[%swap3A_753, %swap3A_754] {strides = array<i32>} : memref<16x128xf32, #tpu.memory_space<vmem>>, vector<16xf32>,
      tpu.vector_store %arg9[%swap3A_753, %swap3A_754], %gather3A_751 {strides = array<i32>} : memref<16x128xf32, #tpu.memory_space<vmem>>, vector<16xf32>,
      %get3A_756 = arith.constant 5 : i32
      %get3A_757 = arith.index_cast %get3A_756 : i32 to index
      %get3A_758 = arith.constant 112 : index
      %get3A_759 = tpu.vector_load %arg7[%get3A_757, %get3A_758] {strides = array<i32>} : memref<16x128xi32, #tpu.memory_space<vmem>>, vector<16xi32>,
      %gather3A_760 = tpu.vector_load_idx %arg6[%get3A_759] : memref<100000xf32, #tpu.memory_space<vmem>>[vector<16xi32>], vector<16xf32>,
      %swap3A_761 = arith.constant 5 : i32
      %swap3A_762 = arith.index_cast %swap3A_761 : i32 to index
      %swap3A_763 = arith.constant 112 : index
      %swap3A_764 = tpu.vector_load %arg9[%swap3A_762, %swap3A_763] {strides = array<i32>} : memref<16x128xf32, #tpu.memory_space<vmem>>, vector<16xf32>,
      tpu.vector_store %arg9[%swap3A_762, %swap3A_763], %gather3A_760 {strides = array<i32>} : memref<16x128xf32, #tpu.memory_space<vmem>>, vector<16xf32>,
      %get3A_765 = arith.constant 6 : i32
      %get3A_766 = arith.index_cast %get3A_765 : i32 to index
      %get3A_767 = arith.constant 0 : index
      %get3A_768 = tpu.vector_load %arg7[%get3A_766, %get3A_767] {strides = array<i32>} : memref<16x128xi32, #tpu.memory_space<vmem>>, vector<16xi32>,
      %gather3A_769 = tpu.vector_load_idx %arg6[%get3A_768] : memref<100000xf32, #tpu.memory_space<vmem>>[vector<16xi32>], vector<16xf32>,
      %swap3A_770 = arith.constant 6 : i32
      %swap3A_771 = arith.index_cast %swap3A_770 : i32 to index
      %swap3A_772 = arith.constant 0 : index
      %swap3A_773 = tpu.vector_load %arg9[%swap3A_771, %swap3A_772] {strides = array<i32>} : memref<16x128xf32, #tpu.memory_space<vmem>>, vector<16xf32>,
      tpu.vector_store %arg9[%swap3A_771, %swap3A_772], %gather3A_769 {strides = array<i32>} : memref<16x128xf32, #tpu.memory_space<vmem>>, vector<16xf32>,
      %get3A_774 = arith.constant 6 : i32
      %get3A_775 = arith.index_cast %get3A_774 : i32 to index
      %get3A_776 = arith.constant 16 : index
      %get3A_777 = tpu.vector_load %arg7[%get3A_775, %get3A_776] {strides = array<i32>} : memref<16x128xi32, #tpu.memory_space<vmem>>, vector<16xi32>,
      %gather3A_778 = tpu.vector_load_idx %arg6[%get3A_777] : memref<100000xf32, #tpu.memory_space<vmem>>[vector<16xi32>], vector<16xf32>,
      %swap3A_779 = arith.constant 6 : i32
      %swap3A_780 = arith.index_cast %swap3A_779 : i32 to index
      %swap3A_781 = arith.constant 16 : index
      %swap3A_782 = tpu.vector_load %arg9[%swap3A_780, %swap3A_781] {strides = array<i32>} : memref<16x128xf32, #tpu.memory_space<vmem>>, vector<16xf32>,
      tpu.vector_store %arg9[%swap3A_780, %swap3A_781], %gather3A_778 {strides = array<i32>} : memref<16x128xf32, #tpu.memory_space<vmem>>, vector<16xf32>,
      %get3A_783 = arith.constant 6 : i32
      %get3A_784 = arith.index_cast %get3A_783 : i32 to index
      %get3A_785 = arith.constant 32 : index
      %get3A_786 = tpu.vector_load %arg7[%get3A_784, %get3A_785] {strides = array<i32>} : memref<16x128xi32, #tpu.memory_space<vmem>>, vector<16xi32>,
      %gather3A_787 = tpu.vector_load_idx %arg6[%get3A_786] : memref<100000xf32, #tpu.memory_space<vmem>>[vector<16xi32>], vector<16xf32>,
      %swap3A_788 = arith.constant 6 : i32
      %swap3A_789 = arith.index_cast %swap3A_788 : i32 to index
      %swap3A_790 = arith.constant 32 : index
      %swap3A_791 = tpu.vector_load %arg9[%swap3A_789, %swap3A_790] {strides = array<i32>} : memref<16x128xf32, #tpu.memory_space<vmem>>, vector<16xf32>,
      tpu.vector_store %arg9[%swap3A_789, %swap3A_790], %gather3A_787 {strides = array<i32>} : memref<16x128xf32, #tpu.memory_space<vmem>>, vector<16xf32>,
      %get3A_792 = arith.constant 6 : i32
      %get3A_793 = arith.index_cast %get3A_792 : i32 to index
      %get3A_794 = arith.constant 48 : index
      %get3A_795 = tpu.vector_load %arg7[%get3A_793, %get3A_794] {strides = array<i32>} : memref<16x128xi32, #tpu.memory_space<vmem>>, vector<16xi32>,
      %gather3A_796 = tpu.vector_load_idx %arg6[%get3A_795] : memref<100000xf32, #tpu.memory_space<vmem>>[vector<16xi32>], vector<16xf32>,
      %swap3A_797 = arith.constant 6 : i32
      %swap3A_798 = arith.index_cast %swap3A_797 : i32 to index
      %swap3A_799 = arith.constant 48 : index
      %swap3A_800 = tpu.vector_load %arg9[%swap3A_798, %swap3A_799] {strides = array<i32>} : memref<16x128xf32, #tpu.memory_space<vmem>>, vector<16xf32>,
      tpu.vector_store %arg9[%swap3A_798, %swap3A_799], %gather3A_796 {strides = array<i32>} : memref<16x128xf32, #tpu.memory_space<vmem>>, vector<16xf32>,
      %get3A_801 = arith.constant 6 : i32
      %get3A_802 = arith.index_cast %get3A_801 : i32 to index
      %get3A_803 = arith.constant 64 : index
      %get3A_804 = tpu.vector_load %arg7[%get3A_802, %get3A_803] {strides = array<i32>} : memref<16x128xi32, #tpu.memory_space<vmem>>, vector<16xi32>,
      %gather3A_805 = tpu.vector_load_idx %arg6[%get3A_804] : memref<100000xf32, #tpu.memory_space<vmem>>[vector<16xi32>], vector<16xf32>,
      %swap3A_806 = arith.constant 6 : i32
      %swap3A_807 = arith.index_cast %swap3A_806 : i32 to index
      %swap3A_808 = arith.constant 64 : index
      %swap3A_809 = tpu.vector_load %arg9[%swap3A_807, %swap3A_808] {strides = array<i32>} : memref<16x128xf32, #tpu.memory_space<vmem>>, vector<16xf32>,
      tpu.vector_store %arg9[%swap3A_807, %swap3A_808], %gather3A_805 {strides = array<i32>} : memref<16x128xf32, #tpu.memory_space<vmem>>, vector<16xf32>,
      %get3A_810 = arith.constant 6 : i32
      %get3A_811 = arith.index_cast %get3A_810 : i32 to index
      %get3A_812 = arith.constant 80 : index
      %get3A_813 = tpu.vector_load %arg7[%get3A_811, %get3A_812] {strides = array<i32>} : memref<16x128xi32, #tpu.memory_space<vmem>>, vector<16xi32>,
      %gather3A_814 = tpu.vector_load_idx %arg6[%get3A_813] : memref<100000xf32, #tpu.memory_space<vmem>>[vector<16xi32>], vector<16xf32>,
      %swap3A_815 = arith.constant 6 : i32
      %swap3A_816 = arith.index_cast %swap3A_815 : i32 to index
      %swap3A_817 = arith.constant 80 : index
      %swap3A_818 = tpu.vector_load %arg9[%swap3A_816, %swap3A_817] {strides = array<i32>} : memref<16x128xf32, #tpu.memory_space<vmem>>, vector<16xf32>,
      tpu.vector_store %arg9[%swap3A_816, %swap3A_817], %gather3A_814 {strides = array<i32>} : memref<16x128xf32, #tpu.memory_space<vmem>>, vector<16xf32>,
      %get3A_819 = arith.constant 6 : i32
      %get3A_820 = arith.index_cast %get3A_819 : i32 to index
      %get3A_821 = arith.constant 96 : index
      %get3A_822 = tpu.vector_load %arg7[%get3A_820, %get3A_821] {strides = array<i32>} : memref<16x128xi32, #tpu.memory_space<vmem>>, vector<16xi32>,
      %gather3A_823 = tpu.vector_load_idx %arg6[%get3A_822] : memref<100000xf32, #tpu.memory_space<vmem>>[vector<16xi32>], vector<16xf32>,
      %swap3A_824 = arith.constant 6 : i32
      %swap3A_825 = arith.index_cast %swap3A_824 : i32 to index
      %swap3A_826 = arith.constant 96 : index
      %swap3A_827 = tpu.vector_load %arg9[%swap3A_825, %swap3A_826] {strides = array<i32>} : memref<16x128xf32, #tpu.memory_space<vmem>>, vector<16xf32>,
      tpu.vector_store %arg9[%swap3A_825, %swap3A_826], %gather3A_823 {strides = array<i32>} : memref<16x128xf32, #tpu.memory_space<vmem>>, vector<16xf32>,
      %get3A_828 = arith.constant 6 : i32
      %get3A_829 = arith.index_cast %get3A_828 : i32 to index
      %get3A_830 = arith.constant 112 : index
      %get3A_831 = tpu.vector_load %arg7[%get3A_829, %get3A_830] {strides = array<i32>} : memref<16x128xi32, #tpu.memory_space<vmem>>, vector<16xi32>,
      %gather3A_832 = tpu.vector_load_idx %arg6[%get3A_831] : memref<100000xf32, #tpu.memory_space<vmem>>[vector<16xi32>], vector<16xf32>,
      %swap3A_833 = arith.constant 6 : i32
      %swap3A_834 = arith.index_cast %swap3A_833 : i32 to index
      %swap3A_835 = arith.constant 112 : index
      %swap3A_836 = tpu.vector_load %arg9[%swap3A_834, %swap3A_835] {strides = array<i32>} : memref<16x128xf32, #tpu.memory_space<vmem>>, vector<16xf32>,
      tpu.vector_store %arg9[%swap3A_834, %swap3A_835], %gather3A_832 {strides = array<i32>} : memref<16x128xf32, #tpu.memory_space<vmem>>, vector<16xf32>,
      %get3A_837 = arith.constant 7 : i32
      %get3A_838 = arith.index_cast %get3A_837 : i32 to index
      %get3A_839 = arith.constant 0 : index
      %get3A_840 = tpu.vector_load %arg7[%get3A_838, %get3A_839] {strides = array<i32>} : memref<16x128xi32, #tpu.memory_space<vmem>>, vector<16xi32>,
      %gather3A_841 = tpu.vector_load_idx %arg6[%get3A_840] : memref<100000xf32, #tpu.memory_space<vmem>>[vector<16xi32>], vector<16xf32>,
      %swap3A_842 = arith.constant 7 : i32
      %swap3A_843 = arith.index_cast %swap3A_842 : i32 to index
      %swap3A_844 = arith.constant 0 : index
      %swap3A_845 = tpu.vector_load %arg9[%swap3A_843, %swap3A_844] {strides = array<i32>} : memref<16x128xf32, #tpu.memory_space<vmem>>, vector<16xf32>,
      tpu.vector_store %arg9[%swap3A_843, %swap3A_844], %gather3A_841 {strides = array<i32>} : memref<16x128xf32, #tpu.memory_space<vmem>>, vector<16xf32>,
      %get3A_846 = arith.constant 7 : i32
      %get3A_847 = arith.index_cast %get3A_846 : i32 to index
      %get3A_848 = arith.constant 16 : index
      %get3A_849 = tpu.vector_load %arg7[%get3A_847, %get3A_848] {strides = array<i32>} : memref<16x128xi32, #tpu.memory_space<vmem>>, vector<16xi32>,
      %gather3A_850 = tpu.vector_load_idx %arg6[%get3A_849] : memref<100000xf32, #tpu.memory_space<vmem>>[vector<16xi32>], vector<16xf32>,
      %swap3A_851 = arith.constant 7 : i32
      %swap3A_852 = arith.index_cast %swap3A_851 : i32 to index
      %swap3A_853 = arith.constant 16 : index
      %swap3A_854 = tpu.vector_load %arg9[%swap3A_852, %swap3A_853] {strides = array<i32>} : memref<16x128xf32, #tpu.memory_space<vmem>>, vector<16xf32>,
      tpu.vector_store %arg9[%swap3A_852, %swap3A_853], %gather3A_850 {strides = array<i32>} : memref<16x128xf32, #tpu.memory_space<vmem>>, vector<16xf32>,
      %get3A_855 = arith.constant 7 : i32
      %get3A_856 = arith.index_cast %get3A_855 : i32 to index
      %get3A_857 = arith.constant 32 : index
      %get3A_858 = tpu.vector_load %arg7[%get3A_856, %get3A_857] {strides = array<i32>} : memref<16x128xi32, #tpu.memory_space<vmem>>, vector<16xi32>,
      %gather3A_859 = tpu.vector_load_idx %arg6[%get3A_858] : memref<100000xf32, #tpu.memory_space<vmem>>[vector<16xi32>], vector<16xf32>,
      %swap3A_860 = arith.constant 7 : i32
      %swap3A_861 = arith.index_cast %swap3A_860 : i32 to index
      %swap3A_862 = arith.constant 32 : index
      %swap3A_863 = tpu.vector_load %arg9[%swap3A_861, %swap3A_862] {strides = array<i32>} : memref<16x128xf32, #tpu.memory_space<vmem>>, vector<16xf32>,
      tpu.vector_store %arg9[%swap3A_861, %swap3A_862], %gather3A_859 {strides = array<i32>} : memref<16x128xf32, #tpu.memory_space<vmem>>, vector<16xf32>,
      %get3A_864 = arith.constant 7 : i32
      %get3A_865 = arith.index_cast %get3A_864 : i32 to index
      %get3A_866 = arith.constant 48 : index
      %get3A_867 = tpu.vector_load %arg7[%get3A_865, %get3A_866] {strides = array<i32>} : memref<16x128xi32, #tpu.memory_space<vmem>>, vector<16xi32>,
      %gather3A_868 = tpu.vector_load_idx %arg6[%get3A_867] : memref<100000xf32, #tpu.memory_space<vmem>>[vector<16xi32>], vector<16xf32>,
      %swap3A_869 = arith.constant 7 : i32
      %swap3A_870 = arith.index_cast %swap3A_869 : i32 to index
      %swap3A_871 = arith.constant 48 : index
      %swap3A_872 = tpu.vector_load %arg9[%swap3A_870, %swap3A_871] {strides = array<i32>} : memref<16x128xf32, #tpu.memory_space<vmem>>, vector<16xf32>,
      tpu.vector_store %arg9[%swap3A_870, %swap3A_871], %gather3A_868 {strides = array<i32>} : memref<16x128xf32, #tpu.memory_space<vmem>>, vector<16xf32>,
      %get3A_873 = arith.constant 7 : i32
      %get3A_874 = arith.index_cast %get3A_873 : i32 to index
      %get3A_875 = arith.constant 64 : index
      %get3A_876 = tpu.vector_load %arg7[%get3A_874, %get3A_875] {strides = array<i32>} : memref<16x128xi32, #tpu.memory_space<vmem>>, vector<16xi32>,
      %gather3A_877 = tpu.vector_load_idx %arg6[%get3A_876] : memref<100000xf32, #tpu.memory_space<vmem>>[vector<16xi32>], vector<16xf32>,
      %swap3A_878 = arith.constant 7 : i32
      %swap3A_879 = arith.index_cast %swap3A_878 : i32 to index
      %swap3A_880 = arith.constant 64 : index
      %swap3A_881 = tpu.vector_load %arg9[%swap3A_879, %swap3A_880] {strides = array<i32>} : memref<16x128xf32, #tpu.memory_space<vmem>>, vector<16xf32>,
      tpu.vector_store %arg9[%swap3A_879, %swap3A_880], %gather3A_877 {strides = array<i32>} : memref<16x128xf32, #tpu.memory_space<vmem>>, vector<16xf32>,
      %get3A_882 = arith.constant 7 : i32
      %get3A_883 = arith.index_cast %get3A_882 : i32 to index
      %get3A_884 = arith.constant 80 : index
      %get3A_885 = tpu.vector_load %arg7[%get3A_883, %get3A_884] {strides = array<i32>} : memref<16x128xi32, #tpu.memory_space<vmem>>, vector<16xi32>,
      %gather3A_886 = tpu.vector_load_idx %arg6[%get3A_885] : memref<100000xf32, #tpu.memory_space<vmem>>[vector<16xi32>], vector<16xf32>,
      %swap3A_887 = arith.constant 7 : i32
      %swap3A_888 = arith.index_cast %swap3A_887 : i32 to index
      %swap3A_889 = arith.constant 80 : index
      %swap3A_890 = tpu.vector_load %arg9[%swap3A_888, %swap3A_889] {strides = array<i32>} : memref<16x128xf32, #tpu.memory_space<vmem>>, vector<16xf32>,
      tpu.vector_store %arg9[%swap3A_888, %swap3A_889], %gather3A_886 {strides = array<i32>} : memref<16x128xf32, #tpu.memory_space<vmem>>, vector<16xf32>,
      %get3A_891 = arith.constant 7 : i32
      %get3A_892 = arith.index_cast %get3A_891 : i32 to index
      %get3A_893 = arith.constant 96 : index
      %get3A_894 = tpu.vector_load %arg7[%get3A_892, %get3A_893] {strides = array<i32>} : memref<16x128xi32, #tpu.memory_space<vmem>>, vector<16xi32>,
      %gather3A_895 = tpu.vector_load_idx %arg6[%get3A_894] : memref<100000xf32, #tpu.memory_space<vmem>>[vector<16xi32>], vector<16xf32>,
      %swap3A_896 = arith.constant 7 : i32
      %swap3A_897 = arith.index_cast %swap3A_896 : i32 to index
      %swap3A_898 = arith.constant 96 : index
      %swap3A_899 = tpu.vector_load %arg9[%swap3A_897, %swap3A_898] {strides = array<i32>} : memref<16x128xf32, #tpu.memory_space<vmem>>, vector<16xf32>,
      tpu.vector_store %arg9[%swap3A_897, %swap3A_898], %gather3A_895 {strides = array<i32>} : memref<16x128xf32, #tpu.memory_space<vmem>>, vector<16xf32>,
      %get3A_900 = arith.constant 7 : i32
      %get3A_901 = arith.index_cast %get3A_900 : i32 to index
      %get3A_902 = arith.constant 112 : index
      %get3A_903 = tpu.vector_load %arg7[%get3A_901, %get3A_902] {strides = array<i32>} : memref<16x128xi32, #tpu.memory_space<vmem>>, vector<16xi32>,
      %gather3A_904 = tpu.vector_load_idx %arg6[%get3A_903] : memref<100000xf32, #tpu.memory_space<vmem>>[vector<16xi32>], vector<16xf32>,
      %swap3A_905 = arith.constant 7 : i32
      %swap3A_906 = arith.index_cast %swap3A_905 : i32 to index
      %swap3A_907 = arith.constant 112 : index
      %swap3A_908 = tpu.vector_load %arg9[%swap3A_906, %swap3A_907] {strides = array<i32>} : memref<16x128xf32, #tpu.memory_space<vmem>>, vector<16xf32>,
      tpu.vector_store %arg9[%swap3A_906, %swap3A_907], %gather3A_904 {strides = array<i32>} : memref<16x128xf32, #tpu.memory_space<vmem>>, vector<16xf32>,
      %get3A_909 = arith.constant 8 : i32
      %get3A_910 = arith.index_cast %get3A_909 : i32 to index
      %get3A_911 = arith.constant 0 : index
      %get3A_912 = tpu.vector_load %arg7[%get3A_910, %get3A_911] {strides = array<i32>} : memref<16x128xi32, #tpu.memory_space<vmem>>, vector<16xi32>,
      %gather3A_913 = tpu.vector_load_idx %arg6[%get3A_912] : memref<100000xf32, #tpu.memory_space<vmem>>[vector<16xi32>], vector<16xf32>,
      %swap3A_914 = arith.constant 8 : i32
      %swap3A_915 = arith.index_cast %swap3A_914 : i32 to index
      %swap3A_916 = arith.constant 0 : index
      %swap3A_917 = tpu.vector_load %arg9[%swap3A_915, %swap3A_916] {strides = array<i32>} : memref<16x128xf32, #tpu.memory_space<vmem>>, vector<16xf32>,
      tpu.vector_store %arg9[%swap3A_915, %swap3A_916], %gather3A_913 {strides = array<i32>} : memref<16x128xf32, #tpu.memory_space<vmem>>, vector<16xf32>,
      %get3A_918 = arith.constant 8 : i32
      %get3A_919 = arith.index_cast %get3A_918 : i32 to index
      %get3A_920 = arith.constant 16 : index
      %get3A_921 = tpu.vector_load %arg7[%get3A_919, %get3A_920] {strides = array<i32>} : memref<16x128xi32, #tpu.memory_space<vmem>>, vector<16xi32>,
      %gather3A_922 = tpu.vector_load_idx %arg6[%get3A_921] : memref<100000xf32, #tpu.memory_space<vmem>>[vector<16xi32>], vector<16xf32>,
      %swap3A_923 = arith.constant 8 : i32
      %swap3A_924 = arith.index_cast %swap3A_923 : i32 to index
      %swap3A_925 = arith.constant 16 : index
      %swap3A_926 = tpu.vector_load %arg9[%swap3A_924, %swap3A_925] {strides = array<i32>} : memref<16x128xf32, #tpu.memory_space<vmem>>, vector<16xf32>,
      tpu.vector_store %arg9[%swap3A_924, %swap3A_925], %gather3A_922 {strides = array<i32>} : memref<16x128xf32, #tpu.memory_space<vmem>>, vector<16xf32>,
      %get3A_927 = arith.constant 8 : i32
      %get3A_928 = arith.index_cast %get3A_927 : i32 to index
      %get3A_929 = arith.constant 32 : index
      %get3A_930 = tpu.vector_load %arg7[%get3A_928, %get3A_929] {strides = array<i32>} : memref<16x128xi32, #tpu.memory_space<vmem>>, vector<16xi32>,
      %gather3A_931 = tpu.vector_load_idx %arg6[%get3A_930] : memref<100000xf32, #tpu.memory_space<vmem>>[vector<16xi32>], vector<16xf32>,
      %swap3A_932 = arith.constant 8 : i32
      %swap3A_933 = arith.index_cast %swap3A_932 : i32 to index
      %swap3A_934 = arith.constant 32 : index
      %swap3A_935 = tpu.vector_load %arg9[%swap3A_933, %swap3A_934] {strides = array<i32>} : memref<16x128xf32, #tpu.memory_space<vmem>>, vector<16xf32>,
      tpu.vector_store %arg9[%swap3A_933, %swap3A_934], %gather3A_931 {strides = array<i32>} : memref<16x128xf32, #tpu.memory_space<vmem>>, vector<16xf32>,
      %get3A_936 = arith.constant 8 : i32
      %get3A_937 = arith.index_cast %get3A_936 : i32 to index
      %get3A_938 = arith.constant 48 : index
      %get3A_939 = tpu.vector_load %arg7[%get3A_937, %get3A_938] {strides = array<i32>} : memref<16x128xi32, #tpu.memory_space<vmem>>, vector<16xi32>,
      %gather3A_940 = tpu.vector_load_idx %arg6[%get3A_939] : memref<100000xf32, #tpu.memory_space<vmem>>[vector<16xi32>], vector<16xf32>,
      %swap3A_941 = arith.constant 8 : i32
      %swap3A_942 = arith.index_cast %swap3A_941 : i32 to index
      %swap3A_943 = arith.constant 48 : index
      %swap3A_944 = tpu.vector_load %arg9[%swap3A_942, %swap3A_943] {strides = array<i32>} : memref<16x128xf32, #tpu.memory_space<vmem>>, vector<16xf32>,
      tpu.vector_store %arg9[%swap3A_942, %swap3A_943], %gather3A_940 {strides = array<i32>} : memref<16x128xf32, #tpu.memory_space<vmem>>, vector<16xf32>,
      %get3A_945 = arith.constant 8 : i32
      %get3A_946 = arith.index_cast %get3A_945 : i32 to index
      %get3A_947 = arith.constant 64 : index
      %get3A_948 = tpu.vector_load %arg7[%get3A_946, %get3A_947] {strides = array<i32>} : memref<16x128xi32, #tpu.memory_space<vmem>>, vector<16xi32>,
      %gather3A_949 = tpu.vector_load_idx %arg6[%get3A_948] : memref<100000xf32, #tpu.memory_space<vmem>>[vector<16xi32>], vector<16xf32>,
      %swap3A_950 = arith.constant 8 : i32
      %swap3A_951 = arith.index_cast %swap3A_950 : i32 to index
      %swap3A_952 = arith.constant 64 : index
      %swap3A_953 = tpu.vector_load %arg9[%swap3A_951, %swap3A_952] {strides = array<i32>} : memref<16x128xf32, #tpu.memory_space<vmem>>, vector<16xf32>,
      tpu.vector_store %arg9[%swap3A_951, %swap3A_952], %gather3A_949 {strides = array<i32>} : memref<16x128xf32, #tpu.memory_space<vmem>>, vector<16xf32>,
      %get3A_954 = arith.constant 8 : i32
      %get3A_955 = arith.index_cast %get3A_954 : i32 to index
      %get3A_956 = arith.constant 80 : index
      %get3A_957 = tpu.vector_load %arg7[%get3A_955, %get3A_956] {strides = array<i32>} : memref<16x128xi32, #tpu.memory_space<vmem>>, vector<16xi32>,
      %gather3A_958 = tpu.vector_load_idx %arg6[%get3A_957] : memref<100000xf32, #tpu.memory_space<vmem>>[vector<16xi32>], vector<16xf32>,
      %swap3A_959 = arith.constant 8 : i32
      %swap3A_960 = arith.index_cast %swap3A_959 : i32 to index
      %swap3A_961 = arith.constant 80 : index
      %swap3A_962 = tpu.vector_load %arg9[%swap3A_960, %swap3A_961] {strides = array<i32>} : memref<16x128xf32, #tpu.memory_space<vmem>>, vector<16xf32>,
      tpu.vector_store %arg9[%swap3A_960, %swap3A_961], %gather3A_958 {strides = array<i32>} : memref<16x128xf32, #tpu.memory_space<vmem>>, vector<16xf32>,
      %get3A_963 = arith.constant 8 : i32
      %get3A_964 = arith.index_cast %get3A_963 : i32 to index
      %get3A_965 = arith.constant 96 : index
      %get3A_966 = tpu.vector_load %arg7[%get3A_964, %get3A_965] {strides = array<i32>} : memref<16x128xi32, #tpu.memory_space<vmem>>, vector<16xi32>,
      %gather3A_967 = tpu.vector_load_idx %arg6[%get3A_966] : memref<100000xf32, #tpu.memory_space<vmem>>[vector<16xi32>], vector<16xf32>,
      %swap3A_968 = arith.constant 8 : i32
      %swap3A_969 = arith.index_cast %swap3A_968 : i32 to index
      %swap3A_970 = arith.constant 96 : index
      %swap3A_971 = tpu.vector_load %arg9[%swap3A_969, %swap3A_970] {strides = array<i32>} : memref<16x128xf32, #tpu.memory_space<vmem>>, vector<16xf32>,
      tpu.vector_store %arg9[%swap3A_969, %swap3A_970], %gather3A_967 {strides = array<i32>} : memref<16x128xf32, #tpu.memory_space<vmem>>, vector<16xf32>,
      %get3A_972 = arith.constant 8 : i32
      %get3A_973 = arith.index_cast %get3A_972 : i32 to index
      %get3A_974 = arith.constant 112 : index
      %get3A_975 = tpu.vector_load %arg7[%get3A_973, %get3A_974] {strides = array<i32>} : memref<16x128xi32, #tpu.memory_space<vmem>>, vector<16xi32>,
      %gather3A_976 = tpu.vector_load_idx %arg6[%get3A_975] : memref<100000xf32, #tpu.memory_space<vmem>>[vector<16xi32>], vector<16xf32>,
      %swap3A_977 = arith.constant 8 : i32
      %swap3A_978 = arith.index_cast %swap3A_977 : i32 to index
      %swap3A_979 = arith.constant 112 : index
      %swap3A_980 = tpu.vector_load %arg9[%swap3A_978, %swap3A_979] {strides = array<i32>} : memref<16x128xf32, #tpu.memory_space<vmem>>, vector<16xf32>,
      tpu.vector_store %arg9[%swap3A_978, %swap3A_979], %gather3A_976 {strides = array<i32>} : memref<16x128xf32, #tpu.memory_space<vmem>>, vector<16xf32>,
      %get3A_981 = arith.constant 9 : i32
      %get3A_982 = arith.index_cast %get3A_981 : i32 to index
      %get3A_983 = arith.constant 0 : index
      %get3A_984 = tpu.vector_load %arg7[%get3A_982, %get3A_983] {strides = array<i32>} : memref<16x128xi32, #tpu.memory_space<vmem>>, vector<16xi32>,
      %gather3A_985 = tpu.vector_load_idx %arg6[%get3A_984] : memref<100000xf32, #tpu.memory_space<vmem>>[vector<16xi32>], vector<16xf32>,
      %swap3A_986 = arith.constant 9 : i32
      %swap3A_987 = arith.index_cast %swap3A_986 : i32 to index
      %swap3A_988 = arith.constant 0 : index
      %swap3A_989 = tpu.vector_load %arg9[%swap3A_987, %swap3A_988] {strides = array<i32>} : memref<16x128xf32, #tpu.memory_space<vmem>>, vector<16xf32>,
      tpu.vector_store %arg9[%swap3A_987, %swap3A_988], %gather3A_985 {strides = array<i32>} : memref<16x128xf32, #tpu.memory_space<vmem>>, vector<16xf32>,
      %get3A_990 = arith.constant 9 : i32
      %get3A_991 = arith.index_cast %get3A_990 : i32 to index
      %get3A_992 = arith.constant 16 : index
      %get3A_993 = tpu.vector_load %arg7[%get3A_991, %get3A_992] {strides = array<i32>} : memref<16x128xi32, #tpu.memory_space<vmem>>, vector<16xi32>,
      %gather3A_994 = tpu.vector_load_idx %arg6[%get3A_993] : memref<100000xf32, #tpu.memory_space<vmem>>[vector<16xi32>], vector<16xf32>,
      %swap3A_995 = arith.constant 9 : i32
      %swap3A_996 = arith.index_cast %swap3A_995 : i32 to index
      %swap3A_997 = arith.constant 16 : index
      %swap3A_998 = tpu.vector_load %arg9[%swap3A_996, %swap3A_997] {strides = array<i32>} : memref<16x128xf32, #tpu.memory_space<vmem>>, vector<16xf32>,
      tpu.vector_store %arg9[%swap3A_996, %swap3A_997], %gather3A_994 {strides = array<i32>} : memref<16x128xf32, #tpu.memory_space<vmem>>, vector<16xf32>,
      %get3A_999 = arith.constant 9 : i32
      %get3A_1000 = arith.index_cast %get3A_999 : i32 to index
      %get3A_1001 = arith.constant 32 : index
      %get3A_1002 = tpu.vector_load %arg7[%get3A_1000, %get3A_1001] {strides = array<i32>} : memref<16x128xi32, #tpu.memory_space<vmem>>, vector<16xi32>,
      %gather3A_1003 = tpu.vector_load_idx %arg6[%get3A_1002] : memref<100000xf32, #tpu.memory_space<vmem>>[vector<16xi32>], vector<16xf32>,
      %swap3A_1004 = arith.constant 9 : i32
      %swap3A_1005 = arith.index_cast %swap3A_1004 : i32 to index
      %swap3A_1006 = arith.constant 32 : index
      %swap3A_1007 = tpu.vector_load %arg9[%swap3A_1005, %swap3A_1006] {strides = array<i32>} : memref<16x128xf32, #tpu.memory_space<vmem>>, vector<16xf32>,
      tpu.vector_store %arg9[%swap3A_1005, %swap3A_1006], %gather3A_1003 {strides = array<i32>} : memref<16x128xf32, #tpu.memory_space<vmem>>, vector<16xf32>,
      %get3A_1008 = arith.constant 9 : i32
      %get3A_1009 = arith.index_cast %get3A_1008 : i32 to index
      %get3A_1010 = arith.constant 48 : index
      %get3A_1011 = tpu.vector_load %arg7[%get3A_1009, %get3A_1010] {strides = array<i32>} : memref<16x128xi32, #tpu.memory_space<vmem>>, vector<16xi32>,
      %gather3A_1012 = tpu.vector_load_idx %arg6[%get3A_1011] : memref<100000xf32, #tpu.memory_space<vmem>>[vector<16xi32>], vector<16xf32>,
      %swap3A_1013 = arith.constant 9 : i32
      %swap3A_1014 = arith.index_cast %swap3A_1013 : i32 to index
      %swap3A_1015 = arith.constant 48 : index
      %swap3A_1016 = tpu.vector_load %arg9[%swap3A_1014, %swap3A_1015] {strides = array<i32>} : memref<16x128xf32, #tpu.memory_space<vmem>>, vector<16xf32>,
      tpu.vector_store %arg9[%swap3A_1014, %swap3A_1015], %gather3A_1012 {strides = array<i32>} : memref<16x128xf32, #tpu.memory_space<vmem>>, vector<16xf32>,
      %get3A_1017 = arith.constant 9 : i32
      %get3A_1018 = arith.index_cast %get3A_1017 : i32 to index
      %get3A_1019 = arith.constant 64 : index
      %get3A_1020 = tpu.vector_load %arg7[%get3A_1018, %get3A_1019] {strides = array<i32>} : memref<16x128xi32, #tpu.memory_space<vmem>>, vector<16xi32>,
      %gather3A_1021 = tpu.vector_load_idx %arg6[%get3A_1020] : memref<100000xf32, #tpu.memory_space<vmem>>[vector<16xi32>], vector<16xf32>,
      %swap3A_1022 = arith.constant 9 : i32
      %swap3A_1023 = arith.index_cast %swap3A_1022 : i32 to index
      %swap3A_1024 = arith.constant 64 : index
      %swap3A_1025 = tpu.vector_load %arg9[%swap3A_1023, %swap3A_1024] {strides = array<i32>} : memref<16x128xf32, #tpu.memory_space<vmem>>, vector<16xf32>,
      tpu.vector_store %arg9[%swap3A_1023, %swap3A_1024], %gather3A_1021 {strides = array<i32>} : memref<16x128xf32, #tpu.memory_space<vmem>>, vector<16xf32>,
      %get3A_1026 = arith.constant 9 : i32
      %get3A_1027 = arith.index_cast %get3A_1026 : i32 to index
      %get3A_1028 = arith.constant 80 : index
      %get3A_1029 = tpu.vector_load %arg7[%get3A_1027, %get3A_1028] {strides = array<i32>} : memref<16x128xi32, #tpu.memory_space<vmem>>, vector<16xi32>,
      %gather3A_1030 = tpu.vector_load_idx %arg6[%get3A_1029] : memref<100000xf32, #tpu.memory_space<vmem>>[vector<16xi32>], vector<16xf32>,
      %swap3A_1031 = arith.constant 9 : i32
      %swap3A_1032 = arith.index_cast %swap3A_1031 : i32 to index
      %swap3A_1033 = arith.constant 80 : index
      %swap3A_1034 = tpu.vector_load %arg9[%swap3A_1032, %swap3A_1033] {strides = array<i32>} : memref<16x128xf32, #tpu.memory_space<vmem>>, vector<16xf32>,
      tpu.vector_store %arg9[%swap3A_1032, %swap3A_1033], %gather3A_1030 {strides = array<i32>} : memref<16x128xf32, #tpu.memory_space<vmem>>, vector<16xf32>,
      %get3A_1035 = arith.constant 9 : i32
      %get3A_1036 = arith.index_cast %get3A_1035 : i32 to index
      %get3A_1037 = arith.constant 96 : index
      %get3A_1038 = tpu.vector_load %arg7[%get3A_1036, %get3A_1037] {strides = array<i32>} : memref<16x128xi32, #tpu.memory_space<vmem>>, vector<16xi32>,
      %gather3A_1039 = tpu.vector_load_idx %arg6[%get3A_1038] : memref<100000xf32, #tpu.memory_space<vmem>>[vector<16xi32>], vector<16xf32>,
      %swap3A_1040 = arith.constant 9 : i32
      %swap3A_1041 = arith.index_cast %swap3A_1040 : i32 to index
      %swap3A_1042 = arith.constant 96 : index
      %swap3A_1043 = tpu.vector_load %arg9[%swap3A_1041, %swap3A_1042] {strides = array<i32>} : memref<16x128xf32, #tpu.memory_space<vmem>>, vector<16xf32>,
      tpu.vector_store %arg9[%swap3A_1041, %swap3A_1042], %gather3A_1039 {strides = array<i32>} : memref<16x128xf32, #tpu.memory_space<vmem>>, vector<16xf32>,
      %get3A_1044 = arith.constant 9 : i32
      %get3A_1045 = arith.index_cast %get3A_1044 : i32 to index
      %get3A_1046 = arith.constant 112 : index
      %get3A_1047 = tpu.vector_load %arg7[%get3A_1045, %get3A_1046] {strides = array<i32>} : memref<16x128xi32, #tpu.memory_space<vmem>>, vector<16xi32>,
      %gather3A_1048 = tpu.vector_load_idx %arg6[%get3A_1047] : memref<100000xf32, #tpu.memory_space<vmem>>[vector<16xi32>], vector<16xf32>,
      %swap3A_1049 = arith.constant 9 : i32
      %swap3A_1050 = arith.index_cast %swap3A_1049 : i32 to index
      %swap3A_1051 = arith.constant 112 : index
      %swap3A_1052 = tpu.vector_load %arg9[%swap3A_1050, %swap3A_1051] {strides = array<i32>} : memref<16x128xf32, #tpu.memory_space<vmem>>, vector<16xf32>,
      tpu.vector_store %arg9[%swap3A_1050, %swap3A_1051], %gather3A_1048 {strides = array<i32>} : memref<16x128xf32, #tpu.memory_space<vmem>>, vector<16xf32>,
      %get3A_1053 = arith.constant 10 : i32
      %get3A_1054 = arith.index_cast %get3A_1053 : i32 to index
      %get3A_1055 = arith.constant 0 : index
      %get3A_1056 = tpu.vector_load %arg7[%get3A_1054, %get3A_1055] {strides = array<i32>} : memref<16x128xi32, #tpu.memory_space<vmem>>, vector<16xi32>,
      %gather3A_1057 = tpu.vector_load_idx %arg6[%get3A_1056] : memref<100000xf32, #tpu.memory_space<vmem>>[vector<16xi32>], vector<16xf32>,
      %swap3A_1058 = arith.constant 10 : i32
      %swap3A_1059 = arith.index_cast %swap3A_1058 : i32 to index
      %swap3A_1060 = arith.constant 0 : index
      %swap3A_1061 = tpu.vector_load %arg9[%swap3A_1059, %swap3A_1060] {strides = array<i32>} : memref<16x128xf32, #tpu.memory_space<vmem>>, vector<16xf32>,
      tpu.vector_store %arg9[%swap3A_1059, %swap3A_1060], %gather3A_1057 {strides = array<i32>} : memref<16x128xf32, #tpu.memory_space<vmem>>, vector<16xf32>,
      %get3A_1062 = arith.constant 10 : i32
      %get3A_1063 = arith.index_cast %get3A_1062 : i32 to index
      %get3A_1064 = arith.constant 16 : index
      %get3A_1065 = tpu.vector_load %arg7[%get3A_1063, %get3A_1064] {strides = array<i32>} : memref<16x128xi32, #tpu.memory_space<vmem>>, vector<16xi32>,
      %gather3A_1066 = tpu.vector_load_idx %arg6[%get3A_1065] : memref<100000xf32, #tpu.memory_space<vmem>>[vector<16xi32>], vector<16xf32>,
      %swap3A_1067 = arith.constant 10 : i32
      %swap3A_1068 = arith.index_cast %swap3A_1067 : i32 to index
      %swap3A_1069 = arith.constant 16 : index
      %swap3A_1070 = tpu.vector_load %arg9[%swap3A_1068, %swap3A_1069] {strides = array<i32>} : memref<16x128xf32, #tpu.memory_space<vmem>>, vector<16xf32>,
      tpu.vector_store %arg9[%swap3A_1068, %swap3A_1069], %gather3A_1066 {strides = array<i32>} : memref<16x128xf32, #tpu.memory_space<vmem>>, vector<16xf32>,
      %get3A_1071 = arith.constant 10 : i32
      %get3A_1072 = arith.index_cast %get3A_1071 : i32 to index
      %get3A_1073 = arith.constant 32 : index
      %get3A_1074 = tpu.vector_load %arg7[%get3A_1072, %get3A_1073] {strides = array<i32>} : memref<16x128xi32, #tpu.memory_space<vmem>>, vector<16xi32>,
      %gather3A_1075 = tpu.vector_load_idx %arg6[%get3A_1074] : memref<100000xf32, #tpu.memory_space<vmem>>[vector<16xi32>], vector<16xf32>,
      %swap3A_1076 = arith.constant 10 : i32
      %swap3A_1077 = arith.index_cast %swap3A_1076 : i32 to index
      %swap3A_1078 = arith.constant 32 : index
      %swap3A_1079 = tpu.vector_load %arg9[%swap3A_1077, %swap3A_1078] {strides = array<i32>} : memref<16x128xf32, #tpu.memory_space<vmem>>, vector<16xf32>,
      tpu.vector_store %arg9[%swap3A_1077, %swap3A_1078], %gather3A_1075 {strides = array<i32>} : memref<16x128xf32, #tpu.memory_space<vmem>>, vector<16xf32>,
      %get3A_1080 = arith.constant 10 : i32
      %get3A_1081 = arith.index_cast %get3A_1080 : i32 to index
      %get3A_1082 = arith.constant 48 : index
      %get3A_1083 = tpu.vector_load %arg7[%get3A_1081, %get3A_1082] {strides = array<i32>} : memref<16x128xi32, #tpu.memory_space<vmem>>, vector<16xi32>,
      %gather3A_1084 = tpu.vector_load_idx %arg6[%get3A_1083] : memref<100000xf32, #tpu.memory_space<vmem>>[vector<16xi32>], vector<16xf32>,
      %swap3A_1085 = arith.constant 10 : i32
      %swap3A_1086 = arith.index_cast %swap3A_1085 : i32 to index
      %swap3A_1087 = arith.constant 48 : index
      %swap3A_1088 = tpu.vector_load %arg9[%swap3A_1086, %swap3A_1087] {strides = array<i32>} : memref<16x128xf32, #tpu.memory_space<vmem>>, vector<16xf32>,
      tpu.vector_store %arg9[%swap3A_1086, %swap3A_1087], %gather3A_1084 {strides = array<i32>} : memref<16x128xf32, #tpu.memory_space<vmem>>, vector<16xf32>,
      %get3A_1089 = arith.constant 10 : i32
      %get3A_1090 = arith.index_cast %get3A_1089 : i32 to index
      %get3A_1091 = arith.constant 64 : index
      %get3A_1092 = tpu.vector_load %arg7[%get3A_1090, %get3A_1091] {strides = array<i32>} : memref<16x128xi32, #tpu.memory_space<vmem>>, vector<16xi32>,
      %gather3A_1093 = tpu.vector_load_idx %arg6[%get3A_1092] : memref<100000xf32, #tpu.memory_space<vmem>>[vector<16xi32>], vector<16xf32>,
      %swap3A_1094 = arith.constant 10 : i32
      %swap3A_1095 = arith.index_cast %swap3A_1094 : i32 to index
      %swap3A_1096 = arith.constant 64 : index
      %swap3A_1097 = tpu.vector_load %arg9[%swap3A_1095, %swap3A_1096] {strides = array<i32>} : memref<16x128xf32, #tpu.memory_space<vmem>>, vector<16xf32>,
      tpu.vector_store %arg9[%swap3A_1095, %swap3A_1096], %gather3A_1093 {strides = array<i32>} : memref<16x128xf32, #tpu.memory_space<vmem>>, vector<16xf32>,
      %get3A_1098 = arith.constant 10 : i32
      %get3A_1099 = arith.index_cast %get3A_1098 : i32 to index
      %get3A_1100 = arith.constant 80 : index
      %get3A_1101 = tpu.vector_load %arg7[%get3A_1099, %get3A_1100] {strides = array<i32>} : memref<16x128xi32, #tpu.memory_space<vmem>>, vector<16xi32>,
      %gather3A_1102 = tpu.vector_load_idx %arg6[%get3A_1101] : memref<100000xf32, #tpu.memory_space<vmem>>[vector<16xi32>], vector<16xf32>,
      %swap3A_1103 = arith.constant 10 : i32
      %swap3A_1104 = arith.index_cast %swap3A_1103 : i32 to index
      %swap3A_1105 = arith.constant 80 : index
      %swap3A_1106 = tpu.vector_load %arg9[%swap3A_1104, %swap3A_1105] {strides = array<i32>} : memref<16x128xf32, #tpu.memory_space<vmem>>, vector<16xf32>,
      tpu.vector_store %arg9[%swap3A_1104, %swap3A_1105], %gather3A_1102 {strides = array<i32>} : memref<16x128xf32, #tpu.memory_space<vmem>>, vector<16xf32>,
      %get3A_1107 = arith.constant 10 : i32
      %get3A_1108 = arith.index_cast %get3A_1107 : i32 to index
      %get3A_1109 = arith.constant 96 : index
      %get3A_1110 = tpu.vector_load %arg7[%get3A_1108, %get3A_1109] {strides = array<i32>} : memref<16x128xi32, #tpu.memory_space<vmem>>, vector<16xi32>,
      %gather3A_1111 = tpu.vector_load_idx %arg6[%get3A_1110] : memref<100000xf32, #tpu.memory_space<vmem>>[vector<16xi32>], vector<16xf32>,
      %swap3A_1112 = arith.constant 10 : i32
      %swap3A_1113 = arith.index_cast %swap3A_1112 : i32 to index
      %swap3A_1114 = arith.constant 96 : index
      %swap3A_1115 = tpu.vector_load %arg9[%swap3A_1113, %swap3A_1114] {strides = array<i32>} : memref<16x128xf32, #tpu.memory_space<vmem>>, vector<16xf32>,
      tpu.vector_store %arg9[%swap3A_1113, %swap3A_1114], %gather3A_1111 {strides = array<i32>} : memref<16x128xf32, #tpu.memory_space<vmem>>, vector<16xf32>,
      %get3A_1116 = arith.constant 10 : i32
      %get3A_1117 = arith.index_cast %get3A_1116 : i32 to index
      %get3A_1118 = arith.constant 112 : index
      %get3A_1119 = tpu.vector_load %arg7[%get3A_1117, %get3A_1118] {strides = array<i32>} : memref<16x128xi32, #tpu.memory_space<vmem>>, vector<16xi32>,
      %gather3A_1120 = tpu.vector_load_idx %arg6[%get3A_1119] : memref<100000xf32, #tpu.memory_space<vmem>>[vector<16xi32>], vector<16xf32>,
      %swap3A_1121 = arith.constant 10 : i32
      %swap3A_1122 = arith.index_cast %swap3A_1121 : i32 to index
      %swap3A_1123 = arith.constant 112 : index
      %swap3A_1124 = tpu.vector_load %arg9[%swap3A_1122, %swap3A_1123] {strides = array<i32>} : memref<16x128xf32, #tpu.memory_space<vmem>>, vector<16xf32>,
      tpu.vector_store %arg9[%swap3A_1122, %swap3A_1123], %gather3A_1120 {strides = array<i32>} : memref<16x128xf32, #tpu.memory_space<vmem>>, vector<16xf32>,
      %get3A_1125 = arith.constant 11 : i32
      %get3A_1126 = arith.index_cast %get3A_1125 : i32 to index
      %get3A_1127 = arith.constant 0 : index
      %get3A_1128 = tpu.vector_load %arg7[%get3A_1126, %get3A_1127] {strides = array<i32>} : memref<16x128xi32, #tpu.memory_space<vmem>>, vector<16xi32>,
      %gather3A_1129 = tpu.vector_load_idx %arg6[%get3A_1128] : memref<100000xf32, #tpu.memory_space<vmem>>[vector<16xi32>], vector<16xf32>,
      %swap3A_1130 = arith.constant 11 : i32
      %swap3A_1131 = arith.index_cast %swap3A_1130 : i32 to index
      %swap3A_1132 = arith.constant 0 : index
      %swap3A_1133 = tpu.vector_load %arg9[%swap3A_1131, %swap3A_1132] {strides = array<i32>} : memref<16x128xf32, #tpu.memory_space<vmem>>, vector<16xf32>,
      tpu.vector_store %arg9[%swap3A_1131, %swap3A_1132], %gather3A_1129 {strides = array<i32>} : memref<16x128xf32, #tpu.memory_space<vmem>>, vector<16xf32>,
      %get3A_1134 = arith.constant 11 : i32
      %get3A_1135 = arith.index_cast %get3A_1134 : i32 to index
      %get3A_1136 = arith.constant 16 : index
      %get3A_1137 = tpu.vector_load %arg7[%get3A_1135, %get3A_1136] {strides = array<i32>} : memref<16x128xi32, #tpu.memory_space<vmem>>, vector<16xi32>,
      %gather3A_1138 = tpu.vector_load_idx %arg6[%get3A_1137] : memref<100000xf32, #tpu.memory_space<vmem>>[vector<16xi32>], vector<16xf32>,
      %swap3A_1139 = arith.constant 11 : i32
      %swap3A_1140 = arith.index_cast %swap3A_1139 : i32 to index
      %swap3A_1141 = arith.constant 16 : index
      %swap3A_1142 = tpu.vector_load %arg9[%swap3A_1140, %swap3A_1141] {strides = array<i32>} : memref<16x128xf32, #tpu.memory_space<vmem>>, vector<16xf32>,
      tpu.vector_store %arg9[%swap3A_1140, %swap3A_1141], %gather3A_1138 {strides = array<i32>} : memref<16x128xf32, #tpu.memory_space<vmem>>, vector<16xf32>,
      %get3A_1143 = arith.constant 11 : i32
      %get3A_1144 = arith.index_cast %get3A_1143 : i32 to index
      %get3A_1145 = arith.constant 32 : index
      %get3A_1146 = tpu.vector_load %arg7[%get3A_1144, %get3A_1145] {strides = array<i32>} : memref<16x128xi32, #tpu.memory_space<vmem>>, vector<16xi32>,
      %gather3A_1147 = tpu.vector_load_idx %arg6[%get3A_1146] : memref<100000xf32, #tpu.memory_space<vmem>>[vector<16xi32>], vector<16xf32>,
      %swap3A_1148 = arith.constant 11 : i32
      %swap3A_1149 = arith.index_cast %swap3A_1148 : i32 to index
      %swap3A_1150 = arith.constant 32 : index
      %swap3A_1151 = tpu.vector_load %arg9[%swap3A_1149, %swap3A_1150] {strides = array<i32>} : memref<16x128xf32, #tpu.memory_space<vmem>>, vector<16xf32>,
      tpu.vector_store %arg9[%swap3A_1149, %swap3A_1150], %gather3A_1147 {strides = array<i32>} : memref<16x128xf32, #tpu.memory_space<vmem>>, vector<16xf32>,
      %get3A_1152 = arith.constant 11 : i32
      %get3A_1153 = arith.index_cast %get3A_1152 : i32 to index
      %get3A_1154 = arith.constant 48 : index
      %get3A_1155 = tpu.vector_load %arg7[%get3A_1153, %get3A_1154] {strides = array<i32>} : memref<16x128xi32, #tpu.memory_space<vmem>>, vector<16xi32>,
      %gather3A_1156 = tpu.vector_load_idx %arg6[%get3A_1155] : memref<100000xf32, #tpu.memory_space<vmem>>[vector<16xi32>], vector<16xf32>,
      %swap3A_1157 = arith.constant 11 : i32
      %swap3A_1158 = arith.index_cast %swap3A_1157 : i32 to index
      %swap3A_1159 = arith.constant 48 : index
      %swap3A_1160 = tpu.vector_load %arg9[%swap3A_1158, %swap3A_1159] {strides = array<i32>} : memref<16x128xf32, #tpu.memory_space<vmem>>, vector<16xf32>,
      tpu.vector_store %arg9[%swap3A_1158, %swap3A_1159], %gather3A_1156 {strides = array<i32>} : memref<16x128xf32, #tpu.memory_space<vmem>>, vector<16xf32>,
      %get3A_1161 = arith.constant 11 : i32
      %get3A_1162 = arith.index_cast %get3A_1161 : i32 to index
      %get3A_1163 = arith.constant 64 : index
      %get3A_1164 = tpu.vector_load %arg7[%get3A_1162, %get3A_1163] {strides = array<i32>} : memref<16x128xi32, #tpu.memory_space<vmem>>, vector<16xi32>,
      %gather3A_1165 = tpu.vector_load_idx %arg6[%get3A_1164] : memref<100000xf32, #tpu.memory_space<vmem>>[vector<16xi32>], vector<16xf32>,
      %swap3A_1166 = arith.constant 11 : i32
      %swap3A_1167 = arith.index_cast %swap3A_1166 : i32 to index
      %swap3A_1168 = arith.constant 64 : index
      %swap3A_1169 = tpu.vector_load %arg9[%swap3A_1167, %swap3A_1168] {strides = array<i32>} : memref<16x128xf32, #tpu.memory_space<vmem>>, vector<16xf32>,
      tpu.vector_store %arg9[%swap3A_1167, %swap3A_1168], %gather3A_1165 {strides = array<i32>} : memref<16x128xf32, #tpu.memory_space<vmem>>, vector<16xf32>,
      %get3A_1170 = arith.constant 11 : i32
      %get3A_1171 = arith.index_cast %get3A_1170 : i32 to index
      %get3A_1172 = arith.constant 80 : index
      %get3A_1173 = tpu.vector_load %arg7[%get3A_1171, %get3A_1172] {strides = array<i32>} : memref<16x128xi32, #tpu.memory_space<vmem>>, vector<16xi32>,
      %gather3A_1174 = tpu.vector_load_idx %arg6[%get3A_1173] : memref<100000xf32, #tpu.memory_space<vmem>>[vector<16xi32>], vector<16xf32>,
      %swap3A_1175 = arith.constant 11 : i32
      %swap3A_1176 = arith.index_cast %swap3A_1175 : i32 to index
      %swap3A_1177 = arith.constant 80 : index
      %swap3A_1178 = tpu.vector_load %arg9[%swap3A_1176, %swap3A_1177] {strides = array<i32>} : memref<16x128xf32, #tpu.memory_space<vmem>>, vector<16xf32>,
      tpu.vector_store %arg9[%swap3A_1176, %swap3A_1177], %gather3A_1174 {strides = array<i32>} : memref<16x128xf32, #tpu.memory_space<vmem>>, vector<16xf32>,
      %get3A_1179 = arith.constant 11 : i32
      %get3A_1180 = arith.index_cast %get3A_1179 : i32 to index
      %get3A_1181 = arith.constant 96 : index
      %get3A_1182 = tpu.vector_load %arg7[%get3A_1180, %get3A_1181] {strides = array<i32>} : memref<16x128xi32, #tpu.memory_space<vmem>>, vector<16xi32>,
      %gather3A_1183 = tpu.vector_load_idx %arg6[%get3A_1182] : memref<100000xf32, #tpu.memory_space<vmem>>[vector<16xi32>], vector<16xf32>,
      %swap3A_1184 = arith.constant 11 : i32
      %swap3A_1185 = arith.index_cast %swap3A_1184 : i32 to index
      %swap3A_1186 = arith.constant 96 : index
      %swap3A_1187 = tpu.vector_load %arg9[%swap3A_1185, %swap3A_1186] {strides = array<i32>} : memref<16x128xf32, #tpu.memory_space<vmem>>, vector<16xf32>,
      tpu.vector_store %arg9[%swap3A_1185, %swap3A_1186], %gather3A_1183 {strides = array<i32>} : memref<16x128xf32, #tpu.memory_space<vmem>>, vector<16xf32>,
      %get3A_1188 = arith.constant 11 : i32
      %get3A_1189 = arith.index_cast %get3A_1188 : i32 to index
      %get3A_1190 = arith.constant 112 : index
      %get3A_1191 = tpu.vector_load %arg7[%get3A_1189, %get3A_1190] {strides = array<i32>} : memref<16x128xi32, #tpu.memory_space<vmem>>, vector<16xi32>,
      %gather3A_1192 = tpu.vector_load_idx %arg6[%get3A_1191] : memref<100000xf32, #tpu.memory_space<vmem>>[vector<16xi32>], vector<16xf32>,
      %swap3A_1193 = arith.constant 11 : i32
      %swap3A_1194 = arith.index_cast %swap3A_1193 : i32 to index
      %swap3A_1195 = arith.constant 112 : index
      %swap3A_1196 = tpu.vector_load %arg9[%swap3A_1194, %swap3A_1195] {strides = array<i32>} : memref<16x128xf32, #tpu.memory_space<vmem>>, vector<16xf32>,
      tpu.vector_store %arg9[%swap3A_1194, %swap3A_1195], %gather3A_1192 {strides = array<i32>} : memref<16x128xf32, #tpu.memory_space<vmem>>, vector<16xf32>,
      %get3A_1197 = arith.constant 12 : i32
      %get3A_1198 = arith.index_cast %get3A_1197 : i32 to index
      %get3A_1199 = arith.constant 0 : index
      %get3A_1200 = tpu.vector_load %arg7[%get3A_1198, %get3A_1199] {strides = array<i32>} : memref<16x128xi32, #tpu.memory_space<vmem>>, vector<16xi32>,
      %gather3A_1201 = tpu.vector_load_idx %arg6[%get3A_1200] : memref<100000xf32, #tpu.memory_space<vmem>>[vector<16xi32>], vector<16xf32>,
      %swap3A_1202 = arith.constant 12 : i32
      %swap3A_1203 = arith.index_cast %swap3A_1202 : i32 to index
      %swap3A_1204 = arith.constant 0 : index
      %swap3A_1205 = tpu.vector_load %arg9[%swap3A_1203, %swap3A_1204] {strides = array<i32>} : memref<16x128xf32, #tpu.memory_space<vmem>>, vector<16xf32>,
      tpu.vector_store %arg9[%swap3A_1203, %swap3A_1204], %gather3A_1201 {strides = array<i32>} : memref<16x128xf32, #tpu.memory_space<vmem>>, vector<16xf32>,
      %get3A_1206 = arith.constant 12 : i32
      %get3A_1207 = arith.index_cast %get3A_1206 : i32 to index
      %get3A_1208 = arith.constant 16 : index
      %get3A_1209 = tpu.vector_load %arg7[%get3A_1207, %get3A_1208] {strides = array<i32>} : memref<16x128xi32, #tpu.memory_space<vmem>>, vector<16xi32>,
      %gather3A_1210 = tpu.vector_load_idx %arg6[%get3A_1209] : memref<100000xf32, #tpu.memory_space<vmem>>[vector<16xi32>], vector<16xf32>,
      %swap3A_1211 = arith.constant 12 : i32
      %swap3A_1212 = arith.index_cast %swap3A_1211 : i32 to index
      %swap3A_1213 = arith.constant 16 : index
      %swap3A_1214 = tpu.vector_load %arg9[%swap3A_1212, %swap3A_1213] {strides = array<i32>} : memref<16x128xf32, #tpu.memory_space<vmem>>, vector<16xf32>,
      tpu.vector_store %arg9[%swap3A_1212, %swap3A_1213], %gather3A_1210 {strides = array<i32>} : memref<16x128xf32, #tpu.memory_space<vmem>>, vector<16xf32>,
      %get3A_1215 = arith.constant 12 : i32
      %get3A_1216 = arith.index_cast %get3A_1215 : i32 to index
      %get3A_1217 = arith.constant 32 : index
      %get3A_1218 = tpu.vector_load %arg7[%get3A_1216, %get3A_1217] {strides = array<i32>} : memref<16x128xi32, #tpu.memory_space<vmem>>, vector<16xi32>,
      %gather3A_1219 = tpu.vector_load_idx %arg6[%get3A_1218] : memref<100000xf32, #tpu.memory_space<vmem>>[vector<16xi32>], vector<16xf32>,
      %swap3A_1220 = arith.constant 12 : i32
      %swap3A_1221 = arith.index_cast %swap3A_1220 : i32 to index
      %swap3A_1222 = arith.constant 32 : index
      %swap3A_1223 = tpu.vector_load %arg9[%swap3A_1221, %swap3A_1222] {strides = array<i32>} : memref<16x128xf32, #tpu.memory_space<vmem>>, vector<16xf32>,
      tpu.vector_store %arg9[%swap3A_1221, %swap3A_1222], %gather3A_1219 {strides = array<i32>} : memref<16x128xf32, #tpu.memory_space<vmem>>, vector<16xf32>,
      %get3A_1224 = arith.constant 12 : i32
      %get3A_1225 = arith.index_cast %get3A_1224 : i32 to index
      %get3A_1226 = arith.constant 48 : index
      %get3A_1227 = tpu.vector_load %arg7[%get3A_1225, %get3A_1226] {strides = array<i32>} : memref<16x128xi32, #tpu.memory_space<vmem>>, vector<16xi32>,
      %gather3A_1228 = tpu.vector_load_idx %arg6[%get3A_1227] : memref<100000xf32, #tpu.memory_space<vmem>>[vector<16xi32>], vector<16xf32>,
      %swap3A_1229 = arith.constant 12 : i32
      %swap3A_1230 = arith.index_cast %swap3A_1229 : i32 to index
      %swap3A_1231 = arith.constant 48 : index
      %swap3A_1232 = tpu.vector_load %arg9[%swap3A_1230, %swap3A_1231] {strides = array<i32>} : memref<16x128xf32, #tpu.memory_space<vmem>>, vector<16xf32>,
      tpu.vector_store %arg9[%swap3A_1230, %swap3A_1231], %gather3A_1228 {strides = array<i32>} : memref<16x128xf32, #tpu.memory_space<vmem>>, vector<16xf32>,
      %get3A_1233 = arith.constant 12 : i32
      %get3A_1234 = arith.index_cast %get3A_1233 : i32 to index
      %get3A_1235 = arith.constant 64 : index
      %get3A_1236 = tpu.vector_load %arg7[%get3A_1234, %get3A_1235] {strides = array<i32>} : memref<16x128xi32, #tpu.memory_space<vmem>>, vector<16xi32>,
      %gather3A_1237 = tpu.vector_load_idx %arg6[%get3A_1236] : memref<100000xf32, #tpu.memory_space<vmem>>[vector<16xi32>], vector<16xf32>,
      %swap3A_1238 = arith.constant 12 : i32
      %swap3A_1239 = arith.index_cast %swap3A_1238 : i32 to index
      %swap3A_1240 = arith.constant 64 : index
      %swap3A_1241 = tpu.vector_load %arg9[%swap3A_1239, %swap3A_1240] {strides = array<i32>} : memref<16x128xf32, #tpu.memory_space<vmem>>, vector<16xf32>,
      tpu.vector_store %arg9[%swap3A_1239, %swap3A_1240], %gather3A_1237 {strides = array<i32>} : memref<16x128xf32, #tpu.memory_space<vmem>>, vector<16xf32>,
      %get3A_1242 = arith.constant 12 : i32
      %get3A_1243 = arith.index_cast %get3A_1242 : i32 to index
      %get3A_1244 = arith.constant 80 : index
      %get3A_1245 = tpu.vector_load %arg7[%get3A_1243, %get3A_1244] {strides = array<i32>} : memref<16x128xi32, #tpu.memory_space<vmem>>, vector<16xi32>,
      %gather3A_1246 = tpu.vector_load_idx %arg6[%get3A_1245] : memref<100000xf32, #tpu.memory_space<vmem>>[vector<16xi32>], vector<16xf32>,
      %swap3A_1247 = arith.constant 12 : i32
      %swap3A_1248 = arith.index_cast %swap3A_1247 : i32 to index
      %swap3A_1249 = arith.constant 80 : index
      %swap3A_1250 = tpu.vector_load %arg9[%swap3A_1248, %swap3A_1249] {strides = array<i32>} : memref<16x128xf32, #tpu.memory_space<vmem>>, vector<16xf32>,
      tpu.vector_store %arg9[%swap3A_1248, %swap3A_1249], %gather3A_1246 {strides = array<i32>} : memref<16x128xf32, #tpu.memory_space<vmem>>, vector<16xf32>,
      %get3A_1251 = arith.constant 12 : i32
      %get3A_1252 = arith.index_cast %get3A_1251 : i32 to index
      %get3A_1253 = arith.constant 96 : index
      %get3A_1254 = tpu.vector_load %arg7[%get3A_1252, %get3A_1253] {strides = array<i32>} : memref<16x128xi32, #tpu.memory_space<vmem>>, vector<16xi32>,
      %gather3A_1255 = tpu.vector_load_idx %arg6[%get3A_1254] : memref<100000xf32, #tpu.memory_space<vmem>>[vector<16xi32>], vector<16xf32>,
      %swap3A_1256 = arith.constant 12 : i32
      %swap3A_1257 = arith.index_cast %swap3A_1256 : i32 to index
      %swap3A_1258 = arith.constant 96 : index
      %swap3A_1259 = tpu.vector_load %arg9[%swap3A_1257, %swap3A_1258] {strides = array<i32>} : memref<16x128xf32, #tpu.memory_space<vmem>>, vector<16xf32>,
      tpu.vector_store %arg9[%swap3A_1257, %swap3A_1258], %gather3A_1255 {strides = array<i32>} : memref<16x128xf32, #tpu.memory_space<vmem>>, vector<16xf32>,
      %get3A_1260 = arith.constant 12 : i32
      %get3A_1261 = arith.index_cast %get3A_1260 : i32 to index
      %get3A_1262 = arith.constant 112 : index
      %get3A_1263 = tpu.vector_load %arg7[%get3A_1261, %get3A_1262] {strides = array<i32>} : memref<16x128xi32, #tpu.memory_space<vmem>>, vector<16xi32>,
      %gather3A_1264 = tpu.vector_load_idx %arg6[%get3A_1263] : memref<100000xf32, #tpu.memory_space<vmem>>[vector<16xi32>], vector<16xf32>,
      %swap3A_1265 = arith.constant 12 : i32
      %swap3A_1266 = arith.index_cast %swap3A_1265 : i32 to index
      %swap3A_1267 = arith.constant 112 : index
      %swap3A_1268 = tpu.vector_load %arg9[%swap3A_1266, %swap3A_1267] {strides = array<i32>} : memref<16x128xf32, #tpu.memory_space<vmem>>, vector<16xf32>,
      tpu.vector_store %arg9[%swap3A_1266, %swap3A_1267], %gather3A_1264 {strides = array<i32>} : memref<16x128xf32, #tpu.memory_space<vmem>>, vector<16xf32>,
      %get3A_1269 = arith.constant 13 : i32
      %get3A_1270 = arith.index_cast %get3A_1269 : i32 to index
      %get3A_1271 = arith.constant 0 : index
      %get3A_1272 = tpu.vector_load %arg7[%get3A_1270, %get3A_1271] {strides = array<i32>} : memref<16x128xi32, #tpu.memory_space<vmem>>, vector<16xi32>,
      %gather3A_1273 = tpu.vector_load_idx %arg6[%get3A_1272] : memref<100000xf32, #tpu.memory_space<vmem>>[vector<16xi32>], vector<16xf32>,
      %swap3A_1274 = arith.constant 13 : i32
      %swap3A_1275 = arith.index_cast %swap3A_1274 : i32 to index
      %swap3A_1276 = arith.constant 0 : index
      %swap3A_1277 = tpu.vector_load %arg9[%swap3A_1275, %swap3A_1276] {strides = array<i32>} : memref<16x128xf32, #tpu.memory_space<vmem>>, vector<16xf32>,
      tpu.vector_store %arg9[%swap3A_1275, %swap3A_1276], %gather3A_1273 {strides = array<i32>} : memref<16x128xf32, #tpu.memory_space<vmem>>, vector<16xf32>,
      %get3A_1278 = arith.constant 13 : i32
      %get3A_1279 = arith.index_cast %get3A_1278 : i32 to index
      %get3A_1280 = arith.constant 16 : index
      %get3A_1281 = tpu.vector_load %arg7[%get3A_1279, %get3A_1280] {strides = array<i32>} : memref<16x128xi32, #tpu.memory_space<vmem>>, vector<16xi32>,
      %gather3A_1282 = tpu.vector_load_idx %arg6[%get3A_1281] : memref<100000xf32, #tpu.memory_space<vmem>>[vector<16xi32>], vector<16xf32>,
      %swap3A_1283 = arith.constant 13 : i32
      %swap3A_1284 = arith.index_cast %swap3A_1283 : i32 to index
      %swap3A_1285 = arith.constant 16 : index
      %swap3A_1286 = tpu.vector_load %arg9[%swap3A_1284, %swap3A_1285] {strides = array<i32>} : memref<16x128xf32, #tpu.memory_space<vmem>>, vector<16xf32>,
      tpu.vector_store %arg9[%swap3A_1284, %swap3A_1285], %gather3A_1282 {strides = array<i32>} : memref<16x128xf32, #tpu.memory_space<vmem>>, vector<16xf32>,
      %get3A_1287 = arith.constant 13 : i32
      %get3A_1288 = arith.index_cast %get3A_1287 : i32 to index
      %get3A_1289 = arith.constant 32 : index
      %get3A_1290 = tpu.vector_load %arg7[%get3A_1288, %get3A_1289] {strides = array<i32>} : memref<16x128xi32, #tpu.memory_space<vmem>>, vector<16xi32>,
      %gather3A_1291 = tpu.vector_load_idx %arg6[%get3A_1290] : memref<100000xf32, #tpu.memory_space<vmem>>[vector<16xi32>], vector<16xf32>,
      %swap3A_1292 = arith.constant 13 : i32
      %swap3A_1293 = arith.index_cast %swap3A_1292 : i32 to index
      %swap3A_1294 = arith.constant 32 : index
      %swap3A_1295 = tpu.vector_load %arg9[%swap3A_1293, %swap3A_1294] {strides = array<i32>} : memref<16x128xf32, #tpu.memory_space<vmem>>, vector<16xf32>,
      tpu.vector_store %arg9[%swap3A_1293, %swap3A_1294], %gather3A_1291 {strides = array<i32>} : memref<16x128xf32, #tpu.memory_space<vmem>>, vector<16xf32>,
      %get3A_1296 = arith.constant 13 : i32
      %get3A_1297 = arith.index_cast %get3A_1296 : i32 to index
      %get3A_1298 = arith.constant 48 : index
      %get3A_1299 = tpu.vector_load %arg7[%get3A_1297, %get3A_1298] {strides = array<i32>} : memref<16x128xi32, #tpu.memory_space<vmem>>, vector<16xi32>,
      %gather3A_1300 = tpu.vector_load_idx %arg6[%get3A_1299] : memref<100000xf32, #tpu.memory_space<vmem>>[vector<16xi32>], vector<16xf32>,
      %swap3A_1301 = arith.constant 13 : i32
      %swap3A_1302 = arith.index_cast %swap3A_1301 : i32 to index
      %swap3A_1303 = arith.constant 48 : index
      %swap3A_1304 = tpu.vector_load %arg9[%swap3A_1302, %swap3A_1303] {strides = array<i32>} : memref<16x128xf32, #tpu.memory_space<vmem>>, vector<16xf32>,
      tpu.vector_store %arg9[%swap3A_1302, %swap3A_1303], %gather3A_1300 {strides = array<i32>} : memref<16x128xf32, #tpu.memory_space<vmem>>, vector<16xf32>,
      %get3A_1305 = arith.constant 13 : i32
      %get3A_1306 = arith.index_cast %get3A_1305 : i32 to index
      %get3A_1307 = arith.constant 64 : index
      %get3A_1308 = tpu.vector_load %arg7[%get3A_1306, %get3A_1307] {strides = array<i32>} : memref<16x128xi32, #tpu.memory_space<vmem>>, vector<16xi32>,
      %gather3A_1309 = tpu.vector_load_idx %arg6[%get3A_1308] : memref<100000xf32, #tpu.memory_space<vmem>>[vector<16xi32>], vector<16xf32>,
      %swap3A_1310 = arith.constant 13 : i32
      %swap3A_1311 = arith.index_cast %swap3A_1310 : i32 to index
      %swap3A_1312 = arith.constant 64 : index
      %swap3A_1313 = tpu.vector_load %arg9[%swap3A_1311, %swap3A_1312] {strides = array<i32>} : memref<16x128xf32, #tpu.memory_space<vmem>>, vector<16xf32>,
      tpu.vector_store %arg9[%swap3A_1311, %swap3A_1312], %gather3A_1309 {strides = array<i32>} : memref<16x128xf32, #tpu.memory_space<vmem>>, vector<16xf32>,
      %get3A_1314 = arith.constant 13 : i32
      %get3A_1315 = arith.index_cast %get3A_1314 : i32 to index
      %get3A_1316 = arith.constant 80 : index
      %get3A_1317 = tpu.vector_load %arg7[%get3A_1315, %get3A_1316] {strides = array<i32>} : memref<16x128xi32, #tpu.memory_space<vmem>>, vector<16xi32>,
      %gather3A_1318 = tpu.vector_load_idx %arg6[%get3A_1317] : memref<100000xf32, #tpu.memory_space<vmem>>[vector<16xi32>], vector<16xf32>,
      %swap3A_1319 = arith.constant 13 : i32
      %swap3A_1320 = arith.index_cast %swap3A_1319 : i32 to index
      %swap3A_1321 = arith.constant 80 : index
      %swap3A_1322 = tpu.vector_load %arg9[%swap3A_1320, %swap3A_1321] {strides = array<i32>} : memref<16x128xf32, #tpu.memory_space<vmem>>, vector<16xf32>,
      tpu.vector_store %arg9[%swap3A_1320, %swap3A_1321], %gather3A_1318 {strides = array<i32>} : memref<16x128xf32, #tpu.memory_space<vmem>>, vector<16xf32>,
      %get3A_1323 = arith.constant 13 : i32
      %get3A_1324 = arith.index_cast %get3A_1323 : i32 to index
      %get3A_1325 = arith.constant 96 : index
      %get3A_1326 = tpu.vector_load %arg7[%get3A_1324, %get3A_1325] {strides = array<i32>} : memref<16x128xi32, #tpu.memory_space<vmem>>, vector<16xi32>,
      %gather3A_1327 = tpu.vector_load_idx %arg6[%get3A_1326] : memref<100000xf32, #tpu.memory_space<vmem>>[vector<16xi32>], vector<16xf32>,
      %swap3A_1328 = arith.constant 13 : i32
      %swap3A_1329 = arith.index_cast %swap3A_1328 : i32 to index
      %swap3A_1330 = arith.constant 96 : index
      %swap3A_1331 = tpu.vector_load %arg9[%swap3A_1329, %swap3A_1330] {strides = array<i32>} : memref<16x128xf32, #tpu.memory_space<vmem>>, vector<16xf32>,
      tpu.vector_store %arg9[%swap3A_1329, %swap3A_1330], %gather3A_1327 {strides = array<i32>} : memref<16x128xf32, #tpu.memory_space<vmem>>, vector<16xf32>,
      %get3A_1332 = arith.constant 13 : i32
      %get3A_1333 = arith.index_cast %get3A_1332 : i32 to index
      %get3A_1334 = arith.constant 112 : index
      %get3A_1335 = tpu.vector_load %arg7[%get3A_1333, %get3A_1334] {strides = array<i32>} : memref<16x128xi32, #tpu.memory_space<vmem>>, vector<16xi32>,
      %gather3A_1336 = tpu.vector_load_idx %arg6[%get3A_1335] : memref<100000xf32, #tpu.memory_space<vmem>>[vector<16xi32>], vector<16xf32>,
      %swap3A_1337 = arith.constant 13 : i32
      %swap3A_1338 = arith.index_cast %swap3A_1337 : i32 to index
      %swap3A_1339 = arith.constant 112 : index
      %swap3A_1340 = tpu.vector_load %arg9[%swap3A_1338, %swap3A_1339] {strides = array<i32>} : memref<16x128xf32, #tpu.memory_space<vmem>>, vector<16xf32>,
      tpu.vector_store %arg9[%swap3A_1338, %swap3A_1339], %gather3A_1336 {strides = array<i32>} : memref<16x128xf32, #tpu.memory_space<vmem>>, vector<16xf32>,
      %get3A_1341 = arith.constant 14 : i32
      %get3A_1342 = arith.index_cast %get3A_1341 : i32 to index
      %get3A_1343 = arith.constant 0 : index
      %get3A_1344 = tpu.vector_load %arg7[%get3A_1342, %get3A_1343] {strides = array<i32>} : memref<16x128xi32, #tpu.memory_space<vmem>>, vector<16xi32>,
      %gather3A_1345 = tpu.vector_load_idx %arg6[%get3A_1344] : memref<100000xf32, #tpu.memory_space<vmem>>[vector<16xi32>], vector<16xf32>,
      %swap3A_1346 = arith.constant 14 : i32
      %swap3A_1347 = arith.index_cast %swap3A_1346 : i32 to index
      %swap3A_1348 = arith.constant 0 : index
      %swap3A_1349 = tpu.vector_load %arg9[%swap3A_1347, %swap3A_1348] {strides = array<i32>} : memref<16x128xf32, #tpu.memory_space<vmem>>, vector<16xf32>,
      tpu.vector_store %arg9[%swap3A_1347, %swap3A_1348], %gather3A_1345 {strides = array<i32>} : memref<16x128xf32, #tpu.memory_space<vmem>>, vector<16xf32>,
      %get3A_1350 = arith.constant 14 : i32
      %get3A_1351 = arith.index_cast %get3A_1350 : i32 to index
      %get3A_1352 = arith.constant 16 : index
      %get3A_1353 = tpu.vector_load %arg7[%get3A_1351, %get3A_1352] {strides = array<i32>} : memref<16x128xi32, #tpu.memory_space<vmem>>, vector<16xi32>,
      %gather3A_1354 = tpu.vector_load_idx %arg6[%get3A_1353] : memref<100000xf32, #tpu.memory_space<vmem>>[vector<16xi32>], vector<16xf32>,
      %swap3A_1355 = arith.constant 14 : i32
      %swap3A_1356 = arith.index_cast %swap3A_1355 : i32 to index
      %swap3A_1357 = arith.constant 16 : index
      %swap3A_1358 = tpu.vector_load %arg9[%swap3A_1356, %swap3A_1357] {strides = array<i32>} : memref<16x128xf32, #tpu.memory_space<vmem>>, vector<16xf32>,
      tpu.vector_store %arg9[%swap3A_1356, %swap3A_1357], %gather3A_1354 {strides = array<i32>} : memref<16x128xf32, #tpu.memory_space<vmem>>, vector<16xf32>,
      %get3A_1359 = arith.constant 14 : i32
      %get3A_1360 = arith.index_cast %get3A_1359 : i32 to index
      %get3A_1361 = arith.constant 32 : index
      %get3A_1362 = tpu.vector_load %arg7[%get3A_1360, %get3A_1361] {strides = array<i32>} : memref<16x128xi32, #tpu.memory_space<vmem>>, vector<16xi32>,
      %gather3A_1363 = tpu.vector_load_idx %arg6[%get3A_1362] : memref<100000xf32, #tpu.memory_space<vmem>>[vector<16xi32>], vector<16xf32>,
      %swap3A_1364 = arith.constant 14 : i32
      %swap3A_1365 = arith.index_cast %swap3A_1364 : i32 to index
      %swap3A_1366 = arith.constant 32 : index
      %swap3A_1367 = tpu.vector_load %arg9[%swap3A_1365, %swap3A_1366] {strides = array<i32>} : memref<16x128xf32, #tpu.memory_space<vmem>>, vector<16xf32>,
      tpu.vector_store %arg9[%swap3A_1365, %swap3A_1366], %gather3A_1363 {strides = array<i32>} : memref<16x128xf32, #tpu.memory_space<vmem>>, vector<16xf32>,
      %get3A_1368 = arith.constant 14 : i32
      %get3A_1369 = arith.index_cast %get3A_1368 : i32 to index
      %get3A_1370 = arith.constant 48 : index
      %get3A_1371 = tpu.vector_load %arg7[%get3A_1369, %get3A_1370] {strides = array<i32>} : memref<16x128xi32, #tpu.memory_space<vmem>>, vector<16xi32>,
      %gather3A_1372 = tpu.vector_load_idx %arg6[%get3A_1371] : memref<100000xf32, #tpu.memory_space<vmem>>[vector<16xi32>], vector<16xf32>,
      %swap3A_1373 = arith.constant 14 : i32
      %swap3A_1374 = arith.index_cast %swap3A_1373 : i32 to index
      %swap3A_1375 = arith.constant 48 : index
      %swap3A_1376 = tpu.vector_load %arg9[%swap3A_1374, %swap3A_1375] {strides = array<i32>} : memref<16x128xf32, #tpu.memory_space<vmem>>, vector<16xf32>,
      tpu.vector_store %arg9[%swap3A_1374, %swap3A_1375], %gather3A_1372 {strides = array<i32>} : memref<16x128xf32, #tpu.memory_space<vmem>>, vector<16xf32>,
      %get3A_1377 = arith.constant 14 : i32
      %get3A_1378 = arith.index_cast %get3A_1377 : i32 to index
      %get3A_1379 = arith.constant 64 : index
      %get3A_1380 = tpu.vector_load %arg7[%get3A_1378, %get3A_1379] {strides = array<i32>} : memref<16x128xi32, #tpu.memory_space<vmem>>, vector<16xi32>,
      %gather3A_1381 = tpu.vector_load_idx %arg6[%get3A_1380] : memref<100000xf32, #tpu.memory_space<vmem>>[vector<16xi32>], vector<16xf32>,
      %swap3A_1382 = arith.constant 14 : i32
      %swap3A_1383 = arith.index_cast %swap3A_1382 : i32 to index
      %swap3A_1384 = arith.constant 64 : index
      %swap3A_1385 = tpu.vector_load %arg9[%swap3A_1383, %swap3A_1384] {strides = array<i32>} : memref<16x128xf32, #tpu.memory_space<vmem>>, vector<16xf32>,
      tpu.vector_store %arg9[%swap3A_1383, %swap3A_1384], %gather3A_1381 {strides = array<i32>} : memref<16x128xf32, #tpu.memory_space<vmem>>, vector<16xf32>,
      %get3A_1386 = arith.constant 14 : i32
      %get3A_1387 = arith.index_cast %get3A_1386 : i32 to index
      %get3A_1388 = arith.constant 80 : index
      %get3A_1389 = tpu.vector_load %arg7[%get3A_1387, %get3A_1388] {strides = array<i32>} : memref<16x128xi32, #tpu.memory_space<vmem>>, vector<16xi32>,
      %gather3A_1390 = tpu.vector_load_idx %arg6[%get3A_1389] : memref<100000xf32, #tpu.memory_space<vmem>>[vector<16xi32>], vector<16xf32>,
      %swap3A_1391 = arith.constant 14 : i32
      %swap3A_1392 = arith.index_cast %swap3A_1391 : i32 to index
      %swap3A_1393 = arith.constant 80 : index
      %swap3A_1394 = tpu.vector_load %arg9[%swap3A_1392, %swap3A_1393] {strides = array<i32>} : memref<16x128xf32, #tpu.memory_space<vmem>>, vector<16xf32>,
      tpu.vector_store %arg9[%swap3A_1392, %swap3A_1393], %gather3A_1390 {strides = array<i32>} : memref<16x128xf32, #tpu.memory_space<vmem>>, vector<16xf32>,
      %get3A_1395 = arith.constant 14 : i32
      %get3A_1396 = arith.index_cast %get3A_1395 : i32 to index
      %get3A_1397 = arith.constant 96 : index
      %get3A_1398 = tpu.vector_load %arg7[%get3A_1396, %get3A_1397] {strides = array<i32>} : memref<16x128xi32, #tpu.memory_space<vmem>>, vector<16xi32>,
      %gather3A_1399 = tpu.vector_load_idx %arg6[%get3A_1398] : memref<100000xf32, #tpu.memory_space<vmem>>[vector<16xi32>], vector<16xf32>,
      %swap3A_1400 = arith.constant 14 : i32
      %swap3A_1401 = arith.index_cast %swap3A_1400 : i32 to index
      %swap3A_1402 = arith.constant 96 : index
      %swap3A_1403 = tpu.vector_load %arg9[%swap3A_1401, %swap3A_1402] {strides = array<i32>} : memref<16x128xf32, #tpu.memory_space<vmem>>, vector<16xf32>,
      tpu.vector_store %arg9[%swap3A_1401, %swap3A_1402], %gather3A_1399 {strides = array<i32>} : memref<16x128xf32, #tpu.memory_space<vmem>>, vector<16xf32>,
      %get3A_1404 = arith.constant 14 : i32
      %get3A_1405 = arith.index_cast %get3A_1404 : i32 to index
      %get3A_1406 = arith.constant 112 : index
      %get3A_1407 = tpu.vector_load %arg7[%get3A_1405, %get3A_1406] {strides = array<i32>} : memref<16x128xi32, #tpu.memory_space<vmem>>, vector<16xi32>,
      %gather3A_1408 = tpu.vector_load_idx %arg6[%get3A_1407] : memref<100000xf32, #tpu.memory_space<vmem>>[vector<16xi32>], vector<16xf32>,
      %swap3A_1409 = arith.constant 14 : i32
      %swap3A_1410 = arith.index_cast %swap3A_1409 : i32 to index
      %swap3A_1411 = arith.constant 112 : index
      %swap3A_1412 = tpu.vector_load %arg9[%swap3A_1410, %swap3A_1411] {strides = array<i32>} : memref<16x128xf32, #tpu.memory_space<vmem>>, vector<16xf32>,
      tpu.vector_store %arg9[%swap3A_1410, %swap3A_1411], %gather3A_1408 {strides = array<i32>} : memref<16x128xf32, #tpu.memory_space<vmem>>, vector<16xf32>,
      %get3A_1413 = arith.constant 15 : i32
      %get3A_1414 = arith.index_cast %get3A_1413 : i32 to index
      %get3A_1415 = arith.constant 0 : index
      %get3A_1416 = tpu.vector_load %arg7[%get3A_1414, %get3A_1415] {strides = array<i32>} : memref<16x128xi32, #tpu.memory_space<vmem>>, vector<16xi32>,
      %gather3A_1417 = tpu.vector_load_idx %arg6[%get3A_1416] : memref<100000xf32, #tpu.memory_space<vmem>>[vector<16xi32>], vector<16xf32>,
      %swap3A_1418 = arith.constant 15 : i32
      %swap3A_1419 = arith.index_cast %swap3A_1418 : i32 to index
      %swap3A_1420 = arith.constant 0 : index
      %swap3A_1421 = tpu.vector_load %arg9[%swap3A_1419, %swap3A_1420] {strides = array<i32>} : memref<16x128xf32, #tpu.memory_space<vmem>>, vector<16xf32>,
      tpu.vector_store %arg9[%swap3A_1419, %swap3A_1420], %gather3A_1417 {strides = array<i32>} : memref<16x128xf32, #tpu.memory_space<vmem>>, vector<16xf32>,
      %get3A_1422 = arith.constant 15 : i32
      %get3A_1423 = arith.index_cast %get3A_1422 : i32 to index
      %get3A_1424 = arith.constant 16 : index
      %get3A_1425 = tpu.vector_load %arg7[%get3A_1423, %get3A_1424] {strides = array<i32>} : memref<16x128xi32, #tpu.memory_space<vmem>>, vector<16xi32>,
      %gather3A_1426 = tpu.vector_load_idx %arg6[%get3A_1425] : memref<100000xf32, #tpu.memory_space<vmem>>[vector<16xi32>], vector<16xf32>,
      %swap3A_1427 = arith.constant 15 : i32
      %swap3A_1428 = arith.index_cast %swap3A_1427 : i32 to index
      %swap3A_1429 = arith.constant 16 : index
      %swap3A_1430 = tpu.vector_load %arg9[%swap3A_1428, %swap3A_1429] {strides = array<i32>} : memref<16x128xf32, #tpu.memory_space<vmem>>, vector<16xf32>,
      tpu.vector_store %arg9[%swap3A_1428, %swap3A_1429], %gather3A_1426 {strides = array<i32>} : memref<16x128xf32, #tpu.memory_space<vmem>>, vector<16xf32>,
      %get3A_1431 = arith.constant 15 : i32
      %get3A_1432 = arith.index_cast %get3A_1431 : i32 to index
      %get3A_1433 = arith.constant 32 : index
      %get3A_1434 = tpu.vector_load %arg7[%get3A_1432, %get3A_1433] {strides = array<i32>} : memref<16x128xi32, #tpu.memory_space<vmem>>, vector<16xi32>,
      %gather3A_1435 = tpu.vector_load_idx %arg6[%get3A_1434] : memref<100000xf32, #tpu.memory_space<vmem>>[vector<16xi32>], vector<16xf32>,
      %swap3A_1436 = arith.constant 15 : i32
      %swap3A_1437 = arith.index_cast %swap3A_1436 : i32 to index
      %swap3A_1438 = arith.constant 32 : index
      %swap3A_1439 = tpu.vector_load %arg9[%swap3A_1437, %swap3A_1438] {strides = array<i32>} : memref<16x128xf32, #tpu.memory_space<vmem>>, vector<16xf32>,
      tpu.vector_store %arg9[%swap3A_1437, %swap3A_1438], %gather3A_1435 {strides = array<i32>} : memref<16x128xf32, #tpu.memory_space<vmem>>, vector<16xf32>,
      %get3A_1440 = arith.constant 15 : i32
      %get3A_1441 = arith.index_cast %get3A_1440 : i32 to index
      %get3A_1442 = arith.constant 48 : index
      %get3A_1443 = tpu.vector_load %arg7[%get3A_1441, %get3A_1442] {strides = array<i32>} : memref<16x128xi32, #tpu.memory_space<vmem>>, vector<16xi32>,
      %gather3A_1444 = tpu.vector_load_idx %arg6[%get3A_1443] : memref<100000xf32, #tpu.memory_space<vmem>>[vector<16xi32>], vector<16xf32>,
      %swap3A_1445 = arith.constant 15 : i32
      %swap3A_1446 = arith.index_cast %swap3A_1445 : i32 to index
      %swap3A_1447 = arith.constant 48 : index
      %swap3A_1448 = tpu.vector_load %arg9[%swap3A_1446, %swap3A_1447] {strides = array<i32>} : memref<16x128xf32, #tpu.memory_space<vmem>>, vector<16xf32>,
      tpu.vector_store %arg9[%swap3A_1446, %swap3A_1447], %gather3A_1444 {strides = array<i32>} : memref<16x128xf32, #tpu.memory_space<vmem>>, vector<16xf32>,
      %get3A_1449 = arith.constant 15 : i32
      %get3A_1450 = arith.index_cast %get3A_1449 : i32 to index
      %get3A_1451 = arith.constant 64 : index
      %get3A_1452 = tpu.vector_load %arg7[%get3A_1450, %get3A_1451] {strides = array<i32>} : memref<16x128xi32, #tpu.memory_space<vmem>>, vector<16xi32>,
      %gather3A_1453 = tpu.vector_load_idx %arg6[%get3A_1452] : memref<100000xf32, #tpu.memory_space<vmem>>[vector<16xi32>], vector<16xf32>,
      %swap3A_1454 = arith.constant 15 : i32
      %swap3A_1455 = arith.index_cast %swap3A_1454 : i32 to index
      %swap3A_1456 = arith.constant 64 : index
      %swap3A_1457 = tpu.vector_load %arg9[%swap3A_1455, %swap3A_1456] {strides = array<i32>} : memref<16x128xf32, #tpu.memory_space<vmem>>, vector<16xf32>,
      tpu.vector_store %arg9[%swap3A_1455, %swap3A_1456], %gather3A_1453 {strides = array<i32>} : memref<16x128xf32, #tpu.memory_space<vmem>>, vector<16xf32>,
      %get3A_1458 = arith.constant 15 : i32
      %get3A_1459 = arith.index_cast %get3A_1458 : i32 to index
      %get3A_1460 = arith.constant 80 : index
      %get3A_1461 = tpu.vector_load %arg7[%get3A_1459, %get3A_1460] {strides = array<i32>} : memref<16x128xi32, #tpu.memory_space<vmem>>, vector<16xi32>,
      %gather3A_1462 = tpu.vector_load_idx %arg6[%get3A_1461] : memref<100000xf32, #tpu.memory_space<vmem>>[vector<16xi32>], vector<16xf32>,
      %swap3A_1463 = arith.constant 15 : i32
      %swap3A_1464 = arith.index_cast %swap3A_1463 : i32 to index
      %swap3A_1465 = arith.constant 80 : index
      %swap3A_1466 = tpu.vector_load %arg9[%swap3A_1464, %swap3A_1465] {strides = array<i32>} : memref<16x128xf32, #tpu.memory_space<vmem>>, vector<16xf32>,
      tpu.vector_store %arg9[%swap3A_1464, %swap3A_1465], %gather3A_1462 {strides = array<i32>} : memref<16x128xf32, #tpu.memory_space<vmem>>, vector<16xf32>,
      %get3A_1467 = arith.constant 15 : i32
      %get3A_1468 = arith.index_cast %get3A_1467 : i32 to index
      %get3A_1469 = arith.constant 96 : index
      %get3A_1470 = tpu.vector_load %arg7[%get3A_1468, %get3A_1469] {strides = array<i32>} : memref<16x128xi32, #tpu.memory_space<vmem>>, vector<16xi32>,
      %gather3A_1471 = tpu.vector_load_idx %arg6[%get3A_1470] : memref<100000xf32, #tpu.memory_space<vmem>>[vector<16xi32>], vector<16xf32>,
      %swap3A_1472 = arith.constant 15 : i32
      %swap3A_1473 = arith.index_cast %swap3A_1472 : i32 to index
      %swap3A_1474 = arith.constant 96 : index
      %swap3A_1475 = tpu.vector_load %arg9[%swap3A_1473, %swap3A_1474] {strides = array<i32>} : memref<16x128xf32, #tpu.memory_space<vmem>>, vector<16xf32>,
      tpu.vector_store %arg9[%swap3A_1473, %swap3A_1474], %gather3A_1471 {strides = array<i32>} : memref<16x128xf32, #tpu.memory_space<vmem>>, vector<16xf32>,
      %get3A_1476 = arith.constant 15 : i32
      %get3A_1477 = arith.index_cast %get3A_1476 : i32 to index
      %get3A_1478 = arith.constant 112 : index
      %get3A_1479 = tpu.vector_load %arg7[%get3A_1477, %get3A_1478] {strides = array<i32>} : memref<16x128xi32, #tpu.memory_space<vmem>>, vector<16xi32>,
      %gather3A_1480 = tpu.vector_load_idx %arg6[%get3A_1479] : memref<100000xf32, #tpu.memory_space<vmem>>[vector<16xi32>], vector<16xf32>,
      %swap3A_1481 = arith.constant 15 : i32
      %swap3A_1482 = arith.index_cast %swap3A_1481 : i32 to index
      %swap3A_1483 = arith.constant 112 : index
      %swap3A_1484 = tpu.vector_load %arg9[%swap3A_1482, %swap3A_1483] {strides = array<i32>} : memref<16x128xf32, #tpu.memory_space<vmem>>, vector<16xf32>,
      tpu.vector_store %arg9[%swap3A_1482, %swap3A_1483], %gather3A_1480 {strides = array<i32>} : memref<16x128xf32, #tpu.memory_space<vmem>>, vector<16xf32>,
      %run_scoped3A = arith.constant 0 : i32
      %run_scoped3A_1485 = arith.constant 0 : i32
      "tpu.region"() ({
        %run_scoped3A_1516 = tpu.sem_alloc : memref<!tpu.dma_semaphore, #tpu.memory_space<semaphore_mem>>
        %dma_start3A = arith.constant 0 : i32
        %dma_start3A_1517 = tpu.memref_slice %arg9[%run_scoped3A, %dma_start3A] : memref<16x128xf32, #tpu.memory_space<vmem>> -> memref<1x128xf32, #tpu.memory_space<vmem>>
        %dma_start3A_1518 = tpu.memref_squeeze %dma_start3A_1517 : memref<1x128xf32, #tpu.memory_space<vmem>> -> memref<128xf32, #tpu.memory_space<vmem>>
        %dma_start3A_1519 = arith.constant 0 : i32
        %dma_start3A_1520 = tpu.memref_slice %arg8[%run_scoped3A_1485, %dma_start3A_1519] : memref<16x128xi32, #tpu.memory_space<vmem>> -> memref<1x128xi32, #tpu.memory_space<vmem>>
        %dma_start3A_1521 = tpu.memref_squeeze %dma_start3A_1520 : memref<1x128xi32, #tpu.memory_space<vmem>> -> memref<128xi32, #tpu.memory_space<vmem>>
        %dma_start3A_1522 = arith.constant 0 : i32
        %dma_start3A_1523 = tpu.memref_slice %arg11[%dma_start3A_1522] : memref<100096xf32, #tpu.memory_space<vmem_shared>> -> memref<100096xf32, #tpu.memory_space<vmem_shared>>
        tpu.enqueue_indirect_dma source(%dma_start3A_1518 : memref<128xf32, #tpu.memory_space<vmem>>) target(%dma_start3A_1523 : memref<100096xf32, #tpu.memory_space<vmem_shared>>) offsets(%dma_start3A_1521 : memref<128xi32, #tpu.memory_space<vmem>>) semaphore(%run_scoped3A_1516 : memref<!tpu.dma_semaphore, #tpu.memory_space<semaphore_mem>>) {add = true}
        %dma_wait3A = arith.constant 0 : i32
        %dma_wait3A_1524 = tpu.memref_slice %arg9[%run_scoped3A, %dma_wait3A] : memref<16x128xf32, #tpu.memory_space<vmem>> -> memref<1x128xf32, #tpu.memory_space<vmem>>
        %dma_wait3A_1525 = tpu.memref_squeeze %dma_wait3A_1524 : memref<1x128xf32, #tpu.memory_space<vmem>> -> memref<128xf32, #tpu.memory_space<vmem>>
        %dma_wait3A_1526 = arith.constant 0 : i32
        %dma_wait3A_1527 = tpu.memref_slice %arg8[%run_scoped3A_1485, %dma_wait3A_1526] : memref<16x128xi32, #tpu.memory_space<vmem>> -> memref<1x128xi32, #tpu.memory_space<vmem>>
        %dma_wait3A_1528 = tpu.memref_squeeze %dma_wait3A_1527 : memref<1x128xi32, #tpu.memory_space<vmem>> -> memref<128xi32, #tpu.memory_space<vmem>>
        %dma_wait3A_1529 = arith.constant 0 : i32
        %dma_wait3A_1530 = tpu.memref_slice %arg11[%dma_wait3A_1529] : memref<100096xf32, #tpu.memory_space<vmem_shared>> -> memref<100096xf32, #tpu.memory_space<vmem_shared>>
        tpu.wait_indirect_dma semaphore(%run_scoped3A_1516 : memref<!tpu.dma_semaphore, #tpu.memory_space<semaphore_mem>>) src(%dma_wait3A_1525 : memref<128xf32, #tpu.memory_space<vmem>>) dst(%dma_wait3A_1530 : memref<100096xf32, #tpu.memory_space<vmem_shared>>)
        tpu.yield
      }) : () -> ()
      %run_scoped3A_1486 = arith.constant 1 : i32
      %run_scoped3A_1487 = arith.constant 1 : i32
      "tpu.region"() ({
        %run_scoped3A_1516 = tpu.sem_alloc : memref<!tpu.dma_semaphore, #tpu.memory_space<semaphore_mem>>
        %dma_start3A = arith.constant 0 : i32
        %dma_start3A_1517 = tpu.memref_slice %arg9[%run_scoped3A_1486, %dma_start3A] : memref<16x128xf32, #tpu.memory_space<vmem>> -> memref<1x128xf32, #tpu.memory_space<vmem>>
        %dma_start3A_1518 = tpu.memref_squeeze %dma_start3A_1517 : memref<1x128xf32, #tpu.memory_space<vmem>> -> memref<128xf32, #tpu.memory_space<vmem>>
        %dma_start3A_1519 = arith.constant 0 : i32
        %dma_start3A_1520 = tpu.memref_slice %arg8[%run_scoped3A_1487, %dma_start3A_1519] : memref<16x128xi32, #tpu.memory_space<vmem>> -> memref<1x128xi32, #tpu.memory_space<vmem>>
        %dma_start3A_1521 = tpu.memref_squeeze %dma_start3A_1520 : memref<1x128xi32, #tpu.memory_space<vmem>> -> memref<128xi32, #tpu.memory_space<vmem>>
        %dma_start3A_1522 = arith.constant 0 : i32
        %dma_start3A_1523 = tpu.memref_slice %arg11[%dma_start3A_1522] : memref<100096xf32, #tpu.memory_space<vmem_shared>> -> memref<100096xf32, #tpu.memory_space<vmem_shared>>
        tpu.enqueue_indirect_dma source(%dma_start3A_1518 : memref<128xf32, #tpu.memory_space<vmem>>) target(%dma_start3A_1523 : memref<100096xf32, #tpu.memory_space<vmem_shared>>) offsets(%dma_start3A_1521 : memref<128xi32, #tpu.memory_space<vmem>>) semaphore(%run_scoped3A_1516 : memref<!tpu.dma_semaphore, #tpu.memory_space<semaphore_mem>>) {add = true}
        %dma_wait3A = arith.constant 0 : i32
        %dma_wait3A_1524 = tpu.memref_slice %arg9[%run_scoped3A_1486, %dma_wait3A] : memref<16x128xf32, #tpu.memory_space<vmem>> -> memref<1x128xf32, #tpu.memory_space<vmem>>
        %dma_wait3A_1525 = tpu.memref_squeeze %dma_wait3A_1524 : memref<1x128xf32, #tpu.memory_space<vmem>> -> memref<128xf32, #tpu.memory_space<vmem>>
        %dma_wait3A_1526 = arith.constant 0 : i32
        %dma_wait3A_1527 = tpu.memref_slice %arg8[%run_scoped3A_1487, %dma_wait3A_1526] : memref<16x128xi32, #tpu.memory_space<vmem>> -> memref<1x128xi32, #tpu.memory_space<vmem>>
        %dma_wait3A_1528 = tpu.memref_squeeze %dma_wait3A_1527 : memref<1x128xi32, #tpu.memory_space<vmem>> -> memref<128xi32, #tpu.memory_space<vmem>>
        %dma_wait3A_1529 = arith.constant 0 : i32
        %dma_wait3A_1530 = tpu.memref_slice %arg11[%dma_wait3A_1529] : memref<100096xf32, #tpu.memory_space<vmem_shared>> -> memref<100096xf32, #tpu.memory_space<vmem_shared>>
        tpu.wait_indirect_dma semaphore(%run_scoped3A_1516 : memref<!tpu.dma_semaphore, #tpu.memory_space<semaphore_mem>>) src(%dma_wait3A_1525 : memref<128xf32, #tpu.memory_space<vmem>>) dst(%dma_wait3A_1530 : memref<100096xf32, #tpu.memory_space<vmem_shared>>)
        tpu.yield
      }) : () -> ()
      %run_scoped3A_1488 = arith.constant 2 : i32
      %run_scoped3A_1489 = arith.constant 2 : i32
      "tpu.region"() ({
        %run_scoped3A_1516 = tpu.sem_alloc : memref<!tpu.dma_semaphore, #tpu.memory_space<semaphore_mem>>
        %dma_start3A = arith.constant 0 : i32
        %dma_start3A_1517 = tpu.memref_slice %arg9[%run_scoped3A_1488, %dma_start3A] : memref<16x128xf32, #tpu.memory_space<vmem>> -> memref<1x128xf32, #tpu.memory_space<vmem>>
        %dma_start3A_1518 = tpu.memref_squeeze %dma_start3A_1517 : memref<1x128xf32, #tpu.memory_space<vmem>> -> memref<128xf32, #tpu.memory_space<vmem>>
        %dma_start3A_1519 = arith.constant 0 : i32
        %dma_start3A_1520 = tpu.memref_slice %arg8[%run_scoped3A_1489, %dma_start3A_1519] : memref<16x128xi32, #tpu.memory_space<vmem>> -> memref<1x128xi32, #tpu.memory_space<vmem>>
        %dma_start3A_1521 = tpu.memref_squeeze %dma_start3A_1520 : memref<1x128xi32, #tpu.memory_space<vmem>> -> memref<128xi32, #tpu.memory_space<vmem>>
        %dma_start3A_1522 = arith.constant 0 : i32
        %dma_start3A_1523 = tpu.memref_slice %arg11[%dma_start3A_1522] : memref<100096xf32, #tpu.memory_space<vmem_shared>> -> memref<100096xf32, #tpu.memory_space<vmem_shared>>
        tpu.enqueue_indirect_dma source(%dma_start3A_1518 : memref<128xf32, #tpu.memory_space<vmem>>) target(%dma_start3A_1523 : memref<100096xf32, #tpu.memory_space<vmem_shared>>) offsets(%dma_start3A_1521 : memref<128xi32, #tpu.memory_space<vmem>>) semaphore(%run_scoped3A_1516 : memref<!tpu.dma_semaphore, #tpu.memory_space<semaphore_mem>>) {add = true}
        %dma_wait3A = arith.constant 0 : i32
        %dma_wait3A_1524 = tpu.memref_slice %arg9[%run_scoped3A_1488, %dma_wait3A] : memref<16x128xf32, #tpu.memory_space<vmem>> -> memref<1x128xf32, #tpu.memory_space<vmem>>
        %dma_wait3A_1525 = tpu.memref_squeeze %dma_wait3A_1524 : memref<1x128xf32, #tpu.memory_space<vmem>> -> memref<128xf32, #tpu.memory_space<vmem>>
        %dma_wait3A_1526 = arith.constant 0 : i32
        %dma_wait3A_1527 = tpu.memref_slice %arg8[%run_scoped3A_1489, %dma_wait3A_1526] : memref<16x128xi32, #tpu.memory_space<vmem>> -> memref<1x128xi32, #tpu.memory_space<vmem>>
        %dma_wait3A_1528 = tpu.memref_squeeze %dma_wait3A_1527 : memref<1x128xi32, #tpu.memory_space<vmem>> -> memref<128xi32, #tpu.memory_space<vmem>>
        %dma_wait3A_1529 = arith.constant 0 : i32
        %dma_wait3A_1530 = tpu.memref_slice %arg11[%dma_wait3A_1529] : memref<100096xf32, #tpu.memory_space<vmem_shared>> -> memref<100096xf32, #tpu.memory_space<vmem_shared>>
        tpu.wait_indirect_dma semaphore(%run_scoped3A_1516 : memref<!tpu.dma_semaphore, #tpu.memory_space<semaphore_mem>>) src(%dma_wait3A_1525 : memref<128xf32, #tpu.memory_space<vmem>>) dst(%dma_wait3A_1530 : memref<100096xf32, #tpu.memory_space<vmem_shared>>)
        tpu.yield
      }) : () -> ()
      %run_scoped3A_1490 = arith.constant 3 : i32
      %run_scoped3A_1491 = arith.constant 3 : i32
      "tpu.region"() ({
        %run_scoped3A_1516 = tpu.sem_alloc : memref<!tpu.dma_semaphore, #tpu.memory_space<semaphore_mem>>
        %dma_start3A = arith.constant 0 : i32
        %dma_start3A_1517 = tpu.memref_slice %arg9[%run_scoped3A_1490, %dma_start3A] : memref<16x128xf32, #tpu.memory_space<vmem>> -> memref<1x128xf32, #tpu.memory_space<vmem>>
        %dma_start3A_1518 = tpu.memref_squeeze %dma_start3A_1517 : memref<1x128xf32, #tpu.memory_space<vmem>> -> memref<128xf32, #tpu.memory_space<vmem>>
        %dma_start3A_1519 = arith.constant 0 : i32
        %dma_start3A_1520 = tpu.memref_slice %arg8[%run_scoped3A_1491, %dma_start3A_1519] : memref<16x128xi32, #tpu.memory_space<vmem>> -> memref<1x128xi32, #tpu.memory_space<vmem>>
        %dma_start3A_1521 = tpu.memref_squeeze %dma_start3A_1520 : memref<1x128xi32, #tpu.memory_space<vmem>> -> memref<128xi32, #tpu.memory_space<vmem>>
        %dma_start3A_1522 = arith.constant 0 : i32
        %dma_start3A_1523 = tpu.memref_slice %arg11[%dma_start3A_1522] : memref<100096xf32, #tpu.memory_space<vmem_shared>> -> memref<100096xf32, #tpu.memory_space<vmem_shared>>
        tpu.enqueue_indirect_dma source(%dma_start3A_1518 : memref<128xf32, #tpu.memory_space<vmem>>) target(%dma_start3A_1523 : memref<100096xf32, #tpu.memory_space<vmem_shared>>) offsets(%dma_start3A_1521 : memref<128xi32, #tpu.memory_space<vmem>>) semaphore(%run_scoped3A_1516 : memref<!tpu.dma_semaphore, #tpu.memory_space<semaphore_mem>>) {add = true}
        %dma_wait3A = arith.constant 0 : i32
        %dma_wait3A_1524 = tpu.memref_slice %arg9[%run_scoped3A_1490, %dma_wait3A] : memref<16x128xf32, #tpu.memory_space<vmem>> -> memref<1x128xf32, #tpu.memory_space<vmem>>
        %dma_wait3A_1525 = tpu.memref_squeeze %dma_wait3A_1524 : memref<1x128xf32, #tpu.memory_space<vmem>> -> memref<128xf32, #tpu.memory_space<vmem>>
        %dma_wait3A_1526 = arith.constant 0 : i32
        %dma_wait3A_1527 = tpu.memref_slice %arg8[%run_scoped3A_1491, %dma_wait3A_1526] : memref<16x128xi32, #tpu.memory_space<vmem>> -> memref<1x128xi32, #tpu.memory_space<vmem>>
        %dma_wait3A_1528 = tpu.memref_squeeze %dma_wait3A_1527 : memref<1x128xi32, #tpu.memory_space<vmem>> -> memref<128xi32, #tpu.memory_space<vmem>>
        %dma_wait3A_1529 = arith.constant 0 : i32
        %dma_wait3A_1530 = tpu.memref_slice %arg11[%dma_wait3A_1529] : memref<100096xf32, #tpu.memory_space<vmem_shared>> -> memref<100096xf32, #tpu.memory_space<vmem_shared>>
        tpu.wait_indirect_dma semaphore(%run_scoped3A_1516 : memref<!tpu.dma_semaphore, #tpu.memory_space<semaphore_mem>>) src(%dma_wait3A_1525 : memref<128xf32, #tpu.memory_space<vmem>>) dst(%dma_wait3A_1530 : memref<100096xf32, #tpu.memory_space<vmem_shared>>)
        tpu.yield
      }) : () -> ()
      %run_scoped3A_1492 = arith.constant 4 : i32
      %run_scoped3A_1493 = arith.constant 4 : i32
      "tpu.region"() ({
        %run_scoped3A_1516 = tpu.sem_alloc : memref<!tpu.dma_semaphore, #tpu.memory_space<semaphore_mem>>
        %dma_start3A = arith.constant 0 : i32
        %dma_start3A_1517 = tpu.memref_slice %arg9[%run_scoped3A_1492, %dma_start3A] : memref<16x128xf32, #tpu.memory_space<vmem>> -> memref<1x128xf32, #tpu.memory_space<vmem>>
        %dma_start3A_1518 = tpu.memref_squeeze %dma_start3A_1517 : memref<1x128xf32, #tpu.memory_space<vmem>> -> memref<128xf32, #tpu.memory_space<vmem>>
        %dma_start3A_1519 = arith.constant 0 : i32
        %dma_start3A_1520 = tpu.memref_slice %arg8[%run_scoped3A_1493, %dma_start3A_1519] : memref<16x128xi32, #tpu.memory_space<vmem>> -> memref<1x128xi32, #tpu.memory_space<vmem>>
        %dma_start3A_1521 = tpu.memref_squeeze %dma_start3A_1520 : memref<1x128xi32, #tpu.memory_space<vmem>> -> memref<128xi32, #tpu.memory_space<vmem>>
        %dma_start3A_1522 = arith.constant 0 : i32
        %dma_start3A_1523 = tpu.memref_slice %arg11[%dma_start3A_1522] : memref<100096xf32, #tpu.memory_space<vmem_shared>> -> memref<100096xf32, #tpu.memory_space<vmem_shared>>
        tpu.enqueue_indirect_dma source(%dma_start3A_1518 : memref<128xf32, #tpu.memory_space<vmem>>) target(%dma_start3A_1523 : memref<100096xf32, #tpu.memory_space<vmem_shared>>) offsets(%dma_start3A_1521 : memref<128xi32, #tpu.memory_space<vmem>>) semaphore(%run_scoped3A_1516 : memref<!tpu.dma_semaphore, #tpu.memory_space<semaphore_mem>>) {add = true}
        %dma_wait3A = arith.constant 0 : i32
        %dma_wait3A_1524 = tpu.memref_slice %arg9[%run_scoped3A_1492, %dma_wait3A] : memref<16x128xf32, #tpu.memory_space<vmem>> -> memref<1x128xf32, #tpu.memory_space<vmem>>
        %dma_wait3A_1525 = tpu.memref_squeeze %dma_wait3A_1524 : memref<1x128xf32, #tpu.memory_space<vmem>> -> memref<128xf32, #tpu.memory_space<vmem>>
        %dma_wait3A_1526 = arith.constant 0 : i32
        %dma_wait3A_1527 = tpu.memref_slice %arg8[%run_scoped3A_1493, %dma_wait3A_1526] : memref<16x128xi32, #tpu.memory_space<vmem>> -> memref<1x128xi32, #tpu.memory_space<vmem>>
        %dma_wait3A_1528 = tpu.memref_squeeze %dma_wait3A_1527 : memref<1x128xi32, #tpu.memory_space<vmem>> -> memref<128xi32, #tpu.memory_space<vmem>>
        %dma_wait3A_1529 = arith.constant 0 : i32
        %dma_wait3A_1530 = tpu.memref_slice %arg11[%dma_wait3A_1529] : memref<100096xf32, #tpu.memory_space<vmem_shared>> -> memref<100096xf32, #tpu.memory_space<vmem_shared>>
        tpu.wait_indirect_dma semaphore(%run_scoped3A_1516 : memref<!tpu.dma_semaphore, #tpu.memory_space<semaphore_mem>>) src(%dma_wait3A_1525 : memref<128xf32, #tpu.memory_space<vmem>>) dst(%dma_wait3A_1530 : memref<100096xf32, #tpu.memory_space<vmem_shared>>)
        tpu.yield
      }) : () -> ()
      %run_scoped3A_1494 = arith.constant 5 : i32
      %run_scoped3A_1495 = arith.constant 5 : i32
      "tpu.region"() ({
        %run_scoped3A_1516 = tpu.sem_alloc : memref<!tpu.dma_semaphore, #tpu.memory_space<semaphore_mem>>
        %dma_start3A = arith.constant 0 : i32
        %dma_start3A_1517 = tpu.memref_slice %arg9[%run_scoped3A_1494, %dma_start3A] : memref<16x128xf32, #tpu.memory_space<vmem>> -> memref<1x128xf32, #tpu.memory_space<vmem>>
        %dma_start3A_1518 = tpu.memref_squeeze %dma_start3A_1517 : memref<1x128xf32, #tpu.memory_space<vmem>> -> memref<128xf32, #tpu.memory_space<vmem>>
        %dma_start3A_1519 = arith.constant 0 : i32
        %dma_start3A_1520 = tpu.memref_slice %arg8[%run_scoped3A_1495, %dma_start3A_1519] : memref<16x128xi32, #tpu.memory_space<vmem>> -> memref<1x128xi32, #tpu.memory_space<vmem>>
        %dma_start3A_1521 = tpu.memref_squeeze %dma_start3A_1520 : memref<1x128xi32, #tpu.memory_space<vmem>> -> memref<128xi32, #tpu.memory_space<vmem>>
        %dma_start3A_1522 = arith.constant 0 : i32
        %dma_start3A_1523 = tpu.memref_slice %arg11[%dma_start3A_1522] : memref<100096xf32, #tpu.memory_space<vmem_shared>> -> memref<100096xf32, #tpu.memory_space<vmem_shared>>
        tpu.enqueue_indirect_dma source(%dma_start3A_1518 : memref<128xf32, #tpu.memory_space<vmem>>) target(%dma_start3A_1523 : memref<100096xf32, #tpu.memory_space<vmem_shared>>) offsets(%dma_start3A_1521 : memref<128xi32, #tpu.memory_space<vmem>>) semaphore(%run_scoped3A_1516 : memref<!tpu.dma_semaphore, #tpu.memory_space<semaphore_mem>>) {add = true}
        %dma_wait3A = arith.constant 0 : i32
        %dma_wait3A_1524 = tpu.memref_slice %arg9[%run_scoped3A_1494, %dma_wait3A] : memref<16x128xf32, #tpu.memory_space<vmem>> -> memref<1x128xf32, #tpu.memory_space<vmem>>
        %dma_wait3A_1525 = tpu.memref_squeeze %dma_wait3A_1524 : memref<1x128xf32, #tpu.memory_space<vmem>> -> memref<128xf32, #tpu.memory_space<vmem>>
        %dma_wait3A_1526 = arith.constant 0 : i32
        %dma_wait3A_1527 = tpu.memref_slice %arg8[%run_scoped3A_1495, %dma_wait3A_1526] : memref<16x128xi32, #tpu.memory_space<vmem>> -> memref<1x128xi32, #tpu.memory_space<vmem>>
        %dma_wait3A_1528 = tpu.memref_squeeze %dma_wait3A_1527 : memref<1x128xi32, #tpu.memory_space<vmem>> -> memref<128xi32, #tpu.memory_space<vmem>>
        %dma_wait3A_1529 = arith.constant 0 : i32
        %dma_wait3A_1530 = tpu.memref_slice %arg11[%dma_wait3A_1529] : memref<100096xf32, #tpu.memory_space<vmem_shared>> -> memref<100096xf32, #tpu.memory_space<vmem_shared>>
        tpu.wait_indirect_dma semaphore(%run_scoped3A_1516 : memref<!tpu.dma_semaphore, #tpu.memory_space<semaphore_mem>>) src(%dma_wait3A_1525 : memref<128xf32, #tpu.memory_space<vmem>>) dst(%dma_wait3A_1530 : memref<100096xf32, #tpu.memory_space<vmem_shared>>)
        tpu.yield
      }) : () -> ()
      %run_scoped3A_1496 = arith.constant 6 : i32
      %run_scoped3A_1497 = arith.constant 6 : i32
      "tpu.region"() ({
        %run_scoped3A_1516 = tpu.sem_alloc : memref<!tpu.dma_semaphore, #tpu.memory_space<semaphore_mem>>
        %dma_start3A = arith.constant 0 : i32
        %dma_start3A_1517 = tpu.memref_slice %arg9[%run_scoped3A_1496, %dma_start3A] : memref<16x128xf32, #tpu.memory_space<vmem>> -> memref<1x128xf32, #tpu.memory_space<vmem>>
        %dma_start3A_1518 = tpu.memref_squeeze %dma_start3A_1517 : memref<1x128xf32, #tpu.memory_space<vmem>> -> memref<128xf32, #tpu.memory_space<vmem>>
        %dma_start3A_1519 = arith.constant 0 : i32
        %dma_start3A_1520 = tpu.memref_slice %arg8[%run_scoped3A_1497, %dma_start3A_1519] : memref<16x128xi32, #tpu.memory_space<vmem>> -> memref<1x128xi32, #tpu.memory_space<vmem>>
        %dma_start3A_1521 = tpu.memref_squeeze %dma_start3A_1520 : memref<1x128xi32, #tpu.memory_space<vmem>> -> memref<128xi32, #tpu.memory_space<vmem>>
        %dma_start3A_1522 = arith.constant 0 : i32
        %dma_start3A_1523 = tpu.memref_slice %arg11[%dma_start3A_1522] : memref<100096xf32, #tpu.memory_space<vmem_shared>> -> memref<100096xf32, #tpu.memory_space<vmem_shared>>
        tpu.enqueue_indirect_dma source(%dma_start3A_1518 : memref<128xf32, #tpu.memory_space<vmem>>) target(%dma_start3A_1523 : memref<100096xf32, #tpu.memory_space<vmem_shared>>) offsets(%dma_start3A_1521 : memref<128xi32, #tpu.memory_space<vmem>>) semaphore(%run_scoped3A_1516 : memref<!tpu.dma_semaphore, #tpu.memory_space<semaphore_mem>>) {add = true}
        %dma_wait3A = arith.constant 0 : i32
        %dma_wait3A_1524 = tpu.memref_slice %arg9[%run_scoped3A_1496, %dma_wait3A] : memref<16x128xf32, #tpu.memory_space<vmem>> -> memref<1x128xf32, #tpu.memory_space<vmem>>
        %dma_wait3A_1525 = tpu.memref_squeeze %dma_wait3A_1524 : memref<1x128xf32, #tpu.memory_space<vmem>> -> memref<128xf32, #tpu.memory_space<vmem>>
        %dma_wait3A_1526 = arith.constant 0 : i32
        %dma_wait3A_1527 = tpu.memref_slice %arg8[%run_scoped3A_1497, %dma_wait3A_1526] : memref<16x128xi32, #tpu.memory_space<vmem>> -> memref<1x128xi32, #tpu.memory_space<vmem>>
        %dma_wait3A_1528 = tpu.memref_squeeze %dma_wait3A_1527 : memref<1x128xi32, #tpu.memory_space<vmem>> -> memref<128xi32, #tpu.memory_space<vmem>>
        %dma_wait3A_1529 = arith.constant 0 : i32
        %dma_wait3A_1530 = tpu.memref_slice %arg11[%dma_wait3A_1529] : memref<100096xf32, #tpu.memory_space<vmem_shared>> -> memref<100096xf32, #tpu.memory_space<vmem_shared>>
        tpu.wait_indirect_dma semaphore(%run_scoped3A_1516 : memref<!tpu.dma_semaphore, #tpu.memory_space<semaphore_mem>>) src(%dma_wait3A_1525 : memref<128xf32, #tpu.memory_space<vmem>>) dst(%dma_wait3A_1530 : memref<100096xf32, #tpu.memory_space<vmem_shared>>)
        tpu.yield
      }) : () -> ()
      %run_scoped3A_1498 = arith.constant 7 : i32
      %run_scoped3A_1499 = arith.constant 7 : i32
      "tpu.region"() ({
        %run_scoped3A_1516 = tpu.sem_alloc : memref<!tpu.dma_semaphore, #tpu.memory_space<semaphore_mem>>
        %dma_start3A = arith.constant 0 : i32
        %dma_start3A_1517 = tpu.memref_slice %arg9[%run_scoped3A_1498, %dma_start3A] : memref<16x128xf32, #tpu.memory_space<vmem>> -> memref<1x128xf32, #tpu.memory_space<vmem>>
        %dma_start3A_1518 = tpu.memref_squeeze %dma_start3A_1517 : memref<1x128xf32, #tpu.memory_space<vmem>> -> memref<128xf32, #tpu.memory_space<vmem>>
        %dma_start3A_1519 = arith.constant 0 : i32
        %dma_start3A_1520 = tpu.memref_slice %arg8[%run_scoped3A_1499, %dma_start3A_1519] : memref<16x128xi32, #tpu.memory_space<vmem>> -> memref<1x128xi32, #tpu.memory_space<vmem>>
        %dma_start3A_1521 = tpu.memref_squeeze %dma_start3A_1520 : memref<1x128xi32, #tpu.memory_space<vmem>> -> memref<128xi32, #tpu.memory_space<vmem>>
        %dma_start3A_1522 = arith.constant 0 : i32
        %dma_start3A_1523 = tpu.memref_slice %arg11[%dma_start3A_1522] : memref<100096xf32, #tpu.memory_space<vmem_shared>> -> memref<100096xf32, #tpu.memory_space<vmem_shared>>
        tpu.enqueue_indirect_dma source(%dma_start3A_1518 : memref<128xf32, #tpu.memory_space<vmem>>) target(%dma_start3A_1523 : memref<100096xf32, #tpu.memory_space<vmem_shared>>) offsets(%dma_start3A_1521 : memref<128xi32, #tpu.memory_space<vmem>>) semaphore(%run_scoped3A_1516 : memref<!tpu.dma_semaphore, #tpu.memory_space<semaphore_mem>>) {add = true}
        %dma_wait3A = arith.constant 0 : i32
        %dma_wait3A_1524 = tpu.memref_slice %arg9[%run_scoped3A_1498, %dma_wait3A] : memref<16x128xf32, #tpu.memory_space<vmem>> -> memref<1x128xf32, #tpu.memory_space<vmem>>
        %dma_wait3A_1525 = tpu.memref_squeeze %dma_wait3A_1524 : memref<1x128xf32, #tpu.memory_space<vmem>> -> memref<128xf32, #tpu.memory_space<vmem>>
        %dma_wait3A_1526 = arith.constant 0 : i32
        %dma_wait3A_1527 = tpu.memref_slice %arg8[%run_scoped3A_1499, %dma_wait3A_1526] : memref<16x128xi32, #tpu.memory_space<vmem>> -> memref<1x128xi32, #tpu.memory_space<vmem>>
        %dma_wait3A_1528 = tpu.memref_squeeze %dma_wait3A_1527 : memref<1x128xi32, #tpu.memory_space<vmem>> -> memref<128xi32, #tpu.memory_space<vmem>>
        %dma_wait3A_1529 = arith.constant 0 : i32
        %dma_wait3A_1530 = tpu.memref_slice %arg11[%dma_wait3A_1529] : memref<100096xf32, #tpu.memory_space<vmem_shared>> -> memref<100096xf32, #tpu.memory_space<vmem_shared>>
        tpu.wait_indirect_dma semaphore(%run_scoped3A_1516 : memref<!tpu.dma_semaphore, #tpu.memory_space<semaphore_mem>>) src(%dma_wait3A_1525 : memref<128xf32, #tpu.memory_space<vmem>>) dst(%dma_wait3A_1530 : memref<100096xf32, #tpu.memory_space<vmem_shared>>)
        tpu.yield
      }) : () -> ()
      %run_scoped3A_1500 = arith.constant 8 : i32
      %run_scoped3A_1501 = arith.constant 8 : i32
      "tpu.region"() ({
        %run_scoped3A_1516 = tpu.sem_alloc : memref<!tpu.dma_semaphore, #tpu.memory_space<semaphore_mem>>
        %dma_start3A = arith.constant 0 : i32
        %dma_start3A_1517 = tpu.memref_slice %arg9[%run_scoped3A_1500, %dma_start3A] : memref<16x128xf32, #tpu.memory_space<vmem>> -> memref<1x128xf32, #tpu.memory_space<vmem>>
        %dma_start3A_1518 = tpu.memref_squeeze %dma_start3A_1517 : memref<1x128xf32, #tpu.memory_space<vmem>> -> memref<128xf32, #tpu.memory_space<vmem>>
        %dma_start3A_1519 = arith.constant 0 : i32
        %dma_start3A_1520 = tpu.memref_slice %arg8[%run_scoped3A_1501, %dma_start3A_1519] : memref<16x128xi32, #tpu.memory_space<vmem>> -> memref<1x128xi32, #tpu.memory_space<vmem>>
        %dma_start3A_1521 = tpu.memref_squeeze %dma_start3A_1520 : memref<1x128xi32, #tpu.memory_space<vmem>> -> memref<128xi32, #tpu.memory_space<vmem>>
        %dma_start3A_1522 = arith.constant 0 : i32
        %dma_start3A_1523 = tpu.memref_slice %arg11[%dma_start3A_1522] : memref<100096xf32, #tpu.memory_space<vmem_shared>> -> memref<100096xf32, #tpu.memory_space<vmem_shared>>
        tpu.enqueue_indirect_dma source(%dma_start3A_1518 : memref<128xf32, #tpu.memory_space<vmem>>) target(%dma_start3A_1523 : memref<100096xf32, #tpu.memory_space<vmem_shared>>) offsets(%dma_start3A_1521 : memref<128xi32, #tpu.memory_space<vmem>>) semaphore(%run_scoped3A_1516 : memref<!tpu.dma_semaphore, #tpu.memory_space<semaphore_mem>>) {add = true}
        %dma_wait3A = arith.constant 0 : i32
        %dma_wait3A_1524 = tpu.memref_slice %arg9[%run_scoped3A_1500, %dma_wait3A] : memref<16x128xf32, #tpu.memory_space<vmem>> -> memref<1x128xf32, #tpu.memory_space<vmem>>
        %dma_wait3A_1525 = tpu.memref_squeeze %dma_wait3A_1524 : memref<1x128xf32, #tpu.memory_space<vmem>> -> memref<128xf32, #tpu.memory_space<vmem>>
        %dma_wait3A_1526 = arith.constant 0 : i32
        %dma_wait3A_1527 = tpu.memref_slice %arg8[%run_scoped3A_1501, %dma_wait3A_1526] : memref<16x128xi32, #tpu.memory_space<vmem>> -> memref<1x128xi32, #tpu.memory_space<vmem>>
        %dma_wait3A_1528 = tpu.memref_squeeze %dma_wait3A_1527 : memref<1x128xi32, #tpu.memory_space<vmem>> -> memref<128xi32, #tpu.memory_space<vmem>>
        %dma_wait3A_1529 = arith.constant 0 : i32
        %dma_wait3A_1530 = tpu.memref_slice %arg11[%dma_wait3A_1529] : memref<100096xf32, #tpu.memory_space<vmem_shared>> -> memref<100096xf32, #tpu.memory_space<vmem_shared>>
        tpu.wait_indirect_dma semaphore(%run_scoped3A_1516 : memref<!tpu.dma_semaphore, #tpu.memory_space<semaphore_mem>>) src(%dma_wait3A_1525 : memref<128xf32, #tpu.memory_space<vmem>>) dst(%dma_wait3A_1530 : memref<100096xf32, #tpu.memory_space<vmem_shared>>)
        tpu.yield
      }) : () -> ()
      %run_scoped3A_1502 = arith.constant 9 : i32
      %run_scoped3A_1503 = arith.constant 9 : i32
      "tpu.region"() ({
        %run_scoped3A_1516 = tpu.sem_alloc : memref<!tpu.dma_semaphore, #tpu.memory_space<semaphore_mem>>
        %dma_start3A = arith.constant 0 : i32
        %dma_start3A_1517 = tpu.memref_slice %arg9[%run_scoped3A_1502, %dma_start3A] : memref<16x128xf32, #tpu.memory_space<vmem>> -> memref<1x128xf32, #tpu.memory_space<vmem>>
        %dma_start3A_1518 = tpu.memref_squeeze %dma_start3A_1517 : memref<1x128xf32, #tpu.memory_space<vmem>> -> memref<128xf32, #tpu.memory_space<vmem>>
        %dma_start3A_1519 = arith.constant 0 : i32
        %dma_start3A_1520 = tpu.memref_slice %arg8[%run_scoped3A_1503, %dma_start3A_1519] : memref<16x128xi32, #tpu.memory_space<vmem>> -> memref<1x128xi32, #tpu.memory_space<vmem>>
        %dma_start3A_1521 = tpu.memref_squeeze %dma_start3A_1520 : memref<1x128xi32, #tpu.memory_space<vmem>> -> memref<128xi32, #tpu.memory_space<vmem>>
        %dma_start3A_1522 = arith.constant 0 : i32
        %dma_start3A_1523 = tpu.memref_slice %arg11[%dma_start3A_1522] : memref<100096xf32, #tpu.memory_space<vmem_shared>> -> memref<100096xf32, #tpu.memory_space<vmem_shared>>
        tpu.enqueue_indirect_dma source(%dma_start3A_1518 : memref<128xf32, #tpu.memory_space<vmem>>) target(%dma_start3A_1523 : memref<100096xf32, #tpu.memory_space<vmem_shared>>) offsets(%dma_start3A_1521 : memref<128xi32, #tpu.memory_space<vmem>>) semaphore(%run_scoped3A_1516 : memref<!tpu.dma_semaphore, #tpu.memory_space<semaphore_mem>>) {add = true}
        %dma_wait3A = arith.constant 0 : i32
        %dma_wait3A_1524 = tpu.memref_slice %arg9[%run_scoped3A_1502, %dma_wait3A] : memref<16x128xf32, #tpu.memory_space<vmem>> -> memref<1x128xf32, #tpu.memory_space<vmem>>
        %dma_wait3A_1525 = tpu.memref_squeeze %dma_wait3A_1524 : memref<1x128xf32, #tpu.memory_space<vmem>> -> memref<128xf32, #tpu.memory_space<vmem>>
        %dma_wait3A_1526 = arith.constant 0 : i32
        %dma_wait3A_1527 = tpu.memref_slice %arg8[%run_scoped3A_1503, %dma_wait3A_1526] : memref<16x128xi32, #tpu.memory_space<vmem>> -> memref<1x128xi32, #tpu.memory_space<vmem>>
        %dma_wait3A_1528 = tpu.memref_squeeze %dma_wait3A_1527 : memref<1x128xi32, #tpu.memory_space<vmem>> -> memref<128xi32, #tpu.memory_space<vmem>>
        %dma_wait3A_1529 = arith.constant 0 : i32
        %dma_wait3A_1530 = tpu.memref_slice %arg11[%dma_wait3A_1529] : memref<100096xf32, #tpu.memory_space<vmem_shared>> -> memref<100096xf32, #tpu.memory_space<vmem_shared>>
        tpu.wait_indirect_dma semaphore(%run_scoped3A_1516 : memref<!tpu.dma_semaphore, #tpu.memory_space<semaphore_mem>>) src(%dma_wait3A_1525 : memref<128xf32, #tpu.memory_space<vmem>>) dst(%dma_wait3A_1530 : memref<100096xf32, #tpu.memory_space<vmem_shared>>)
        tpu.yield
      }) : () -> ()
      %run_scoped3A_1504 = arith.constant 10 : i32
      %run_scoped3A_1505 = arith.constant 10 : i32
      "tpu.region"() ({
        %run_scoped3A_1516 = tpu.sem_alloc : memref<!tpu.dma_semaphore, #tpu.memory_space<semaphore_mem>>
        %dma_start3A = arith.constant 0 : i32
        %dma_start3A_1517 = tpu.memref_slice %arg9[%run_scoped3A_1504, %dma_start3A] : memref<16x128xf32, #tpu.memory_space<vmem>> -> memref<1x128xf32, #tpu.memory_space<vmem>>
        %dma_start3A_1518 = tpu.memref_squeeze %dma_start3A_1517 : memref<1x128xf32, #tpu.memory_space<vmem>> -> memref<128xf32, #tpu.memory_space<vmem>>
        %dma_start3A_1519 = arith.constant 0 : i32
        %dma_start3A_1520 = tpu.memref_slice %arg8[%run_scoped3A_1505, %dma_start3A_1519] : memref<16x128xi32, #tpu.memory_space<vmem>> -> memref<1x128xi32, #tpu.memory_space<vmem>>
        %dma_start3A_1521 = tpu.memref_squeeze %dma_start3A_1520 : memref<1x128xi32, #tpu.memory_space<vmem>> -> memref<128xi32, #tpu.memory_space<vmem>>
        %dma_start3A_1522 = arith.constant 0 : i32
        %dma_start3A_1523 = tpu.memref_slice %arg11[%dma_start3A_1522] : memref<100096xf32, #tpu.memory_space<vmem_shared>> -> memref<100096xf32, #tpu.memory_space<vmem_shared>>
        tpu.enqueue_indirect_dma source(%dma_start3A_1518 : memref<128xf32, #tpu.memory_space<vmem>>) target(%dma_start3A_1523 : memref<100096xf32, #tpu.memory_space<vmem_shared>>) offsets(%dma_start3A_1521 : memref<128xi32, #tpu.memory_space<vmem>>) semaphore(%run_scoped3A_1516 : memref<!tpu.dma_semaphore, #tpu.memory_space<semaphore_mem>>) {add = true}
        %dma_wait3A = arith.constant 0 : i32
        %dma_wait3A_1524 = tpu.memref_slice %arg9[%run_scoped3A_1504, %dma_wait3A] : memref<16x128xf32, #tpu.memory_space<vmem>> -> memref<1x128xf32, #tpu.memory_space<vmem>>
        %dma_wait3A_1525 = tpu.memref_squeeze %dma_wait3A_1524 : memref<1x128xf32, #tpu.memory_space<vmem>> -> memref<128xf32, #tpu.memory_space<vmem>>
        %dma_wait3A_1526 = arith.constant 0 : i32
        %dma_wait3A_1527 = tpu.memref_slice %arg8[%run_scoped3A_1505, %dma_wait3A_1526] : memref<16x128xi32, #tpu.memory_space<vmem>> -> memref<1x128xi32, #tpu.memory_space<vmem>>
        %dma_wait3A_1528 = tpu.memref_squeeze %dma_wait3A_1527 : memref<1x128xi32, #tpu.memory_space<vmem>> -> memref<128xi32, #tpu.memory_space<vmem>>
        %dma_wait3A_1529 = arith.constant 0 : i32
        %dma_wait3A_1530 = tpu.memref_slice %arg11[%dma_wait3A_1529] : memref<100096xf32, #tpu.memory_space<vmem_shared>> -> memref<100096xf32, #tpu.memory_space<vmem_shared>>
        tpu.wait_indirect_dma semaphore(%run_scoped3A_1516 : memref<!tpu.dma_semaphore, #tpu.memory_space<semaphore_mem>>) src(%dma_wait3A_1525 : memref<128xf32, #tpu.memory_space<vmem>>) dst(%dma_wait3A_1530 : memref<100096xf32, #tpu.memory_space<vmem_shared>>)
        tpu.yield
      }) : () -> ()
      %run_scoped3A_1506 = arith.constant 11 : i32
      %run_scoped3A_1507 = arith.constant 11 : i32
      "tpu.region"() ({
        %run_scoped3A_1516 = tpu.sem_alloc : memref<!tpu.dma_semaphore, #tpu.memory_space<semaphore_mem>>
        %dma_start3A = arith.constant 0 : i32
        %dma_start3A_1517 = tpu.memref_slice %arg9[%run_scoped3A_1506, %dma_start3A] : memref<16x128xf32, #tpu.memory_space<vmem>> -> memref<1x128xf32, #tpu.memory_space<vmem>>
        %dma_start3A_1518 = tpu.memref_squeeze %dma_start3A_1517 : memref<1x128xf32, #tpu.memory_space<vmem>> -> memref<128xf32, #tpu.memory_space<vmem>>
        %dma_start3A_1519 = arith.constant 0 : i32
        %dma_start3A_1520 = tpu.memref_slice %arg8[%run_scoped3A_1507, %dma_start3A_1519] : memref<16x128xi32, #tpu.memory_space<vmem>> -> memref<1x128xi32, #tpu.memory_space<vmem>>
        %dma_start3A_1521 = tpu.memref_squeeze %dma_start3A_1520 : memref<1x128xi32, #tpu.memory_space<vmem>> -> memref<128xi32, #tpu.memory_space<vmem>>
        %dma_start3A_1522 = arith.constant 0 : i32
        %dma_start3A_1523 = tpu.memref_slice %arg11[%dma_start3A_1522] : memref<100096xf32, #tpu.memory_space<vmem_shared>> -> memref<100096xf32, #tpu.memory_space<vmem_shared>>
        tpu.enqueue_indirect_dma source(%dma_start3A_1518 : memref<128xf32, #tpu.memory_space<vmem>>) target(%dma_start3A_1523 : memref<100096xf32, #tpu.memory_space<vmem_shared>>) offsets(%dma_start3A_1521 : memref<128xi32, #tpu.memory_space<vmem>>) semaphore(%run_scoped3A_1516 : memref<!tpu.dma_semaphore, #tpu.memory_space<semaphore_mem>>) {add = true}
        %dma_wait3A = arith.constant 0 : i32
        %dma_wait3A_1524 = tpu.memref_slice %arg9[%run_scoped3A_1506, %dma_wait3A] : memref<16x128xf32, #tpu.memory_space<vmem>> -> memref<1x128xf32, #tpu.memory_space<vmem>>
        %dma_wait3A_1525 = tpu.memref_squeeze %dma_wait3A_1524 : memref<1x128xf32, #tpu.memory_space<vmem>> -> memref<128xf32, #tpu.memory_space<vmem>>
        %dma_wait3A_1526 = arith.constant 0 : i32
        %dma_wait3A_1527 = tpu.memref_slice %arg8[%run_scoped3A_1507, %dma_wait3A_1526] : memref<16x128xi32, #tpu.memory_space<vmem>> -> memref<1x128xi32, #tpu.memory_space<vmem>>
        %dma_wait3A_1528 = tpu.memref_squeeze %dma_wait3A_1527 : memref<1x128xi32, #tpu.memory_space<vmem>> -> memref<128xi32, #tpu.memory_space<vmem>>
        %dma_wait3A_1529 = arith.constant 0 : i32
        %dma_wait3A_1530 = tpu.memref_slice %arg11[%dma_wait3A_1529] : memref<100096xf32, #tpu.memory_space<vmem_shared>> -> memref<100096xf32, #tpu.memory_space<vmem_shared>>
        tpu.wait_indirect_dma semaphore(%run_scoped3A_1516 : memref<!tpu.dma_semaphore, #tpu.memory_space<semaphore_mem>>) src(%dma_wait3A_1525 : memref<128xf32, #tpu.memory_space<vmem>>) dst(%dma_wait3A_1530 : memref<100096xf32, #tpu.memory_space<vmem_shared>>)
        tpu.yield
      }) : () -> ()
      %run_scoped3A_1508 = arith.constant 12 : i32
      %run_scoped3A_1509 = arith.constant 12 : i32
      "tpu.region"() ({
        %run_scoped3A_1516 = tpu.sem_alloc : memref<!tpu.dma_semaphore, #tpu.memory_space<semaphore_mem>>
        %dma_start3A = arith.constant 0 : i32
        %dma_start3A_1517 = tpu.memref_slice %arg9[%run_scoped3A_1508, %dma_start3A] : memref<16x128xf32, #tpu.memory_space<vmem>> -> memref<1x128xf32, #tpu.memory_space<vmem>>
        %dma_start3A_1518 = tpu.memref_squeeze %dma_start3A_1517 : memref<1x128xf32, #tpu.memory_space<vmem>> -> memref<128xf32, #tpu.memory_space<vmem>>
        %dma_start3A_1519 = arith.constant 0 : i32
        %dma_start3A_1520 = tpu.memref_slice %arg8[%run_scoped3A_1509, %dma_start3A_1519] : memref<16x128xi32, #tpu.memory_space<vmem>> -> memref<1x128xi32, #tpu.memory_space<vmem>>
        %dma_start3A_1521 = tpu.memref_squeeze %dma_start3A_1520 : memref<1x128xi32, #tpu.memory_space<vmem>> -> memref<128xi32, #tpu.memory_space<vmem>>
        %dma_start3A_1522 = arith.constant 0 : i32
        %dma_start3A_1523 = tpu.memref_slice %arg11[%dma_start3A_1522] : memref<100096xf32, #tpu.memory_space<vmem_shared>> -> memref<100096xf32, #tpu.memory_space<vmem_shared>>
        tpu.enqueue_indirect_dma source(%dma_start3A_1518 : memref<128xf32, #tpu.memory_space<vmem>>) target(%dma_start3A_1523 : memref<100096xf32, #tpu.memory_space<vmem_shared>>) offsets(%dma_start3A_1521 : memref<128xi32, #tpu.memory_space<vmem>>) semaphore(%run_scoped3A_1516 : memref<!tpu.dma_semaphore, #tpu.memory_space<semaphore_mem>>) {add = true}
        %dma_wait3A = arith.constant 0 : i32
        %dma_wait3A_1524 = tpu.memref_slice %arg9[%run_scoped3A_1508, %dma_wait3A] : memref<16x128xf32, #tpu.memory_space<vmem>> -> memref<1x128xf32, #tpu.memory_space<vmem>>
        %dma_wait3A_1525 = tpu.memref_squeeze %dma_wait3A_1524 : memref<1x128xf32, #tpu.memory_space<vmem>> -> memref<128xf32, #tpu.memory_space<vmem>>
        %dma_wait3A_1526 = arith.constant 0 : i32
        %dma_wait3A_1527 = tpu.memref_slice %arg8[%run_scoped3A_1509, %dma_wait3A_1526] : memref<16x128xi32, #tpu.memory_space<vmem>> -> memref<1x128xi32, #tpu.memory_space<vmem>>
        %dma_wait3A_1528 = tpu.memref_squeeze %dma_wait3A_1527 : memref<1x128xi32, #tpu.memory_space<vmem>> -> memref<128xi32, #tpu.memory_space<vmem>>
        %dma_wait3A_1529 = arith.constant 0 : i32
        %dma_wait3A_1530 = tpu.memref_slice %arg11[%dma_wait3A_1529] : memref<100096xf32, #tpu.memory_space<vmem_shared>> -> memref<100096xf32, #tpu.memory_space<vmem_shared>>
        tpu.wait_indirect_dma semaphore(%run_scoped3A_1516 : memref<!tpu.dma_semaphore, #tpu.memory_space<semaphore_mem>>) src(%dma_wait3A_1525 : memref<128xf32, #tpu.memory_space<vmem>>) dst(%dma_wait3A_1530 : memref<100096xf32, #tpu.memory_space<vmem_shared>>)
        tpu.yield
      }) : () -> ()
      %run_scoped3A_1510 = arith.constant 13 : i32
      %run_scoped3A_1511 = arith.constant 13 : i32
      "tpu.region"() ({
        %run_scoped3A_1516 = tpu.sem_alloc : memref<!tpu.dma_semaphore, #tpu.memory_space<semaphore_mem>>
        %dma_start3A = arith.constant 0 : i32
        %dma_start3A_1517 = tpu.memref_slice %arg9[%run_scoped3A_1510, %dma_start3A] : memref<16x128xf32, #tpu.memory_space<vmem>> -> memref<1x128xf32, #tpu.memory_space<vmem>>
        %dma_start3A_1518 = tpu.memref_squeeze %dma_start3A_1517 : memref<1x128xf32, #tpu.memory_space<vmem>> -> memref<128xf32, #tpu.memory_space<vmem>>
        %dma_start3A_1519 = arith.constant 0 : i32
        %dma_start3A_1520 = tpu.memref_slice %arg8[%run_scoped3A_1511, %dma_start3A_1519] : memref<16x128xi32, #tpu.memory_space<vmem>> -> memref<1x128xi32, #tpu.memory_space<vmem>>
        %dma_start3A_1521 = tpu.memref_squeeze %dma_start3A_1520 : memref<1x128xi32, #tpu.memory_space<vmem>> -> memref<128xi32, #tpu.memory_space<vmem>>
        %dma_start3A_1522 = arith.constant 0 : i32
        %dma_start3A_1523 = tpu.memref_slice %arg11[%dma_start3A_1522] : memref<100096xf32, #tpu.memory_space<vmem_shared>> -> memref<100096xf32, #tpu.memory_space<vmem_shared>>
        tpu.enqueue_indirect_dma source(%dma_start3A_1518 : memref<128xf32, #tpu.memory_space<vmem>>) target(%dma_start3A_1523 : memref<100096xf32, #tpu.memory_space<vmem_shared>>) offsets(%dma_start3A_1521 : memref<128xi32, #tpu.memory_space<vmem>>) semaphore(%run_scoped3A_1516 : memref<!tpu.dma_semaphore, #tpu.memory_space<semaphore_mem>>) {add = true}
        %dma_wait3A = arith.constant 0 : i32
        %dma_wait3A_1524 = tpu.memref_slice %arg9[%run_scoped3A_1510, %dma_wait3A] : memref<16x128xf32, #tpu.memory_space<vmem>> -> memref<1x128xf32, #tpu.memory_space<vmem>>
        %dma_wait3A_1525 = tpu.memref_squeeze %dma_wait3A_1524 : memref<1x128xf32, #tpu.memory_space<vmem>> -> memref<128xf32, #tpu.memory_space<vmem>>
        %dma_wait3A_1526 = arith.constant 0 : i32
        %dma_wait3A_1527 = tpu.memref_slice %arg8[%run_scoped3A_1511, %dma_wait3A_1526] : memref<16x128xi32, #tpu.memory_space<vmem>> -> memref<1x128xi32, #tpu.memory_space<vmem>>
        %dma_wait3A_1528 = tpu.memref_squeeze %dma_wait3A_1527 : memref<1x128xi32, #tpu.memory_space<vmem>> -> memref<128xi32, #tpu.memory_space<vmem>>
        %dma_wait3A_1529 = arith.constant 0 : i32
        %dma_wait3A_1530 = tpu.memref_slice %arg11[%dma_wait3A_1529] : memref<100096xf32, #tpu.memory_space<vmem_shared>> -> memref<100096xf32, #tpu.memory_space<vmem_shared>>
        tpu.wait_indirect_dma semaphore(%run_scoped3A_1516 : memref<!tpu.dma_semaphore, #tpu.memory_space<semaphore_mem>>) src(%dma_wait3A_1525 : memref<128xf32, #tpu.memory_space<vmem>>) dst(%dma_wait3A_1530 : memref<100096xf32, #tpu.memory_space<vmem_shared>>)
        tpu.yield
      }) : () -> ()
      %run_scoped3A_1512 = arith.constant 14 : i32
      %run_scoped3A_1513 = arith.constant 14 : i32
      "tpu.region"() ({
        %run_scoped3A_1516 = tpu.sem_alloc : memref<!tpu.dma_semaphore, #tpu.memory_space<semaphore_mem>>
        %dma_start3A = arith.constant 0 : i32
        %dma_start3A_1517 = tpu.memref_slice %arg9[%run_scoped3A_1512, %dma_start3A] : memref<16x128xf32, #tpu.memory_space<vmem>> -> memref<1x128xf32, #tpu.memory_space<vmem>>
        %dma_start3A_1518 = tpu.memref_squeeze %dma_start3A_1517 : memref<1x128xf32, #tpu.memory_space<vmem>> -> memref<128xf32, #tpu.memory_space<vmem>>
        %dma_start3A_1519 = arith.constant 0 : i32
        %dma_start3A_1520 = tpu.memref_slice %arg8[%run_scoped3A_1513, %dma_start3A_1519] : memref<16x128xi32, #tpu.memory_space<vmem>> -> memref<1x128xi32, #tpu.memory_space<vmem>>
        %dma_start3A_1521 = tpu.memref_squeeze %dma_start3A_1520 : memref<1x128xi32, #tpu.memory_space<vmem>> -> memref<128xi32, #tpu.memory_space<vmem>>
        %dma_start3A_1522 = arith.constant 0 : i32
        %dma_start3A_1523 = tpu.memref_slice %arg11[%dma_start3A_1522] : memref<100096xf32, #tpu.memory_space<vmem_shared>> -> memref<100096xf32, #tpu.memory_space<vmem_shared>>
        tpu.enqueue_indirect_dma source(%dma_start3A_1518 : memref<128xf32, #tpu.memory_space<vmem>>) target(%dma_start3A_1523 : memref<100096xf32, #tpu.memory_space<vmem_shared>>) offsets(%dma_start3A_1521 : memref<128xi32, #tpu.memory_space<vmem>>) semaphore(%run_scoped3A_1516 : memref<!tpu.dma_semaphore, #tpu.memory_space<semaphore_mem>>) {add = true}
        %dma_wait3A = arith.constant 0 : i32
        %dma_wait3A_1524 = tpu.memref_slice %arg9[%run_scoped3A_1512, %dma_wait3A] : memref<16x128xf32, #tpu.memory_space<vmem>> -> memref<1x128xf32, #tpu.memory_space<vmem>>
        %dma_wait3A_1525 = tpu.memref_squeeze %dma_wait3A_1524 : memref<1x128xf32, #tpu.memory_space<vmem>> -> memref<128xf32, #tpu.memory_space<vmem>>
        %dma_wait3A_1526 = arith.constant 0 : i32
        %dma_wait3A_1527 = tpu.memref_slice %arg8[%run_scoped3A_1513, %dma_wait3A_1526] : memref<16x128xi32, #tpu.memory_space<vmem>> -> memref<1x128xi32, #tpu.memory_space<vmem>>
        %dma_wait3A_1528 = tpu.memref_squeeze %dma_wait3A_1527 : memref<1x128xi32, #tpu.memory_space<vmem>> -> memref<128xi32, #tpu.memory_space<vmem>>
        %dma_wait3A_1529 = arith.constant 0 : i32
        %dma_wait3A_1530 = tpu.memref_slice %arg11[%dma_wait3A_1529] : memref<100096xf32, #tpu.memory_space<vmem_shared>> -> memref<100096xf32, #tpu.memory_space<vmem_shared>>
        tpu.wait_indirect_dma semaphore(%run_scoped3A_1516 : memref<!tpu.dma_semaphore, #tpu.memory_space<semaphore_mem>>) src(%dma_wait3A_1525 : memref<128xf32, #tpu.memory_space<vmem>>) dst(%dma_wait3A_1530 : memref<100096xf32, #tpu.memory_space<vmem_shared>>)
        tpu.yield
      }) : () -> ()
      %run_scoped3A_1514 = arith.constant 15 : i32
      %run_scoped3A_1515 = arith.constant 15 : i32
      "tpu.region"() ({
        %run_scoped3A_1516 = tpu.sem_alloc : memref<!tpu.dma_semaphore, #tpu.memory_space<semaphore_mem>>
        %dma_start3A = arith.constant 0 : i32
        %dma_start3A_1517 = tpu.memref_slice %arg9[%run_scoped3A_1514, %dma_start3A] : memref<16x128xf32, #tpu.memory_space<vmem>> -> memref<1x128xf32, #tpu.memory_space<vmem>>
        %dma_start3A_1518 = tpu.memref_squeeze %dma_start3A_1517 : memref<1x128xf32, #tpu.memory_space<vmem>> -> memref<128xf32, #tpu.memory_space<vmem>>
        %dma_start3A_1519 = arith.constant 0 : i32
        %dma_start3A_1520 = tpu.memref_slice %arg8[%run_scoped3A_1515, %dma_start3A_1519] : memref<16x128xi32, #tpu.memory_space<vmem>> -> memref<1x128xi32, #tpu.memory_space<vmem>>
        %dma_start3A_1521 = tpu.memref_squeeze %dma_start3A_1520 : memref<1x128xi32, #tpu.memory_space<vmem>> -> memref<128xi32, #tpu.memory_space<vmem>>
        %dma_start3A_1522 = arith.constant 0 : i32
        %dma_start3A_1523 = tpu.memref_slice %arg11[%dma_start3A_1522] : memref<100096xf32, #tpu.memory_space<vmem_shared>> -> memref<100096xf32, #tpu.memory_space<vmem_shared>>
        tpu.enqueue_indirect_dma source(%dma_start3A_1518 : memref<128xf32, #tpu.memory_space<vmem>>) target(%dma_start3A_1523 : memref<100096xf32, #tpu.memory_space<vmem_shared>>) offsets(%dma_start3A_1521 : memref<128xi32, #tpu.memory_space<vmem>>) semaphore(%run_scoped3A_1516 : memref<!tpu.dma_semaphore, #tpu.memory_space<semaphore_mem>>) {add = true}
        %dma_wait3A = arith.constant 0 : i32
        %dma_wait3A_1524 = tpu.memref_slice %arg9[%run_scoped3A_1514, %dma_wait3A] : memref<16x128xf32, #tpu.memory_space<vmem>> -> memref<1x128xf32, #tpu.memory_space<vmem>>
        %dma_wait3A_1525 = tpu.memref_squeeze %dma_wait3A_1524 : memref<1x128xf32, #tpu.memory_space<vmem>> -> memref<128xf32, #tpu.memory_space<vmem>>
        %dma_wait3A_1526 = arith.constant 0 : i32
        %dma_wait3A_1527 = tpu.memref_slice %arg8[%run_scoped3A_1515, %dma_wait3A_1526] : memref<16x128xi32, #tpu.memory_space<vmem>> -> memref<1x128xi32, #tpu.memory_space<vmem>>
        %dma_wait3A_1528 = tpu.memref_squeeze %dma_wait3A_1527 : memref<1x128xi32, #tpu.memory_space<vmem>> -> memref<128xi32, #tpu.memory_space<vmem>>
        %dma_wait3A_1529 = arith.constant 0 : i32
        %dma_wait3A_1530 = tpu.memref_slice %arg11[%dma_wait3A_1529] : memref<100096xf32, #tpu.memory_space<vmem_shared>> -> memref<100096xf32, #tpu.memory_space<vmem_shared>>
        tpu.wait_indirect_dma semaphore(%run_scoped3A_1516 : memref<!tpu.dma_semaphore, #tpu.memory_space<semaphore_mem>>) src(%dma_wait3A_1525 : memref<128xf32, #tpu.memory_space<vmem>>) dst(%dma_wait3A_1530 : memref<100096xf32, #tpu.memory_space<vmem_shared>>)
        tpu.yield
      }) : () -> ()
    }
    %while3A_289 = arith.constant 1 : i32
    scf.for %while3A_331 = %while3A_287 to %while3A_283 step %while3A_289  : i32 {
      %add3A_332 = arith.addi %add3A_280, %while3A_331 : i32
      %mul3A_333 = arith.constant 16 : i32
      %mul3A_334 = arith.muli %add3A_332, %mul3A_333 : i32
      "tpu.region"() ({
        %run_scoped3A_1516 = tpu.sem_alloc : memref<!tpu.dma_semaphore, #tpu.memory_space<semaphore_mem>>
        %dma_start3A = arith.constant 0 : i32
        %dma_start3A_1517 = tpu.memref_slice %arg3[%mul3A_334, %dma_start3A] : memref<50000x128xi32, #tpu.memory_space<hbm>> -> memref<16x128xi32, #tpu.memory_space<hbm>>
        %dma_start3A_1518 = arith.constant 0 : i32
        %dma_start3A_1519 = tpu.memref_slice %arg3[%mul3A_334, %dma_start3A_1518] : memref<50000x128xi32, #tpu.memory_space<hbm>> -> memref<16x128xi32, #tpu.memory_space<hbm>>
        tpu.enqueue_dma source(%dma_start3A_1519 : memref<16x128xi32, #tpu.memory_space<hbm>>) target(%arg7 : memref<16x128xi32, #tpu.memory_space<vmem>>) target_semaphore(%run_scoped3A_1516 : memref<!tpu.dma_semaphore, #tpu.memory_space<semaphore_mem>>)
        %dma_wait3A = arith.constant 0 : i32
        %dma_wait3A_1520 = tpu.memref_slice %arg3[%mul3A_334, %dma_wait3A] : memref<50000x128xi32, #tpu.memory_space<hbm>> -> memref<16x128xi32, #tpu.memory_space<hbm>>
        %dma_wait3A_1521 = arith.constant 0 : i32
        %dma_wait3A_1522 = tpu.memref_slice %arg3[%mul3A_334, %dma_wait3A_1521] : memref<50000x128xi32, #tpu.memory_space<hbm>> -> memref<16x128xi32, #tpu.memory_space<hbm>>
        tpu.wait_dma2 semaphore(%run_scoped3A_1516 : memref<!tpu.dma_semaphore, #tpu.memory_space<semaphore_mem>>) src(%dma_wait3A_1522 : memref<16x128xi32, #tpu.memory_space<hbm>>) dst(%arg7 : memref<16x128xi32, #tpu.memory_space<vmem>>)
        tpu.yield
      }) : () -> ()
      "tpu.region"() ({
        %run_scoped3A_1516 = tpu.sem_alloc : memref<!tpu.dma_semaphore, #tpu.memory_space<semaphore_mem>>
        %dma_start3A = arith.constant 0 : i32
        %dma_start3A_1517 = tpu.memref_slice %arg4[%mul3A_334, %dma_start3A] : memref<50000x128xi32, #tpu.memory_space<hbm>> -> memref<16x128xi32, #tpu.memory_space<hbm>>
        %dma_start3A_1518 = arith.constant 0 : i32
        %dma_start3A_1519 = tpu.memref_slice %arg4[%mul3A_334, %dma_start3A_1518] : memref<50000x128xi32, #tpu.memory_space<hbm>> -> memref<16x128xi32, #tpu.memory_space<hbm>>
        tpu.enqueue_dma source(%dma_start3A_1519 : memref<16x128xi32, #tpu.memory_space<hbm>>) target(%arg8 : memref<16x128xi32, #tpu.memory_space<vmem>>) target_semaphore(%run_scoped3A_1516 : memref<!tpu.dma_semaphore, #tpu.memory_space<semaphore_mem>>)
        %dma_wait3A = arith.constant 0 : i32
        %dma_wait3A_1520 = tpu.memref_slice %arg4[%mul3A_334, %dma_wait3A] : memref<50000x128xi32, #tpu.memory_space<hbm>> -> memref<16x128xi32, #tpu.memory_space<hbm>>
        %dma_wait3A_1521 = arith.constant 0 : i32
        %dma_wait3A_1522 = tpu.memref_slice %arg4[%mul3A_334, %dma_wait3A_1521] : memref<50000x128xi32, #tpu.memory_space<hbm>> -> memref<16x128xi32, #tpu.memory_space<hbm>>
        tpu.wait_dma2 semaphore(%run_scoped3A_1516 : memref<!tpu.dma_semaphore, #tpu.memory_space<semaphore_mem>>) src(%dma_wait3A_1522 : memref<16x128xi32, #tpu.memory_space<hbm>>) dst(%arg8 : memref<16x128xi32, #tpu.memory_space<vmem>>)
        tpu.yield
      }) : () -> ()
      %get3A = arith.constant 0 : i32
      %get3A_335 = arith.index_cast %get3A : i32 to index
      %get3A_336 = arith.constant 0 : index
      %get3A_337 = tpu.vector_load %arg7[%get3A_335, %get3A_336] {strides = array<i32>} : memref<16x128xi32, #tpu.memory_space<vmem>>, vector<16xi32>,
      %gather3A = tpu.vector_load_idx %arg6[%get3A_337] : memref<100000xf32, #tpu.memory_space<vmem>>[vector<16xi32>], vector<16xf32>,
      %swap3A_338 = arith.constant 0 : i32
      %swap3A_339 = arith.index_cast %swap3A_338 : i32 to index
      %swap3A_340 = arith.constant 0 : index
      %swap3A_341 = tpu.vector_load %arg9[%swap3A_339, %swap3A_340] {strides = array<i32>} : memref<16x128xf32, #tpu.memory_space<vmem>>, vector<16xf32>,
      tpu.vector_store %arg9[%swap3A_339, %swap3A_340], %gather3A {strides = array<i32>} : memref<16x128xf32, #tpu.memory_space<vmem>>, vector<16xf32>,
      %get3A_342 = arith.constant 0 : i32
      %get3A_343 = arith.index_cast %get3A_342 : i32 to index
      %get3A_344 = arith.constant 16 : index
      %get3A_345 = tpu.vector_load %arg7[%get3A_343, %get3A_344] {strides = array<i32>} : memref<16x128xi32, #tpu.memory_space<vmem>>, vector<16xi32>,
      %gather3A_346 = tpu.vector_load_idx %arg6[%get3A_345] : memref<100000xf32, #tpu.memory_space<vmem>>[vector<16xi32>], vector<16xf32>,
      %swap3A_347 = arith.constant 0 : i32
      %swap3A_348 = arith.index_cast %swap3A_347 : i32 to index
      %swap3A_349 = arith.constant 16 : index
      %swap3A_350 = tpu.vector_load %arg9[%swap3A_348, %swap3A_349] {strides = array<i32>} : memref<16x128xf32, #tpu.memory_space<vmem>>, vector<16xf32>,
      tpu.vector_store %arg9[%swap3A_348, %swap3A_349], %gather3A_346 {strides = array<i32>} : memref<16x128xf32, #tpu.memory_space<vmem>>, vector<16xf32>,
      %get3A_351 = arith.constant 0 : i32
      %get3A_352 = arith.index_cast %get3A_351 : i32 to index
      %get3A_353 = arith.constant 32 : index
      %get3A_354 = tpu.vector_load %arg7[%get3A_352, %get3A_353] {strides = array<i32>} : memref<16x128xi32, #tpu.memory_space<vmem>>, vector<16xi32>,
      %gather3A_355 = tpu.vector_load_idx %arg6[%get3A_354] : memref<100000xf32, #tpu.memory_space<vmem>>[vector<16xi32>], vector<16xf32>,
      %swap3A_356 = arith.constant 0 : i32
      %swap3A_357 = arith.index_cast %swap3A_356 : i32 to index
      %swap3A_358 = arith.constant 32 : index
      %swap3A_359 = tpu.vector_load %arg9[%swap3A_357, %swap3A_358] {strides = array<i32>} : memref<16x128xf32, #tpu.memory_space<vmem>>, vector<16xf32>,
      tpu.vector_store %arg9[%swap3A_357, %swap3A_358], %gather3A_355 {strides = array<i32>} : memref<16x128xf32, #tpu.memory_space<vmem>>, vector<16xf32>,
      %get3A_360 = arith.constant 0 : i32
      %get3A_361 = arith.index_cast %get3A_360 : i32 to index
      %get3A_362 = arith.constant 48 : index
      %get3A_363 = tpu.vector_load %arg7[%get3A_361, %get3A_362] {strides = array<i32>} : memref<16x128xi32, #tpu.memory_space<vmem>>, vector<16xi32>,
      %gather3A_364 = tpu.vector_load_idx %arg6[%get3A_363] : memref<100000xf32, #tpu.memory_space<vmem>>[vector<16xi32>], vector<16xf32>,
      %swap3A_365 = arith.constant 0 : i32
      %swap3A_366 = arith.index_cast %swap3A_365 : i32 to index
      %swap3A_367 = arith.constant 48 : index
      %swap3A_368 = tpu.vector_load %arg9[%swap3A_366, %swap3A_367] {strides = array<i32>} : memref<16x128xf32, #tpu.memory_space<vmem>>, vector<16xf32>,
      tpu.vector_store %arg9[%swap3A_366, %swap3A_367], %gather3A_364 {strides = array<i32>} : memref<16x128xf32, #tpu.memory_space<vmem>>, vector<16xf32>,
      %get3A_369 = arith.constant 0 : i32
      %get3A_370 = arith.index_cast %get3A_369 : i32 to index
      %get3A_371 = arith.constant 64 : index
      %get3A_372 = tpu.vector_load %arg7[%get3A_370, %get3A_371] {strides = array<i32>} : memref<16x128xi32, #tpu.memory_space<vmem>>, vector<16xi32>,
      %gather3A_373 = tpu.vector_load_idx %arg6[%get3A_372] : memref<100000xf32, #tpu.memory_space<vmem>>[vector<16xi32>], vector<16xf32>,
      %swap3A_374 = arith.constant 0 : i32
      %swap3A_375 = arith.index_cast %swap3A_374 : i32 to index
      %swap3A_376 = arith.constant 64 : index
      %swap3A_377 = tpu.vector_load %arg9[%swap3A_375, %swap3A_376] {strides = array<i32>} : memref<16x128xf32, #tpu.memory_space<vmem>>, vector<16xf32>,
      tpu.vector_store %arg9[%swap3A_375, %swap3A_376], %gather3A_373 {strides = array<i32>} : memref<16x128xf32, #tpu.memory_space<vmem>>, vector<16xf32>,
      %get3A_378 = arith.constant 0 : i32
      %get3A_379 = arith.index_cast %get3A_378 : i32 to index
      %get3A_380 = arith.constant 80 : index
      %get3A_381 = tpu.vector_load %arg7[%get3A_379, %get3A_380] {strides = array<i32>} : memref<16x128xi32, #tpu.memory_space<vmem>>, vector<16xi32>,
      %gather3A_382 = tpu.vector_load_idx %arg6[%get3A_381] : memref<100000xf32, #tpu.memory_space<vmem>>[vector<16xi32>], vector<16xf32>,
      %swap3A_383 = arith.constant 0 : i32
      %swap3A_384 = arith.index_cast %swap3A_383 : i32 to index
      %swap3A_385 = arith.constant 80 : index
      %swap3A_386 = tpu.vector_load %arg9[%swap3A_384, %swap3A_385] {strides = array<i32>} : memref<16x128xf32, #tpu.memory_space<vmem>>, vector<16xf32>,
      tpu.vector_store %arg9[%swap3A_384, %swap3A_385], %gather3A_382 {strides = array<i32>} : memref<16x128xf32, #tpu.memory_space<vmem>>, vector<16xf32>,
      %get3A_387 = arith.constant 0 : i32
      %get3A_388 = arith.index_cast %get3A_387 : i32 to index
      %get3A_389 = arith.constant 96 : index
      %get3A_390 = tpu.vector_load %arg7[%get3A_388, %get3A_389] {strides = array<i32>} : memref<16x128xi32, #tpu.memory_space<vmem>>, vector<16xi32>,
      %gather3A_391 = tpu.vector_load_idx %arg6[%get3A_390] : memref<100000xf32, #tpu.memory_space<vmem>>[vector<16xi32>], vector<16xf32>,
      %swap3A_392 = arith.constant 0 : i32
      %swap3A_393 = arith.index_cast %swap3A_392 : i32 to index
      %swap3A_394 = arith.constant 96 : index
      %swap3A_395 = tpu.vector_load %arg9[%swap3A_393, %swap3A_394] {strides = array<i32>} : memref<16x128xf32, #tpu.memory_space<vmem>>, vector<16xf32>,
      tpu.vector_store %arg9[%swap3A_393, %swap3A_394], %gather3A_391 {strides = array<i32>} : memref<16x128xf32, #tpu.memory_space<vmem>>, vector<16xf32>,
      %get3A_396 = arith.constant 0 : i32
      %get3A_397 = arith.index_cast %get3A_396 : i32 to index
      %get3A_398 = arith.constant 112 : index
      %get3A_399 = tpu.vector_load %arg7[%get3A_397, %get3A_398] {strides = array<i32>} : memref<16x128xi32, #tpu.memory_space<vmem>>, vector<16xi32>,
      %gather3A_400 = tpu.vector_load_idx %arg6[%get3A_399] : memref<100000xf32, #tpu.memory_space<vmem>>[vector<16xi32>], vector<16xf32>,
      %swap3A_401 = arith.constant 0 : i32
      %swap3A_402 = arith.index_cast %swap3A_401 : i32 to index
      %swap3A_403 = arith.constant 112 : index
      %swap3A_404 = tpu.vector_load %arg9[%swap3A_402, %swap3A_403] {strides = array<i32>} : memref<16x128xf32, #tpu.memory_space<vmem>>, vector<16xf32>,
      tpu.vector_store %arg9[%swap3A_402, %swap3A_403], %gather3A_400 {strides = array<i32>} : memref<16x128xf32, #tpu.memory_space<vmem>>, vector<16xf32>,
      %get3A_405 = arith.constant 1 : i32
      %get3A_406 = arith.index_cast %get3A_405 : i32 to index
      %get3A_407 = arith.constant 0 : index
      %get3A_408 = tpu.vector_load %arg7[%get3A_406, %get3A_407] {strides = array<i32>} : memref<16x128xi32, #tpu.memory_space<vmem>>, vector<16xi32>,
      %gather3A_409 = tpu.vector_load_idx %arg6[%get3A_408] : memref<100000xf32, #tpu.memory_space<vmem>>[vector<16xi32>], vector<16xf32>,
      %swap3A_410 = arith.constant 1 : i32
      %swap3A_411 = arith.index_cast %swap3A_410 : i32 to index
      %swap3A_412 = arith.constant 0 : index
      %swap3A_413 = tpu.vector_load %arg9[%swap3A_411, %swap3A_412] {strides = array<i32>} : memref<16x128xf32, #tpu.memory_space<vmem>>, vector<16xf32>,
      tpu.vector_store %arg9[%swap3A_411, %swap3A_412], %gather3A_409 {strides = array<i32>} : memref<16x128xf32, #tpu.memory_space<vmem>>, vector<16xf32>,
      %get3A_414 = arith.constant 1 : i32
      %get3A_415 = arith.index_cast %get3A_414 : i32 to index
      %get3A_416 = arith.constant 16 : index
      %get3A_417 = tpu.vector_load %arg7[%get3A_415, %get3A_416] {strides = array<i32>} : memref<16x128xi32, #tpu.memory_space<vmem>>, vector<16xi32>,
      %gather3A_418 = tpu.vector_load_idx %arg6[%get3A_417] : memref<100000xf32, #tpu.memory_space<vmem>>[vector<16xi32>], vector<16xf32>,
      %swap3A_419 = arith.constant 1 : i32
      %swap3A_420 = arith.index_cast %swap3A_419 : i32 to index
      %swap3A_421 = arith.constant 16 : index
      %swap3A_422 = tpu.vector_load %arg9[%swap3A_420, %swap3A_421] {strides = array<i32>} : memref<16x128xf32, #tpu.memory_space<vmem>>, vector<16xf32>,
      tpu.vector_store %arg9[%swap3A_420, %swap3A_421], %gather3A_418 {strides = array<i32>} : memref<16x128xf32, #tpu.memory_space<vmem>>, vector<16xf32>,
      %get3A_423 = arith.constant 1 : i32
      %get3A_424 = arith.index_cast %get3A_423 : i32 to index
      %get3A_425 = arith.constant 32 : index
      %get3A_426 = tpu.vector_load %arg7[%get3A_424, %get3A_425] {strides = array<i32>} : memref<16x128xi32, #tpu.memory_space<vmem>>, vector<16xi32>,
      %gather3A_427 = tpu.vector_load_idx %arg6[%get3A_426] : memref<100000xf32, #tpu.memory_space<vmem>>[vector<16xi32>], vector<16xf32>,
      %swap3A_428 = arith.constant 1 : i32
      %swap3A_429 = arith.index_cast %swap3A_428 : i32 to index
      %swap3A_430 = arith.constant 32 : index
      %swap3A_431 = tpu.vector_load %arg9[%swap3A_429, %swap3A_430] {strides = array<i32>} : memref<16x128xf32, #tpu.memory_space<vmem>>, vector<16xf32>,
      tpu.vector_store %arg9[%swap3A_429, %swap3A_430], %gather3A_427 {strides = array<i32>} : memref<16x128xf32, #tpu.memory_space<vmem>>, vector<16xf32>,
      %get3A_432 = arith.constant 1 : i32
      %get3A_433 = arith.index_cast %get3A_432 : i32 to index
      %get3A_434 = arith.constant 48 : index
      %get3A_435 = tpu.vector_load %arg7[%get3A_433, %get3A_434] {strides = array<i32>} : memref<16x128xi32, #tpu.memory_space<vmem>>, vector<16xi32>,
      %gather3A_436 = tpu.vector_load_idx %arg6[%get3A_435] : memref<100000xf32, #tpu.memory_space<vmem>>[vector<16xi32>], vector<16xf32>,
      %swap3A_437 = arith.constant 1 : i32
      %swap3A_438 = arith.index_cast %swap3A_437 : i32 to index
      %swap3A_439 = arith.constant 48 : index
      %swap3A_440 = tpu.vector_load %arg9[%swap3A_438, %swap3A_439] {strides = array<i32>} : memref<16x128xf32, #tpu.memory_space<vmem>>, vector<16xf32>,
      tpu.vector_store %arg9[%swap3A_438, %swap3A_439], %gather3A_436 {strides = array<i32>} : memref<16x128xf32, #tpu.memory_space<vmem>>, vector<16xf32>,
      %get3A_441 = arith.constant 1 : i32
      %get3A_442 = arith.index_cast %get3A_441 : i32 to index
      %get3A_443 = arith.constant 64 : index
      %get3A_444 = tpu.vector_load %arg7[%get3A_442, %get3A_443] {strides = array<i32>} : memref<16x128xi32, #tpu.memory_space<vmem>>, vector<16xi32>,
      %gather3A_445 = tpu.vector_load_idx %arg6[%get3A_444] : memref<100000xf32, #tpu.memory_space<vmem>>[vector<16xi32>], vector<16xf32>,
      %swap3A_446 = arith.constant 1 : i32
      %swap3A_447 = arith.index_cast %swap3A_446 : i32 to index
      %swap3A_448 = arith.constant 64 : index
      %swap3A_449 = tpu.vector_load %arg9[%swap3A_447, %swap3A_448] {strides = array<i32>} : memref<16x128xf32, #tpu.memory_space<vmem>>, vector<16xf32>,
      tpu.vector_store %arg9[%swap3A_447, %swap3A_448], %gather3A_445 {strides = array<i32>} : memref<16x128xf32, #tpu.memory_space<vmem>>, vector<16xf32>,
      %get3A_450 = arith.constant 1 : i32
      %get3A_451 = arith.index_cast %get3A_450 : i32 to index
      %get3A_452 = arith.constant 80 : index
      %get3A_453 = tpu.vector_load %arg7[%get3A_451, %get3A_452] {strides = array<i32>} : memref<16x128xi32, #tpu.memory_space<vmem>>, vector<16xi32>,
      %gather3A_454 = tpu.vector_load_idx %arg6[%get3A_453] : memref<100000xf32, #tpu.memory_space<vmem>>[vector<16xi32>], vector<16xf32>,
      %swap3A_455 = arith.constant 1 : i32
      %swap3A_456 = arith.index_cast %swap3A_455 : i32 to index
      %swap3A_457 = arith.constant 80 : index
      %swap3A_458 = tpu.vector_load %arg9[%swap3A_456, %swap3A_457] {strides = array<i32>} : memref<16x128xf32, #tpu.memory_space<vmem>>, vector<16xf32>,
      tpu.vector_store %arg9[%swap3A_456, %swap3A_457], %gather3A_454 {strides = array<i32>} : memref<16x128xf32, #tpu.memory_space<vmem>>, vector<16xf32>,
      %get3A_459 = arith.constant 1 : i32
      %get3A_460 = arith.index_cast %get3A_459 : i32 to index
      %get3A_461 = arith.constant 96 : index
      %get3A_462 = tpu.vector_load %arg7[%get3A_460, %get3A_461] {strides = array<i32>} : memref<16x128xi32, #tpu.memory_space<vmem>>, vector<16xi32>,
      %gather3A_463 = tpu.vector_load_idx %arg6[%get3A_462] : memref<100000xf32, #tpu.memory_space<vmem>>[vector<16xi32>], vector<16xf32>,
      %swap3A_464 = arith.constant 1 : i32
      %swap3A_465 = arith.index_cast %swap3A_464 : i32 to index
      %swap3A_466 = arith.constant 96 : index
      %swap3A_467 = tpu.vector_load %arg9[%swap3A_465, %swap3A_466] {strides = array<i32>} : memref<16x128xf32, #tpu.memory_space<vmem>>, vector<16xf32>,
      tpu.vector_store %arg9[%swap3A_465, %swap3A_466], %gather3A_463 {strides = array<i32>} : memref<16x128xf32, #tpu.memory_space<vmem>>, vector<16xf32>,
      %get3A_468 = arith.constant 1 : i32
      %get3A_469 = arith.index_cast %get3A_468 : i32 to index
      %get3A_470 = arith.constant 112 : index
      %get3A_471 = tpu.vector_load %arg7[%get3A_469, %get3A_470] {strides = array<i32>} : memref<16x128xi32, #tpu.memory_space<vmem>>, vector<16xi32>,
      %gather3A_472 = tpu.vector_load_idx %arg6[%get3A_471] : memref<100000xf32, #tpu.memory_space<vmem>>[vector<16xi32>], vector<16xf32>,
      %swap3A_473 = arith.constant 1 : i32
      %swap3A_474 = arith.index_cast %swap3A_473 : i32 to index
      %swap3A_475 = arith.constant 112 : index
      %swap3A_476 = tpu.vector_load %arg9[%swap3A_474, %swap3A_475] {strides = array<i32>} : memref<16x128xf32, #tpu.memory_space<vmem>>, vector<16xf32>,
      tpu.vector_store %arg9[%swap3A_474, %swap3A_475], %gather3A_472 {strides = array<i32>} : memref<16x128xf32, #tpu.memory_space<vmem>>, vector<16xf32>,
      %get3A_477 = arith.constant 2 : i32
      %get3A_478 = arith.index_cast %get3A_477 : i32 to index
      %get3A_479 = arith.constant 0 : index
      %get3A_480 = tpu.vector_load %arg7[%get3A_478, %get3A_479] {strides = array<i32>} : memref<16x128xi32, #tpu.memory_space<vmem>>, vector<16xi32>,
      %gather3A_481 = tpu.vector_load_idx %arg6[%get3A_480] : memref<100000xf32, #tpu.memory_space<vmem>>[vector<16xi32>], vector<16xf32>,
      %swap3A_482 = arith.constant 2 : i32
      %swap3A_483 = arith.index_cast %swap3A_482 : i32 to index
      %swap3A_484 = arith.constant 0 : index
      %swap3A_485 = tpu.vector_load %arg9[%swap3A_483, %swap3A_484] {strides = array<i32>} : memref<16x128xf32, #tpu.memory_space<vmem>>, vector<16xf32>,
      tpu.vector_store %arg9[%swap3A_483, %swap3A_484], %gather3A_481 {strides = array<i32>} : memref<16x128xf32, #tpu.memory_space<vmem>>, vector<16xf32>,
      %get3A_486 = arith.constant 2 : i32
      %get3A_487 = arith.index_cast %get3A_486 : i32 to index
      %get3A_488 = arith.constant 16 : index
      %get3A_489 = tpu.vector_load %arg7[%get3A_487, %get3A_488] {strides = array<i32>} : memref<16x128xi32, #tpu.memory_space<vmem>>, vector<16xi32>,
      %gather3A_490 = tpu.vector_load_idx %arg6[%get3A_489] : memref<100000xf32, #tpu.memory_space<vmem>>[vector<16xi32>], vector<16xf32>,
      %swap3A_491 = arith.constant 2 : i32
      %swap3A_492 = arith.index_cast %swap3A_491 : i32 to index
      %swap3A_493 = arith.constant 16 : index
      %swap3A_494 = tpu.vector_load %arg9[%swap3A_492, %swap3A_493] {strides = array<i32>} : memref<16x128xf32, #tpu.memory_space<vmem>>, vector<16xf32>,
      tpu.vector_store %arg9[%swap3A_492, %swap3A_493], %gather3A_490 {strides = array<i32>} : memref<16x128xf32, #tpu.memory_space<vmem>>, vector<16xf32>,
      %get3A_495 = arith.constant 2 : i32
      %get3A_496 = arith.index_cast %get3A_495 : i32 to index
      %get3A_497 = arith.constant 32 : index
      %get3A_498 = tpu.vector_load %arg7[%get3A_496, %get3A_497] {strides = array<i32>} : memref<16x128xi32, #tpu.memory_space<vmem>>, vector<16xi32>,
      %gather3A_499 = tpu.vector_load_idx %arg6[%get3A_498] : memref<100000xf32, #tpu.memory_space<vmem>>[vector<16xi32>], vector<16xf32>,
      %swap3A_500 = arith.constant 2 : i32
      %swap3A_501 = arith.index_cast %swap3A_500 : i32 to index
      %swap3A_502 = arith.constant 32 : index
      %swap3A_503 = tpu.vector_load %arg9[%swap3A_501, %swap3A_502] {strides = array<i32>} : memref<16x128xf32, #tpu.memory_space<vmem>>, vector<16xf32>,
      tpu.vector_store %arg9[%swap3A_501, %swap3A_502], %gather3A_499 {strides = array<i32>} : memref<16x128xf32, #tpu.memory_space<vmem>>, vector<16xf32>,
      %get3A_504 = arith.constant 2 : i32
      %get3A_505 = arith.index_cast %get3A_504 : i32 to index
      %get3A_506 = arith.constant 48 : index
      %get3A_507 = tpu.vector_load %arg7[%get3A_505, %get3A_506] {strides = array<i32>} : memref<16x128xi32, #tpu.memory_space<vmem>>, vector<16xi32>,
      %gather3A_508 = tpu.vector_load_idx %arg6[%get3A_507] : memref<100000xf32, #tpu.memory_space<vmem>>[vector<16xi32>], vector<16xf32>,
      %swap3A_509 = arith.constant 2 : i32
      %swap3A_510 = arith.index_cast %swap3A_509 : i32 to index
      %swap3A_511 = arith.constant 48 : index
      %swap3A_512 = tpu.vector_load %arg9[%swap3A_510, %swap3A_511] {strides = array<i32>} : memref<16x128xf32, #tpu.memory_space<vmem>>, vector<16xf32>,
      tpu.vector_store %arg9[%swap3A_510, %swap3A_511], %gather3A_508 {strides = array<i32>} : memref<16x128xf32, #tpu.memory_space<vmem>>, vector<16xf32>,
      %get3A_513 = arith.constant 2 : i32
      %get3A_514 = arith.index_cast %get3A_513 : i32 to index
      %get3A_515 = arith.constant 64 : index
      %get3A_516 = tpu.vector_load %arg7[%get3A_514, %get3A_515] {strides = array<i32>} : memref<16x128xi32, #tpu.memory_space<vmem>>, vector<16xi32>,
      %gather3A_517 = tpu.vector_load_idx %arg6[%get3A_516] : memref<100000xf32, #tpu.memory_space<vmem>>[vector<16xi32>], vector<16xf32>,
      %swap3A_518 = arith.constant 2 : i32
      %swap3A_519 = arith.index_cast %swap3A_518 : i32 to index
      %swap3A_520 = arith.constant 64 : index
      %swap3A_521 = tpu.vector_load %arg9[%swap3A_519, %swap3A_520] {strides = array<i32>} : memref<16x128xf32, #tpu.memory_space<vmem>>, vector<16xf32>,
      tpu.vector_store %arg9[%swap3A_519, %swap3A_520], %gather3A_517 {strides = array<i32>} : memref<16x128xf32, #tpu.memory_space<vmem>>, vector<16xf32>,
      %get3A_522 = arith.constant 2 : i32
      %get3A_523 = arith.index_cast %get3A_522 : i32 to index
      %get3A_524 = arith.constant 80 : index
      %get3A_525 = tpu.vector_load %arg7[%get3A_523, %get3A_524] {strides = array<i32>} : memref<16x128xi32, #tpu.memory_space<vmem>>, vector<16xi32>,
      %gather3A_526 = tpu.vector_load_idx %arg6[%get3A_525] : memref<100000xf32, #tpu.memory_space<vmem>>[vector<16xi32>], vector<16xf32>,
      %swap3A_527 = arith.constant 2 : i32
      %swap3A_528 = arith.index_cast %swap3A_527 : i32 to index
      %swap3A_529 = arith.constant 80 : index
      %swap3A_530 = tpu.vector_load %arg9[%swap3A_528, %swap3A_529] {strides = array<i32>} : memref<16x128xf32, #tpu.memory_space<vmem>>, vector<16xf32>,
      tpu.vector_store %arg9[%swap3A_528, %swap3A_529], %gather3A_526 {strides = array<i32>} : memref<16x128xf32, #tpu.memory_space<vmem>>, vector<16xf32>,
      %get3A_531 = arith.constant 2 : i32
      %get3A_532 = arith.index_cast %get3A_531 : i32 to index
      %get3A_533 = arith.constant 96 : index
      %get3A_534 = tpu.vector_load %arg7[%get3A_532, %get3A_533] {strides = array<i32>} : memref<16x128xi32, #tpu.memory_space<vmem>>, vector<16xi32>,
      %gather3A_535 = tpu.vector_load_idx %arg6[%get3A_534] : memref<100000xf32, #tpu.memory_space<vmem>>[vector<16xi32>], vector<16xf32>,
      %swap3A_536 = arith.constant 2 : i32
      %swap3A_537 = arith.index_cast %swap3A_536 : i32 to index
      %swap3A_538 = arith.constant 96 : index
      %swap3A_539 = tpu.vector_load %arg9[%swap3A_537, %swap3A_538] {strides = array<i32>} : memref<16x128xf32, #tpu.memory_space<vmem>>, vector<16xf32>,
      tpu.vector_store %arg9[%swap3A_537, %swap3A_538], %gather3A_535 {strides = array<i32>} : memref<16x128xf32, #tpu.memory_space<vmem>>, vector<16xf32>,
      %get3A_540 = arith.constant 2 : i32
      %get3A_541 = arith.index_cast %get3A_540 : i32 to index
      %get3A_542 = arith.constant 112 : index
      %get3A_543 = tpu.vector_load %arg7[%get3A_541, %get3A_542] {strides = array<i32>} : memref<16x128xi32, #tpu.memory_space<vmem>>, vector<16xi32>,
      %gather3A_544 = tpu.vector_load_idx %arg6[%get3A_543] : memref<100000xf32, #tpu.memory_space<vmem>>[vector<16xi32>], vector<16xf32>,
      %swap3A_545 = arith.constant 2 : i32
      %swap3A_546 = arith.index_cast %swap3A_545 : i32 to index
      %swap3A_547 = arith.constant 112 : index
      %swap3A_548 = tpu.vector_load %arg9[%swap3A_546, %swap3A_547] {strides = array<i32>} : memref<16x128xf32, #tpu.memory_space<vmem>>, vector<16xf32>,
      tpu.vector_store %arg9[%swap3A_546, %swap3A_547], %gather3A_544 {strides = array<i32>} : memref<16x128xf32, #tpu.memory_space<vmem>>, vector<16xf32>,
      %get3A_549 = arith.constant 3 : i32
      %get3A_550 = arith.index_cast %get3A_549 : i32 to index
      %get3A_551 = arith.constant 0 : index
      %get3A_552 = tpu.vector_load %arg7[%get3A_550, %get3A_551] {strides = array<i32>} : memref<16x128xi32, #tpu.memory_space<vmem>>, vector<16xi32>,
      %gather3A_553 = tpu.vector_load_idx %arg6[%get3A_552] : memref<100000xf32, #tpu.memory_space<vmem>>[vector<16xi32>], vector<16xf32>,
      %swap3A_554 = arith.constant 3 : i32
      %swap3A_555 = arith.index_cast %swap3A_554 : i32 to index
      %swap3A_556 = arith.constant 0 : index
      %swap3A_557 = tpu.vector_load %arg9[%swap3A_555, %swap3A_556] {strides = array<i32>} : memref<16x128xf32, #tpu.memory_space<vmem>>, vector<16xf32>,
      tpu.vector_store %arg9[%swap3A_555, %swap3A_556], %gather3A_553 {strides = array<i32>} : memref<16x128xf32, #tpu.memory_space<vmem>>, vector<16xf32>,
      %get3A_558 = arith.constant 3 : i32
      %get3A_559 = arith.index_cast %get3A_558 : i32 to index
      %get3A_560 = arith.constant 16 : index
      %get3A_561 = tpu.vector_load %arg7[%get3A_559, %get3A_560] {strides = array<i32>} : memref<16x128xi32, #tpu.memory_space<vmem>>, vector<16xi32>,
      %gather3A_562 = tpu.vector_load_idx %arg6[%get3A_561] : memref<100000xf32, #tpu.memory_space<vmem>>[vector<16xi32>], vector<16xf32>,
      %swap3A_563 = arith.constant 3 : i32
      %swap3A_564 = arith.index_cast %swap3A_563 : i32 to index
      %swap3A_565 = arith.constant 16 : index
      %swap3A_566 = tpu.vector_load %arg9[%swap3A_564, %swap3A_565] {strides = array<i32>} : memref<16x128xf32, #tpu.memory_space<vmem>>, vector<16xf32>,
      tpu.vector_store %arg9[%swap3A_564, %swap3A_565], %gather3A_562 {strides = array<i32>} : memref<16x128xf32, #tpu.memory_space<vmem>>, vector<16xf32>,
      %get3A_567 = arith.constant 3 : i32
      %get3A_568 = arith.index_cast %get3A_567 : i32 to index
      %get3A_569 = arith.constant 32 : index
      %get3A_570 = tpu.vector_load %arg7[%get3A_568, %get3A_569] {strides = array<i32>} : memref<16x128xi32, #tpu.memory_space<vmem>>, vector<16xi32>,
      %gather3A_571 = tpu.vector_load_idx %arg6[%get3A_570] : memref<100000xf32, #tpu.memory_space<vmem>>[vector<16xi32>], vector<16xf32>,
      %swap3A_572 = arith.constant 3 : i32
      %swap3A_573 = arith.index_cast %swap3A_572 : i32 to index
      %swap3A_574 = arith.constant 32 : index
      %swap3A_575 = tpu.vector_load %arg9[%swap3A_573, %swap3A_574] {strides = array<i32>} : memref<16x128xf32, #tpu.memory_space<vmem>>, vector<16xf32>,
      tpu.vector_store %arg9[%swap3A_573, %swap3A_574], %gather3A_571 {strides = array<i32>} : memref<16x128xf32, #tpu.memory_space<vmem>>, vector<16xf32>,
      %get3A_576 = arith.constant 3 : i32
      %get3A_577 = arith.index_cast %get3A_576 : i32 to index
      %get3A_578 = arith.constant 48 : index
      %get3A_579 = tpu.vector_load %arg7[%get3A_577, %get3A_578] {strides = array<i32>} : memref<16x128xi32, #tpu.memory_space<vmem>>, vector<16xi32>,
      %gather3A_580 = tpu.vector_load_idx %arg6[%get3A_579] : memref<100000xf32, #tpu.memory_space<vmem>>[vector<16xi32>], vector<16xf32>,
      %swap3A_581 = arith.constant 3 : i32
      %swap3A_582 = arith.index_cast %swap3A_581 : i32 to index
      %swap3A_583 = arith.constant 48 : index
      %swap3A_584 = tpu.vector_load %arg9[%swap3A_582, %swap3A_583] {strides = array<i32>} : memref<16x128xf32, #tpu.memory_space<vmem>>, vector<16xf32>,
      tpu.vector_store %arg9[%swap3A_582, %swap3A_583], %gather3A_580 {strides = array<i32>} : memref<16x128xf32, #tpu.memory_space<vmem>>, vector<16xf32>,
      %get3A_585 = arith.constant 3 : i32
      %get3A_586 = arith.index_cast %get3A_585 : i32 to index
      %get3A_587 = arith.constant 64 : index
      %get3A_588 = tpu.vector_load %arg7[%get3A_586, %get3A_587] {strides = array<i32>} : memref<16x128xi32, #tpu.memory_space<vmem>>, vector<16xi32>,
      %gather3A_589 = tpu.vector_load_idx %arg6[%get3A_588] : memref<100000xf32, #tpu.memory_space<vmem>>[vector<16xi32>], vector<16xf32>,
      %swap3A_590 = arith.constant 3 : i32
      %swap3A_591 = arith.index_cast %swap3A_590 : i32 to index
      %swap3A_592 = arith.constant 64 : index
      %swap3A_593 = tpu.vector_load %arg9[%swap3A_591, %swap3A_592] {strides = array<i32>} : memref<16x128xf32, #tpu.memory_space<vmem>>, vector<16xf32>,
      tpu.vector_store %arg9[%swap3A_591, %swap3A_592], %gather3A_589 {strides = array<i32>} : memref<16x128xf32, #tpu.memory_space<vmem>>, vector<16xf32>,
      %get3A_594 = arith.constant 3 : i32
      %get3A_595 = arith.index_cast %get3A_594 : i32 to index
      %get3A_596 = arith.constant 80 : index
      %get3A_597 = tpu.vector_load %arg7[%get3A_595, %get3A_596] {strides = array<i32>} : memref<16x128xi32, #tpu.memory_space<vmem>>, vector<16xi32>,
      %gather3A_598 = tpu.vector_load_idx %arg6[%get3A_597] : memref<100000xf32, #tpu.memory_space<vmem>>[vector<16xi32>], vector<16xf32>,
      %swap3A_599 = arith.constant 3 : i32
      %swap3A_600 = arith.index_cast %swap3A_599 : i32 to index
      %swap3A_601 = arith.constant 80 : index
      %swap3A_602 = tpu.vector_load %arg9[%swap3A_600, %swap3A_601] {strides = array<i32>} : memref<16x128xf32, #tpu.memory_space<vmem>>, vector<16xf32>,
      tpu.vector_store %arg9[%swap3A_600, %swap3A_601], %gather3A_598 {strides = array<i32>} : memref<16x128xf32, #tpu.memory_space<vmem>>, vector<16xf32>,
      %get3A_603 = arith.constant 3 : i32
      %get3A_604 = arith.index_cast %get3A_603 : i32 to index
      %get3A_605 = arith.constant 96 : index
      %get3A_606 = tpu.vector_load %arg7[%get3A_604, %get3A_605] {strides = array<i32>} : memref<16x128xi32, #tpu.memory_space<vmem>>, vector<16xi32>,
      %gather3A_607 = tpu.vector_load_idx %arg6[%get3A_606] : memref<100000xf32, #tpu.memory_space<vmem>>[vector<16xi32>], vector<16xf32>,
      %swap3A_608 = arith.constant 3 : i32
      %swap3A_609 = arith.index_cast %swap3A_608 : i32 to index
      %swap3A_610 = arith.constant 96 : index
      %swap3A_611 = tpu.vector_load %arg9[%swap3A_609, %swap3A_610] {strides = array<i32>} : memref<16x128xf32, #tpu.memory_space<vmem>>, vector<16xf32>,
      tpu.vector_store %arg9[%swap3A_609, %swap3A_610], %gather3A_607 {strides = array<i32>} : memref<16x128xf32, #tpu.memory_space<vmem>>, vector<16xf32>,
      %get3A_612 = arith.constant 3 : i32
      %get3A_613 = arith.index_cast %get3A_612 : i32 to index
      %get3A_614 = arith.constant 112 : index
      %get3A_615 = tpu.vector_load %arg7[%get3A_613, %get3A_614] {strides = array<i32>} : memref<16x128xi32, #tpu.memory_space<vmem>>, vector<16xi32>,
      %gather3A_616 = tpu.vector_load_idx %arg6[%get3A_615] : memref<100000xf32, #tpu.memory_space<vmem>>[vector<16xi32>], vector<16xf32>,
      %swap3A_617 = arith.constant 3 : i32
      %swap3A_618 = arith.index_cast %swap3A_617 : i32 to index
      %swap3A_619 = arith.constant 112 : index
      %swap3A_620 = tpu.vector_load %arg9[%swap3A_618, %swap3A_619] {strides = array<i32>} : memref<16x128xf32, #tpu.memory_space<vmem>>, vector<16xf32>,
      tpu.vector_store %arg9[%swap3A_618, %swap3A_619], %gather3A_616 {strides = array<i32>} : memref<16x128xf32, #tpu.memory_space<vmem>>, vector<16xf32>,
      %get3A_621 = arith.constant 4 : i32
      %get3A_622 = arith.index_cast %get3A_621 : i32 to index
      %get3A_623 = arith.constant 0 : index
      %get3A_624 = tpu.vector_load %arg7[%get3A_622, %get3A_623] {strides = array<i32>} : memref<16x128xi32, #tpu.memory_space<vmem>>, vector<16xi32>,
      %gather3A_625 = tpu.vector_load_idx %arg6[%get3A_624] : memref<100000xf32, #tpu.memory_space<vmem>>[vector<16xi32>], vector<16xf32>,
      %swap3A_626 = arith.constant 4 : i32
      %swap3A_627 = arith.index_cast %swap3A_626 : i32 to index
      %swap3A_628 = arith.constant 0 : index
      %swap3A_629 = tpu.vector_load %arg9[%swap3A_627, %swap3A_628] {strides = array<i32>} : memref<16x128xf32, #tpu.memory_space<vmem>>, vector<16xf32>,
      tpu.vector_store %arg9[%swap3A_627, %swap3A_628], %gather3A_625 {strides = array<i32>} : memref<16x128xf32, #tpu.memory_space<vmem>>, vector<16xf32>,
      %get3A_630 = arith.constant 4 : i32
      %get3A_631 = arith.index_cast %get3A_630 : i32 to index
      %get3A_632 = arith.constant 16 : index
      %get3A_633 = tpu.vector_load %arg7[%get3A_631, %get3A_632] {strides = array<i32>} : memref<16x128xi32, #tpu.memory_space<vmem>>, vector<16xi32>,
      %gather3A_634 = tpu.vector_load_idx %arg6[%get3A_633] : memref<100000xf32, #tpu.memory_space<vmem>>[vector<16xi32>], vector<16xf32>,
      %swap3A_635 = arith.constant 4 : i32
      %swap3A_636 = arith.index_cast %swap3A_635 : i32 to index
      %swap3A_637 = arith.constant 16 : index
      %swap3A_638 = tpu.vector_load %arg9[%swap3A_636, %swap3A_637] {strides = array<i32>} : memref<16x128xf32, #tpu.memory_space<vmem>>, vector<16xf32>,
      tpu.vector_store %arg9[%swap3A_636, %swap3A_637], %gather3A_634 {strides = array<i32>} : memref<16x128xf32, #tpu.memory_space<vmem>>, vector<16xf32>,
      %get3A_639 = arith.constant 4 : i32
      %get3A_640 = arith.index_cast %get3A_639 : i32 to index
      %get3A_641 = arith.constant 32 : index
      %get3A_642 = tpu.vector_load %arg7[%get3A_640, %get3A_641] {strides = array<i32>} : memref<16x128xi32, #tpu.memory_space<vmem>>, vector<16xi32>,
      %gather3A_643 = tpu.vector_load_idx %arg6[%get3A_642] : memref<100000xf32, #tpu.memory_space<vmem>>[vector<16xi32>], vector<16xf32>,
      %swap3A_644 = arith.constant 4 : i32
      %swap3A_645 = arith.index_cast %swap3A_644 : i32 to index
      %swap3A_646 = arith.constant 32 : index
      %swap3A_647 = tpu.vector_load %arg9[%swap3A_645, %swap3A_646] {strides = array<i32>} : memref<16x128xf32, #tpu.memory_space<vmem>>, vector<16xf32>,
      tpu.vector_store %arg9[%swap3A_645, %swap3A_646], %gather3A_643 {strides = array<i32>} : memref<16x128xf32, #tpu.memory_space<vmem>>, vector<16xf32>,
      %get3A_648 = arith.constant 4 : i32
      %get3A_649 = arith.index_cast %get3A_648 : i32 to index
      %get3A_650 = arith.constant 48 : index
      %get3A_651 = tpu.vector_load %arg7[%get3A_649, %get3A_650] {strides = array<i32>} : memref<16x128xi32, #tpu.memory_space<vmem>>, vector<16xi32>,
      %gather3A_652 = tpu.vector_load_idx %arg6[%get3A_651] : memref<100000xf32, #tpu.memory_space<vmem>>[vector<16xi32>], vector<16xf32>,
      %swap3A_653 = arith.constant 4 : i32
      %swap3A_654 = arith.index_cast %swap3A_653 : i32 to index
      %swap3A_655 = arith.constant 48 : index
      %swap3A_656 = tpu.vector_load %arg9[%swap3A_654, %swap3A_655] {strides = array<i32>} : memref<16x128xf32, #tpu.memory_space<vmem>>, vector<16xf32>,
      tpu.vector_store %arg9[%swap3A_654, %swap3A_655], %gather3A_652 {strides = array<i32>} : memref<16x128xf32, #tpu.memory_space<vmem>>, vector<16xf32>,
      %get3A_657 = arith.constant 4 : i32
      %get3A_658 = arith.index_cast %get3A_657 : i32 to index
      %get3A_659 = arith.constant 64 : index
      %get3A_660 = tpu.vector_load %arg7[%get3A_658, %get3A_659] {strides = array<i32>} : memref<16x128xi32, #tpu.memory_space<vmem>>, vector<16xi32>,
      %gather3A_661 = tpu.vector_load_idx %arg6[%get3A_660] : memref<100000xf32, #tpu.memory_space<vmem>>[vector<16xi32>], vector<16xf32>,
      %swap3A_662 = arith.constant 4 : i32
      %swap3A_663 = arith.index_cast %swap3A_662 : i32 to index
      %swap3A_664 = arith.constant 64 : index
      %swap3A_665 = tpu.vector_load %arg9[%swap3A_663, %swap3A_664] {strides = array<i32>} : memref<16x128xf32, #tpu.memory_space<vmem>>, vector<16xf32>,
      tpu.vector_store %arg9[%swap3A_663, %swap3A_664], %gather3A_661 {strides = array<i32>} : memref<16x128xf32, #tpu.memory_space<vmem>>, vector<16xf32>,
      %get3A_666 = arith.constant 4 : i32
      %get3A_667 = arith.index_cast %get3A_666 : i32 to index
      %get3A_668 = arith.constant 80 : index
      %get3A_669 = tpu.vector_load %arg7[%get3A_667, %get3A_668] {strides = array<i32>} : memref<16x128xi32, #tpu.memory_space<vmem>>, vector<16xi32>,
      %gather3A_670 = tpu.vector_load_idx %arg6[%get3A_669] : memref<100000xf32, #tpu.memory_space<vmem>>[vector<16xi32>], vector<16xf32>,
      %swap3A_671 = arith.constant 4 : i32
      %swap3A_672 = arith.index_cast %swap3A_671 : i32 to index
      %swap3A_673 = arith.constant 80 : index
      %swap3A_674 = tpu.vector_load %arg9[%swap3A_672, %swap3A_673] {strides = array<i32>} : memref<16x128xf32, #tpu.memory_space<vmem>>, vector<16xf32>,
      tpu.vector_store %arg9[%swap3A_672, %swap3A_673], %gather3A_670 {strides = array<i32>} : memref<16x128xf32, #tpu.memory_space<vmem>>, vector<16xf32>,
      %get3A_675 = arith.constant 4 : i32
      %get3A_676 = arith.index_cast %get3A_675 : i32 to index
      %get3A_677 = arith.constant 96 : index
      %get3A_678 = tpu.vector_load %arg7[%get3A_676, %get3A_677] {strides = array<i32>} : memref<16x128xi32, #tpu.memory_space<vmem>>, vector<16xi32>,
      %gather3A_679 = tpu.vector_load_idx %arg6[%get3A_678] : memref<100000xf32, #tpu.memory_space<vmem>>[vector<16xi32>], vector<16xf32>,
      %swap3A_680 = arith.constant 4 : i32
      %swap3A_681 = arith.index_cast %swap3A_680 : i32 to index
      %swap3A_682 = arith.constant 96 : index
      %swap3A_683 = tpu.vector_load %arg9[%swap3A_681, %swap3A_682] {strides = array<i32>} : memref<16x128xf32, #tpu.memory_space<vmem>>, vector<16xf32>,
      tpu.vector_store %arg9[%swap3A_681, %swap3A_682], %gather3A_679 {strides = array<i32>} : memref<16x128xf32, #tpu.memory_space<vmem>>, vector<16xf32>,
      %get3A_684 = arith.constant 4 : i32
      %get3A_685 = arith.index_cast %get3A_684 : i32 to index
      %get3A_686 = arith.constant 112 : index
      %get3A_687 = tpu.vector_load %arg7[%get3A_685, %get3A_686] {strides = array<i32>} : memref<16x128xi32, #tpu.memory_space<vmem>>, vector<16xi32>,
      %gather3A_688 = tpu.vector_load_idx %arg6[%get3A_687] : memref<100000xf32, #tpu.memory_space<vmem>>[vector<16xi32>], vector<16xf32>,
      %swap3A_689 = arith.constant 4 : i32
      %swap3A_690 = arith.index_cast %swap3A_689 : i32 to index
      %swap3A_691 = arith.constant 112 : index
      %swap3A_692 = tpu.vector_load %arg9[%swap3A_690, %swap3A_691] {strides = array<i32>} : memref<16x128xf32, #tpu.memory_space<vmem>>, vector<16xf32>,
      tpu.vector_store %arg9[%swap3A_690, %swap3A_691], %gather3A_688 {strides = array<i32>} : memref<16x128xf32, #tpu.memory_space<vmem>>, vector<16xf32>,
      %get3A_693 = arith.constant 5 : i32
      %get3A_694 = arith.index_cast %get3A_693 : i32 to index
      %get3A_695 = arith.constant 0 : index
      %get3A_696 = tpu.vector_load %arg7[%get3A_694, %get3A_695] {strides = array<i32>} : memref<16x128xi32, #tpu.memory_space<vmem>>, vector<16xi32>,
      %gather3A_697 = tpu.vector_load_idx %arg6[%get3A_696] : memref<100000xf32, #tpu.memory_space<vmem>>[vector<16xi32>], vector<16xf32>,
      %swap3A_698 = arith.constant 5 : i32
      %swap3A_699 = arith.index_cast %swap3A_698 : i32 to index
      %swap3A_700 = arith.constant 0 : index
      %swap3A_701 = tpu.vector_load %arg9[%swap3A_699, %swap3A_700] {strides = array<i32>} : memref<16x128xf32, #tpu.memory_space<vmem>>, vector<16xf32>,
      tpu.vector_store %arg9[%swap3A_699, %swap3A_700], %gather3A_697 {strides = array<i32>} : memref<16x128xf32, #tpu.memory_space<vmem>>, vector<16xf32>,
      %get3A_702 = arith.constant 5 : i32
      %get3A_703 = arith.index_cast %get3A_702 : i32 to index
      %get3A_704 = arith.constant 16 : index
      %get3A_705 = tpu.vector_load %arg7[%get3A_703, %get3A_704] {strides = array<i32>} : memref<16x128xi32, #tpu.memory_space<vmem>>, vector<16xi32>,
      %gather3A_706 = tpu.vector_load_idx %arg6[%get3A_705] : memref<100000xf32, #tpu.memory_space<vmem>>[vector<16xi32>], vector<16xf32>,
      %swap3A_707 = arith.constant 5 : i32
      %swap3A_708 = arith.index_cast %swap3A_707 : i32 to index
      %swap3A_709 = arith.constant 16 : index
      %swap3A_710 = tpu.vector_load %arg9[%swap3A_708, %swap3A_709] {strides = array<i32>} : memref<16x128xf32, #tpu.memory_space<vmem>>, vector<16xf32>,
      tpu.vector_store %arg9[%swap3A_708, %swap3A_709], %gather3A_706 {strides = array<i32>} : memref<16x128xf32, #tpu.memory_space<vmem>>, vector<16xf32>,
      %get3A_711 = arith.constant 5 : i32
      %get3A_712 = arith.index_cast %get3A_711 : i32 to index
      %get3A_713 = arith.constant 32 : index
      %get3A_714 = tpu.vector_load %arg7[%get3A_712, %get3A_713] {strides = array<i32>} : memref<16x128xi32, #tpu.memory_space<vmem>>, vector<16xi32>,
      %gather3A_715 = tpu.vector_load_idx %arg6[%get3A_714] : memref<100000xf32, #tpu.memory_space<vmem>>[vector<16xi32>], vector<16xf32>,
      %swap3A_716 = arith.constant 5 : i32
      %swap3A_717 = arith.index_cast %swap3A_716 : i32 to index
      %swap3A_718 = arith.constant 32 : index
      %swap3A_719 = tpu.vector_load %arg9[%swap3A_717, %swap3A_718] {strides = array<i32>} : memref<16x128xf32, #tpu.memory_space<vmem>>, vector<16xf32>,
      tpu.vector_store %arg9[%swap3A_717, %swap3A_718], %gather3A_715 {strides = array<i32>} : memref<16x128xf32, #tpu.memory_space<vmem>>, vector<16xf32>,
      %get3A_720 = arith.constant 5 : i32
      %get3A_721 = arith.index_cast %get3A_720 : i32 to index
      %get3A_722 = arith.constant 48 : index
      %get3A_723 = tpu.vector_load %arg7[%get3A_721, %get3A_722] {strides = array<i32>} : memref<16x128xi32, #tpu.memory_space<vmem>>, vector<16xi32>,
      %gather3A_724 = tpu.vector_load_idx %arg6[%get3A_723] : memref<100000xf32, #tpu.memory_space<vmem>>[vector<16xi32>], vector<16xf32>,
      %swap3A_725 = arith.constant 5 : i32
      %swap3A_726 = arith.index_cast %swap3A_725 : i32 to index
      %swap3A_727 = arith.constant 48 : index
      %swap3A_728 = tpu.vector_load %arg9[%swap3A_726, %swap3A_727] {strides = array<i32>} : memref<16x128xf32, #tpu.memory_space<vmem>>, vector<16xf32>,
      tpu.vector_store %arg9[%swap3A_726, %swap3A_727], %gather3A_724 {strides = array<i32>} : memref<16x128xf32, #tpu.memory_space<vmem>>, vector<16xf32>,
      %get3A_729 = arith.constant 5 : i32
      %get3A_730 = arith.index_cast %get3A_729 : i32 to index
      %get3A_731 = arith.constant 64 : index
      %get3A_732 = tpu.vector_load %arg7[%get3A_730, %get3A_731] {strides = array<i32>} : memref<16x128xi32, #tpu.memory_space<vmem>>, vector<16xi32>,
      %gather3A_733 = tpu.vector_load_idx %arg6[%get3A_732] : memref<100000xf32, #tpu.memory_space<vmem>>[vector<16xi32>], vector<16xf32>,
      %swap3A_734 = arith.constant 5 : i32
      %swap3A_735 = arith.index_cast %swap3A_734 : i32 to index
      %swap3A_736 = arith.constant 64 : index
      %swap3A_737 = tpu.vector_load %arg9[%swap3A_735, %swap3A_736] {strides = array<i32>} : memref<16x128xf32, #tpu.memory_space<vmem>>, vector<16xf32>,
      tpu.vector_store %arg9[%swap3A_735, %swap3A_736], %gather3A_733 {strides = array<i32>} : memref<16x128xf32, #tpu.memory_space<vmem>>, vector<16xf32>,
      %get3A_738 = arith.constant 5 : i32
      %get3A_739 = arith.index_cast %get3A_738 : i32 to index
      %get3A_740 = arith.constant 80 : index
      %get3A_741 = tpu.vector_load %arg7[%get3A_739, %get3A_740] {strides = array<i32>} : memref<16x128xi32, #tpu.memory_space<vmem>>, vector<16xi32>,
      %gather3A_742 = tpu.vector_load_idx %arg6[%get3A_741] : memref<100000xf32, #tpu.memory_space<vmem>>[vector<16xi32>], vector<16xf32>,
      %swap3A_743 = arith.constant 5 : i32
      %swap3A_744 = arith.index_cast %swap3A_743 : i32 to index
      %swap3A_745 = arith.constant 80 : index
      %swap3A_746 = tpu.vector_load %arg9[%swap3A_744, %swap3A_745] {strides = array<i32>} : memref<16x128xf32, #tpu.memory_space<vmem>>, vector<16xf32>,
      tpu.vector_store %arg9[%swap3A_744, %swap3A_745], %gather3A_742 {strides = array<i32>} : memref<16x128xf32, #tpu.memory_space<vmem>>, vector<16xf32>,
      %get3A_747 = arith.constant 5 : i32
      %get3A_748 = arith.index_cast %get3A_747 : i32 to index
      %get3A_749 = arith.constant 96 : index
      %get3A_750 = tpu.vector_load %arg7[%get3A_748, %get3A_749] {strides = array<i32>} : memref<16x128xi32, #tpu.memory_space<vmem>>, vector<16xi32>,
      %gather3A_751 = tpu.vector_load_idx %arg6[%get3A_750] : memref<100000xf32, #tpu.memory_space<vmem>>[vector<16xi32>], vector<16xf32>,
      %swap3A_752 = arith.constant 5 : i32
      %swap3A_753 = arith.index_cast %swap3A_752 : i32 to index
      %swap3A_754 = arith.constant 96 : index
      %swap3A_755 = tpu.vector_load %arg9[%swap3A_753, %swap3A_754] {strides = array<i32>} : memref<16x128xf32, #tpu.memory_space<vmem>>, vector<16xf32>,
      tpu.vector_store %arg9[%swap3A_753, %swap3A_754], %gather3A_751 {strides = array<i32>} : memref<16x128xf32, #tpu.memory_space<vmem>>, vector<16xf32>,
      %get3A_756 = arith.constant 5 : i32
      %get3A_757 = arith.index_cast %get3A_756 : i32 to index
      %get3A_758 = arith.constant 112 : index
      %get3A_759 = tpu.vector_load %arg7[%get3A_757, %get3A_758] {strides = array<i32>} : memref<16x128xi32, #tpu.memory_space<vmem>>, vector<16xi32>,
      %gather3A_760 = tpu.vector_load_idx %arg6[%get3A_759] : memref<100000xf32, #tpu.memory_space<vmem>>[vector<16xi32>], vector<16xf32>,
      %swap3A_761 = arith.constant 5 : i32
      %swap3A_762 = arith.index_cast %swap3A_761 : i32 to index
      %swap3A_763 = arith.constant 112 : index
      %swap3A_764 = tpu.vector_load %arg9[%swap3A_762, %swap3A_763] {strides = array<i32>} : memref<16x128xf32, #tpu.memory_space<vmem>>, vector<16xf32>,
      tpu.vector_store %arg9[%swap3A_762, %swap3A_763], %gather3A_760 {strides = array<i32>} : memref<16x128xf32, #tpu.memory_space<vmem>>, vector<16xf32>,
      %get3A_765 = arith.constant 6 : i32
      %get3A_766 = arith.index_cast %get3A_765 : i32 to index
      %get3A_767 = arith.constant 0 : index
      %get3A_768 = tpu.vector_load %arg7[%get3A_766, %get3A_767] {strides = array<i32>} : memref<16x128xi32, #tpu.memory_space<vmem>>, vector<16xi32>,
      %gather3A_769 = tpu.vector_load_idx %arg6[%get3A_768] : memref<100000xf32, #tpu.memory_space<vmem>>[vector<16xi32>], vector<16xf32>,
      %swap3A_770 = arith.constant 6 : i32
      %swap3A_771 = arith.index_cast %swap3A_770 : i32 to index
      %swap3A_772 = arith.constant 0 : index
      %swap3A_773 = tpu.vector_load %arg9[%swap3A_771, %swap3A_772] {strides = array<i32>} : memref<16x128xf32, #tpu.memory_space<vmem>>, vector<16xf32>,
      tpu.vector_store %arg9[%swap3A_771, %swap3A_772], %gather3A_769 {strides = array<i32>} : memref<16x128xf32, #tpu.memory_space<vmem>>, vector<16xf32>,
      %get3A_774 = arith.constant 6 : i32
      %get3A_775 = arith.index_cast %get3A_774 : i32 to index
      %get3A_776 = arith.constant 16 : index
      %get3A_777 = tpu.vector_load %arg7[%get3A_775, %get3A_776] {strides = array<i32>} : memref<16x128xi32, #tpu.memory_space<vmem>>, vector<16xi32>,
      %gather3A_778 = tpu.vector_load_idx %arg6[%get3A_777] : memref<100000xf32, #tpu.memory_space<vmem>>[vector<16xi32>], vector<16xf32>,
      %swap3A_779 = arith.constant 6 : i32
      %swap3A_780 = arith.index_cast %swap3A_779 : i32 to index
      %swap3A_781 = arith.constant 16 : index
      %swap3A_782 = tpu.vector_load %arg9[%swap3A_780, %swap3A_781] {strides = array<i32>} : memref<16x128xf32, #tpu.memory_space<vmem>>, vector<16xf32>,
      tpu.vector_store %arg9[%swap3A_780, %swap3A_781], %gather3A_778 {strides = array<i32>} : memref<16x128xf32, #tpu.memory_space<vmem>>, vector<16xf32>,
      %get3A_783 = arith.constant 6 : i32
      %get3A_784 = arith.index_cast %get3A_783 : i32 to index
      %get3A_785 = arith.constant 32 : index
      %get3A_786 = tpu.vector_load %arg7[%get3A_784, %get3A_785] {strides = array<i32>} : memref<16x128xi32, #tpu.memory_space<vmem>>, vector<16xi32>,
      %gather3A_787 = tpu.vector_load_idx %arg6[%get3A_786] : memref<100000xf32, #tpu.memory_space<vmem>>[vector<16xi32>], vector<16xf32>,
      %swap3A_788 = arith.constant 6 : i32
      %swap3A_789 = arith.index_cast %swap3A_788 : i32 to index
      %swap3A_790 = arith.constant 32 : index
      %swap3A_791 = tpu.vector_load %arg9[%swap3A_789, %swap3A_790] {strides = array<i32>} : memref<16x128xf32, #tpu.memory_space<vmem>>, vector<16xf32>,
      tpu.vector_store %arg9[%swap3A_789, %swap3A_790], %gather3A_787 {strides = array<i32>} : memref<16x128xf32, #tpu.memory_space<vmem>>, vector<16xf32>,
      %get3A_792 = arith.constant 6 : i32
      %get3A_793 = arith.index_cast %get3A_792 : i32 to index
      %get3A_794 = arith.constant 48 : index
      %get3A_795 = tpu.vector_load %arg7[%get3A_793, %get3A_794] {strides = array<i32>} : memref<16x128xi32, #tpu.memory_space<vmem>>, vector<16xi32>,
      %gather3A_796 = tpu.vector_load_idx %arg6[%get3A_795] : memref<100000xf32, #tpu.memory_space<vmem>>[vector<16xi32>], vector<16xf32>,
      %swap3A_797 = arith.constant 6 : i32
      %swap3A_798 = arith.index_cast %swap3A_797 : i32 to index
      %swap3A_799 = arith.constant 48 : index
      %swap3A_800 = tpu.vector_load %arg9[%swap3A_798, %swap3A_799] {strides = array<i32>} : memref<16x128xf32, #tpu.memory_space<vmem>>, vector<16xf32>,
      tpu.vector_store %arg9[%swap3A_798, %swap3A_799], %gather3A_796 {strides = array<i32>} : memref<16x128xf32, #tpu.memory_space<vmem>>, vector<16xf32>,
      %get3A_801 = arith.constant 6 : i32
      %get3A_802 = arith.index_cast %get3A_801 : i32 to index
      %get3A_803 = arith.constant 64 : index
      %get3A_804 = tpu.vector_load %arg7[%get3A_802, %get3A_803] {strides = array<i32>} : memref<16x128xi32, #tpu.memory_space<vmem>>, vector<16xi32>,
      %gather3A_805 = tpu.vector_load_idx %arg6[%get3A_804] : memref<100000xf32, #tpu.memory_space<vmem>>[vector<16xi32>], vector<16xf32>,
      %swap3A_806 = arith.constant 6 : i32
      %swap3A_807 = arith.index_cast %swap3A_806 : i32 to index
      %swap3A_808 = arith.constant 64 : index
      %swap3A_809 = tpu.vector_load %arg9[%swap3A_807, %swap3A_808] {strides = array<i32>} : memref<16x128xf32, #tpu.memory_space<vmem>>, vector<16xf32>,
      tpu.vector_store %arg9[%swap3A_807, %swap3A_808], %gather3A_805 {strides = array<i32>} : memref<16x128xf32, #tpu.memory_space<vmem>>, vector<16xf32>,
      %get3A_810 = arith.constant 6 : i32
      %get3A_811 = arith.index_cast %get3A_810 : i32 to index
      %get3A_812 = arith.constant 80 : index
      %get3A_813 = tpu.vector_load %arg7[%get3A_811, %get3A_812] {strides = array<i32>} : memref<16x128xi32, #tpu.memory_space<vmem>>, vector<16xi32>,
      %gather3A_814 = tpu.vector_load_idx %arg6[%get3A_813] : memref<100000xf32, #tpu.memory_space<vmem>>[vector<16xi32>], vector<16xf32>,
      %swap3A_815 = arith.constant 6 : i32
      %swap3A_816 = arith.index_cast %swap3A_815 : i32 to index
      %swap3A_817 = arith.constant 80 : index
      %swap3A_818 = tpu.vector_load %arg9[%swap3A_816, %swap3A_817] {strides = array<i32>} : memref<16x128xf32, #tpu.memory_space<vmem>>, vector<16xf32>,
      tpu.vector_store %arg9[%swap3A_816, %swap3A_817], %gather3A_814 {strides = array<i32>} : memref<16x128xf32, #tpu.memory_space<vmem>>, vector<16xf32>,
      %get3A_819 = arith.constant 6 : i32
      %get3A_820 = arith.index_cast %get3A_819 : i32 to index
      %get3A_821 = arith.constant 96 : index
      %get3A_822 = tpu.vector_load %arg7[%get3A_820, %get3A_821] {strides = array<i32>} : memref<16x128xi32, #tpu.memory_space<vmem>>, vector<16xi32>,
      %gather3A_823 = tpu.vector_load_idx %arg6[%get3A_822] : memref<100000xf32, #tpu.memory_space<vmem>>[vector<16xi32>], vector<16xf32>,
      %swap3A_824 = arith.constant 6 : i32
      %swap3A_825 = arith.index_cast %swap3A_824 : i32 to index
      %swap3A_826 = arith.constant 96 : index
      %swap3A_827 = tpu.vector_load %arg9[%swap3A_825, %swap3A_826] {strides = array<i32>} : memref<16x128xf32, #tpu.memory_space<vmem>>, vector<16xf32>,
      tpu.vector_store %arg9[%swap3A_825, %swap3A_826], %gather3A_823 {strides = array<i32>} : memref<16x128xf32, #tpu.memory_space<vmem>>, vector<16xf32>,
      %get3A_828 = arith.constant 6 : i32
      %get3A_829 = arith.index_cast %get3A_828 : i32 to index
      %get3A_830 = arith.constant 112 : index
      %get3A_831 = tpu.vector_load %arg7[%get3A_829, %get3A_830] {strides = array<i32>} : memref<16x128xi32, #tpu.memory_space<vmem>>, vector<16xi32>,
      %gather3A_832 = tpu.vector_load_idx %arg6[%get3A_831] : memref<100000xf32, #tpu.memory_space<vmem>>[vector<16xi32>], vector<16xf32>,
      %swap3A_833 = arith.constant 6 : i32
      %swap3A_834 = arith.index_cast %swap3A_833 : i32 to index
      %swap3A_835 = arith.constant 112 : index
      %swap3A_836 = tpu.vector_load %arg9[%swap3A_834, %swap3A_835] {strides = array<i32>} : memref<16x128xf32, #tpu.memory_space<vmem>>, vector<16xf32>,
      tpu.vector_store %arg9[%swap3A_834, %swap3A_835], %gather3A_832 {strides = array<i32>} : memref<16x128xf32, #tpu.memory_space<vmem>>, vector<16xf32>,
      %get3A_837 = arith.constant 7 : i32
      %get3A_838 = arith.index_cast %get3A_837 : i32 to index
      %get3A_839 = arith.constant 0 : index
      %get3A_840 = tpu.vector_load %arg7[%get3A_838, %get3A_839] {strides = array<i32>} : memref<16x128xi32, #tpu.memory_space<vmem>>, vector<16xi32>,
      %gather3A_841 = tpu.vector_load_idx %arg6[%get3A_840] : memref<100000xf32, #tpu.memory_space<vmem>>[vector<16xi32>], vector<16xf32>,
      %swap3A_842 = arith.constant 7 : i32
      %swap3A_843 = arith.index_cast %swap3A_842 : i32 to index
      %swap3A_844 = arith.constant 0 : index
      %swap3A_845 = tpu.vector_load %arg9[%swap3A_843, %swap3A_844] {strides = array<i32>} : memref<16x128xf32, #tpu.memory_space<vmem>>, vector<16xf32>,
      tpu.vector_store %arg9[%swap3A_843, %swap3A_844], %gather3A_841 {strides = array<i32>} : memref<16x128xf32, #tpu.memory_space<vmem>>, vector<16xf32>,
      %get3A_846 = arith.constant 7 : i32
      %get3A_847 = arith.index_cast %get3A_846 : i32 to index
      %get3A_848 = arith.constant 16 : index
      %get3A_849 = tpu.vector_load %arg7[%get3A_847, %get3A_848] {strides = array<i32>} : memref<16x128xi32, #tpu.memory_space<vmem>>, vector<16xi32>,
      %gather3A_850 = tpu.vector_load_idx %arg6[%get3A_849] : memref<100000xf32, #tpu.memory_space<vmem>>[vector<16xi32>], vector<16xf32>,
      %swap3A_851 = arith.constant 7 : i32
      %swap3A_852 = arith.index_cast %swap3A_851 : i32 to index
      %swap3A_853 = arith.constant 16 : index
      %swap3A_854 = tpu.vector_load %arg9[%swap3A_852, %swap3A_853] {strides = array<i32>} : memref<16x128xf32, #tpu.memory_space<vmem>>, vector<16xf32>,
      tpu.vector_store %arg9[%swap3A_852, %swap3A_853], %gather3A_850 {strides = array<i32>} : memref<16x128xf32, #tpu.memory_space<vmem>>, vector<16xf32>,
      %get3A_855 = arith.constant 7 : i32
      %get3A_856 = arith.index_cast %get3A_855 : i32 to index
      %get3A_857 = arith.constant 32 : index
      %get3A_858 = tpu.vector_load %arg7[%get3A_856, %get3A_857] {strides = array<i32>} : memref<16x128xi32, #tpu.memory_space<vmem>>, vector<16xi32>,
      %gather3A_859 = tpu.vector_load_idx %arg6[%get3A_858] : memref<100000xf32, #tpu.memory_space<vmem>>[vector<16xi32>], vector<16xf32>,
      %swap3A_860 = arith.constant 7 : i32
      %swap3A_861 = arith.index_cast %swap3A_860 : i32 to index
      %swap3A_862 = arith.constant 32 : index
      %swap3A_863 = tpu.vector_load %arg9[%swap3A_861, %swap3A_862] {strides = array<i32>} : memref<16x128xf32, #tpu.memory_space<vmem>>, vector<16xf32>,
      tpu.vector_store %arg9[%swap3A_861, %swap3A_862], %gather3A_859 {strides = array<i32>} : memref<16x128xf32, #tpu.memory_space<vmem>>, vector<16xf32>,
      %get3A_864 = arith.constant 7 : i32
      %get3A_865 = arith.index_cast %get3A_864 : i32 to index
      %get3A_866 = arith.constant 48 : index
      %get3A_867 = tpu.vector_load %arg7[%get3A_865, %get3A_866] {strides = array<i32>} : memref<16x128xi32, #tpu.memory_space<vmem>>, vector<16xi32>,
      %gather3A_868 = tpu.vector_load_idx %arg6[%get3A_867] : memref<100000xf32, #tpu.memory_space<vmem>>[vector<16xi32>], vector<16xf32>,
      %swap3A_869 = arith.constant 7 : i32
      %swap3A_870 = arith.index_cast %swap3A_869 : i32 to index
      %swap3A_871 = arith.constant 48 : index
      %swap3A_872 = tpu.vector_load %arg9[%swap3A_870, %swap3A_871] {strides = array<i32>} : memref<16x128xf32, #tpu.memory_space<vmem>>, vector<16xf32>,
      tpu.vector_store %arg9[%swap3A_870, %swap3A_871], %gather3A_868 {strides = array<i32>} : memref<16x128xf32, #tpu.memory_space<vmem>>, vector<16xf32>,
      %get3A_873 = arith.constant 7 : i32
      %get3A_874 = arith.index_cast %get3A_873 : i32 to index
      %get3A_875 = arith.constant 64 : index
      %get3A_876 = tpu.vector_load %arg7[%get3A_874, %get3A_875] {strides = array<i32>} : memref<16x128xi32, #tpu.memory_space<vmem>>, vector<16xi32>,
      %gather3A_877 = tpu.vector_load_idx %arg6[%get3A_876] : memref<100000xf32, #tpu.memory_space<vmem>>[vector<16xi32>], vector<16xf32>,
      %swap3A_878 = arith.constant 7 : i32
      %swap3A_879 = arith.index_cast %swap3A_878 : i32 to index
      %swap3A_880 = arith.constant 64 : index
      %swap3A_881 = tpu.vector_load %arg9[%swap3A_879, %swap3A_880] {strides = array<i32>} : memref<16x128xf32, #tpu.memory_space<vmem>>, vector<16xf32>,
      tpu.vector_store %arg9[%swap3A_879, %swap3A_880], %gather3A_877 {strides = array<i32>} : memref<16x128xf32, #tpu.memory_space<vmem>>, vector<16xf32>,
      %get3A_882 = arith.constant 7 : i32
      %get3A_883 = arith.index_cast %get3A_882 : i32 to index
      %get3A_884 = arith.constant 80 : index
      %get3A_885 = tpu.vector_load %arg7[%get3A_883, %get3A_884] {strides = array<i32>} : memref<16x128xi32, #tpu.memory_space<vmem>>, vector<16xi32>,
      %gather3A_886 = tpu.vector_load_idx %arg6[%get3A_885] : memref<100000xf32, #tpu.memory_space<vmem>>[vector<16xi32>], vector<16xf32>,
      %swap3A_887 = arith.constant 7 : i32
      %swap3A_888 = arith.index_cast %swap3A_887 : i32 to index
      %swap3A_889 = arith.constant 80 : index
      %swap3A_890 = tpu.vector_load %arg9[%swap3A_888, %swap3A_889] {strides = array<i32>} : memref<16x128xf32, #tpu.memory_space<vmem>>, vector<16xf32>,
      tpu.vector_store %arg9[%swap3A_888, %swap3A_889], %gather3A_886 {strides = array<i32>} : memref<16x128xf32, #tpu.memory_space<vmem>>, vector<16xf32>,
      %get3A_891 = arith.constant 7 : i32
      %get3A_892 = arith.index_cast %get3A_891 : i32 to index
      %get3A_893 = arith.constant 96 : index
      %get3A_894 = tpu.vector_load %arg7[%get3A_892, %get3A_893] {strides = array<i32>} : memref<16x128xi32, #tpu.memory_space<vmem>>, vector<16xi32>,
      %gather3A_895 = tpu.vector_load_idx %arg6[%get3A_894] : memref<100000xf32, #tpu.memory_space<vmem>>[vector<16xi32>], vector<16xf32>,
      %swap3A_896 = arith.constant 7 : i32
      %swap3A_897 = arith.index_cast %swap3A_896 : i32 to index
      %swap3A_898 = arith.constant 96 : index
      %swap3A_899 = tpu.vector_load %arg9[%swap3A_897, %swap3A_898] {strides = array<i32>} : memref<16x128xf32, #tpu.memory_space<vmem>>, vector<16xf32>,
      tpu.vector_store %arg9[%swap3A_897, %swap3A_898], %gather3A_895 {strides = array<i32>} : memref<16x128xf32, #tpu.memory_space<vmem>>, vector<16xf32>,
      %get3A_900 = arith.constant 7 : i32
      %get3A_901 = arith.index_cast %get3A_900 : i32 to index
      %get3A_902 = arith.constant 112 : index
      %get3A_903 = tpu.vector_load %arg7[%get3A_901, %get3A_902] {strides = array<i32>} : memref<16x128xi32, #tpu.memory_space<vmem>>, vector<16xi32>,
      %gather3A_904 = tpu.vector_load_idx %arg6[%get3A_903] : memref<100000xf32, #tpu.memory_space<vmem>>[vector<16xi32>], vector<16xf32>,
      %swap3A_905 = arith.constant 7 : i32
      %swap3A_906 = arith.index_cast %swap3A_905 : i32 to index
      %swap3A_907 = arith.constant 112 : index
      %swap3A_908 = tpu.vector_load %arg9[%swap3A_906, %swap3A_907] {strides = array<i32>} : memref<16x128xf32, #tpu.memory_space<vmem>>, vector<16xf32>,
      tpu.vector_store %arg9[%swap3A_906, %swap3A_907], %gather3A_904 {strides = array<i32>} : memref<16x128xf32, #tpu.memory_space<vmem>>, vector<16xf32>,
      %get3A_909 = arith.constant 8 : i32
      %get3A_910 = arith.index_cast %get3A_909 : i32 to index
      %get3A_911 = arith.constant 0 : index
      %get3A_912 = tpu.vector_load %arg7[%get3A_910, %get3A_911] {strides = array<i32>} : memref<16x128xi32, #tpu.memory_space<vmem>>, vector<16xi32>,
      %gather3A_913 = tpu.vector_load_idx %arg6[%get3A_912] : memref<100000xf32, #tpu.memory_space<vmem>>[vector<16xi32>], vector<16xf32>,
      %swap3A_914 = arith.constant 8 : i32
      %swap3A_915 = arith.index_cast %swap3A_914 : i32 to index
      %swap3A_916 = arith.constant 0 : index
      %swap3A_917 = tpu.vector_load %arg9[%swap3A_915, %swap3A_916] {strides = array<i32>} : memref<16x128xf32, #tpu.memory_space<vmem>>, vector<16xf32>,
      tpu.vector_store %arg9[%swap3A_915, %swap3A_916], %gather3A_913 {strides = array<i32>} : memref<16x128xf32, #tpu.memory_space<vmem>>, vector<16xf32>,
      %get3A_918 = arith.constant 8 : i32
      %get3A_919 = arith.index_cast %get3A_918 : i32 to index
      %get3A_920 = arith.constant 16 : index
      %get3A_921 = tpu.vector_load %arg7[%get3A_919, %get3A_920] {strides = array<i32>} : memref<16x128xi32, #tpu.memory_space<vmem>>, vector<16xi32>,
      %gather3A_922 = tpu.vector_load_idx %arg6[%get3A_921] : memref<100000xf32, #tpu.memory_space<vmem>>[vector<16xi32>], vector<16xf32>,
      %swap3A_923 = arith.constant 8 : i32
      %swap3A_924 = arith.index_cast %swap3A_923 : i32 to index
      %swap3A_925 = arith.constant 16 : index
      %swap3A_926 = tpu.vector_load %arg9[%swap3A_924, %swap3A_925] {strides = array<i32>} : memref<16x128xf32, #tpu.memory_space<vmem>>, vector<16xf32>,
      tpu.vector_store %arg9[%swap3A_924, %swap3A_925], %gather3A_922 {strides = array<i32>} : memref<16x128xf32, #tpu.memory_space<vmem>>, vector<16xf32>,
      %get3A_927 = arith.constant 8 : i32
      %get3A_928 = arith.index_cast %get3A_927 : i32 to index
      %get3A_929 = arith.constant 32 : index
      %get3A_930 = tpu.vector_load %arg7[%get3A_928, %get3A_929] {strides = array<i32>} : memref<16x128xi32, #tpu.memory_space<vmem>>, vector<16xi32>,
      %gather3A_931 = tpu.vector_load_idx %arg6[%get3A_930] : memref<100000xf32, #tpu.memory_space<vmem>>[vector<16xi32>], vector<16xf32>,
      %swap3A_932 = arith.constant 8 : i32
      %swap3A_933 = arith.index_cast %swap3A_932 : i32 to index
      %swap3A_934 = arith.constant 32 : index
      %swap3A_935 = tpu.vector_load %arg9[%swap3A_933, %swap3A_934] {strides = array<i32>} : memref<16x128xf32, #tpu.memory_space<vmem>>, vector<16xf32>,
      tpu.vector_store %arg9[%swap3A_933, %swap3A_934], %gather3A_931 {strides = array<i32>} : memref<16x128xf32, #tpu.memory_space<vmem>>, vector<16xf32>,
      %get3A_936 = arith.constant 8 : i32
      %get3A_937 = arith.index_cast %get3A_936 : i32 to index
      %get3A_938 = arith.constant 48 : index
      %get3A_939 = tpu.vector_load %arg7[%get3A_937, %get3A_938] {strides = array<i32>} : memref<16x128xi32, #tpu.memory_space<vmem>>, vector<16xi32>,
      %gather3A_940 = tpu.vector_load_idx %arg6[%get3A_939] : memref<100000xf32, #tpu.memory_space<vmem>>[vector<16xi32>], vector<16xf32>,
      %swap3A_941 = arith.constant 8 : i32
      %swap3A_942 = arith.index_cast %swap3A_941 : i32 to index
      %swap3A_943 = arith.constant 48 : index
      %swap3A_944 = tpu.vector_load %arg9[%swap3A_942, %swap3A_943] {strides = array<i32>} : memref<16x128xf32, #tpu.memory_space<vmem>>, vector<16xf32>,
      tpu.vector_store %arg9[%swap3A_942, %swap3A_943], %gather3A_940 {strides = array<i32>} : memref<16x128xf32, #tpu.memory_space<vmem>>, vector<16xf32>,
      %get3A_945 = arith.constant 8 : i32
      %get3A_946 = arith.index_cast %get3A_945 : i32 to index
      %get3A_947 = arith.constant 64 : index
      %get3A_948 = tpu.vector_load %arg7[%get3A_946, %get3A_947] {strides = array<i32>} : memref<16x128xi32, #tpu.memory_space<vmem>>, vector<16xi32>,
      %gather3A_949 = tpu.vector_load_idx %arg6[%get3A_948] : memref<100000xf32, #tpu.memory_space<vmem>>[vector<16xi32>], vector<16xf32>,
      %swap3A_950 = arith.constant 8 : i32
      %swap3A_951 = arith.index_cast %swap3A_950 : i32 to index
      %swap3A_952 = arith.constant 64 : index
      %swap3A_953 = tpu.vector_load %arg9[%swap3A_951, %swap3A_952] {strides = array<i32>} : memref<16x128xf32, #tpu.memory_space<vmem>>, vector<16xf32>,
      tpu.vector_store %arg9[%swap3A_951, %swap3A_952], %gather3A_949 {strides = array<i32>} : memref<16x128xf32, #tpu.memory_space<vmem>>, vector<16xf32>,
      %get3A_954 = arith.constant 8 : i32
      %get3A_955 = arith.index_cast %get3A_954 : i32 to index
      %get3A_956 = arith.constant 80 : index
      %get3A_957 = tpu.vector_load %arg7[%get3A_955, %get3A_956] {strides = array<i32>} : memref<16x128xi32, #tpu.memory_space<vmem>>, vector<16xi32>,
      %gather3A_958 = tpu.vector_load_idx %arg6[%get3A_957] : memref<100000xf32, #tpu.memory_space<vmem>>[vector<16xi32>], vector<16xf32>,
      %swap3A_959 = arith.constant 8 : i32
      %swap3A_960 = arith.index_cast %swap3A_959 : i32 to index
      %swap3A_961 = arith.constant 80 : index
      %swap3A_962 = tpu.vector_load %arg9[%swap3A_960, %swap3A_961] {strides = array<i32>} : memref<16x128xf32, #tpu.memory_space<vmem>>, vector<16xf32>,
      tpu.vector_store %arg9[%swap3A_960, %swap3A_961], %gather3A_958 {strides = array<i32>} : memref<16x128xf32, #tpu.memory_space<vmem>>, vector<16xf32>,
      %get3A_963 = arith.constant 8 : i32
      %get3A_964 = arith.index_cast %get3A_963 : i32 to index
      %get3A_965 = arith.constant 96 : index
      %get3A_966 = tpu.vector_load %arg7[%get3A_964, %get3A_965] {strides = array<i32>} : memref<16x128xi32, #tpu.memory_space<vmem>>, vector<16xi32>,
      %gather3A_967 = tpu.vector_load_idx %arg6[%get3A_966] : memref<100000xf32, #tpu.memory_space<vmem>>[vector<16xi32>], vector<16xf32>,
      %swap3A_968 = arith.constant 8 : i32
      %swap3A_969 = arith.index_cast %swap3A_968 : i32 to index
      %swap3A_970 = arith.constant 96 : index
      %swap3A_971 = tpu.vector_load %arg9[%swap3A_969, %swap3A_970] {strides = array<i32>} : memref<16x128xf32, #tpu.memory_space<vmem>>, vector<16xf32>,
      tpu.vector_store %arg9[%swap3A_969, %swap3A_970], %gather3A_967 {strides = array<i32>} : memref<16x128xf32, #tpu.memory_space<vmem>>, vector<16xf32>,
      %get3A_972 = arith.constant 8 : i32
      %get3A_973 = arith.index_cast %get3A_972 : i32 to index
      %get3A_974 = arith.constant 112 : index
      %get3A_975 = tpu.vector_load %arg7[%get3A_973, %get3A_974] {strides = array<i32>} : memref<16x128xi32, #tpu.memory_space<vmem>>, vector<16xi32>,
      %gather3A_976 = tpu.vector_load_idx %arg6[%get3A_975] : memref<100000xf32, #tpu.memory_space<vmem>>[vector<16xi32>], vector<16xf32>,
      %swap3A_977 = arith.constant 8 : i32
      %swap3A_978 = arith.index_cast %swap3A_977 : i32 to index
      %swap3A_979 = arith.constant 112 : index
      %swap3A_980 = tpu.vector_load %arg9[%swap3A_978, %swap3A_979] {strides = array<i32>} : memref<16x128xf32, #tpu.memory_space<vmem>>, vector<16xf32>,
      tpu.vector_store %arg9[%swap3A_978, %swap3A_979], %gather3A_976 {strides = array<i32>} : memref<16x128xf32, #tpu.memory_space<vmem>>, vector<16xf32>,
      %get3A_981 = arith.constant 9 : i32
      %get3A_982 = arith.index_cast %get3A_981 : i32 to index
      %get3A_983 = arith.constant 0 : index
      %get3A_984 = tpu.vector_load %arg7[%get3A_982, %get3A_983] {strides = array<i32>} : memref<16x128xi32, #tpu.memory_space<vmem>>, vector<16xi32>,
      %gather3A_985 = tpu.vector_load_idx %arg6[%get3A_984] : memref<100000xf32, #tpu.memory_space<vmem>>[vector<16xi32>], vector<16xf32>,
      %swap3A_986 = arith.constant 9 : i32
      %swap3A_987 = arith.index_cast %swap3A_986 : i32 to index
      %swap3A_988 = arith.constant 0 : index
      %swap3A_989 = tpu.vector_load %arg9[%swap3A_987, %swap3A_988] {strides = array<i32>} : memref<16x128xf32, #tpu.memory_space<vmem>>, vector<16xf32>,
      tpu.vector_store %arg9[%swap3A_987, %swap3A_988], %gather3A_985 {strides = array<i32>} : memref<16x128xf32, #tpu.memory_space<vmem>>, vector<16xf32>,
      %get3A_990 = arith.constant 9 : i32
      %get3A_991 = arith.index_cast %get3A_990 : i32 to index
      %get3A_992 = arith.constant 16 : index
      %get3A_993 = tpu.vector_load %arg7[%get3A_991, %get3A_992] {strides = array<i32>} : memref<16x128xi32, #tpu.memory_space<vmem>>, vector<16xi32>,
      %gather3A_994 = tpu.vector_load_idx %arg6[%get3A_993] : memref<100000xf32, #tpu.memory_space<vmem>>[vector<16xi32>], vector<16xf32>,
      %swap3A_995 = arith.constant 9 : i32
      %swap3A_996 = arith.index_cast %swap3A_995 : i32 to index
      %swap3A_997 = arith.constant 16 : index
      %swap3A_998 = tpu.vector_load %arg9[%swap3A_996, %swap3A_997] {strides = array<i32>} : memref<16x128xf32, #tpu.memory_space<vmem>>, vector<16xf32>,
      tpu.vector_store %arg9[%swap3A_996, %swap3A_997], %gather3A_994 {strides = array<i32>} : memref<16x128xf32, #tpu.memory_space<vmem>>, vector<16xf32>,
      %get3A_999 = arith.constant 9 : i32
      %get3A_1000 = arith.index_cast %get3A_999 : i32 to index
      %get3A_1001 = arith.constant 32 : index
      %get3A_1002 = tpu.vector_load %arg7[%get3A_1000, %get3A_1001] {strides = array<i32>} : memref<16x128xi32, #tpu.memory_space<vmem>>, vector<16xi32>,
      %gather3A_1003 = tpu.vector_load_idx %arg6[%get3A_1002] : memref<100000xf32, #tpu.memory_space<vmem>>[vector<16xi32>], vector<16xf32>,
      %swap3A_1004 = arith.constant 9 : i32
      %swap3A_1005 = arith.index_cast %swap3A_1004 : i32 to index
      %swap3A_1006 = arith.constant 32 : index
      %swap3A_1007 = tpu.vector_load %arg9[%swap3A_1005, %swap3A_1006] {strides = array<i32>} : memref<16x128xf32, #tpu.memory_space<vmem>>, vector<16xf32>,
      tpu.vector_store %arg9[%swap3A_1005, %swap3A_1006], %gather3A_1003 {strides = array<i32>} : memref<16x128xf32, #tpu.memory_space<vmem>>, vector<16xf32>,
      %get3A_1008 = arith.constant 9 : i32
      %get3A_1009 = arith.index_cast %get3A_1008 : i32 to index
      %get3A_1010 = arith.constant 48 : index
      %get3A_1011 = tpu.vector_load %arg7[%get3A_1009, %get3A_1010] {strides = array<i32>} : memref<16x128xi32, #tpu.memory_space<vmem>>, vector<16xi32>,
      %gather3A_1012 = tpu.vector_load_idx %arg6[%get3A_1011] : memref<100000xf32, #tpu.memory_space<vmem>>[vector<16xi32>], vector<16xf32>,
      %swap3A_1013 = arith.constant 9 : i32
      %swap3A_1014 = arith.index_cast %swap3A_1013 : i32 to index
      %swap3A_1015 = arith.constant 48 : index
      %swap3A_1016 = tpu.vector_load %arg9[%swap3A_1014, %swap3A_1015] {strides = array<i32>} : memref<16x128xf32, #tpu.memory_space<vmem>>, vector<16xf32>,
      tpu.vector_store %arg9[%swap3A_1014, %swap3A_1015], %gather3A_1012 {strides = array<i32>} : memref<16x128xf32, #tpu.memory_space<vmem>>, vector<16xf32>,
      %get3A_1017 = arith.constant 9 : i32
      %get3A_1018 = arith.index_cast %get3A_1017 : i32 to index
      %get3A_1019 = arith.constant 64 : index
      %get3A_1020 = tpu.vector_load %arg7[%get3A_1018, %get3A_1019] {strides = array<i32>} : memref<16x128xi32, #tpu.memory_space<vmem>>, vector<16xi32>,
      %gather3A_1021 = tpu.vector_load_idx %arg6[%get3A_1020] : memref<100000xf32, #tpu.memory_space<vmem>>[vector<16xi32>], vector<16xf32>,
      %swap3A_1022 = arith.constant 9 : i32
      %swap3A_1023 = arith.index_cast %swap3A_1022 : i32 to index
      %swap3A_1024 = arith.constant 64 : index
      %swap3A_1025 = tpu.vector_load %arg9[%swap3A_1023, %swap3A_1024] {strides = array<i32>} : memref<16x128xf32, #tpu.memory_space<vmem>>, vector<16xf32>,
      tpu.vector_store %arg9[%swap3A_1023, %swap3A_1024], %gather3A_1021 {strides = array<i32>} : memref<16x128xf32, #tpu.memory_space<vmem>>, vector<16xf32>,
      %get3A_1026 = arith.constant 9 : i32
      %get3A_1027 = arith.index_cast %get3A_1026 : i32 to index
      %get3A_1028 = arith.constant 80 : index
      %get3A_1029 = tpu.vector_load %arg7[%get3A_1027, %get3A_1028] {strides = array<i32>} : memref<16x128xi32, #tpu.memory_space<vmem>>, vector<16xi32>,
      %gather3A_1030 = tpu.vector_load_idx %arg6[%get3A_1029] : memref<100000xf32, #tpu.memory_space<vmem>>[vector<16xi32>], vector<16xf32>,
      %swap3A_1031 = arith.constant 9 : i32
      %swap3A_1032 = arith.index_cast %swap3A_1031 : i32 to index
      %swap3A_1033 = arith.constant 80 : index
      %swap3A_1034 = tpu.vector_load %arg9[%swap3A_1032, %swap3A_1033] {strides = array<i32>} : memref<16x128xf32, #tpu.memory_space<vmem>>, vector<16xf32>,
      tpu.vector_store %arg9[%swap3A_1032, %swap3A_1033], %gather3A_1030 {strides = array<i32>} : memref<16x128xf32, #tpu.memory_space<vmem>>, vector<16xf32>,
      %get3A_1035 = arith.constant 9 : i32
      %get3A_1036 = arith.index_cast %get3A_1035 : i32 to index
      %get3A_1037 = arith.constant 96 : index
      %get3A_1038 = tpu.vector_load %arg7[%get3A_1036, %get3A_1037] {strides = array<i32>} : memref<16x128xi32, #tpu.memory_space<vmem>>, vector<16xi32>,
      %gather3A_1039 = tpu.vector_load_idx %arg6[%get3A_1038] : memref<100000xf32, #tpu.memory_space<vmem>>[vector<16xi32>], vector<16xf32>,
      %swap3A_1040 = arith.constant 9 : i32
      %swap3A_1041 = arith.index_cast %swap3A_1040 : i32 to index
      %swap3A_1042 = arith.constant 96 : index
      %swap3A_1043 = tpu.vector_load %arg9[%swap3A_1041, %swap3A_1042] {strides = array<i32>} : memref<16x128xf32, #tpu.memory_space<vmem>>, vector<16xf32>,
      tpu.vector_store %arg9[%swap3A_1041, %swap3A_1042], %gather3A_1039 {strides = array<i32>} : memref<16x128xf32, #tpu.memory_space<vmem>>, vector<16xf32>,
      %get3A_1044 = arith.constant 9 : i32
      %get3A_1045 = arith.index_cast %get3A_1044 : i32 to index
      %get3A_1046 = arith.constant 112 : index
      %get3A_1047 = tpu.vector_load %arg7[%get3A_1045, %get3A_1046] {strides = array<i32>} : memref<16x128xi32, #tpu.memory_space<vmem>>, vector<16xi32>,
      %gather3A_1048 = tpu.vector_load_idx %arg6[%get3A_1047] : memref<100000xf32, #tpu.memory_space<vmem>>[vector<16xi32>], vector<16xf32>,
      %swap3A_1049 = arith.constant 9 : i32
      %swap3A_1050 = arith.index_cast %swap3A_1049 : i32 to index
      %swap3A_1051 = arith.constant 112 : index
      %swap3A_1052 = tpu.vector_load %arg9[%swap3A_1050, %swap3A_1051] {strides = array<i32>} : memref<16x128xf32, #tpu.memory_space<vmem>>, vector<16xf32>,
      tpu.vector_store %arg9[%swap3A_1050, %swap3A_1051], %gather3A_1048 {strides = array<i32>} : memref<16x128xf32, #tpu.memory_space<vmem>>, vector<16xf32>,
      %get3A_1053 = arith.constant 10 : i32
      %get3A_1054 = arith.index_cast %get3A_1053 : i32 to index
      %get3A_1055 = arith.constant 0 : index
      %get3A_1056 = tpu.vector_load %arg7[%get3A_1054, %get3A_1055] {strides = array<i32>} : memref<16x128xi32, #tpu.memory_space<vmem>>, vector<16xi32>,
      %gather3A_1057 = tpu.vector_load_idx %arg6[%get3A_1056] : memref<100000xf32, #tpu.memory_space<vmem>>[vector<16xi32>], vector<16xf32>,
      %swap3A_1058 = arith.constant 10 : i32
      %swap3A_1059 = arith.index_cast %swap3A_1058 : i32 to index
      %swap3A_1060 = arith.constant 0 : index
      %swap3A_1061 = tpu.vector_load %arg9[%swap3A_1059, %swap3A_1060] {strides = array<i32>} : memref<16x128xf32, #tpu.memory_space<vmem>>, vector<16xf32>,
      tpu.vector_store %arg9[%swap3A_1059, %swap3A_1060], %gather3A_1057 {strides = array<i32>} : memref<16x128xf32, #tpu.memory_space<vmem>>, vector<16xf32>,
      %get3A_1062 = arith.constant 10 : i32
      %get3A_1063 = arith.index_cast %get3A_1062 : i32 to index
      %get3A_1064 = arith.constant 16 : index
      %get3A_1065 = tpu.vector_load %arg7[%get3A_1063, %get3A_1064] {strides = array<i32>} : memref<16x128xi32, #tpu.memory_space<vmem>>, vector<16xi32>,
      %gather3A_1066 = tpu.vector_load_idx %arg6[%get3A_1065] : memref<100000xf32, #tpu.memory_space<vmem>>[vector<16xi32>], vector<16xf32>,
      %swap3A_1067 = arith.constant 10 : i32
      %swap3A_1068 = arith.index_cast %swap3A_1067 : i32 to index
      %swap3A_1069 = arith.constant 16 : index
      %swap3A_1070 = tpu.vector_load %arg9[%swap3A_1068, %swap3A_1069] {strides = array<i32>} : memref<16x128xf32, #tpu.memory_space<vmem>>, vector<16xf32>,
      tpu.vector_store %arg9[%swap3A_1068, %swap3A_1069], %gather3A_1066 {strides = array<i32>} : memref<16x128xf32, #tpu.memory_space<vmem>>, vector<16xf32>,
      %get3A_1071 = arith.constant 10 : i32
      %get3A_1072 = arith.index_cast %get3A_1071 : i32 to index
      %get3A_1073 = arith.constant 32 : index
      %get3A_1074 = tpu.vector_load %arg7[%get3A_1072, %get3A_1073] {strides = array<i32>} : memref<16x128xi32, #tpu.memory_space<vmem>>, vector<16xi32>,
      %gather3A_1075 = tpu.vector_load_idx %arg6[%get3A_1074] : memref<100000xf32, #tpu.memory_space<vmem>>[vector<16xi32>], vector<16xf32>,
      %swap3A_1076 = arith.constant 10 : i32
      %swap3A_1077 = arith.index_cast %swap3A_1076 : i32 to index
      %swap3A_1078 = arith.constant 32 : index
      %swap3A_1079 = tpu.vector_load %arg9[%swap3A_1077, %swap3A_1078] {strides = array<i32>} : memref<16x128xf32, #tpu.memory_space<vmem>>, vector<16xf32>,
      tpu.vector_store %arg9[%swap3A_1077, %swap3A_1078], %gather3A_1075 {strides = array<i32>} : memref<16x128xf32, #tpu.memory_space<vmem>>, vector<16xf32>,
      %get3A_1080 = arith.constant 10 : i32
      %get3A_1081 = arith.index_cast %get3A_1080 : i32 to index
      %get3A_1082 = arith.constant 48 : index
      %get3A_1083 = tpu.vector_load %arg7[%get3A_1081, %get3A_1082] {strides = array<i32>} : memref<16x128xi32, #tpu.memory_space<vmem>>, vector<16xi32>,
      %gather3A_1084 = tpu.vector_load_idx %arg6[%get3A_1083] : memref<100000xf32, #tpu.memory_space<vmem>>[vector<16xi32>], vector<16xf32>,
      %swap3A_1085 = arith.constant 10 : i32
      %swap3A_1086 = arith.index_cast %swap3A_1085 : i32 to index
      %swap3A_1087 = arith.constant 48 : index
      %swap3A_1088 = tpu.vector_load %arg9[%swap3A_1086, %swap3A_1087] {strides = array<i32>} : memref<16x128xf32, #tpu.memory_space<vmem>>, vector<16xf32>,
      tpu.vector_store %arg9[%swap3A_1086, %swap3A_1087], %gather3A_1084 {strides = array<i32>} : memref<16x128xf32, #tpu.memory_space<vmem>>, vector<16xf32>,
      %get3A_1089 = arith.constant 10 : i32
      %get3A_1090 = arith.index_cast %get3A_1089 : i32 to index
      %get3A_1091 = arith.constant 64 : index
      %get3A_1092 = tpu.vector_load %arg7[%get3A_1090, %get3A_1091] {strides = array<i32>} : memref<16x128xi32, #tpu.memory_space<vmem>>, vector<16xi32>,
      %gather3A_1093 = tpu.vector_load_idx %arg6[%get3A_1092] : memref<100000xf32, #tpu.memory_space<vmem>>[vector<16xi32>], vector<16xf32>,
      %swap3A_1094 = arith.constant 10 : i32
      %swap3A_1095 = arith.index_cast %swap3A_1094 : i32 to index
      %swap3A_1096 = arith.constant 64 : index
      %swap3A_1097 = tpu.vector_load %arg9[%swap3A_1095, %swap3A_1096] {strides = array<i32>} : memref<16x128xf32, #tpu.memory_space<vmem>>, vector<16xf32>,
      tpu.vector_store %arg9[%swap3A_1095, %swap3A_1096], %gather3A_1093 {strides = array<i32>} : memref<16x128xf32, #tpu.memory_space<vmem>>, vector<16xf32>,
      %get3A_1098 = arith.constant 10 : i32
      %get3A_1099 = arith.index_cast %get3A_1098 : i32 to index
      %get3A_1100 = arith.constant 80 : index
      %get3A_1101 = tpu.vector_load %arg7[%get3A_1099, %get3A_1100] {strides = array<i32>} : memref<16x128xi32, #tpu.memory_space<vmem>>, vector<16xi32>,
      %gather3A_1102 = tpu.vector_load_idx %arg6[%get3A_1101] : memref<100000xf32, #tpu.memory_space<vmem>>[vector<16xi32>], vector<16xf32>,
      %swap3A_1103 = arith.constant 10 : i32
      %swap3A_1104 = arith.index_cast %swap3A_1103 : i32 to index
      %swap3A_1105 = arith.constant 80 : index
      %swap3A_1106 = tpu.vector_load %arg9[%swap3A_1104, %swap3A_1105] {strides = array<i32>} : memref<16x128xf32, #tpu.memory_space<vmem>>, vector<16xf32>,
      tpu.vector_store %arg9[%swap3A_1104, %swap3A_1105], %gather3A_1102 {strides = array<i32>} : memref<16x128xf32, #tpu.memory_space<vmem>>, vector<16xf32>,
      %get3A_1107 = arith.constant 10 : i32
      %get3A_1108 = arith.index_cast %get3A_1107 : i32 to index
      %get3A_1109 = arith.constant 96 : index
      %get3A_1110 = tpu.vector_load %arg7[%get3A_1108, %get3A_1109] {strides = array<i32>} : memref<16x128xi32, #tpu.memory_space<vmem>>, vector<16xi32>,
      %gather3A_1111 = tpu.vector_load_idx %arg6[%get3A_1110] : memref<100000xf32, #tpu.memory_space<vmem>>[vector<16xi32>], vector<16xf32>,
      %swap3A_1112 = arith.constant 10 : i32
      %swap3A_1113 = arith.index_cast %swap3A_1112 : i32 to index
      %swap3A_1114 = arith.constant 96 : index
      %swap3A_1115 = tpu.vector_load %arg9[%swap3A_1113, %swap3A_1114] {strides = array<i32>} : memref<16x128xf32, #tpu.memory_space<vmem>>, vector<16xf32>,
      tpu.vector_store %arg9[%swap3A_1113, %swap3A_1114], %gather3A_1111 {strides = array<i32>} : memref<16x128xf32, #tpu.memory_space<vmem>>, vector<16xf32>,
      %get3A_1116 = arith.constant 10 : i32
      %get3A_1117 = arith.index_cast %get3A_1116 : i32 to index
      %get3A_1118 = arith.constant 112 : index
      %get3A_1119 = tpu.vector_load %arg7[%get3A_1117, %get3A_1118] {strides = array<i32>} : memref<16x128xi32, #tpu.memory_space<vmem>>, vector<16xi32>,
      %gather3A_1120 = tpu.vector_load_idx %arg6[%get3A_1119] : memref<100000xf32, #tpu.memory_space<vmem>>[vector<16xi32>], vector<16xf32>,
      %swap3A_1121 = arith.constant 10 : i32
      %swap3A_1122 = arith.index_cast %swap3A_1121 : i32 to index
      %swap3A_1123 = arith.constant 112 : index
      %swap3A_1124 = tpu.vector_load %arg9[%swap3A_1122, %swap3A_1123] {strides = array<i32>} : memref<16x128xf32, #tpu.memory_space<vmem>>, vector<16xf32>,
      tpu.vector_store %arg9[%swap3A_1122, %swap3A_1123], %gather3A_1120 {strides = array<i32>} : memref<16x128xf32, #tpu.memory_space<vmem>>, vector<16xf32>,
      %get3A_1125 = arith.constant 11 : i32
      %get3A_1126 = arith.index_cast %get3A_1125 : i32 to index
      %get3A_1127 = arith.constant 0 : index
      %get3A_1128 = tpu.vector_load %arg7[%get3A_1126, %get3A_1127] {strides = array<i32>} : memref<16x128xi32, #tpu.memory_space<vmem>>, vector<16xi32>,
      %gather3A_1129 = tpu.vector_load_idx %arg6[%get3A_1128] : memref<100000xf32, #tpu.memory_space<vmem>>[vector<16xi32>], vector<16xf32>,
      %swap3A_1130 = arith.constant 11 : i32
      %swap3A_1131 = arith.index_cast %swap3A_1130 : i32 to index
      %swap3A_1132 = arith.constant 0 : index
      %swap3A_1133 = tpu.vector_load %arg9[%swap3A_1131, %swap3A_1132] {strides = array<i32>} : memref<16x128xf32, #tpu.memory_space<vmem>>, vector<16xf32>,
      tpu.vector_store %arg9[%swap3A_1131, %swap3A_1132], %gather3A_1129 {strides = array<i32>} : memref<16x128xf32, #tpu.memory_space<vmem>>, vector<16xf32>,
      %get3A_1134 = arith.constant 11 : i32
      %get3A_1135 = arith.index_cast %get3A_1134 : i32 to index
      %get3A_1136 = arith.constant 16 : index
      %get3A_1137 = tpu.vector_load %arg7[%get3A_1135, %get3A_1136] {strides = array<i32>} : memref<16x128xi32, #tpu.memory_space<vmem>>, vector<16xi32>,
      %gather3A_1138 = tpu.vector_load_idx %arg6[%get3A_1137] : memref<100000xf32, #tpu.memory_space<vmem>>[vector<16xi32>], vector<16xf32>,
      %swap3A_1139 = arith.constant 11 : i32
      %swap3A_1140 = arith.index_cast %swap3A_1139 : i32 to index
      %swap3A_1141 = arith.constant 16 : index
      %swap3A_1142 = tpu.vector_load %arg9[%swap3A_1140, %swap3A_1141] {strides = array<i32>} : memref<16x128xf32, #tpu.memory_space<vmem>>, vector<16xf32>,
      tpu.vector_store %arg9[%swap3A_1140, %swap3A_1141], %gather3A_1138 {strides = array<i32>} : memref<16x128xf32, #tpu.memory_space<vmem>>, vector<16xf32>,
      %get3A_1143 = arith.constant 11 : i32
      %get3A_1144 = arith.index_cast %get3A_1143 : i32 to index
      %get3A_1145 = arith.constant 32 : index
      %get3A_1146 = tpu.vector_load %arg7[%get3A_1144, %get3A_1145] {strides = array<i32>} : memref<16x128xi32, #tpu.memory_space<vmem>>, vector<16xi32>,
      %gather3A_1147 = tpu.vector_load_idx %arg6[%get3A_1146] : memref<100000xf32, #tpu.memory_space<vmem>>[vector<16xi32>], vector<16xf32>,
      %swap3A_1148 = arith.constant 11 : i32
      %swap3A_1149 = arith.index_cast %swap3A_1148 : i32 to index
      %swap3A_1150 = arith.constant 32 : index
      %swap3A_1151 = tpu.vector_load %arg9[%swap3A_1149, %swap3A_1150] {strides = array<i32>} : memref<16x128xf32, #tpu.memory_space<vmem>>, vector<16xf32>,
      tpu.vector_store %arg9[%swap3A_1149, %swap3A_1150], %gather3A_1147 {strides = array<i32>} : memref<16x128xf32, #tpu.memory_space<vmem>>, vector<16xf32>,
      %get3A_1152 = arith.constant 11 : i32
      %get3A_1153 = arith.index_cast %get3A_1152 : i32 to index
      %get3A_1154 = arith.constant 48 : index
      %get3A_1155 = tpu.vector_load %arg7[%get3A_1153, %get3A_1154] {strides = array<i32>} : memref<16x128xi32, #tpu.memory_space<vmem>>, vector<16xi32>,
      %gather3A_1156 = tpu.vector_load_idx %arg6[%get3A_1155] : memref<100000xf32, #tpu.memory_space<vmem>>[vector<16xi32>], vector<16xf32>,
      %swap3A_1157 = arith.constant 11 : i32
      %swap3A_1158 = arith.index_cast %swap3A_1157 : i32 to index
      %swap3A_1159 = arith.constant 48 : index
      %swap3A_1160 = tpu.vector_load %arg9[%swap3A_1158, %swap3A_1159] {strides = array<i32>} : memref<16x128xf32, #tpu.memory_space<vmem>>, vector<16xf32>,
      tpu.vector_store %arg9[%swap3A_1158, %swap3A_1159], %gather3A_1156 {strides = array<i32>} : memref<16x128xf32, #tpu.memory_space<vmem>>, vector<16xf32>,
      %get3A_1161 = arith.constant 11 : i32
      %get3A_1162 = arith.index_cast %get3A_1161 : i32 to index
      %get3A_1163 = arith.constant 64 : index
      %get3A_1164 = tpu.vector_load %arg7[%get3A_1162, %get3A_1163] {strides = array<i32>} : memref<16x128xi32, #tpu.memory_space<vmem>>, vector<16xi32>,
      %gather3A_1165 = tpu.vector_load_idx %arg6[%get3A_1164] : memref<100000xf32, #tpu.memory_space<vmem>>[vector<16xi32>], vector<16xf32>,
      %swap3A_1166 = arith.constant 11 : i32
      %swap3A_1167 = arith.index_cast %swap3A_1166 : i32 to index
      %swap3A_1168 = arith.constant 64 : index
      %swap3A_1169 = tpu.vector_load %arg9[%swap3A_1167, %swap3A_1168] {strides = array<i32>} : memref<16x128xf32, #tpu.memory_space<vmem>>, vector<16xf32>,
      tpu.vector_store %arg9[%swap3A_1167, %swap3A_1168], %gather3A_1165 {strides = array<i32>} : memref<16x128xf32, #tpu.memory_space<vmem>>, vector<16xf32>,
      %get3A_1170 = arith.constant 11 : i32
      %get3A_1171 = arith.index_cast %get3A_1170 : i32 to index
      %get3A_1172 = arith.constant 80 : index
      %get3A_1173 = tpu.vector_load %arg7[%get3A_1171, %get3A_1172] {strides = array<i32>} : memref<16x128xi32, #tpu.memory_space<vmem>>, vector<16xi32>,
      %gather3A_1174 = tpu.vector_load_idx %arg6[%get3A_1173] : memref<100000xf32, #tpu.memory_space<vmem>>[vector<16xi32>], vector<16xf32>,
      %swap3A_1175 = arith.constant 11 : i32
      %swap3A_1176 = arith.index_cast %swap3A_1175 : i32 to index
      %swap3A_1177 = arith.constant 80 : index
      %swap3A_1178 = tpu.vector_load %arg9[%swap3A_1176, %swap3A_1177] {strides = array<i32>} : memref<16x128xf32, #tpu.memory_space<vmem>>, vector<16xf32>,
      tpu.vector_store %arg9[%swap3A_1176, %swap3A_1177], %gather3A_1174 {strides = array<i32>} : memref<16x128xf32, #tpu.memory_space<vmem>>, vector<16xf32>,
      %get3A_1179 = arith.constant 11 : i32
      %get3A_1180 = arith.index_cast %get3A_1179 : i32 to index
      %get3A_1181 = arith.constant 96 : index
      %get3A_1182 = tpu.vector_load %arg7[%get3A_1180, %get3A_1181] {strides = array<i32>} : memref<16x128xi32, #tpu.memory_space<vmem>>, vector<16xi32>,
      %gather3A_1183 = tpu.vector_load_idx %arg6[%get3A_1182] : memref<100000xf32, #tpu.memory_space<vmem>>[vector<16xi32>], vector<16xf32>,
      %swap3A_1184 = arith.constant 11 : i32
      %swap3A_1185 = arith.index_cast %swap3A_1184 : i32 to index
      %swap3A_1186 = arith.constant 96 : index
      %swap3A_1187 = tpu.vector_load %arg9[%swap3A_1185, %swap3A_1186] {strides = array<i32>} : memref<16x128xf32, #tpu.memory_space<vmem>>, vector<16xf32>,
      tpu.vector_store %arg9[%swap3A_1185, %swap3A_1186], %gather3A_1183 {strides = array<i32>} : memref<16x128xf32, #tpu.memory_space<vmem>>, vector<16xf32>,
      %get3A_1188 = arith.constant 11 : i32
      %get3A_1189 = arith.index_cast %get3A_1188 : i32 to index
      %get3A_1190 = arith.constant 112 : index
      %get3A_1191 = tpu.vector_load %arg7[%get3A_1189, %get3A_1190] {strides = array<i32>} : memref<16x128xi32, #tpu.memory_space<vmem>>, vector<16xi32>,
      %gather3A_1192 = tpu.vector_load_idx %arg6[%get3A_1191] : memref<100000xf32, #tpu.memory_space<vmem>>[vector<16xi32>], vector<16xf32>,
      %swap3A_1193 = arith.constant 11 : i32
      %swap3A_1194 = arith.index_cast %swap3A_1193 : i32 to index
      %swap3A_1195 = arith.constant 112 : index
      %swap3A_1196 = tpu.vector_load %arg9[%swap3A_1194, %swap3A_1195] {strides = array<i32>} : memref<16x128xf32, #tpu.memory_space<vmem>>, vector<16xf32>,
      tpu.vector_store %arg9[%swap3A_1194, %swap3A_1195], %gather3A_1192 {strides = array<i32>} : memref<16x128xf32, #tpu.memory_space<vmem>>, vector<16xf32>,
      %get3A_1197 = arith.constant 12 : i32
      %get3A_1198 = arith.index_cast %get3A_1197 : i32 to index
      %get3A_1199 = arith.constant 0 : index
      %get3A_1200 = tpu.vector_load %arg7[%get3A_1198, %get3A_1199] {strides = array<i32>} : memref<16x128xi32, #tpu.memory_space<vmem>>, vector<16xi32>,
      %gather3A_1201 = tpu.vector_load_idx %arg6[%get3A_1200] : memref<100000xf32, #tpu.memory_space<vmem>>[vector<16xi32>], vector<16xf32>,
      %swap3A_1202 = arith.constant 12 : i32
      %swap3A_1203 = arith.index_cast %swap3A_1202 : i32 to index
      %swap3A_1204 = arith.constant 0 : index
      %swap3A_1205 = tpu.vector_load %arg9[%swap3A_1203, %swap3A_1204] {strides = array<i32>} : memref<16x128xf32, #tpu.memory_space<vmem>>, vector<16xf32>,
      tpu.vector_store %arg9[%swap3A_1203, %swap3A_1204], %gather3A_1201 {strides = array<i32>} : memref<16x128xf32, #tpu.memory_space<vmem>>, vector<16xf32>,
      %get3A_1206 = arith.constant 12 : i32
      %get3A_1207 = arith.index_cast %get3A_1206 : i32 to index
      %get3A_1208 = arith.constant 16 : index
      %get3A_1209 = tpu.vector_load %arg7[%get3A_1207, %get3A_1208] {strides = array<i32>} : memref<16x128xi32, #tpu.memory_space<vmem>>, vector<16xi32>,
      %gather3A_1210 = tpu.vector_load_idx %arg6[%get3A_1209] : memref<100000xf32, #tpu.memory_space<vmem>>[vector<16xi32>], vector<16xf32>,
      %swap3A_1211 = arith.constant 12 : i32
      %swap3A_1212 = arith.index_cast %swap3A_1211 : i32 to index
      %swap3A_1213 = arith.constant 16 : index
      %swap3A_1214 = tpu.vector_load %arg9[%swap3A_1212, %swap3A_1213] {strides = array<i32>} : memref<16x128xf32, #tpu.memory_space<vmem>>, vector<16xf32>,
      tpu.vector_store %arg9[%swap3A_1212, %swap3A_1213], %gather3A_1210 {strides = array<i32>} : memref<16x128xf32, #tpu.memory_space<vmem>>, vector<16xf32>,
      %get3A_1215 = arith.constant 12 : i32
      %get3A_1216 = arith.index_cast %get3A_1215 : i32 to index
      %get3A_1217 = arith.constant 32 : index
      %get3A_1218 = tpu.vector_load %arg7[%get3A_1216, %get3A_1217] {strides = array<i32>} : memref<16x128xi32, #tpu.memory_space<vmem>>, vector<16xi32>,
      %gather3A_1219 = tpu.vector_load_idx %arg6[%get3A_1218] : memref<100000xf32, #tpu.memory_space<vmem>>[vector<16xi32>], vector<16xf32>,
      %swap3A_1220 = arith.constant 12 : i32
      %swap3A_1221 = arith.index_cast %swap3A_1220 : i32 to index
      %swap3A_1222 = arith.constant 32 : index
      %swap3A_1223 = tpu.vector_load %arg9[%swap3A_1221, %swap3A_1222] {strides = array<i32>} : memref<16x128xf32, #tpu.memory_space<vmem>>, vector<16xf32>,
      tpu.vector_store %arg9[%swap3A_1221, %swap3A_1222], %gather3A_1219 {strides = array<i32>} : memref<16x128xf32, #tpu.memory_space<vmem>>, vector<16xf32>,
      %get3A_1224 = arith.constant 12 : i32
      %get3A_1225 = arith.index_cast %get3A_1224 : i32 to index
      %get3A_1226 = arith.constant 48 : index
      %get3A_1227 = tpu.vector_load %arg7[%get3A_1225, %get3A_1226] {strides = array<i32>} : memref<16x128xi32, #tpu.memory_space<vmem>>, vector<16xi32>,
      %gather3A_1228 = tpu.vector_load_idx %arg6[%get3A_1227] : memref<100000xf32, #tpu.memory_space<vmem>>[vector<16xi32>], vector<16xf32>,
      %swap3A_1229 = arith.constant 12 : i32
      %swap3A_1230 = arith.index_cast %swap3A_1229 : i32 to index
      %swap3A_1231 = arith.constant 48 : index
      %swap3A_1232 = tpu.vector_load %arg9[%swap3A_1230, %swap3A_1231] {strides = array<i32>} : memref<16x128xf32, #tpu.memory_space<vmem>>, vector<16xf32>,
      tpu.vector_store %arg9[%swap3A_1230, %swap3A_1231], %gather3A_1228 {strides = array<i32>} : memref<16x128xf32, #tpu.memory_space<vmem>>, vector<16xf32>,
      %get3A_1233 = arith.constant 12 : i32
      %get3A_1234 = arith.index_cast %get3A_1233 : i32 to index
      %get3A_1235 = arith.constant 64 : index
      %get3A_1236 = tpu.vector_load %arg7[%get3A_1234, %get3A_1235] {strides = array<i32>} : memref<16x128xi32, #tpu.memory_space<vmem>>, vector<16xi32>,
      %gather3A_1237 = tpu.vector_load_idx %arg6[%get3A_1236] : memref<100000xf32, #tpu.memory_space<vmem>>[vector<16xi32>], vector<16xf32>,
      %swap3A_1238 = arith.constant 12 : i32
      %swap3A_1239 = arith.index_cast %swap3A_1238 : i32 to index
      %swap3A_1240 = arith.constant 64 : index
      %swap3A_1241 = tpu.vector_load %arg9[%swap3A_1239, %swap3A_1240] {strides = array<i32>} : memref<16x128xf32, #tpu.memory_space<vmem>>, vector<16xf32>,
      tpu.vector_store %arg9[%swap3A_1239, %swap3A_1240], %gather3A_1237 {strides = array<i32>} : memref<16x128xf32, #tpu.memory_space<vmem>>, vector<16xf32>,
      %get3A_1242 = arith.constant 12 : i32
      %get3A_1243 = arith.index_cast %get3A_1242 : i32 to index
      %get3A_1244 = arith.constant 80 : index
      %get3A_1245 = tpu.vector_load %arg7[%get3A_1243, %get3A_1244] {strides = array<i32>} : memref<16x128xi32, #tpu.memory_space<vmem>>, vector<16xi32>,
      %gather3A_1246 = tpu.vector_load_idx %arg6[%get3A_1245] : memref<100000xf32, #tpu.memory_space<vmem>>[vector<16xi32>], vector<16xf32>,
      %swap3A_1247 = arith.constant 12 : i32
      %swap3A_1248 = arith.index_cast %swap3A_1247 : i32 to index
      %swap3A_1249 = arith.constant 80 : index
      %swap3A_1250 = tpu.vector_load %arg9[%swap3A_1248, %swap3A_1249] {strides = array<i32>} : memref<16x128xf32, #tpu.memory_space<vmem>>, vector<16xf32>,
      tpu.vector_store %arg9[%swap3A_1248, %swap3A_1249], %gather3A_1246 {strides = array<i32>} : memref<16x128xf32, #tpu.memory_space<vmem>>, vector<16xf32>,
      %get3A_1251 = arith.constant 12 : i32
      %get3A_1252 = arith.index_cast %get3A_1251 : i32 to index
      %get3A_1253 = arith.constant 96 : index
      %get3A_1254 = tpu.vector_load %arg7[%get3A_1252, %get3A_1253] {strides = array<i32>} : memref<16x128xi32, #tpu.memory_space<vmem>>, vector<16xi32>,
      %gather3A_1255 = tpu.vector_load_idx %arg6[%get3A_1254] : memref<100000xf32, #tpu.memory_space<vmem>>[vector<16xi32>], vector<16xf32>,
      %swap3A_1256 = arith.constant 12 : i32
      %swap3A_1257 = arith.index_cast %swap3A_1256 : i32 to index
      %swap3A_1258 = arith.constant 96 : index
      %swap3A_1259 = tpu.vector_load %arg9[%swap3A_1257, %swap3A_1258] {strides = array<i32>} : memref<16x128xf32, #tpu.memory_space<vmem>>, vector<16xf32>,
      tpu.vector_store %arg9[%swap3A_1257, %swap3A_1258], %gather3A_1255 {strides = array<i32>} : memref<16x128xf32, #tpu.memory_space<vmem>>, vector<16xf32>,
      %get3A_1260 = arith.constant 12 : i32
      %get3A_1261 = arith.index_cast %get3A_1260 : i32 to index
      %get3A_1262 = arith.constant 112 : index
      %get3A_1263 = tpu.vector_load %arg7[%get3A_1261, %get3A_1262] {strides = array<i32>} : memref<16x128xi32, #tpu.memory_space<vmem>>, vector<16xi32>,
      %gather3A_1264 = tpu.vector_load_idx %arg6[%get3A_1263] : memref<100000xf32, #tpu.memory_space<vmem>>[vector<16xi32>], vector<16xf32>,
      %swap3A_1265 = arith.constant 12 : i32
      %swap3A_1266 = arith.index_cast %swap3A_1265 : i32 to index
      %swap3A_1267 = arith.constant 112 : index
      %swap3A_1268 = tpu.vector_load %arg9[%swap3A_1266, %swap3A_1267] {strides = array<i32>} : memref<16x128xf32, #tpu.memory_space<vmem>>, vector<16xf32>,
      tpu.vector_store %arg9[%swap3A_1266, %swap3A_1267], %gather3A_1264 {strides = array<i32>} : memref<16x128xf32, #tpu.memory_space<vmem>>, vector<16xf32>,
      %get3A_1269 = arith.constant 13 : i32
      %get3A_1270 = arith.index_cast %get3A_1269 : i32 to index
      %get3A_1271 = arith.constant 0 : index
      %get3A_1272 = tpu.vector_load %arg7[%get3A_1270, %get3A_1271] {strides = array<i32>} : memref<16x128xi32, #tpu.memory_space<vmem>>, vector<16xi32>,
      %gather3A_1273 = tpu.vector_load_idx %arg6[%get3A_1272] : memref<100000xf32, #tpu.memory_space<vmem>>[vector<16xi32>], vector<16xf32>,
      %swap3A_1274 = arith.constant 13 : i32
      %swap3A_1275 = arith.index_cast %swap3A_1274 : i32 to index
      %swap3A_1276 = arith.constant 0 : index
      %swap3A_1277 = tpu.vector_load %arg9[%swap3A_1275, %swap3A_1276] {strides = array<i32>} : memref<16x128xf32, #tpu.memory_space<vmem>>, vector<16xf32>,
      tpu.vector_store %arg9[%swap3A_1275, %swap3A_1276], %gather3A_1273 {strides = array<i32>} : memref<16x128xf32, #tpu.memory_space<vmem>>, vector<16xf32>,
      %get3A_1278 = arith.constant 13 : i32
      %get3A_1279 = arith.index_cast %get3A_1278 : i32 to index
      %get3A_1280 = arith.constant 16 : index
      %get3A_1281 = tpu.vector_load %arg7[%get3A_1279, %get3A_1280] {strides = array<i32>} : memref<16x128xi32, #tpu.memory_space<vmem>>, vector<16xi32>,
      %gather3A_1282 = tpu.vector_load_idx %arg6[%get3A_1281] : memref<100000xf32, #tpu.memory_space<vmem>>[vector<16xi32>], vector<16xf32>,
      %swap3A_1283 = arith.constant 13 : i32
      %swap3A_1284 = arith.index_cast %swap3A_1283 : i32 to index
      %swap3A_1285 = arith.constant 16 : index
      %swap3A_1286 = tpu.vector_load %arg9[%swap3A_1284, %swap3A_1285] {strides = array<i32>} : memref<16x128xf32, #tpu.memory_space<vmem>>, vector<16xf32>,
      tpu.vector_store %arg9[%swap3A_1284, %swap3A_1285], %gather3A_1282 {strides = array<i32>} : memref<16x128xf32, #tpu.memory_space<vmem>>, vector<16xf32>,
      %get3A_1287 = arith.constant 13 : i32
      %get3A_1288 = arith.index_cast %get3A_1287 : i32 to index
      %get3A_1289 = arith.constant 32 : index
      %get3A_1290 = tpu.vector_load %arg7[%get3A_1288, %get3A_1289] {strides = array<i32>} : memref<16x128xi32, #tpu.memory_space<vmem>>, vector<16xi32>,
      %gather3A_1291 = tpu.vector_load_idx %arg6[%get3A_1290] : memref<100000xf32, #tpu.memory_space<vmem>>[vector<16xi32>], vector<16xf32>,
      %swap3A_1292 = arith.constant 13 : i32
      %swap3A_1293 = arith.index_cast %swap3A_1292 : i32 to index
      %swap3A_1294 = arith.constant 32 : index
      %swap3A_1295 = tpu.vector_load %arg9[%swap3A_1293, %swap3A_1294] {strides = array<i32>} : memref<16x128xf32, #tpu.memory_space<vmem>>, vector<16xf32>,
      tpu.vector_store %arg9[%swap3A_1293, %swap3A_1294], %gather3A_1291 {strides = array<i32>} : memref<16x128xf32, #tpu.memory_space<vmem>>, vector<16xf32>,
      %get3A_1296 = arith.constant 13 : i32
      %get3A_1297 = arith.index_cast %get3A_1296 : i32 to index
      %get3A_1298 = arith.constant 48 : index
      %get3A_1299 = tpu.vector_load %arg7[%get3A_1297, %get3A_1298] {strides = array<i32>} : memref<16x128xi32, #tpu.memory_space<vmem>>, vector<16xi32>,
      %gather3A_1300 = tpu.vector_load_idx %arg6[%get3A_1299] : memref<100000xf32, #tpu.memory_space<vmem>>[vector<16xi32>], vector<16xf32>,
      %swap3A_1301 = arith.constant 13 : i32
      %swap3A_1302 = arith.index_cast %swap3A_1301 : i32 to index
      %swap3A_1303 = arith.constant 48 : index
      %swap3A_1304 = tpu.vector_load %arg9[%swap3A_1302, %swap3A_1303] {strides = array<i32>} : memref<16x128xf32, #tpu.memory_space<vmem>>, vector<16xf32>,
      tpu.vector_store %arg9[%swap3A_1302, %swap3A_1303], %gather3A_1300 {strides = array<i32>} : memref<16x128xf32, #tpu.memory_space<vmem>>, vector<16xf32>,
      %get3A_1305 = arith.constant 13 : i32
      %get3A_1306 = arith.index_cast %get3A_1305 : i32 to index
      %get3A_1307 = arith.constant 64 : index
      %get3A_1308 = tpu.vector_load %arg7[%get3A_1306, %get3A_1307] {strides = array<i32>} : memref<16x128xi32, #tpu.memory_space<vmem>>, vector<16xi32>,
      %gather3A_1309 = tpu.vector_load_idx %arg6[%get3A_1308] : memref<100000xf32, #tpu.memory_space<vmem>>[vector<16xi32>], vector<16xf32>,
      %swap3A_1310 = arith.constant 13 : i32
      %swap3A_1311 = arith.index_cast %swap3A_1310 : i32 to index
      %swap3A_1312 = arith.constant 64 : index
      %swap3A_1313 = tpu.vector_load %arg9[%swap3A_1311, %swap3A_1312] {strides = array<i32>} : memref<16x128xf32, #tpu.memory_space<vmem>>, vector<16xf32>,
      tpu.vector_store %arg9[%swap3A_1311, %swap3A_1312], %gather3A_1309 {strides = array<i32>} : memref<16x128xf32, #tpu.memory_space<vmem>>, vector<16xf32>,
      %get3A_1314 = arith.constant 13 : i32
      %get3A_1315 = arith.index_cast %get3A_1314 : i32 to index
      %get3A_1316 = arith.constant 80 : index
      %get3A_1317 = tpu.vector_load %arg7[%get3A_1315, %get3A_1316] {strides = array<i32>} : memref<16x128xi32, #tpu.memory_space<vmem>>, vector<16xi32>,
      %gather3A_1318 = tpu.vector_load_idx %arg6[%get3A_1317] : memref<100000xf32, #tpu.memory_space<vmem>>[vector<16xi32>], vector<16xf32>,
      %swap3A_1319 = arith.constant 13 : i32
      %swap3A_1320 = arith.index_cast %swap3A_1319 : i32 to index
      %swap3A_1321 = arith.constant 80 : index
      %swap3A_1322 = tpu.vector_load %arg9[%swap3A_1320, %swap3A_1321] {strides = array<i32>} : memref<16x128xf32, #tpu.memory_space<vmem>>, vector<16xf32>,
      tpu.vector_store %arg9[%swap3A_1320, %swap3A_1321], %gather3A_1318 {strides = array<i32>} : memref<16x128xf32, #tpu.memory_space<vmem>>, vector<16xf32>,
      %get3A_1323 = arith.constant 13 : i32
      %get3A_1324 = arith.index_cast %get3A_1323 : i32 to index
      %get3A_1325 = arith.constant 96 : index
      %get3A_1326 = tpu.vector_load %arg7[%get3A_1324, %get3A_1325] {strides = array<i32>} : memref<16x128xi32, #tpu.memory_space<vmem>>, vector<16xi32>,
      %gather3A_1327 = tpu.vector_load_idx %arg6[%get3A_1326] : memref<100000xf32, #tpu.memory_space<vmem>>[vector<16xi32>], vector<16xf32>,
      %swap3A_1328 = arith.constant 13 : i32
      %swap3A_1329 = arith.index_cast %swap3A_1328 : i32 to index
      %swap3A_1330 = arith.constant 96 : index
      %swap3A_1331 = tpu.vector_load %arg9[%swap3A_1329, %swap3A_1330] {strides = array<i32>} : memref<16x128xf32, #tpu.memory_space<vmem>>, vector<16xf32>,
      tpu.vector_store %arg9[%swap3A_1329, %swap3A_1330], %gather3A_1327 {strides = array<i32>} : memref<16x128xf32, #tpu.memory_space<vmem>>, vector<16xf32>,
      %get3A_1332 = arith.constant 13 : i32
      %get3A_1333 = arith.index_cast %get3A_1332 : i32 to index
      %get3A_1334 = arith.constant 112 : index
      %get3A_1335 = tpu.vector_load %arg7[%get3A_1333, %get3A_1334] {strides = array<i32>} : memref<16x128xi32, #tpu.memory_space<vmem>>, vector<16xi32>,
      %gather3A_1336 = tpu.vector_load_idx %arg6[%get3A_1335] : memref<100000xf32, #tpu.memory_space<vmem>>[vector<16xi32>], vector<16xf32>,
      %swap3A_1337 = arith.constant 13 : i32
      %swap3A_1338 = arith.index_cast %swap3A_1337 : i32 to index
      %swap3A_1339 = arith.constant 112 : index
      %swap3A_1340 = tpu.vector_load %arg9[%swap3A_1338, %swap3A_1339] {strides = array<i32>} : memref<16x128xf32, #tpu.memory_space<vmem>>, vector<16xf32>,
      tpu.vector_store %arg9[%swap3A_1338, %swap3A_1339], %gather3A_1336 {strides = array<i32>} : memref<16x128xf32, #tpu.memory_space<vmem>>, vector<16xf32>,
      %get3A_1341 = arith.constant 14 : i32
      %get3A_1342 = arith.index_cast %get3A_1341 : i32 to index
      %get3A_1343 = arith.constant 0 : index
      %get3A_1344 = tpu.vector_load %arg7[%get3A_1342, %get3A_1343] {strides = array<i32>} : memref<16x128xi32, #tpu.memory_space<vmem>>, vector<16xi32>,
      %gather3A_1345 = tpu.vector_load_idx %arg6[%get3A_1344] : memref<100000xf32, #tpu.memory_space<vmem>>[vector<16xi32>], vector<16xf32>,
      %swap3A_1346 = arith.constant 14 : i32
      %swap3A_1347 = arith.index_cast %swap3A_1346 : i32 to index
      %swap3A_1348 = arith.constant 0 : index
      %swap3A_1349 = tpu.vector_load %arg9[%swap3A_1347, %swap3A_1348] {strides = array<i32>} : memref<16x128xf32, #tpu.memory_space<vmem>>, vector<16xf32>,
      tpu.vector_store %arg9[%swap3A_1347, %swap3A_1348], %gather3A_1345 {strides = array<i32>} : memref<16x128xf32, #tpu.memory_space<vmem>>, vector<16xf32>,
      %get3A_1350 = arith.constant 14 : i32
      %get3A_1351 = arith.index_cast %get3A_1350 : i32 to index
      %get3A_1352 = arith.constant 16 : index
      %get3A_1353 = tpu.vector_load %arg7[%get3A_1351, %get3A_1352] {strides = array<i32>} : memref<16x128xi32, #tpu.memory_space<vmem>>, vector<16xi32>,
      %gather3A_1354 = tpu.vector_load_idx %arg6[%get3A_1353] : memref<100000xf32, #tpu.memory_space<vmem>>[vector<16xi32>], vector<16xf32>,
      %swap3A_1355 = arith.constant 14 : i32
      %swap3A_1356 = arith.index_cast %swap3A_1355 : i32 to index
      %swap3A_1357 = arith.constant 16 : index
      %swap3A_1358 = tpu.vector_load %arg9[%swap3A_1356, %swap3A_1357] {strides = array<i32>} : memref<16x128xf32, #tpu.memory_space<vmem>>, vector<16xf32>,
      tpu.vector_store %arg9[%swap3A_1356, %swap3A_1357], %gather3A_1354 {strides = array<i32>} : memref<16x128xf32, #tpu.memory_space<vmem>>, vector<16xf32>,
      %get3A_1359 = arith.constant 14 : i32
      %get3A_1360 = arith.index_cast %get3A_1359 : i32 to index
      %get3A_1361 = arith.constant 32 : index
      %get3A_1362 = tpu.vector_load %arg7[%get3A_1360, %get3A_1361] {strides = array<i32>} : memref<16x128xi32, #tpu.memory_space<vmem>>, vector<16xi32>,
      %gather3A_1363 = tpu.vector_load_idx %arg6[%get3A_1362] : memref<100000xf32, #tpu.memory_space<vmem>>[vector<16xi32>], vector<16xf32>,
      %swap3A_1364 = arith.constant 14 : i32
      %swap3A_1365 = arith.index_cast %swap3A_1364 : i32 to index
      %swap3A_1366 = arith.constant 32 : index
      %swap3A_1367 = tpu.vector_load %arg9[%swap3A_1365, %swap3A_1366] {strides = array<i32>} : memref<16x128xf32, #tpu.memory_space<vmem>>, vector<16xf32>,
      tpu.vector_store %arg9[%swap3A_1365, %swap3A_1366], %gather3A_1363 {strides = array<i32>} : memref<16x128xf32, #tpu.memory_space<vmem>>, vector<16xf32>,
      %get3A_1368 = arith.constant 14 : i32
      %get3A_1369 = arith.index_cast %get3A_1368 : i32 to index
      %get3A_1370 = arith.constant 48 : index
      %get3A_1371 = tpu.vector_load %arg7[%get3A_1369, %get3A_1370] {strides = array<i32>} : memref<16x128xi32, #tpu.memory_space<vmem>>, vector<16xi32>,
      %gather3A_1372 = tpu.vector_load_idx %arg6[%get3A_1371] : memref<100000xf32, #tpu.memory_space<vmem>>[vector<16xi32>], vector<16xf32>,
      %swap3A_1373 = arith.constant 14 : i32
      %swap3A_1374 = arith.index_cast %swap3A_1373 : i32 to index
      %swap3A_1375 = arith.constant 48 : index
      %swap3A_1376 = tpu.vector_load %arg9[%swap3A_1374, %swap3A_1375] {strides = array<i32>} : memref<16x128xf32, #tpu.memory_space<vmem>>, vector<16xf32>,
      tpu.vector_store %arg9[%swap3A_1374, %swap3A_1375], %gather3A_1372 {strides = array<i32>} : memref<16x128xf32, #tpu.memory_space<vmem>>, vector<16xf32>,
      %get3A_1377 = arith.constant 14 : i32
      %get3A_1378 = arith.index_cast %get3A_1377 : i32 to index
      %get3A_1379 = arith.constant 64 : index
      %get3A_1380 = tpu.vector_load %arg7[%get3A_1378, %get3A_1379] {strides = array<i32>} : memref<16x128xi32, #tpu.memory_space<vmem>>, vector<16xi32>,
      %gather3A_1381 = tpu.vector_load_idx %arg6[%get3A_1380] : memref<100000xf32, #tpu.memory_space<vmem>>[vector<16xi32>], vector<16xf32>,
      %swap3A_1382 = arith.constant 14 : i32
      %swap3A_1383 = arith.index_cast %swap3A_1382 : i32 to index
      %swap3A_1384 = arith.constant 64 : index
      %swap3A_1385 = tpu.vector_load %arg9[%swap3A_1383, %swap3A_1384] {strides = array<i32>} : memref<16x128xf32, #tpu.memory_space<vmem>>, vector<16xf32>,
      tpu.vector_store %arg9[%swap3A_1383, %swap3A_1384], %gather3A_1381 {strides = array<i32>} : memref<16x128xf32, #tpu.memory_space<vmem>>, vector<16xf32>,
      %get3A_1386 = arith.constant 14 : i32
      %get3A_1387 = arith.index_cast %get3A_1386 : i32 to index
      %get3A_1388 = arith.constant 80 : index
      %get3A_1389 = tpu.vector_load %arg7[%get3A_1387, %get3A_1388] {strides = array<i32>} : memref<16x128xi32, #tpu.memory_space<vmem>>, vector<16xi32>,
      %gather3A_1390 = tpu.vector_load_idx %arg6[%get3A_1389] : memref<100000xf32, #tpu.memory_space<vmem>>[vector<16xi32>], vector<16xf32>,
      %swap3A_1391 = arith.constant 14 : i32
      %swap3A_1392 = arith.index_cast %swap3A_1391 : i32 to index
      %swap3A_1393 = arith.constant 80 : index
      %swap3A_1394 = tpu.vector_load %arg9[%swap3A_1392, %swap3A_1393] {strides = array<i32>} : memref<16x128xf32, #tpu.memory_space<vmem>>, vector<16xf32>,
      tpu.vector_store %arg9[%swap3A_1392, %swap3A_1393], %gather3A_1390 {strides = array<i32>} : memref<16x128xf32, #tpu.memory_space<vmem>>, vector<16xf32>,
      %get3A_1395 = arith.constant 14 : i32
      %get3A_1396 = arith.index_cast %get3A_1395 : i32 to index
      %get3A_1397 = arith.constant 96 : index
      %get3A_1398 = tpu.vector_load %arg7[%get3A_1396, %get3A_1397] {strides = array<i32>} : memref<16x128xi32, #tpu.memory_space<vmem>>, vector<16xi32>,
      %gather3A_1399 = tpu.vector_load_idx %arg6[%get3A_1398] : memref<100000xf32, #tpu.memory_space<vmem>>[vector<16xi32>], vector<16xf32>,
      %swap3A_1400 = arith.constant 14 : i32
      %swap3A_1401 = arith.index_cast %swap3A_1400 : i32 to index
      %swap3A_1402 = arith.constant 96 : index
      %swap3A_1403 = tpu.vector_load %arg9[%swap3A_1401, %swap3A_1402] {strides = array<i32>} : memref<16x128xf32, #tpu.memory_space<vmem>>, vector<16xf32>,
      tpu.vector_store %arg9[%swap3A_1401, %swap3A_1402], %gather3A_1399 {strides = array<i32>} : memref<16x128xf32, #tpu.memory_space<vmem>>, vector<16xf32>,
      %get3A_1404 = arith.constant 14 : i32
      %get3A_1405 = arith.index_cast %get3A_1404 : i32 to index
      %get3A_1406 = arith.constant 112 : index
      %get3A_1407 = tpu.vector_load %arg7[%get3A_1405, %get3A_1406] {strides = array<i32>} : memref<16x128xi32, #tpu.memory_space<vmem>>, vector<16xi32>,
      %gather3A_1408 = tpu.vector_load_idx %arg6[%get3A_1407] : memref<100000xf32, #tpu.memory_space<vmem>>[vector<16xi32>], vector<16xf32>,
      %swap3A_1409 = arith.constant 14 : i32
      %swap3A_1410 = arith.index_cast %swap3A_1409 : i32 to index
      %swap3A_1411 = arith.constant 112 : index
      %swap3A_1412 = tpu.vector_load %arg9[%swap3A_1410, %swap3A_1411] {strides = array<i32>} : memref<16x128xf32, #tpu.memory_space<vmem>>, vector<16xf32>,
      tpu.vector_store %arg9[%swap3A_1410, %swap3A_1411], %gather3A_1408 {strides = array<i32>} : memref<16x128xf32, #tpu.memory_space<vmem>>, vector<16xf32>,
      %get3A_1413 = arith.constant 15 : i32
      %get3A_1414 = arith.index_cast %get3A_1413 : i32 to index
      %get3A_1415 = arith.constant 0 : index
      %get3A_1416 = tpu.vector_load %arg7[%get3A_1414, %get3A_1415] {strides = array<i32>} : memref<16x128xi32, #tpu.memory_space<vmem>>, vector<16xi32>,
      %gather3A_1417 = tpu.vector_load_idx %arg6[%get3A_1416] : memref<100000xf32, #tpu.memory_space<vmem>>[vector<16xi32>], vector<16xf32>,
      %swap3A_1418 = arith.constant 15 : i32
      %swap3A_1419 = arith.index_cast %swap3A_1418 : i32 to index
      %swap3A_1420 = arith.constant 0 : index
      %swap3A_1421 = tpu.vector_load %arg9[%swap3A_1419, %swap3A_1420] {strides = array<i32>} : memref<16x128xf32, #tpu.memory_space<vmem>>, vector<16xf32>,
      tpu.vector_store %arg9[%swap3A_1419, %swap3A_1420], %gather3A_1417 {strides = array<i32>} : memref<16x128xf32, #tpu.memory_space<vmem>>, vector<16xf32>,
      %get3A_1422 = arith.constant 15 : i32
      %get3A_1423 = arith.index_cast %get3A_1422 : i32 to index
      %get3A_1424 = arith.constant 16 : index
      %get3A_1425 = tpu.vector_load %arg7[%get3A_1423, %get3A_1424] {strides = array<i32>} : memref<16x128xi32, #tpu.memory_space<vmem>>, vector<16xi32>,
      %gather3A_1426 = tpu.vector_load_idx %arg6[%get3A_1425] : memref<100000xf32, #tpu.memory_space<vmem>>[vector<16xi32>], vector<16xf32>,
      %swap3A_1427 = arith.constant 15 : i32
      %swap3A_1428 = arith.index_cast %swap3A_1427 : i32 to index
      %swap3A_1429 = arith.constant 16 : index
      %swap3A_1430 = tpu.vector_load %arg9[%swap3A_1428, %swap3A_1429] {strides = array<i32>} : memref<16x128xf32, #tpu.memory_space<vmem>>, vector<16xf32>,
      tpu.vector_store %arg9[%swap3A_1428, %swap3A_1429], %gather3A_1426 {strides = array<i32>} : memref<16x128xf32, #tpu.memory_space<vmem>>, vector<16xf32>,
      %get3A_1431 = arith.constant 15 : i32
      %get3A_1432 = arith.index_cast %get3A_1431 : i32 to index
      %get3A_1433 = arith.constant 32 : index
      %get3A_1434 = tpu.vector_load %arg7[%get3A_1432, %get3A_1433] {strides = array<i32>} : memref<16x128xi32, #tpu.memory_space<vmem>>, vector<16xi32>,
      %gather3A_1435 = tpu.vector_load_idx %arg6[%get3A_1434] : memref<100000xf32, #tpu.memory_space<vmem>>[vector<16xi32>], vector<16xf32>,
      %swap3A_1436 = arith.constant 15 : i32
      %swap3A_1437 = arith.index_cast %swap3A_1436 : i32 to index
      %swap3A_1438 = arith.constant 32 : index
      %swap3A_1439 = tpu.vector_load %arg9[%swap3A_1437, %swap3A_1438] {strides = array<i32>} : memref<16x128xf32, #tpu.memory_space<vmem>>, vector<16xf32>,
      tpu.vector_store %arg9[%swap3A_1437, %swap3A_1438], %gather3A_1435 {strides = array<i32>} : memref<16x128xf32, #tpu.memory_space<vmem>>, vector<16xf32>,
      %get3A_1440 = arith.constant 15 : i32
      %get3A_1441 = arith.index_cast %get3A_1440 : i32 to index
      %get3A_1442 = arith.constant 48 : index
      %get3A_1443 = tpu.vector_load %arg7[%get3A_1441, %get3A_1442] {strides = array<i32>} : memref<16x128xi32, #tpu.memory_space<vmem>>, vector<16xi32>,
      %gather3A_1444 = tpu.vector_load_idx %arg6[%get3A_1443] : memref<100000xf32, #tpu.memory_space<vmem>>[vector<16xi32>], vector<16xf32>,
      %swap3A_1445 = arith.constant 15 : i32
      %swap3A_1446 = arith.index_cast %swap3A_1445 : i32 to index
      %swap3A_1447 = arith.constant 48 : index
      %swap3A_1448 = tpu.vector_load %arg9[%swap3A_1446, %swap3A_1447] {strides = array<i32>} : memref<16x128xf32, #tpu.memory_space<vmem>>, vector<16xf32>,
      tpu.vector_store %arg9[%swap3A_1446, %swap3A_1447], %gather3A_1444 {strides = array<i32>} : memref<16x128xf32, #tpu.memory_space<vmem>>, vector<16xf32>,
      %get3A_1449 = arith.constant 15 : i32
      %get3A_1450 = arith.index_cast %get3A_1449 : i32 to index
      %get3A_1451 = arith.constant 64 : index
      %get3A_1452 = tpu.vector_load %arg7[%get3A_1450, %get3A_1451] {strides = array<i32>} : memref<16x128xi32, #tpu.memory_space<vmem>>, vector<16xi32>,
      %gather3A_1453 = tpu.vector_load_idx %arg6[%get3A_1452] : memref<100000xf32, #tpu.memory_space<vmem>>[vector<16xi32>], vector<16xf32>,
      %swap3A_1454 = arith.constant 15 : i32
      %swap3A_1455 = arith.index_cast %swap3A_1454 : i32 to index
      %swap3A_1456 = arith.constant 64 : index
      %swap3A_1457 = tpu.vector_load %arg9[%swap3A_1455, %swap3A_1456] {strides = array<i32>} : memref<16x128xf32, #tpu.memory_space<vmem>>, vector<16xf32>,
      tpu.vector_store %arg9[%swap3A_1455, %swap3A_1456], %gather3A_1453 {strides = array<i32>} : memref<16x128xf32, #tpu.memory_space<vmem>>, vector<16xf32>,
      %get3A_1458 = arith.constant 15 : i32
      %get3A_1459 = arith.index_cast %get3A_1458 : i32 to index
      %get3A_1460 = arith.constant 80 : index
      %get3A_1461 = tpu.vector_load %arg7[%get3A_1459, %get3A_1460] {strides = array<i32>} : memref<16x128xi32, #tpu.memory_space<vmem>>, vector<16xi32>,
      %gather3A_1462 = tpu.vector_load_idx %arg6[%get3A_1461] : memref<100000xf32, #tpu.memory_space<vmem>>[vector<16xi32>], vector<16xf32>,
      %swap3A_1463 = arith.constant 15 : i32
      %swap3A_1464 = arith.index_cast %swap3A_1463 : i32 to index
      %swap3A_1465 = arith.constant 80 : index
      %swap3A_1466 = tpu.vector_load %arg9[%swap3A_1464, %swap3A_1465] {strides = array<i32>} : memref<16x128xf32, #tpu.memory_space<vmem>>, vector<16xf32>,
      tpu.vector_store %arg9[%swap3A_1464, %swap3A_1465], %gather3A_1462 {strides = array<i32>} : memref<16x128xf32, #tpu.memory_space<vmem>>, vector<16xf32>,
      %get3A_1467 = arith.constant 15 : i32
      %get3A_1468 = arith.index_cast %get3A_1467 : i32 to index
      %get3A_1469 = arith.constant 96 : index
      %get3A_1470 = tpu.vector_load %arg7[%get3A_1468, %get3A_1469] {strides = array<i32>} : memref<16x128xi32, #tpu.memory_space<vmem>>, vector<16xi32>,
      %gather3A_1471 = tpu.vector_load_idx %arg6[%get3A_1470] : memref<100000xf32, #tpu.memory_space<vmem>>[vector<16xi32>], vector<16xf32>,
      %swap3A_1472 = arith.constant 15 : i32
      %swap3A_1473 = arith.index_cast %swap3A_1472 : i32 to index
      %swap3A_1474 = arith.constant 96 : index
      %swap3A_1475 = tpu.vector_load %arg9[%swap3A_1473, %swap3A_1474] {strides = array<i32>} : memref<16x128xf32, #tpu.memory_space<vmem>>, vector<16xf32>,
      tpu.vector_store %arg9[%swap3A_1473, %swap3A_1474], %gather3A_1471 {strides = array<i32>} : memref<16x128xf32, #tpu.memory_space<vmem>>, vector<16xf32>,
      %get3A_1476 = arith.constant 15 : i32
      %get3A_1477 = arith.index_cast %get3A_1476 : i32 to index
      %get3A_1478 = arith.constant 112 : index
      %get3A_1479 = tpu.vector_load %arg7[%get3A_1477, %get3A_1478] {strides = array<i32>} : memref<16x128xi32, #tpu.memory_space<vmem>>, vector<16xi32>,
      %gather3A_1480 = tpu.vector_load_idx %arg6[%get3A_1479] : memref<100000xf32, #tpu.memory_space<vmem>>[vector<16xi32>], vector<16xf32>,
      %swap3A_1481 = arith.constant 15 : i32
      %swap3A_1482 = arith.index_cast %swap3A_1481 : i32 to index
      %swap3A_1483 = arith.constant 112 : index
      %swap3A_1484 = tpu.vector_load %arg9[%swap3A_1482, %swap3A_1483] {strides = array<i32>} : memref<16x128xf32, #tpu.memory_space<vmem>>, vector<16xf32>,
      tpu.vector_store %arg9[%swap3A_1482, %swap3A_1483], %gather3A_1480 {strides = array<i32>} : memref<16x128xf32, #tpu.memory_space<vmem>>, vector<16xf32>,
      %run_scoped3A = arith.constant 0 : i32
      %run_scoped3A_1485 = arith.constant 0 : i32
      "tpu.region"() ({
        %run_scoped3A_1516 = tpu.sem_alloc : memref<!tpu.dma_semaphore, #tpu.memory_space<semaphore_mem>>
        %dma_start3A = arith.constant 0 : i32
        %dma_start3A_1517 = tpu.memref_slice %arg9[%run_scoped3A, %dma_start3A] : memref<16x128xf32, #tpu.memory_space<vmem>> -> memref<1x128xf32, #tpu.memory_space<vmem>>
        %dma_start3A_1518 = tpu.memref_squeeze %dma_start3A_1517 : memref<1x128xf32, #tpu.memory_space<vmem>> -> memref<128xf32, #tpu.memory_space<vmem>>
        %dma_start3A_1519 = arith.constant 0 : i32
        %dma_start3A_1520 = tpu.memref_slice %arg8[%run_scoped3A_1485, %dma_start3A_1519] : memref<16x128xi32, #tpu.memory_space<vmem>> -> memref<1x128xi32, #tpu.memory_space<vmem>>
        %dma_start3A_1521 = tpu.memref_squeeze %dma_start3A_1520 : memref<1x128xi32, #tpu.memory_space<vmem>> -> memref<128xi32, #tpu.memory_space<vmem>>
        %dma_start3A_1522 = arith.constant 0 : i32
        %dma_start3A_1523 = tpu.memref_slice %arg11[%dma_start3A_1522] : memref<100096xf32, #tpu.memory_space<vmem_shared>> -> memref<100096xf32, #tpu.memory_space<vmem_shared>>
        tpu.enqueue_indirect_dma source(%dma_start3A_1518 : memref<128xf32, #tpu.memory_space<vmem>>) target(%dma_start3A_1523 : memref<100096xf32, #tpu.memory_space<vmem_shared>>) offsets(%dma_start3A_1521 : memref<128xi32, #tpu.memory_space<vmem>>) semaphore(%run_scoped3A_1516 : memref<!tpu.dma_semaphore, #tpu.memory_space<semaphore_mem>>) {add = true}
        %dma_wait3A = arith.constant 0 : i32
        %dma_wait3A_1524 = tpu.memref_slice %arg9[%run_scoped3A, %dma_wait3A] : memref<16x128xf32, #tpu.memory_space<vmem>> -> memref<1x128xf32, #tpu.memory_space<vmem>>
        %dma_wait3A_1525 = tpu.memref_squeeze %dma_wait3A_1524 : memref<1x128xf32, #tpu.memory_space<vmem>> -> memref<128xf32, #tpu.memory_space<vmem>>
        %dma_wait3A_1526 = arith.constant 0 : i32
        %dma_wait3A_1527 = tpu.memref_slice %arg8[%run_scoped3A_1485, %dma_wait3A_1526] : memref<16x128xi32, #tpu.memory_space<vmem>> -> memref<1x128xi32, #tpu.memory_space<vmem>>
        %dma_wait3A_1528 = tpu.memref_squeeze %dma_wait3A_1527 : memref<1x128xi32, #tpu.memory_space<vmem>> -> memref<128xi32, #tpu.memory_space<vmem>>
        %dma_wait3A_1529 = arith.constant 0 : i32
        %dma_wait3A_1530 = tpu.memref_slice %arg11[%dma_wait3A_1529] : memref<100096xf32, #tpu.memory_space<vmem_shared>> -> memref<100096xf32, #tpu.memory_space<vmem_shared>>
        tpu.wait_indirect_dma semaphore(%run_scoped3A_1516 : memref<!tpu.dma_semaphore, #tpu.memory_space<semaphore_mem>>) src(%dma_wait3A_1525 : memref<128xf32, #tpu.memory_space<vmem>>) dst(%dma_wait3A_1530 : memref<100096xf32, #tpu.memory_space<vmem_shared>>)
        tpu.yield
      }) : () -> ()
      %run_scoped3A_1486 = arith.constant 1 : i32
      %run_scoped3A_1487 = arith.constant 1 : i32
      "tpu.region"() ({
        %run_scoped3A_1516 = tpu.sem_alloc : memref<!tpu.dma_semaphore, #tpu.memory_space<semaphore_mem>>
        %dma_start3A = arith.constant 0 : i32
        %dma_start3A_1517 = tpu.memref_slice %arg9[%run_scoped3A_1486, %dma_start3A] : memref<16x128xf32, #tpu.memory_space<vmem>> -> memref<1x128xf32, #tpu.memory_space<vmem>>
        %dma_start3A_1518 = tpu.memref_squeeze %dma_start3A_1517 : memref<1x128xf32, #tpu.memory_space<vmem>> -> memref<128xf32, #tpu.memory_space<vmem>>
        %dma_start3A_1519 = arith.constant 0 : i32
        %dma_start3A_1520 = tpu.memref_slice %arg8[%run_scoped3A_1487, %dma_start3A_1519] : memref<16x128xi32, #tpu.memory_space<vmem>> -> memref<1x128xi32, #tpu.memory_space<vmem>>
        %dma_start3A_1521 = tpu.memref_squeeze %dma_start3A_1520 : memref<1x128xi32, #tpu.memory_space<vmem>> -> memref<128xi32, #tpu.memory_space<vmem>>
        %dma_start3A_1522 = arith.constant 0 : i32
        %dma_start3A_1523 = tpu.memref_slice %arg11[%dma_start3A_1522] : memref<100096xf32, #tpu.memory_space<vmem_shared>> -> memref<100096xf32, #tpu.memory_space<vmem_shared>>
        tpu.enqueue_indirect_dma source(%dma_start3A_1518 : memref<128xf32, #tpu.memory_space<vmem>>) target(%dma_start3A_1523 : memref<100096xf32, #tpu.memory_space<vmem_shared>>) offsets(%dma_start3A_1521 : memref<128xi32, #tpu.memory_space<vmem>>) semaphore(%run_scoped3A_1516 : memref<!tpu.dma_semaphore, #tpu.memory_space<semaphore_mem>>) {add = true}
        %dma_wait3A = arith.constant 0 : i32
        %dma_wait3A_1524 = tpu.memref_slice %arg9[%run_scoped3A_1486, %dma_wait3A] : memref<16x128xf32, #tpu.memory_space<vmem>> -> memref<1x128xf32, #tpu.memory_space<vmem>>
        %dma_wait3A_1525 = tpu.memref_squeeze %dma_wait3A_1524 : memref<1x128xf32, #tpu.memory_space<vmem>> -> memref<128xf32, #tpu.memory_space<vmem>>
        %dma_wait3A_1526 = arith.constant 0 : i32
        %dma_wait3A_1527 = tpu.memref_slice %arg8[%run_scoped3A_1487, %dma_wait3A_1526] : memref<16x128xi32, #tpu.memory_space<vmem>> -> memref<1x128xi32, #tpu.memory_space<vmem>>
        %dma_wait3A_1528 = tpu.memref_squeeze %dma_wait3A_1527 : memref<1x128xi32, #tpu.memory_space<vmem>> -> memref<128xi32, #tpu.memory_space<vmem>>
        %dma_wait3A_1529 = arith.constant 0 : i32
        %dma_wait3A_1530 = tpu.memref_slice %arg11[%dma_wait3A_1529] : memref<100096xf32, #tpu.memory_space<vmem_shared>> -> memref<100096xf32, #tpu.memory_space<vmem_shared>>
        tpu.wait_indirect_dma semaphore(%run_scoped3A_1516 : memref<!tpu.dma_semaphore, #tpu.memory_space<semaphore_mem>>) src(%dma_wait3A_1525 : memref<128xf32, #tpu.memory_space<vmem>>) dst(%dma_wait3A_1530 : memref<100096xf32, #tpu.memory_space<vmem_shared>>)
        tpu.yield
      }) : () -> ()
      %run_scoped3A_1488 = arith.constant 2 : i32
      %run_scoped3A_1489 = arith.constant 2 : i32
      "tpu.region"() ({
        %run_scoped3A_1516 = tpu.sem_alloc : memref<!tpu.dma_semaphore, #tpu.memory_space<semaphore_mem>>
        %dma_start3A = arith.constant 0 : i32
        %dma_start3A_1517 = tpu.memref_slice %arg9[%run_scoped3A_1488, %dma_start3A] : memref<16x128xf32, #tpu.memory_space<vmem>> -> memref<1x128xf32, #tpu.memory_space<vmem>>
        %dma_start3A_1518 = tpu.memref_squeeze %dma_start3A_1517 : memref<1x128xf32, #tpu.memory_space<vmem>> -> memref<128xf32, #tpu.memory_space<vmem>>
        %dma_start3A_1519 = arith.constant 0 : i32
        %dma_start3A_1520 = tpu.memref_slice %arg8[%run_scoped3A_1489, %dma_start3A_1519] : memref<16x128xi32, #tpu.memory_space<vmem>> -> memref<1x128xi32, #tpu.memory_space<vmem>>
        %dma_start3A_1521 = tpu.memref_squeeze %dma_start3A_1520 : memref<1x128xi32, #tpu.memory_space<vmem>> -> memref<128xi32, #tpu.memory_space<vmem>>
        %dma_start3A_1522 = arith.constant 0 : i32
        %dma_start3A_1523 = tpu.memref_slice %arg11[%dma_start3A_1522] : memref<100096xf32, #tpu.memory_space<vmem_shared>> -> memref<100096xf32, #tpu.memory_space<vmem_shared>>
        tpu.enqueue_indirect_dma source(%dma_start3A_1518 : memref<128xf32, #tpu.memory_space<vmem>>) target(%dma_start3A_1523 : memref<100096xf32, #tpu.memory_space<vmem_shared>>) offsets(%dma_start3A_1521 : memref<128xi32, #tpu.memory_space<vmem>>) semaphore(%run_scoped3A_1516 : memref<!tpu.dma_semaphore, #tpu.memory_space<semaphore_mem>>) {add = true}
        %dma_wait3A = arith.constant 0 : i32
        %dma_wait3A_1524 = tpu.memref_slice %arg9[%run_scoped3A_1488, %dma_wait3A] : memref<16x128xf32, #tpu.memory_space<vmem>> -> memref<1x128xf32, #tpu.memory_space<vmem>>
        %dma_wait3A_1525 = tpu.memref_squeeze %dma_wait3A_1524 : memref<1x128xf32, #tpu.memory_space<vmem>> -> memref<128xf32, #tpu.memory_space<vmem>>
        %dma_wait3A_1526 = arith.constant 0 : i32
        %dma_wait3A_1527 = tpu.memref_slice %arg8[%run_scoped3A_1489, %dma_wait3A_1526] : memref<16x128xi32, #tpu.memory_space<vmem>> -> memref<1x128xi32, #tpu.memory_space<vmem>>
        %dma_wait3A_1528 = tpu.memref_squeeze %dma_wait3A_1527 : memref<1x128xi32, #tpu.memory_space<vmem>> -> memref<128xi32, #tpu.memory_space<vmem>>
        %dma_wait3A_1529 = arith.constant 0 : i32
        %dma_wait3A_1530 = tpu.memref_slice %arg11[%dma_wait3A_1529] : memref<100096xf32, #tpu.memory_space<vmem_shared>> -> memref<100096xf32, #tpu.memory_space<vmem_shared>>
        tpu.wait_indirect_dma semaphore(%run_scoped3A_1516 : memref<!tpu.dma_semaphore, #tpu.memory_space<semaphore_mem>>) src(%dma_wait3A_1525 : memref<128xf32, #tpu.memory_space<vmem>>) dst(%dma_wait3A_1530 : memref<100096xf32, #tpu.memory_space<vmem_shared>>)
        tpu.yield
      }) : () -> ()
      %run_scoped3A_1490 = arith.constant 3 : i32
      %run_scoped3A_1491 = arith.constant 3 : i32
      "tpu.region"() ({
        %run_scoped3A_1516 = tpu.sem_alloc : memref<!tpu.dma_semaphore, #tpu.memory_space<semaphore_mem>>
        %dma_start3A = arith.constant 0 : i32
        %dma_start3A_1517 = tpu.memref_slice %arg9[%run_scoped3A_1490, %dma_start3A] : memref<16x128xf32, #tpu.memory_space<vmem>> -> memref<1x128xf32, #tpu.memory_space<vmem>>
        %dma_start3A_1518 = tpu.memref_squeeze %dma_start3A_1517 : memref<1x128xf32, #tpu.memory_space<vmem>> -> memref<128xf32, #tpu.memory_space<vmem>>
        %dma_start3A_1519 = arith.constant 0 : i32
        %dma_start3A_1520 = tpu.memref_slice %arg8[%run_scoped3A_1491, %dma_start3A_1519] : memref<16x128xi32, #tpu.memory_space<vmem>> -> memref<1x128xi32, #tpu.memory_space<vmem>>
        %dma_start3A_1521 = tpu.memref_squeeze %dma_start3A_1520 : memref<1x128xi32, #tpu.memory_space<vmem>> -> memref<128xi32, #tpu.memory_space<vmem>>
        %dma_start3A_1522 = arith.constant 0 : i32
        %dma_start3A_1523 = tpu.memref_slice %arg11[%dma_start3A_1522] : memref<100096xf32, #tpu.memory_space<vmem_shared>> -> memref<100096xf32, #tpu.memory_space<vmem_shared>>
        tpu.enqueue_indirect_dma source(%dma_start3A_1518 : memref<128xf32, #tpu.memory_space<vmem>>) target(%dma_start3A_1523 : memref<100096xf32, #tpu.memory_space<vmem_shared>>) offsets(%dma_start3A_1521 : memref<128xi32, #tpu.memory_space<vmem>>) semaphore(%run_scoped3A_1516 : memref<!tpu.dma_semaphore, #tpu.memory_space<semaphore_mem>>) {add = true}
        %dma_wait3A = arith.constant 0 : i32
        %dma_wait3A_1524 = tpu.memref_slice %arg9[%run_scoped3A_1490, %dma_wait3A] : memref<16x128xf32, #tpu.memory_space<vmem>> -> memref<1x128xf32, #tpu.memory_space<vmem>>
        %dma_wait3A_1525 = tpu.memref_squeeze %dma_wait3A_1524 : memref<1x128xf32, #tpu.memory_space<vmem>> -> memref<128xf32, #tpu.memory_space<vmem>>
        %dma_wait3A_1526 = arith.constant 0 : i32
        %dma_wait3A_1527 = tpu.memref_slice %arg8[%run_scoped3A_1491, %dma_wait3A_1526] : memref<16x128xi32, #tpu.memory_space<vmem>> -> memref<1x128xi32, #tpu.memory_space<vmem>>
        %dma_wait3A_1528 = tpu.memref_squeeze %dma_wait3A_1527 : memref<1x128xi32, #tpu.memory_space<vmem>> -> memref<128xi32, #tpu.memory_space<vmem>>
        %dma_wait3A_1529 = arith.constant 0 : i32
        %dma_wait3A_1530 = tpu.memref_slice %arg11[%dma_wait3A_1529] : memref<100096xf32, #tpu.memory_space<vmem_shared>> -> memref<100096xf32, #tpu.memory_space<vmem_shared>>
        tpu.wait_indirect_dma semaphore(%run_scoped3A_1516 : memref<!tpu.dma_semaphore, #tpu.memory_space<semaphore_mem>>) src(%dma_wait3A_1525 : memref<128xf32, #tpu.memory_space<vmem>>) dst(%dma_wait3A_1530 : memref<100096xf32, #tpu.memory_space<vmem_shared>>)
        tpu.yield
      }) : () -> ()
      %run_scoped3A_1492 = arith.constant 4 : i32
      %run_scoped3A_1493 = arith.constant 4 : i32
      "tpu.region"() ({
        %run_scoped3A_1516 = tpu.sem_alloc : memref<!tpu.dma_semaphore, #tpu.memory_space<semaphore_mem>>
        %dma_start3A = arith.constant 0 : i32
        %dma_start3A_1517 = tpu.memref_slice %arg9[%run_scoped3A_1492, %dma_start3A] : memref<16x128xf32, #tpu.memory_space<vmem>> -> memref<1x128xf32, #tpu.memory_space<vmem>>
        %dma_start3A_1518 = tpu.memref_squeeze %dma_start3A_1517 : memref<1x128xf32, #tpu.memory_space<vmem>> -> memref<128xf32, #tpu.memory_space<vmem>>
        %dma_start3A_1519 = arith.constant 0 : i32
        %dma_start3A_1520 = tpu.memref_slice %arg8[%run_scoped3A_1493, %dma_start3A_1519] : memref<16x128xi32, #tpu.memory_space<vmem>> -> memref<1x128xi32, #tpu.memory_space<vmem>>
        %dma_start3A_1521 = tpu.memref_squeeze %dma_start3A_1520 : memref<1x128xi32, #tpu.memory_space<vmem>> -> memref<128xi32, #tpu.memory_space<vmem>>
        %dma_start3A_1522 = arith.constant 0 : i32
        %dma_start3A_1523 = tpu.memref_slice %arg11[%dma_start3A_1522] : memref<100096xf32, #tpu.memory_space<vmem_shared>> -> memref<100096xf32, #tpu.memory_space<vmem_shared>>
        tpu.enqueue_indirect_dma source(%dma_start3A_1518 : memref<128xf32, #tpu.memory_space<vmem>>) target(%dma_start3A_1523 : memref<100096xf32, #tpu.memory_space<vmem_shared>>) offsets(%dma_start3A_1521 : memref<128xi32, #tpu.memory_space<vmem>>) semaphore(%run_scoped3A_1516 : memref<!tpu.dma_semaphore, #tpu.memory_space<semaphore_mem>>) {add = true}
        %dma_wait3A = arith.constant 0 : i32
        %dma_wait3A_1524 = tpu.memref_slice %arg9[%run_scoped3A_1492, %dma_wait3A] : memref<16x128xf32, #tpu.memory_space<vmem>> -> memref<1x128xf32, #tpu.memory_space<vmem>>
        %dma_wait3A_1525 = tpu.memref_squeeze %dma_wait3A_1524 : memref<1x128xf32, #tpu.memory_space<vmem>> -> memref<128xf32, #tpu.memory_space<vmem>>
        %dma_wait3A_1526 = arith.constant 0 : i32
        %dma_wait3A_1527 = tpu.memref_slice %arg8[%run_scoped3A_1493, %dma_wait3A_1526] : memref<16x128xi32, #tpu.memory_space<vmem>> -> memref<1x128xi32, #tpu.memory_space<vmem>>
        %dma_wait3A_1528 = tpu.memref_squeeze %dma_wait3A_1527 : memref<1x128xi32, #tpu.memory_space<vmem>> -> memref<128xi32, #tpu.memory_space<vmem>>
        %dma_wait3A_1529 = arith.constant 0 : i32
        %dma_wait3A_1530 = tpu.memref_slice %arg11[%dma_wait3A_1529] : memref<100096xf32, #tpu.memory_space<vmem_shared>> -> memref<100096xf32, #tpu.memory_space<vmem_shared>>
        tpu.wait_indirect_dma semaphore(%run_scoped3A_1516 : memref<!tpu.dma_semaphore, #tpu.memory_space<semaphore_mem>>) src(%dma_wait3A_1525 : memref<128xf32, #tpu.memory_space<vmem>>) dst(%dma_wait3A_1530 : memref<100096xf32, #tpu.memory_space<vmem_shared>>)
        tpu.yield
      }) : () -> ()
      %run_scoped3A_1494 = arith.constant 5 : i32
      %run_scoped3A_1495 = arith.constant 5 : i32
      "tpu.region"() ({
        %run_scoped3A_1516 = tpu.sem_alloc : memref<!tpu.dma_semaphore, #tpu.memory_space<semaphore_mem>>
        %dma_start3A = arith.constant 0 : i32
        %dma_start3A_1517 = tpu.memref_slice %arg9[%run_scoped3A_1494, %dma_start3A] : memref<16x128xf32, #tpu.memory_space<vmem>> -> memref<1x128xf32, #tpu.memory_space<vmem>>
        %dma_start3A_1518 = tpu.memref_squeeze %dma_start3A_1517 : memref<1x128xf32, #tpu.memory_space<vmem>> -> memref<128xf32, #tpu.memory_space<vmem>>
        %dma_start3A_1519 = arith.constant 0 : i32
        %dma_start3A_1520 = tpu.memref_slice %arg8[%run_scoped3A_1495, %dma_start3A_1519] : memref<16x128xi32, #tpu.memory_space<vmem>> -> memref<1x128xi32, #tpu.memory_space<vmem>>
        %dma_start3A_1521 = tpu.memref_squeeze %dma_start3A_1520 : memref<1x128xi32, #tpu.memory_space<vmem>> -> memref<128xi32, #tpu.memory_space<vmem>>
        %dma_start3A_1522 = arith.constant 0 : i32
        %dma_start3A_1523 = tpu.memref_slice %arg11[%dma_start3A_1522] : memref<100096xf32, #tpu.memory_space<vmem_shared>> -> memref<100096xf32, #tpu.memory_space<vmem_shared>>
        tpu.enqueue_indirect_dma source(%dma_start3A_1518 : memref<128xf32, #tpu.memory_space<vmem>>) target(%dma_start3A_1523 : memref<100096xf32, #tpu.memory_space<vmem_shared>>) offsets(%dma_start3A_1521 : memref<128xi32, #tpu.memory_space<vmem>>) semaphore(%run_scoped3A_1516 : memref<!tpu.dma_semaphore, #tpu.memory_space<semaphore_mem>>) {add = true}
        %dma_wait3A = arith.constant 0 : i32
        %dma_wait3A_1524 = tpu.memref_slice %arg9[%run_scoped3A_1494, %dma_wait3A] : memref<16x128xf32, #tpu.memory_space<vmem>> -> memref<1x128xf32, #tpu.memory_space<vmem>>
        %dma_wait3A_1525 = tpu.memref_squeeze %dma_wait3A_1524 : memref<1x128xf32, #tpu.memory_space<vmem>> -> memref<128xf32, #tpu.memory_space<vmem>>
        %dma_wait3A_1526 = arith.constant 0 : i32
        %dma_wait3A_1527 = tpu.memref_slice %arg8[%run_scoped3A_1495, %dma_wait3A_1526] : memref<16x128xi32, #tpu.memory_space<vmem>> -> memref<1x128xi32, #tpu.memory_space<vmem>>
        %dma_wait3A_1528 = tpu.memref_squeeze %dma_wait3A_1527 : memref<1x128xi32, #tpu.memory_space<vmem>> -> memref<128xi32, #tpu.memory_space<vmem>>
        %dma_wait3A_1529 = arith.constant 0 : i32
        %dma_wait3A_1530 = tpu.memref_slice %arg11[%dma_wait3A_1529] : memref<100096xf32, #tpu.memory_space<vmem_shared>> -> memref<100096xf32, #tpu.memory_space<vmem_shared>>
        tpu.wait_indirect_dma semaphore(%run_scoped3A_1516 : memref<!tpu.dma_semaphore, #tpu.memory_space<semaphore_mem>>) src(%dma_wait3A_1525 : memref<128xf32, #tpu.memory_space<vmem>>) dst(%dma_wait3A_1530 : memref<100096xf32, #tpu.memory_space<vmem_shared>>)
        tpu.yield
      }) : () -> ()
      %run_scoped3A_1496 = arith.constant 6 : i32
      %run_scoped3A_1497 = arith.constant 6 : i32
      "tpu.region"() ({
        %run_scoped3A_1516 = tpu.sem_alloc : memref<!tpu.dma_semaphore, #tpu.memory_space<semaphore_mem>>
        %dma_start3A = arith.constant 0 : i32
        %dma_start3A_1517 = tpu.memref_slice %arg9[%run_scoped3A_1496, %dma_start3A] : memref<16x128xf32, #tpu.memory_space<vmem>> -> memref<1x128xf32, #tpu.memory_space<vmem>>
        %dma_start3A_1518 = tpu.memref_squeeze %dma_start3A_1517 : memref<1x128xf32, #tpu.memory_space<vmem>> -> memref<128xf32, #tpu.memory_space<vmem>>
        %dma_start3A_1519 = arith.constant 0 : i32
        %dma_start3A_1520 = tpu.memref_slice %arg8[%run_scoped3A_1497, %dma_start3A_1519] : memref<16x128xi32, #tpu.memory_space<vmem>> -> memref<1x128xi32, #tpu.memory_space<vmem>>
        %dma_start3A_1521 = tpu.memref_squeeze %dma_start3A_1520 : memref<1x128xi32, #tpu.memory_space<vmem>> -> memref<128xi32, #tpu.memory_space<vmem>>
        %dma_start3A_1522 = arith.constant 0 : i32
        %dma_start3A_1523 = tpu.memref_slice %arg11[%dma_start3A_1522] : memref<100096xf32, #tpu.memory_space<vmem_shared>> -> memref<100096xf32, #tpu.memory_space<vmem_shared>>
        tpu.enqueue_indirect_dma source(%dma_start3A_1518 : memref<128xf32, #tpu.memory_space<vmem>>) target(%dma_start3A_1523 : memref<100096xf32, #tpu.memory_space<vmem_shared>>) offsets(%dma_start3A_1521 : memref<128xi32, #tpu.memory_space<vmem>>) semaphore(%run_scoped3A_1516 : memref<!tpu.dma_semaphore, #tpu.memory_space<semaphore_mem>>) {add = true}
        %dma_wait3A = arith.constant 0 : i32
        %dma_wait3A_1524 = tpu.memref_slice %arg9[%run_scoped3A_1496, %dma_wait3A] : memref<16x128xf32, #tpu.memory_space<vmem>> -> memref<1x128xf32, #tpu.memory_space<vmem>>
        %dma_wait3A_1525 = tpu.memref_squeeze %dma_wait3A_1524 : memref<1x128xf32, #tpu.memory_space<vmem>> -> memref<128xf32, #tpu.memory_space<vmem>>
        %dma_wait3A_1526 = arith.constant 0 : i32
        %dma_wait3A_1527 = tpu.memref_slice %arg8[%run_scoped3A_1497, %dma_wait3A_1526] : memref<16x128xi32, #tpu.memory_space<vmem>> -> memref<1x128xi32, #tpu.memory_space<vmem>>
        %dma_wait3A_1528 = tpu.memref_squeeze %dma_wait3A_1527 : memref<1x128xi32, #tpu.memory_space<vmem>> -> memref<128xi32, #tpu.memory_space<vmem>>
        %dma_wait3A_1529 = arith.constant 0 : i32
        %dma_wait3A_1530 = tpu.memref_slice %arg11[%dma_wait3A_1529] : memref<100096xf32, #tpu.memory_space<vmem_shared>> -> memref<100096xf32, #tpu.memory_space<vmem_shared>>
        tpu.wait_indirect_dma semaphore(%run_scoped3A_1516 : memref<!tpu.dma_semaphore, #tpu.memory_space<semaphore_mem>>) src(%dma_wait3A_1525 : memref<128xf32, #tpu.memory_space<vmem>>) dst(%dma_wait3A_1530 : memref<100096xf32, #tpu.memory_space<vmem_shared>>)
        tpu.yield
      }) : () -> ()
      %run_scoped3A_1498 = arith.constant 7 : i32
      %run_scoped3A_1499 = arith.constant 7 : i32
      "tpu.region"() ({
        %run_scoped3A_1516 = tpu.sem_alloc : memref<!tpu.dma_semaphore, #tpu.memory_space<semaphore_mem>>
        %dma_start3A = arith.constant 0 : i32
        %dma_start3A_1517 = tpu.memref_slice %arg9[%run_scoped3A_1498, %dma_start3A] : memref<16x128xf32, #tpu.memory_space<vmem>> -> memref<1x128xf32, #tpu.memory_space<vmem>>
        %dma_start3A_1518 = tpu.memref_squeeze %dma_start3A_1517 : memref<1x128xf32, #tpu.memory_space<vmem>> -> memref<128xf32, #tpu.memory_space<vmem>>
        %dma_start3A_1519 = arith.constant 0 : i32
        %dma_start3A_1520 = tpu.memref_slice %arg8[%run_scoped3A_1499, %dma_start3A_1519] : memref<16x128xi32, #tpu.memory_space<vmem>> -> memref<1x128xi32, #tpu.memory_space<vmem>>
        %dma_start3A_1521 = tpu.memref_squeeze %dma_start3A_1520 : memref<1x128xi32, #tpu.memory_space<vmem>> -> memref<128xi32, #tpu.memory_space<vmem>>
        %dma_start3A_1522 = arith.constant 0 : i32
        %dma_start3A_1523 = tpu.memref_slice %arg11[%dma_start3A_1522] : memref<100096xf32, #tpu.memory_space<vmem_shared>> -> memref<100096xf32, #tpu.memory_space<vmem_shared>>
        tpu.enqueue_indirect_dma source(%dma_start3A_1518 : memref<128xf32, #tpu.memory_space<vmem>>) target(%dma_start3A_1523 : memref<100096xf32, #tpu.memory_space<vmem_shared>>) offsets(%dma_start3A_1521 : memref<128xi32, #tpu.memory_space<vmem>>) semaphore(%run_scoped3A_1516 : memref<!tpu.dma_semaphore, #tpu.memory_space<semaphore_mem>>) {add = true}
        %dma_wait3A = arith.constant 0 : i32
        %dma_wait3A_1524 = tpu.memref_slice %arg9[%run_scoped3A_1498, %dma_wait3A] : memref<16x128xf32, #tpu.memory_space<vmem>> -> memref<1x128xf32, #tpu.memory_space<vmem>>
        %dma_wait3A_1525 = tpu.memref_squeeze %dma_wait3A_1524 : memref<1x128xf32, #tpu.memory_space<vmem>> -> memref<128xf32, #tpu.memory_space<vmem>>
        %dma_wait3A_1526 = arith.constant 0 : i32
        %dma_wait3A_1527 = tpu.memref_slice %arg8[%run_scoped3A_1499, %dma_wait3A_1526] : memref<16x128xi32, #tpu.memory_space<vmem>> -> memref<1x128xi32, #tpu.memory_space<vmem>>
        %dma_wait3A_1528 = tpu.memref_squeeze %dma_wait3A_1527 : memref<1x128xi32, #tpu.memory_space<vmem>> -> memref<128xi32, #tpu.memory_space<vmem>>
        %dma_wait3A_1529 = arith.constant 0 : i32
        %dma_wait3A_1530 = tpu.memref_slice %arg11[%dma_wait3A_1529] : memref<100096xf32, #tpu.memory_space<vmem_shared>> -> memref<100096xf32, #tpu.memory_space<vmem_shared>>
        tpu.wait_indirect_dma semaphore(%run_scoped3A_1516 : memref<!tpu.dma_semaphore, #tpu.memory_space<semaphore_mem>>) src(%dma_wait3A_1525 : memref<128xf32, #tpu.memory_space<vmem>>) dst(%dma_wait3A_1530 : memref<100096xf32, #tpu.memory_space<vmem_shared>>)
        tpu.yield
      }) : () -> ()
      %run_scoped3A_1500 = arith.constant 8 : i32
      %run_scoped3A_1501 = arith.constant 8 : i32
      "tpu.region"() ({
        %run_scoped3A_1516 = tpu.sem_alloc : memref<!tpu.dma_semaphore, #tpu.memory_space<semaphore_mem>>
        %dma_start3A = arith.constant 0 : i32
        %dma_start3A_1517 = tpu.memref_slice %arg9[%run_scoped3A_1500, %dma_start3A] : memref<16x128xf32, #tpu.memory_space<vmem>> -> memref<1x128xf32, #tpu.memory_space<vmem>>
        %dma_start3A_1518 = tpu.memref_squeeze %dma_start3A_1517 : memref<1x128xf32, #tpu.memory_space<vmem>> -> memref<128xf32, #tpu.memory_space<vmem>>
        %dma_start3A_1519 = arith.constant 0 : i32
        %dma_start3A_1520 = tpu.memref_slice %arg8[%run_scoped3A_1501, %dma_start3A_1519] : memref<16x128xi32, #tpu.memory_space<vmem>> -> memref<1x128xi32, #tpu.memory_space<vmem>>
        %dma_start3A_1521 = tpu.memref_squeeze %dma_start3A_1520 : memref<1x128xi32, #tpu.memory_space<vmem>> -> memref<128xi32, #tpu.memory_space<vmem>>
        %dma_start3A_1522 = arith.constant 0 : i32
        %dma_start3A_1523 = tpu.memref_slice %arg11[%dma_start3A_1522] : memref<100096xf32, #tpu.memory_space<vmem_shared>> -> memref<100096xf32, #tpu.memory_space<vmem_shared>>
        tpu.enqueue_indirect_dma source(%dma_start3A_1518 : memref<128xf32, #tpu.memory_space<vmem>>) target(%dma_start3A_1523 : memref<100096xf32, #tpu.memory_space<vmem_shared>>) offsets(%dma_start3A_1521 : memref<128xi32, #tpu.memory_space<vmem>>) semaphore(%run_scoped3A_1516 : memref<!tpu.dma_semaphore, #tpu.memory_space<semaphore_mem>>) {add = true}
        %dma_wait3A = arith.constant 0 : i32
        %dma_wait3A_1524 = tpu.memref_slice %arg9[%run_scoped3A_1500, %dma_wait3A] : memref<16x128xf32, #tpu.memory_space<vmem>> -> memref<1x128xf32, #tpu.memory_space<vmem>>
        %dma_wait3A_1525 = tpu.memref_squeeze %dma_wait3A_1524 : memref<1x128xf32, #tpu.memory_space<vmem>> -> memref<128xf32, #tpu.memory_space<vmem>>
        %dma_wait3A_1526 = arith.constant 0 : i32
        %dma_wait3A_1527 = tpu.memref_slice %arg8[%run_scoped3A_1501, %dma_wait3A_1526] : memref<16x128xi32, #tpu.memory_space<vmem>> -> memref<1x128xi32, #tpu.memory_space<vmem>>
        %dma_wait3A_1528 = tpu.memref_squeeze %dma_wait3A_1527 : memref<1x128xi32, #tpu.memory_space<vmem>> -> memref<128xi32, #tpu.memory_space<vmem>>
        %dma_wait3A_1529 = arith.constant 0 : i32
        %dma_wait3A_1530 = tpu.memref_slice %arg11[%dma_wait3A_1529] : memref<100096xf32, #tpu.memory_space<vmem_shared>> -> memref<100096xf32, #tpu.memory_space<vmem_shared>>
        tpu.wait_indirect_dma semaphore(%run_scoped3A_1516 : memref<!tpu.dma_semaphore, #tpu.memory_space<semaphore_mem>>) src(%dma_wait3A_1525 : memref<128xf32, #tpu.memory_space<vmem>>) dst(%dma_wait3A_1530 : memref<100096xf32, #tpu.memory_space<vmem_shared>>)
        tpu.yield
      }) : () -> ()
      %run_scoped3A_1502 = arith.constant 9 : i32
      %run_scoped3A_1503 = arith.constant 9 : i32
      "tpu.region"() ({
        %run_scoped3A_1516 = tpu.sem_alloc : memref<!tpu.dma_semaphore, #tpu.memory_space<semaphore_mem>>
        %dma_start3A = arith.constant 0 : i32
        %dma_start3A_1517 = tpu.memref_slice %arg9[%run_scoped3A_1502, %dma_start3A] : memref<16x128xf32, #tpu.memory_space<vmem>> -> memref<1x128xf32, #tpu.memory_space<vmem>>
        %dma_start3A_1518 = tpu.memref_squeeze %dma_start3A_1517 : memref<1x128xf32, #tpu.memory_space<vmem>> -> memref<128xf32, #tpu.memory_space<vmem>>
        %dma_start3A_1519 = arith.constant 0 : i32
        %dma_start3A_1520 = tpu.memref_slice %arg8[%run_scoped3A_1503, %dma_start3A_1519] : memref<16x128xi32, #tpu.memory_space<vmem>> -> memref<1x128xi32, #tpu.memory_space<vmem>>
        %dma_start3A_1521 = tpu.memref_squeeze %dma_start3A_1520 : memref<1x128xi32, #tpu.memory_space<vmem>> -> memref<128xi32, #tpu.memory_space<vmem>>
        %dma_start3A_1522 = arith.constant 0 : i32
        %dma_start3A_1523 = tpu.memref_slice %arg11[%dma_start3A_1522] : memref<100096xf32, #tpu.memory_space<vmem_shared>> -> memref<100096xf32, #tpu.memory_space<vmem_shared>>
        tpu.enqueue_indirect_dma source(%dma_start3A_1518 : memref<128xf32, #tpu.memory_space<vmem>>) target(%dma_start3A_1523 : memref<100096xf32, #tpu.memory_space<vmem_shared>>) offsets(%dma_start3A_1521 : memref<128xi32, #tpu.memory_space<vmem>>) semaphore(%run_scoped3A_1516 : memref<!tpu.dma_semaphore, #tpu.memory_space<semaphore_mem>>) {add = true}
        %dma_wait3A = arith.constant 0 : i32
        %dma_wait3A_1524 = tpu.memref_slice %arg9[%run_scoped3A_1502, %dma_wait3A] : memref<16x128xf32, #tpu.memory_space<vmem>> -> memref<1x128xf32, #tpu.memory_space<vmem>>
        %dma_wait3A_1525 = tpu.memref_squeeze %dma_wait3A_1524 : memref<1x128xf32, #tpu.memory_space<vmem>> -> memref<128xf32, #tpu.memory_space<vmem>>
        %dma_wait3A_1526 = arith.constant 0 : i32
        %dma_wait3A_1527 = tpu.memref_slice %arg8[%run_scoped3A_1503, %dma_wait3A_1526] : memref<16x128xi32, #tpu.memory_space<vmem>> -> memref<1x128xi32, #tpu.memory_space<vmem>>
        %dma_wait3A_1528 = tpu.memref_squeeze %dma_wait3A_1527 : memref<1x128xi32, #tpu.memory_space<vmem>> -> memref<128xi32, #tpu.memory_space<vmem>>
        %dma_wait3A_1529 = arith.constant 0 : i32
        %dma_wait3A_1530 = tpu.memref_slice %arg11[%dma_wait3A_1529] : memref<100096xf32, #tpu.memory_space<vmem_shared>> -> memref<100096xf32, #tpu.memory_space<vmem_shared>>
        tpu.wait_indirect_dma semaphore(%run_scoped3A_1516 : memref<!tpu.dma_semaphore, #tpu.memory_space<semaphore_mem>>) src(%dma_wait3A_1525 : memref<128xf32, #tpu.memory_space<vmem>>) dst(%dma_wait3A_1530 : memref<100096xf32, #tpu.memory_space<vmem_shared>>)
        tpu.yield
      }) : () -> ()
      %run_scoped3A_1504 = arith.constant 10 : i32
      %run_scoped3A_1505 = arith.constant 10 : i32
      "tpu.region"() ({
        %run_scoped3A_1516 = tpu.sem_alloc : memref<!tpu.dma_semaphore, #tpu.memory_space<semaphore_mem>>
        %dma_start3A = arith.constant 0 : i32
        %dma_start3A_1517 = tpu.memref_slice %arg9[%run_scoped3A_1504, %dma_start3A] : memref<16x128xf32, #tpu.memory_space<vmem>> -> memref<1x128xf32, #tpu.memory_space<vmem>>
        %dma_start3A_1518 = tpu.memref_squeeze %dma_start3A_1517 : memref<1x128xf32, #tpu.memory_space<vmem>> -> memref<128xf32, #tpu.memory_space<vmem>>
        %dma_start3A_1519 = arith.constant 0 : i32
        %dma_start3A_1520 = tpu.memref_slice %arg8[%run_scoped3A_1505, %dma_start3A_1519] : memref<16x128xi32, #tpu.memory_space<vmem>> -> memref<1x128xi32, #tpu.memory_space<vmem>>
        %dma_start3A_1521 = tpu.memref_squeeze %dma_start3A_1520 : memref<1x128xi32, #tpu.memory_space<vmem>> -> memref<128xi32, #tpu.memory_space<vmem>>
        %dma_start3A_1522 = arith.constant 0 : i32
        %dma_start3A_1523 = tpu.memref_slice %arg11[%dma_start3A_1522] : memref<100096xf32, #tpu.memory_space<vmem_shared>> -> memref<100096xf32, #tpu.memory_space<vmem_shared>>
        tpu.enqueue_indirect_dma source(%dma_start3A_1518 : memref<128xf32, #tpu.memory_space<vmem>>) target(%dma_start3A_1523 : memref<100096xf32, #tpu.memory_space<vmem_shared>>) offsets(%dma_start3A_1521 : memref<128xi32, #tpu.memory_space<vmem>>) semaphore(%run_scoped3A_1516 : memref<!tpu.dma_semaphore, #tpu.memory_space<semaphore_mem>>) {add = true}
        %dma_wait3A = arith.constant 0 : i32
        %dma_wait3A_1524 = tpu.memref_slice %arg9[%run_scoped3A_1504, %dma_wait3A] : memref<16x128xf32, #tpu.memory_space<vmem>> -> memref<1x128xf32, #tpu.memory_space<vmem>>
        %dma_wait3A_1525 = tpu.memref_squeeze %dma_wait3A_1524 : memref<1x128xf32, #tpu.memory_space<vmem>> -> memref<128xf32, #tpu.memory_space<vmem>>
        %dma_wait3A_1526 = arith.constant 0 : i32
        %dma_wait3A_1527 = tpu.memref_slice %arg8[%run_scoped3A_1505, %dma_wait3A_1526] : memref<16x128xi32, #tpu.memory_space<vmem>> -> memref<1x128xi32, #tpu.memory_space<vmem>>
        %dma_wait3A_1528 = tpu.memref_squeeze %dma_wait3A_1527 : memref<1x128xi32, #tpu.memory_space<vmem>> -> memref<128xi32, #tpu.memory_space<vmem>>
        %dma_wait3A_1529 = arith.constant 0 : i32
        %dma_wait3A_1530 = tpu.memref_slice %arg11[%dma_wait3A_1529] : memref<100096xf32, #tpu.memory_space<vmem_shared>> -> memref<100096xf32, #tpu.memory_space<vmem_shared>>
        tpu.wait_indirect_dma semaphore(%run_scoped3A_1516 : memref<!tpu.dma_semaphore, #tpu.memory_space<semaphore_mem>>) src(%dma_wait3A_1525 : memref<128xf32, #tpu.memory_space<vmem>>) dst(%dma_wait3A_1530 : memref<100096xf32, #tpu.memory_space<vmem_shared>>)
        tpu.yield
      }) : () -> ()
      %run_scoped3A_1506 = arith.constant 11 : i32
      %run_scoped3A_1507 = arith.constant 11 : i32
      "tpu.region"() ({
        %run_scoped3A_1516 = tpu.sem_alloc : memref<!tpu.dma_semaphore, #tpu.memory_space<semaphore_mem>>
        %dma_start3A = arith.constant 0 : i32
        %dma_start3A_1517 = tpu.memref_slice %arg9[%run_scoped3A_1506, %dma_start3A] : memref<16x128xf32, #tpu.memory_space<vmem>> -> memref<1x128xf32, #tpu.memory_space<vmem>>
        %dma_start3A_1518 = tpu.memref_squeeze %dma_start3A_1517 : memref<1x128xf32, #tpu.memory_space<vmem>> -> memref<128xf32, #tpu.memory_space<vmem>>
        %dma_start3A_1519 = arith.constant 0 : i32
        %dma_start3A_1520 = tpu.memref_slice %arg8[%run_scoped3A_1507, %dma_start3A_1519] : memref<16x128xi32, #tpu.memory_space<vmem>> -> memref<1x128xi32, #tpu.memory_space<vmem>>
        %dma_start3A_1521 = tpu.memref_squeeze %dma_start3A_1520 : memref<1x128xi32, #tpu.memory_space<vmem>> -> memref<128xi32, #tpu.memory_space<vmem>>
        %dma_start3A_1522 = arith.constant 0 : i32
        %dma_start3A_1523 = tpu.memref_slice %arg11[%dma_start3A_1522] : memref<100096xf32, #tpu.memory_space<vmem_shared>> -> memref<100096xf32, #tpu.memory_space<vmem_shared>>
        tpu.enqueue_indirect_dma source(%dma_start3A_1518 : memref<128xf32, #tpu.memory_space<vmem>>) target(%dma_start3A_1523 : memref<100096xf32, #tpu.memory_space<vmem_shared>>) offsets(%dma_start3A_1521 : memref<128xi32, #tpu.memory_space<vmem>>) semaphore(%run_scoped3A_1516 : memref<!tpu.dma_semaphore, #tpu.memory_space<semaphore_mem>>) {add = true}
        %dma_wait3A = arith.constant 0 : i32
        %dma_wait3A_1524 = tpu.memref_slice %arg9[%run_scoped3A_1506, %dma_wait3A] : memref<16x128xf32, #tpu.memory_space<vmem>> -> memref<1x128xf32, #tpu.memory_space<vmem>>
        %dma_wait3A_1525 = tpu.memref_squeeze %dma_wait3A_1524 : memref<1x128xf32, #tpu.memory_space<vmem>> -> memref<128xf32, #tpu.memory_space<vmem>>
        %dma_wait3A_1526 = arith.constant 0 : i32
        %dma_wait3A_1527 = tpu.memref_slice %arg8[%run_scoped3A_1507, %dma_wait3A_1526] : memref<16x128xi32, #tpu.memory_space<vmem>> -> memref<1x128xi32, #tpu.memory_space<vmem>>
        %dma_wait3A_1528 = tpu.memref_squeeze %dma_wait3A_1527 : memref<1x128xi32, #tpu.memory_space<vmem>> -> memref<128xi32, #tpu.memory_space<vmem>>
        %dma_wait3A_1529 = arith.constant 0 : i32
        %dma_wait3A_1530 = tpu.memref_slice %arg11[%dma_wait3A_1529] : memref<100096xf32, #tpu.memory_space<vmem_shared>> -> memref<100096xf32, #tpu.memory_space<vmem_shared>>
        tpu.wait_indirect_dma semaphore(%run_scoped3A_1516 : memref<!tpu.dma_semaphore, #tpu.memory_space<semaphore_mem>>) src(%dma_wait3A_1525 : memref<128xf32, #tpu.memory_space<vmem>>) dst(%dma_wait3A_1530 : memref<100096xf32, #tpu.memory_space<vmem_shared>>)
        tpu.yield
      }) : () -> ()
      %run_scoped3A_1508 = arith.constant 12 : i32
      %run_scoped3A_1509 = arith.constant 12 : i32
      "tpu.region"() ({
        %run_scoped3A_1516 = tpu.sem_alloc : memref<!tpu.dma_semaphore, #tpu.memory_space<semaphore_mem>>
        %dma_start3A = arith.constant 0 : i32
        %dma_start3A_1517 = tpu.memref_slice %arg9[%run_scoped3A_1508, %dma_start3A] : memref<16x128xf32, #tpu.memory_space<vmem>> -> memref<1x128xf32, #tpu.memory_space<vmem>>
        %dma_start3A_1518 = tpu.memref_squeeze %dma_start3A_1517 : memref<1x128xf32, #tpu.memory_space<vmem>> -> memref<128xf32, #tpu.memory_space<vmem>>
        %dma_start3A_1519 = arith.constant 0 : i32
        %dma_start3A_1520 = tpu.memref_slice %arg8[%run_scoped3A_1509, %dma_start3A_1519] : memref<16x128xi32, #tpu.memory_space<vmem>> -> memref<1x128xi32, #tpu.memory_space<vmem>>
        %dma_start3A_1521 = tpu.memref_squeeze %dma_start3A_1520 : memref<1x128xi32, #tpu.memory_space<vmem>> -> memref<128xi32, #tpu.memory_space<vmem>>
        %dma_start3A_1522 = arith.constant 0 : i32
        %dma_start3A_1523 = tpu.memref_slice %arg11[%dma_start3A_1522] : memref<100096xf32, #tpu.memory_space<vmem_shared>> -> memref<100096xf32, #tpu.memory_space<vmem_shared>>
        tpu.enqueue_indirect_dma source(%dma_start3A_1518 : memref<128xf32, #tpu.memory_space<vmem>>) target(%dma_start3A_1523 : memref<100096xf32, #tpu.memory_space<vmem_shared>>) offsets(%dma_start3A_1521 : memref<128xi32, #tpu.memory_space<vmem>>) semaphore(%run_scoped3A_1516 : memref<!tpu.dma_semaphore, #tpu.memory_space<semaphore_mem>>) {add = true}
        %dma_wait3A = arith.constant 0 : i32
        %dma_wait3A_1524 = tpu.memref_slice %arg9[%run_scoped3A_1508, %dma_wait3A] : memref<16x128xf32, #tpu.memory_space<vmem>> -> memref<1x128xf32, #tpu.memory_space<vmem>>
        %dma_wait3A_1525 = tpu.memref_squeeze %dma_wait3A_1524 : memref<1x128xf32, #tpu.memory_space<vmem>> -> memref<128xf32, #tpu.memory_space<vmem>>
        %dma_wait3A_1526 = arith.constant 0 : i32
        %dma_wait3A_1527 = tpu.memref_slice %arg8[%run_scoped3A_1509, %dma_wait3A_1526] : memref<16x128xi32, #tpu.memory_space<vmem>> -> memref<1x128xi32, #tpu.memory_space<vmem>>
        %dma_wait3A_1528 = tpu.memref_squeeze %dma_wait3A_1527 : memref<1x128xi32, #tpu.memory_space<vmem>> -> memref<128xi32, #tpu.memory_space<vmem>>
        %dma_wait3A_1529 = arith.constant 0 : i32
        %dma_wait3A_1530 = tpu.memref_slice %arg11[%dma_wait3A_1529] : memref<100096xf32, #tpu.memory_space<vmem_shared>> -> memref<100096xf32, #tpu.memory_space<vmem_shared>>
        tpu.wait_indirect_dma semaphore(%run_scoped3A_1516 : memref<!tpu.dma_semaphore, #tpu.memory_space<semaphore_mem>>) src(%dma_wait3A_1525 : memref<128xf32, #tpu.memory_space<vmem>>) dst(%dma_wait3A_1530 : memref<100096xf32, #tpu.memory_space<vmem_shared>>)
        tpu.yield
      }) : () -> ()
      %run_scoped3A_1510 = arith.constant 13 : i32
      %run_scoped3A_1511 = arith.constant 13 : i32
      "tpu.region"() ({
        %run_scoped3A_1516 = tpu.sem_alloc : memref<!tpu.dma_semaphore, #tpu.memory_space<semaphore_mem>>
        %dma_start3A = arith.constant 0 : i32
        %dma_start3A_1517 = tpu.memref_slice %arg9[%run_scoped3A_1510, %dma_start3A] : memref<16x128xf32, #tpu.memory_space<vmem>> -> memref<1x128xf32, #tpu.memory_space<vmem>>
        %dma_start3A_1518 = tpu.memref_squeeze %dma_start3A_1517 : memref<1x128xf32, #tpu.memory_space<vmem>> -> memref<128xf32, #tpu.memory_space<vmem>>
        %dma_start3A_1519 = arith.constant 0 : i32
        %dma_start3A_1520 = tpu.memref_slice %arg8[%run_scoped3A_1511, %dma_start3A_1519] : memref<16x128xi32, #tpu.memory_space<vmem>> -> memref<1x128xi32, #tpu.memory_space<vmem>>
        %dma_start3A_1521 = tpu.memref_squeeze %dma_start3A_1520 : memref<1x128xi32, #tpu.memory_space<vmem>> -> memref<128xi32, #tpu.memory_space<vmem>>
        %dma_start3A_1522 = arith.constant 0 : i32
        %dma_start3A_1523 = tpu.memref_slice %arg11[%dma_start3A_1522] : memref<100096xf32, #tpu.memory_space<vmem_shared>> -> memref<100096xf32, #tpu.memory_space<vmem_shared>>
        tpu.enqueue_indirect_dma source(%dma_start3A_1518 : memref<128xf32, #tpu.memory_space<vmem>>) target(%dma_start3A_1523 : memref<100096xf32, #tpu.memory_space<vmem_shared>>) offsets(%dma_start3A_1521 : memref<128xi32, #tpu.memory_space<vmem>>) semaphore(%run_scoped3A_1516 : memref<!tpu.dma_semaphore, #tpu.memory_space<semaphore_mem>>) {add = true}
        %dma_wait3A = arith.constant 0 : i32
        %dma_wait3A_1524 = tpu.memref_slice %arg9[%run_scoped3A_1510, %dma_wait3A] : memref<16x128xf32, #tpu.memory_space<vmem>> -> memref<1x128xf32, #tpu.memory_space<vmem>>
        %dma_wait3A_1525 = tpu.memref_squeeze %dma_wait3A_1524 : memref<1x128xf32, #tpu.memory_space<vmem>> -> memref<128xf32, #tpu.memory_space<vmem>>
        %dma_wait3A_1526 = arith.constant 0 : i32
        %dma_wait3A_1527 = tpu.memref_slice %arg8[%run_scoped3A_1511, %dma_wait3A_1526] : memref<16x128xi32, #tpu.memory_space<vmem>> -> memref<1x128xi32, #tpu.memory_space<vmem>>
        %dma_wait3A_1528 = tpu.memref_squeeze %dma_wait3A_1527 : memref<1x128xi32, #tpu.memory_space<vmem>> -> memref<128xi32, #tpu.memory_space<vmem>>
        %dma_wait3A_1529 = arith.constant 0 : i32
        %dma_wait3A_1530 = tpu.memref_slice %arg11[%dma_wait3A_1529] : memref<100096xf32, #tpu.memory_space<vmem_shared>> -> memref<100096xf32, #tpu.memory_space<vmem_shared>>
        tpu.wait_indirect_dma semaphore(%run_scoped3A_1516 : memref<!tpu.dma_semaphore, #tpu.memory_space<semaphore_mem>>) src(%dma_wait3A_1525 : memref<128xf32, #tpu.memory_space<vmem>>) dst(%dma_wait3A_1530 : memref<100096xf32, #tpu.memory_space<vmem_shared>>)
        tpu.yield
      }) : () -> ()
      %run_scoped3A_1512 = arith.constant 14 : i32
      %run_scoped3A_1513 = arith.constant 14 : i32
      "tpu.region"() ({
        %run_scoped3A_1516 = tpu.sem_alloc : memref<!tpu.dma_semaphore, #tpu.memory_space<semaphore_mem>>
        %dma_start3A = arith.constant 0 : i32
        %dma_start3A_1517 = tpu.memref_slice %arg9[%run_scoped3A_1512, %dma_start3A] : memref<16x128xf32, #tpu.memory_space<vmem>> -> memref<1x128xf32, #tpu.memory_space<vmem>>
        %dma_start3A_1518 = tpu.memref_squeeze %dma_start3A_1517 : memref<1x128xf32, #tpu.memory_space<vmem>> -> memref<128xf32, #tpu.memory_space<vmem>>
        %dma_start3A_1519 = arith.constant 0 : i32
        %dma_start3A_1520 = tpu.memref_slice %arg8[%run_scoped3A_1513, %dma_start3A_1519] : memref<16x128xi32, #tpu.memory_space<vmem>> -> memref<1x128xi32, #tpu.memory_space<vmem>>
        %dma_start3A_1521 = tpu.memref_squeeze %dma_start3A_1520 : memref<1x128xi32, #tpu.memory_space<vmem>> -> memref<128xi32, #tpu.memory_space<vmem>>
        %dma_start3A_1522 = arith.constant 0 : i32
        %dma_start3A_1523 = tpu.memref_slice %arg11[%dma_start3A_1522] : memref<100096xf32, #tpu.memory_space<vmem_shared>> -> memref<100096xf32, #tpu.memory_space<vmem_shared>>
        tpu.enqueue_indirect_dma source(%dma_start3A_1518 : memref<128xf32, #tpu.memory_space<vmem>>) target(%dma_start3A_1523 : memref<100096xf32, #tpu.memory_space<vmem_shared>>) offsets(%dma_start3A_1521 : memref<128xi32, #tpu.memory_space<vmem>>) semaphore(%run_scoped3A_1516 : memref<!tpu.dma_semaphore, #tpu.memory_space<semaphore_mem>>) {add = true}
        %dma_wait3A = arith.constant 0 : i32
        %dma_wait3A_1524 = tpu.memref_slice %arg9[%run_scoped3A_1512, %dma_wait3A] : memref<16x128xf32, #tpu.memory_space<vmem>> -> memref<1x128xf32, #tpu.memory_space<vmem>>
        %dma_wait3A_1525 = tpu.memref_squeeze %dma_wait3A_1524 : memref<1x128xf32, #tpu.memory_space<vmem>> -> memref<128xf32, #tpu.memory_space<vmem>>
        %dma_wait3A_1526 = arith.constant 0 : i32
        %dma_wait3A_1527 = tpu.memref_slice %arg8[%run_scoped3A_1513, %dma_wait3A_1526] : memref<16x128xi32, #tpu.memory_space<vmem>> -> memref<1x128xi32, #tpu.memory_space<vmem>>
        %dma_wait3A_1528 = tpu.memref_squeeze %dma_wait3A_1527 : memref<1x128xi32, #tpu.memory_space<vmem>> -> memref<128xi32, #tpu.memory_space<vmem>>
        %dma_wait3A_1529 = arith.constant 0 : i32
        %dma_wait3A_1530 = tpu.memref_slice %arg11[%dma_wait3A_1529] : memref<100096xf32, #tpu.memory_space<vmem_shared>> -> memref<100096xf32, #tpu.memory_space<vmem_shared>>
        tpu.wait_indirect_dma semaphore(%run_scoped3A_1516 : memref<!tpu.dma_semaphore, #tpu.memory_space<semaphore_mem>>) src(%dma_wait3A_1525 : memref<128xf32, #tpu.memory_space<vmem>>) dst(%dma_wait3A_1530 : memref<100096xf32, #tpu.memory_space<vmem_shared>>)
        tpu.yield
      }) : () -> ()
      %run_scoped3A_1514 = arith.constant 15 : i32
      %run_scoped3A_1515 = arith.constant 15 : i32
      "tpu.region"() ({
        %run_scoped3A_1516 = tpu.sem_alloc : memref<!tpu.dma_semaphore, #tpu.memory_space<semaphore_mem>>
        %dma_start3A = arith.constant 0 : i32
        %dma_start3A_1517 = tpu.memref_slice %arg9[%run_scoped3A_1514, %dma_start3A] : memref<16x128xf32, #tpu.memory_space<vmem>> -> memref<1x128xf32, #tpu.memory_space<vmem>>
        %dma_start3A_1518 = tpu.memref_squeeze %dma_start3A_1517 : memref<1x128xf32, #tpu.memory_space<vmem>> -> memref<128xf32, #tpu.memory_space<vmem>>
        %dma_start3A_1519 = arith.constant 0 : i32
        %dma_start3A_1520 = tpu.memref_slice %arg8[%run_scoped3A_1515, %dma_start3A_1519] : memref<16x128xi32, #tpu.memory_space<vmem>> -> memref<1x128xi32, #tpu.memory_space<vmem>>
        %dma_start3A_1521 = tpu.memref_squeeze %dma_start3A_1520 : memref<1x128xi32, #tpu.memory_space<vmem>> -> memref<128xi32, #tpu.memory_space<vmem>>
        %dma_start3A_1522 = arith.constant 0 : i32
        %dma_start3A_1523 = tpu.memref_slice %arg11[%dma_start3A_1522] : memref<100096xf32, #tpu.memory_space<vmem_shared>> -> memref<100096xf32, #tpu.memory_space<vmem_shared>>
        tpu.enqueue_indirect_dma source(%dma_start3A_1518 : memref<128xf32, #tpu.memory_space<vmem>>) target(%dma_start3A_1523 : memref<100096xf32, #tpu.memory_space<vmem_shared>>) offsets(%dma_start3A_1521 : memref<128xi32, #tpu.memory_space<vmem>>) semaphore(%run_scoped3A_1516 : memref<!tpu.dma_semaphore, #tpu.memory_space<semaphore_mem>>) {add = true}
        %dma_wait3A = arith.constant 0 : i32
        %dma_wait3A_1524 = tpu.memref_slice %arg9[%run_scoped3A_1514, %dma_wait3A] : memref<16x128xf32, #tpu.memory_space<vmem>> -> memref<1x128xf32, #tpu.memory_space<vmem>>
        %dma_wait3A_1525 = tpu.memref_squeeze %dma_wait3A_1524 : memref<1x128xf32, #tpu.memory_space<vmem>> -> memref<128xf32, #tpu.memory_space<vmem>>
        %dma_wait3A_1526 = arith.constant 0 : i32
        %dma_wait3A_1527 = tpu.memref_slice %arg8[%run_scoped3A_1515, %dma_wait3A_1526] : memref<16x128xi32, #tpu.memory_space<vmem>> -> memref<1x128xi32, #tpu.memory_space<vmem>>
        %dma_wait3A_1528 = tpu.memref_squeeze %dma_wait3A_1527 : memref<1x128xi32, #tpu.memory_space<vmem>> -> memref<128xi32, #tpu.memory_space<vmem>>
        %dma_wait3A_1529 = arith.constant 0 : i32
        %dma_wait3A_1530 = tpu.memref_slice %arg11[%dma_wait3A_1529] : memref<100096xf32, #tpu.memory_space<vmem_shared>> -> memref<100096xf32, #tpu.memory_space<vmem_shared>>
        tpu.wait_indirect_dma semaphore(%run_scoped3A_1516 : memref<!tpu.dma_semaphore, #tpu.memory_space<semaphore_mem>>) src(%dma_wait3A_1525 : memref<128xf32, #tpu.memory_space<vmem>>) dst(%dma_wait3A_1530 : memref<100096xf32, #tpu.memory_space<vmem_shared>>)
        tpu.yield
      }) : () -> ()
    }
    %barrier3A_290 = arith.constant 0 : index
    tpu.barrier barrier_id(%barrier3A_290)
    %mul3A_291 = arith.constant 6256 : i32
    %mul3A_292 = arith.muli %arg1, %mul3A_291 : i32
    %add3A_293 = arith.constant 0 : i32
    %add3A_294 = arith.addi %mul3A_292, %add3A_293 : i32
    "tpu.region"() ({
      %run_scoped3A = tpu.sem_alloc : memref<!tpu.dma_semaphore, #tpu.memory_space<semaphore_mem>>
      %dma_start3A = tpu.memref_slice %arg11[%add3A_294] : memref<100096xf32, #tpu.memory_space<vmem_shared>> -> memref<2048xf32, #tpu.memory_space<vmem_shared>>
      %dma_start3A_331 = tpu.memref_slice %arg11[%add3A_294] : memref<100096xf32, #tpu.memory_space<vmem_shared>> -> memref<2048xf32, #tpu.memory_space<vmem_shared>>
      tpu.enqueue_dma source(%dma_start3A_331 : memref<2048xf32, #tpu.memory_space<vmem_shared>>) target(%arg10 : memref<2048xf32, #tpu.memory_space<vmem>>) target_semaphore(%run_scoped3A : memref<!tpu.dma_semaphore, #tpu.memory_space<semaphore_mem>>)
      %dma_wait3A = tpu.memref_slice %arg11[%add3A_294] : memref<100096xf32, #tpu.memory_space<vmem_shared>> -> memref<2048xf32, #tpu.memory_space<vmem_shared>>
      %dma_wait3A_332 = tpu.memref_slice %arg11[%add3A_294] : memref<100096xf32, #tpu.memory_space<vmem_shared>> -> memref<2048xf32, #tpu.memory_space<vmem_shared>>
      tpu.wait_dma2 semaphore(%run_scoped3A : memref<!tpu.dma_semaphore, #tpu.memory_space<semaphore_mem>>) src(%dma_wait3A_332 : memref<2048xf32, #tpu.memory_space<vmem_shared>>) dst(%arg10 : memref<2048xf32, #tpu.memory_space<vmem>>)
      tpu.yield
    }) : () -> ()
    %mul3A_295 = arith.constant 100096 : i32
    %mul3A_296 = arith.muli %arg0, %mul3A_295 : i32
    %mul3A_297 = arith.constant 6256 : i32
    %mul3A_298 = arith.muli %arg1, %mul3A_297 : i32
    %add3A_299 = arith.addi %mul3A_296, %mul3A_298 : i32
    %add3A_300 = arith.constant 0 : i32
    %add3A_301 = arith.addi %add3A_299, %add3A_300 : i32
    "tpu.region"() ({
      %run_scoped3A = tpu.sem_alloc : memref<!tpu.dma_semaphore, #tpu.memory_space<semaphore_mem>>
      %dma_start3A = tpu.memref_slice %arg5[%add3A_301] : memref<200192xf32, #tpu.memory_space<hbm>> -> memref<2048xf32, #tpu.memory_space<hbm>>
      %dma_start3A_331 = tpu.memref_slice %arg5[%add3A_301] : memref<200192xf32, #tpu.memory_space<hbm>> -> memref<2048xf32, #tpu.memory_space<hbm>>
      tpu.enqueue_dma source(%arg10 : memref<2048xf32, #tpu.memory_space<vmem>>) target(%dma_start3A_331 : memref<2048xf32, #tpu.memory_space<hbm>>) target_semaphore(%run_scoped3A : memref<!tpu.dma_semaphore, #tpu.memory_space<semaphore_mem>>)
      %dma_wait3A = tpu.memref_slice %arg5[%add3A_301] : memref<200192xf32, #tpu.memory_space<hbm>> -> memref<2048xf32, #tpu.memory_space<hbm>>
      %dma_wait3A_332 = tpu.memref_slice %arg5[%add3A_301] : memref<200192xf32, #tpu.memory_space<hbm>> -> memref<2048xf32, #tpu.memory_space<hbm>>
      tpu.wait_dma2 semaphore(%run_scoped3A : memref<!tpu.dma_semaphore, #tpu.memory_space<semaphore_mem>>) src(%arg10 : memref<2048xf32, #tpu.memory_space<vmem>>) dst(%dma_wait3A_332 : memref<2048xf32, #tpu.memory_space<hbm>>)
      tpu.yield
    }) : () -> ()
    %mul3A_302 = arith.constant 6256 : i32
    %mul3A_303 = arith.muli %arg1, %mul3A_302 : i32
    %add3A_304 = arith.constant 2048 : i32
    %add3A_305 = arith.addi %mul3A_303, %add3A_304 : i32
    "tpu.region"() ({
      %run_scoped3A = tpu.sem_alloc : memref<!tpu.dma_semaphore, #tpu.memory_space<semaphore_mem>>
      %dma_start3A = tpu.memref_slice %arg11[%add3A_305] : memref<100096xf32, #tpu.memory_space<vmem_shared>> -> memref<2048xf32, #tpu.memory_space<vmem_shared>>
      %dma_start3A_331 = tpu.memref_slice %arg11[%add3A_305] : memref<100096xf32, #tpu.memory_space<vmem_shared>> -> memref<2048xf32, #tpu.memory_space<vmem_shared>>
      tpu.enqueue_dma source(%dma_start3A_331 : memref<2048xf32, #tpu.memory_space<vmem_shared>>) target(%arg10 : memref<2048xf32, #tpu.memory_space<vmem>>) target_semaphore(%run_scoped3A : memref<!tpu.dma_semaphore, #tpu.memory_space<semaphore_mem>>)
      %dma_wait3A = tpu.memref_slice %arg11[%add3A_305] : memref<100096xf32, #tpu.memory_space<vmem_shared>> -> memref<2048xf32, #tpu.memory_space<vmem_shared>>
      %dma_wait3A_332 = tpu.memref_slice %arg11[%add3A_305] : memref<100096xf32, #tpu.memory_space<vmem_shared>> -> memref<2048xf32, #tpu.memory_space<vmem_shared>>
      tpu.wait_dma2 semaphore(%run_scoped3A : memref<!tpu.dma_semaphore, #tpu.memory_space<semaphore_mem>>) src(%dma_wait3A_332 : memref<2048xf32, #tpu.memory_space<vmem_shared>>) dst(%arg10 : memref<2048xf32, #tpu.memory_space<vmem>>)
      tpu.yield
    }) : () -> ()
    %mul3A_306 = arith.constant 100096 : i32
    %mul3A_307 = arith.muli %arg0, %mul3A_306 : i32
    %mul3A_308 = arith.constant 6256 : i32
    %mul3A_309 = arith.muli %arg1, %mul3A_308 : i32
    %add3A_310 = arith.addi %mul3A_307, %mul3A_309 : i32
    %add3A_311 = arith.constant 2048 : i32
    %add3A_312 = arith.addi %add3A_310, %add3A_311 : i32
    "tpu.region"() ({
      %run_scoped3A = tpu.sem_alloc : memref<!tpu.dma_semaphore, #tpu.memory_space<semaphore_mem>>
      %dma_start3A = tpu.memref_slice %arg5[%add3A_312] : memref<200192xf32, #tpu.memory_space<hbm>> -> memref<2048xf32, #tpu.memory_space<hbm>>
      %dma_start3A_331 = tpu.memref_slice %arg5[%add3A_312] : memref<200192xf32, #tpu.memory_space<hbm>> -> memref<2048xf32, #tpu.memory_space<hbm>>
      tpu.enqueue_dma source(%arg10 : memref<2048xf32, #tpu.memory_space<vmem>>) target(%dma_start3A_331 : memref<2048xf32, #tpu.memory_space<hbm>>) target_semaphore(%run_scoped3A : memref<!tpu.dma_semaphore, #tpu.memory_space<semaphore_mem>>)
      %dma_wait3A = tpu.memref_slice %arg5[%add3A_312] : memref<200192xf32, #tpu.memory_space<hbm>> -> memref<2048xf32, #tpu.memory_space<hbm>>
      %dma_wait3A_332 = tpu.memref_slice %arg5[%add3A_312] : memref<200192xf32, #tpu.memory_space<hbm>> -> memref<2048xf32, #tpu.memory_space<hbm>>
      tpu.wait_dma2 semaphore(%run_scoped3A : memref<!tpu.dma_semaphore, #tpu.memory_space<semaphore_mem>>) src(%arg10 : memref<2048xf32, #tpu.memory_space<vmem>>) dst(%dma_wait3A_332 : memref<2048xf32, #tpu.memory_space<hbm>>)
      tpu.yield
    }) : () -> ()
    %mul3A_313 = arith.constant 6256 : i32
    %mul3A_314 = arith.muli %arg1, %mul3A_313 : i32
    %add3A_315 = arith.constant 4096 : i32
    %add3A_316 = arith.addi %mul3A_314, %add3A_315 : i32
    "tpu.region"() ({
      %run_scoped3A = tpu.sem_alloc : memref<!tpu.dma_semaphore, #tpu.memory_space<semaphore_mem>>
      %dma_start3A = tpu.memref_slice %arg11[%add3A_316] : memref<100096xf32, #tpu.memory_space<vmem_shared>> -> memref<2048xf32, #tpu.memory_space<vmem_shared>>
      %dma_start3A_331 = tpu.memref_slice %arg11[%add3A_316] : memref<100096xf32, #tpu.memory_space<vmem_shared>> -> memref<2048xf32, #tpu.memory_space<vmem_shared>>
      tpu.enqueue_dma source(%dma_start3A_331 : memref<2048xf32, #tpu.memory_space<vmem_shared>>) target(%arg10 : memref<2048xf32, #tpu.memory_space<vmem>>) target_semaphore(%run_scoped3A : memref<!tpu.dma_semaphore, #tpu.memory_space<semaphore_mem>>)
      %dma_wait3A = tpu.memref_slice %arg11[%add3A_316] : memref<100096xf32, #tpu.memory_space<vmem_shared>> -> memref<2048xf32, #tpu.memory_space<vmem_shared>>
      %dma_wait3A_332 = tpu.memref_slice %arg11[%add3A_316] : memref<100096xf32, #tpu.memory_space<vmem_shared>> -> memref<2048xf32, #tpu.memory_space<vmem_shared>>
      tpu.wait_dma2 semaphore(%run_scoped3A : memref<!tpu.dma_semaphore, #tpu.memory_space<semaphore_mem>>) src(%dma_wait3A_332 : memref<2048xf32, #tpu.memory_space<vmem_shared>>) dst(%arg10 : memref<2048xf32, #tpu.memory_space<vmem>>)
      tpu.yield
    }) : () -> ()
    %mul3A_317 = arith.constant 100096 : i32
    %mul3A_318 = arith.muli %arg0, %mul3A_317 : i32
    %mul3A_319 = arith.constant 6256 : i32
    %mul3A_320 = arith.muli %arg1, %mul3A_319 : i32
    %add3A_321 = arith.addi %mul3A_318, %mul3A_320 : i32
    %add3A_322 = arith.constant 4096 : i32
    %add3A_323 = arith.addi %add3A_321, %add3A_322 : i32
    "tpu.region"() ({
      %run_scoped3A = tpu.sem_alloc : memref<!tpu.dma_semaphore, #tpu.memory_space<semaphore_mem>>
      %dma_start3A = tpu.memref_slice %arg5[%add3A_323] : memref<200192xf32, #tpu.memory_space<hbm>> -> memref<2048xf32, #tpu.memory_space<hbm>>
      %dma_start3A_331 = tpu.memref_slice %arg5[%add3A_323] : memref<200192xf32, #tpu.memory_space<hbm>> -> memref<2048xf32, #tpu.memory_space<hbm>>
      tpu.enqueue_dma source(%arg10 : memref<2048xf32, #tpu.memory_space<vmem>>) target(%dma_start3A_331 : memref<2048xf32, #tpu.memory_space<hbm>>) target_semaphore(%run_scoped3A : memref<!tpu.dma_semaphore, #tpu.memory_space<semaphore_mem>>)
      %dma_wait3A = tpu.memref_slice %arg5[%add3A_323] : memref<200192xf32, #tpu.memory_space<hbm>> -> memref<2048xf32, #tpu.memory_space<hbm>>
      %dma_wait3A_332 = tpu.memref_slice %arg5[%add3A_323] : memref<200192xf32, #tpu.memory_space<hbm>> -> memref<2048xf32, #tpu.memory_space<hbm>>
      tpu.wait_dma2 semaphore(%run_scoped3A : memref<!tpu.dma_semaphore, #tpu.memory_space<semaphore_mem>>) src(%arg10 : memref<2048xf32, #tpu.memory_space<vmem>>) dst(%dma_wait3A_332 : memref<2048xf32, #tpu.memory_space<hbm>>)
      tpu.yield
    }) : () -> ()
    %mul3A_324 = arith.constant 6256 : i32
    %mul3A_325 = arith.muli %arg1, %mul3A_324 : i32
    %add3A_326 = arith.constant 6144 : i32
    %add3A_327 = arith.addi %mul3A_325, %add3A_326 : i32
    "tpu.region"() ({
      %run_scoped3A = tpu.sem_alloc : memref<!tpu.dma_semaphore, #tpu.memory_space<semaphore_mem>>
      %dma_start3A = arith.constant 0 : i32
      %dma_start3A_331 = tpu.memref_slice %arg10[%dma_start3A] : memref<2048xf32, #tpu.memory_space<vmem>> -> memref<112xf32, #tpu.memory_space<vmem>>
      %dma_start3A_332 = tpu.memref_slice %arg11[%add3A_327] : memref<100096xf32, #tpu.memory_space<vmem_shared>> -> memref<112xf32, #tpu.memory_space<vmem_shared>>
      %dma_start3A_333 = arith.constant 0 : i32
      %dma_start3A_334 = tpu.memref_slice %arg10[%dma_start3A_333] : memref<2048xf32, #tpu.memory_space<vmem>> -> memref<112xf32, #tpu.memory_space<vmem>>
      %dma_start3A_335 = tpu.memref_slice %arg11[%add3A_327] : memref<100096xf32, #tpu.memory_space<vmem_shared>> -> memref<112xf32, #tpu.memory_space<vmem_shared>>
      tpu.enqueue_dma source(%dma_start3A_335 : memref<112xf32, #tpu.memory_space<vmem_shared>>) target(%dma_start3A_334 : memref<112xf32, #tpu.memory_space<vmem>>) target_semaphore(%run_scoped3A : memref<!tpu.dma_semaphore, #tpu.memory_space<semaphore_mem>>)
      %dma_wait3A = arith.constant 0 : i32
      %dma_wait3A_336 = tpu.memref_slice %arg10[%dma_wait3A] : memref<2048xf32, #tpu.memory_space<vmem>> -> memref<112xf32, #tpu.memory_space<vmem>>
      %dma_wait3A_337 = tpu.memref_slice %arg11[%add3A_327] : memref<100096xf32, #tpu.memory_space<vmem_shared>> -> memref<112xf32, #tpu.memory_space<vmem_shared>>
      %dma_wait3A_338 = arith.constant 0 : i32
      %dma_wait3A_339 = tpu.memref_slice %arg10[%dma_wait3A_338] : memref<2048xf32, #tpu.memory_space<vmem>> -> memref<112xf32, #tpu.memory_space<vmem>>
      %dma_wait3A_340 = tpu.memref_slice %arg11[%add3A_327] : memref<100096xf32, #tpu.memory_space<vmem_shared>> -> memref<112xf32, #tpu.memory_space<vmem_shared>>
      tpu.wait_dma2 semaphore(%run_scoped3A : memref<!tpu.dma_semaphore, #tpu.memory_space<semaphore_mem>>) src(%dma_wait3A_340 : memref<112xf32, #tpu.memory_space<vmem_shared>>) dst(%dma_wait3A_339 : memref<112xf32, #tpu.memory_space<vmem>>)
      tpu.yield
    }) : () -> ()
    %mul3A_328 = arith.constant 100096 : i32
    %mul3A_329 = arith.muli %arg0, %mul3A_328 : i32
    %add3A_330 = arith.addi %mul3A_329, %add3A_327 : i32
    "tpu.region"() ({
      %run_scoped3A = tpu.sem_alloc : memref<!tpu.dma_semaphore, #tpu.memory_space<semaphore_mem>>
      %dma_start3A = arith.constant 0 : i32
      %dma_start3A_331 = tpu.memref_slice %arg10[%dma_start3A] : memref<2048xf32, #tpu.memory_space<vmem>> -> memref<112xf32, #tpu.memory_space<vmem>>
      %dma_start3A_332 = tpu.memref_slice %arg5[%add3A_330] : memref<200192xf32, #tpu.memory_space<hbm>> -> memref<112xf32, #tpu.memory_space<hbm>>
      %dma_start3A_333 = tpu.memref_slice %arg5[%add3A_330] : memref<200192xf32, #tpu.memory_space<hbm>> -> memref<112xf32, #tpu.memory_space<hbm>>
      %dma_start3A_334 = arith.constant 0 : i32
      %dma_start3A_335 = tpu.memref_slice %arg10[%dma_start3A_334] : memref<2048xf32, #tpu.memory_space<vmem>> -> memref<112xf32, #tpu.memory_space<vmem>>
      tpu.enqueue_dma source(%dma_start3A_335 : memref<112xf32, #tpu.memory_space<vmem>>) target(%dma_start3A_333 : memref<112xf32, #tpu.memory_space<hbm>>) target_semaphore(%run_scoped3A : memref<!tpu.dma_semaphore, #tpu.memory_space<semaphore_mem>>)
      %dma_wait3A = arith.constant 0 : i32
      %dma_wait3A_336 = tpu.memref_slice %arg10[%dma_wait3A] : memref<2048xf32, #tpu.memory_space<vmem>> -> memref<112xf32, #tpu.memory_space<vmem>>
      %dma_wait3A_337 = tpu.memref_slice %arg5[%add3A_330] : memref<200192xf32, #tpu.memory_space<hbm>> -> memref<112xf32, #tpu.memory_space<hbm>>
      %dma_wait3A_338 = tpu.memref_slice %arg5[%add3A_330] : memref<200192xf32, #tpu.memory_space<hbm>> -> memref<112xf32, #tpu.memory_space<hbm>>
      %dma_wait3A_339 = arith.constant 0 : i32
      %dma_wait3A_340 = tpu.memref_slice %arg10[%dma_wait3A_339] : memref<2048xf32, #tpu.memory_space<vmem>> -> memref<112xf32, #tpu.memory_space<vmem>>
      tpu.wait_dma2 semaphore(%run_scoped3A : memref<!tpu.dma_semaphore, #tpu.memory_space<semaphore_mem>>) src(%dma_wait3A_340 : memref<112xf32, #tpu.memory_space<vmem>>) dst(%dma_wait3A_338 : memref<112xf32, #tpu.memory_space<hbm>>)
      tpu.yield
    }) : () -> ()
    return
  }
}

module attributes {stable_mosaic.version = 14 : i64} {
  func.func @body(%arg0: memref<2x782x128xf32, #tpu.memory_space<vmem>>, %arg1: memref<782x128xf32, #tpu.memory_space<vmem>>, %arg2: memref<1x1xf32, #tpu.memory_space<smem>>, %arg3: memref<1x1xf32, #tpu.memory_space<smem>>, %arg4: memref<1x1xf32, #tpu.memory_space<smem>>, %arg5: memref<782x128xf32, #tpu.memory_space<vmem>>) attributes {dimension_semantics = [], scalar_prefetch = 0 : i64, scratch_operands = 0 : i64, tpu.core_type = #tpu.core_type<tc>} {
    %get3A = arith.constant 0 : index
    %get3A_0 = arith.constant 0 : index
    %get3A_1 = arith.constant 0 : index
    %get3A_2 = vector.load %arg0[%get3A, %get3A_0, %get3A_1] : memref<2x782x128xf32, #tpu.memory_space<vmem>>, vector<1x782x128xf32>
    %get3A_3 = vector.shape_cast %get3A_2 : vector<1x782x128xf32> to vector<782x128xf32>
    %get3A_4 = arith.constant 1 : index
    %get3A_5 = arith.constant 0 : index
    %get3A_6 = arith.constant 0 : index
    %get3A_7 = vector.load %arg0[%get3A_4, %get3A_5, %get3A_6] : memref<2x782x128xf32, #tpu.memory_space<vmem>>, vector<1x782x128xf32>
    %get3A_8 = vector.shape_cast %get3A_7 : vector<1x782x128xf32> to vector<782x128xf32>
    %add3A = arith.addf %get3A_3, %get3A_8 : vector<782x128xf32>
    %get3A_9 = arith.constant 0 : index
    %get3A_10 = arith.constant 0 : index
    %get3A_11 = memref.load %arg2[%get3A_9, %get3A_10] : memref<1x1xf32, #tpu.memory_space<smem>>
    %mul3A = vector.broadcast %get3A_11 : f32 to vector<782x128xf32>
    %mul3A_12 = arith.mulf %add3A, %mul3A : vector<782x128xf32>
    %get3A_13 = arith.constant 0 : index
    %get3A_14 = arith.constant 0 : index
    %get3A_15 = memref.load %arg3[%get3A_13, %get3A_14] : memref<1x1xf32, #tpu.memory_space<smem>>
    %add3A_16 = vector.broadcast %get3A_15 : f32 to vector<782x128xf32>
    %add3A_17 = arith.addf %mul3A_12, %add3A_16 : vector<782x128xf32>
    %get3A_18 = arith.constant 0 : index
    %get3A_19 = arith.constant 0 : index
    %get3A_20 = vector.load %arg1[%get3A_18, %get3A_19] : memref<782x128xf32, #tpu.memory_space<vmem>>, vector<782x128xf32>
    %get3A_21 = arith.constant 0 : index
    %get3A_22 = arith.constant 0 : index
    %get3A_23 = memref.load %arg4[%get3A_21, %get3A_22] : memref<1x1xf32, #tpu.memory_space<smem>>
    %mul3A_24 = vector.broadcast %get3A_23 : f32 to vector<782x128xf32>
    %mul3A_25 = arith.mulf %get3A_20, %mul3A_24 : vector<782x128xf32>
    %add3A_26 = arith.addf %add3A_17, %mul3A_25 : vector<782x128xf32>
    %swap3A = arith.constant 0 : index
    %swap3A_27 = arith.constant 0 : index
    %swap3A_28 = vector.load %arg5[%swap3A, %swap3A_27] : memref<782x128xf32, #tpu.memory_space<vmem>>, vector<782x128xf32>
    tpu.vector_store %arg5[%swap3A, %swap3A_27], %add3A_26 {strides = array<i32>} : memref<782x128xf32, #tpu.memory_space<vmem>>, vector<782x128xf32>,
    return
  }
}

</mosaic_0001>

<sc_bundles>
// kernel: kernel.4.cloned.1.call-start
scs
__scs_entry_jumppad:
0x0: {  	(pc) =	sbr.rel $0x88, $3  }
0x1: {  	(tag) =	ssettag $0x0;
	lr =	simm.s32 $0x1  }
0x2: {  	[smem:$0x3F9B] =	sst lr;
	_ =	strace $0xD0000000  }
0x3: {  	_ = 	snop  }
0x4: {  	_ = 	snop  }
0x5: {  	_ = 	snop  }
0x6: {  	_ = 	snop  }
0x7: {  	_ = 	snop  }
__scs_overlays_trampoline_lowered:
0x8: {  	[smem:$0x3FAA] =	sst s0  }
0x9: {  	[smem:$0x3FAB] =	sst s1  }
0xa: {  	[smem:$0x3FAC] =	sst s2  }
0xb: {  	[smem:$0x3FAD] =	sst s3  }
0xc: {  	[smem:$0x3FAE] =	sst s4  }
0xd: {  	[smem:$0x3FAF] =	sst s5  }
0xe: {  	[smem:$0x3FB0] =	sst s6  }
0xf: {  	[smem:$0x3FB1] =	sst s7  }
0x10: {  	[smem:$0x3FB2] =	sst s8  }
0x11: {  	[smem:$0x3FB3] =	sst s9;
	s0 =	simm.s32 @!p0 $0x0  }
0x12: {  	s1 =	sld [smem:$0x3F99];
	s0 =	simm.s32 @p0 $0x1  }
0x13: {  	[smem:$0x3FB4] =	sst s0;
	s0 =	simm.s32 @!p1 $0x0  }
0x14: {  	s2 =	sld [smem:$0x3F98];
	s0 =	simm.s32 @p1 $0x1  }
0x15: {  	[smem:$0x3FB5] =	sst s0;
	s0 =	simm.s32 @!p2 $0x0  }
0x16: {  	s3 =	sld [smem:$0x3FDB];
	s0 =	simm.s32 @p2 $0x1  }
0x17: {  	s4 =	simm.s32 $0x1BF5;
	[smem:$0x3FB7] =	sst s0  }
0x18: {  	s0 =	sld [smem:$0x3F9A];
	_ =	swait.ge [sflag:s4], $0x0  }
0x19: {  	s7 =	sld [smem:$0x3F9B]  }
0x1a: {  	s8 =	sadd.s32 $0xFFFFE003, lr  }
0x1b: {  	s9 =	sadd.s32 $0xFFFFFEF7, lr;
	s5 =	simm.s32 $0xFFFFFFFF;
	p2 =	slt.u32 s8, $0xFFFFF086  }
0x1c: {  	p1 =	slt.u32 s9, $0xF7A;
	s5 =	simm.s32 @!p2 $0x0  }
0x1d: {  	s5 =	simm.s32 @p1 $0x1;
	p0 =	seq.s32 s7, s2  }
0x1e: {  	s7 =	smul.u32 @!p0 $0xF7A, s2;
	p2 =	seq.s32 @!p0 s5, $0x0  }
0x1f: {  	s9 =	smul.u32 $0xF7A, s1;
	s8 =	simm.s32 @!p0 $0x1BF5;
	p2 =	por !p2, p0  }
0x20: {  	[sflag:s8] =	ssyncset.s32 @!p0 $0xFFFFF086;
	s6 =	sadd.s32 @!p0 s3, s7;
	s7 =	simm.s32 @!p0 $0x108  }
0x21: {  	s3 =	sadd.s32 s3, s9;
	s6 =	sadd.s32 @!p0 $0x88, s6;
	s7 =	simm.s32 @p2 $0x1082  }
0x22: {  	[simem:s7], [sflag:s8] =	dma.local @!p0 [hbm:s6], $0xF7A  }
0x23: {  	s9 =	sor.u32 $0xD0000000, s2;
	s6 =	simm.s32 $0x108;
	_ =	swait.ge @!p0 [sflag:s8], $0x0  }
0x24: {  	s3 =	sadd.s32 $0x88, s3;
	s6 =	simm.s32 @!p1 $0x1082;
	[sflag:s4] =	ssyncset.s32 $0xFFFFF086  }
0x25: {  	[simem:s6], [sflag:s4] =	dma.local [hbm:s3], $0xF7A  }
0x26: {  	[smem:$0x3F9B] =	sst s1;
	(tag) =	ssettag s2;
	_ =	strace s9  }
0x27: {  	s1 =	sld [smem:$0x3FAB]  }
0x28: {  	s2 =	sld [smem:$0x3FAC]  }
0x29: {  	s4 =	sld [smem:$0x3FAE]  }
0x2a: {  	p0 =	seq.s32 s5, $0x0;
	s5 =	sld [smem:$0x3FAF]  }
0x2b: {  	s6 =	sld [smem:$0x3FB0]  }
0x2c: {  	s7 =	sld [smem:$0x3FB1]  }
0x2d: {  	s3 =	simm.s32 $0x108;
	s8 =	sld [smem:$0x3FB2]  }
0x2e: {  	s3 =	simm.s32 @!p0 $0x1082;
	s9 =	sld [smem:$0x3FB3]  }
0x2f: {  	lr =	sadd.s32 s0, s3;
	s0 =	sld [smem:$0x3FAA]  }
0x30: {  	s3 =	sld [smem:$0x3FAD]  }
0x31: {  	[smem:$0x3FB6] =	sst s10  }
0x32: {  	s10 =	sld [smem:$0x3FB4];
	_ =	sdelay $0x3  }
0x33: {  	p0 =	seq.s32 s10, $0x1;
	s10 =	sld [smem:$0x3FB6];
	_ =	sdelay $0x3  }
0x34: {  	[smem:$0x3FB6] =	sst s10  }
0x35: {  	s10 =	sld [smem:$0x3FB5];
	_ =	sdelay $0x3  }
0x36: {  	p1 =	seq.s32 s10, $0x1;
	s10 =	sld [smem:$0x3FB6];
	_ =	sdelay $0x3  }
0x37: {  	[smem:$0x3FB6] =	sst s10  }
0x38: {  	s10 =	sld [smem:$0x3FB7]  }
0x39: {  	_ = 	snop;
	(pc) =	sbr.ind lr, $3  }
0x3a: {  	_ = 	snop  }
0x3b: {  	_ = 	snop  }
0x3c: {  	p2 =	seq.s32 s10, $0x1;
	s10 =	sld [smem:$0x3FB6]  }
0x3d: {  	_ =	shalt  }
0x3e: {  	_ =	shalt  }
0x3f: {  	_ =	shalt  }
0x40: {  	_ =	shalt  }
0x41: {  	_ =	shalt  }
0x42: {  	_ =	shalt  }
0x43: {  	_ =	shalt  }
0x44: {  	_ =	shalt  }
0x45: {  	_ =	shalt  }
0x46: {  	_ =	shalt  }
0x47: {  	_ =	shalt  }
0x48: {  	_ =	shalt  }
0x49: {  	_ =	shalt  }
0x4a: {  	_ =	shalt  }
0x4b: {  	_ =	shalt  }
0x4c: {  	_ =	shalt  }
0x4d: {  	_ =	shalt  }
0x4e: {  	_ =	shalt  }
0x4f: {  	_ =	shalt  }
0x50: {  	_ =	shalt  }
0x51: {  	_ =	shalt  }
0x52: {  	_ =	shalt  }
0x53: {  	_ =	shalt  }
0x54: {  	_ =	shalt  }
0x55: {  	_ =	shalt  }
0x56: {  	_ =	shalt  }
0x57: {  	_ =	shalt  }
0x58: {  	_ =	shalt  }
0x59: {  	_ =	shalt  }
0x5a: {  	_ =	shalt  }
0x5b: {  	_ =	shalt  }
0x5c: {  	_ =	shalt  }
0x5d: {  	_ =	shalt  }
0x5e: {  	_ =	shalt  }
0x5f: {  	_ =	shalt  }
0x60: {  	_ =	shalt  }
0x61: {  	_ =	shalt  }
0x62: {  	_ =	shalt  }
0x63: {  	_ =	shalt  }
0x64: {  	_ =	shalt  }
0x65: {  	_ =	shalt  }
0x66: {  	_ =	shalt  }
0x67: {  	_ =	shalt  }
0x68: {  	_ =	shalt  }
0x69: {  	_ =	shalt  }
0x6a: {  	_ =	shalt  }
0x6b: {  	_ =	shalt  }
0x6c: {  	_ =	shalt  }
0x6d: {  	_ =	shalt  }
0x6e: {  	_ =	shalt  }
0x6f: {  	_ =	shalt  }
0x70: {  	_ =	shalt  }
0x71: {  	_ =	shalt  }
0x72: {  	_ =	shalt  }
0x73: {  	_ =	shalt  }
0x74: {  	_ =	shalt  }
0x75: {  	_ =	shalt  }
0x76: {  	_ =	shalt  }
0x77: {  	_ =	shalt  }
0x78: {  	_ =	shalt  }
0x79: {  	_ =	shalt  }
0x7a: {  	_ =	shalt  }
0x7b: {  	_ =	shalt  }
0x7c: {  	_ =	shalt  }
0x7d: {  	_ =	shalt  }
0x7e: {  	_ =	shalt  }
0x7f: {  	_ =	shalt  }
0x80: {  	_ =	shalt  }
0x81: {  	_ =	shalt  }
0x82: {  	_ =	shalt  }
0x83: {  	_ =	shalt  }
0x84: {  	_ =	shalt  }
0x85: {  	_ =	shalt  }
0x86: {  	_ =	shalt  }
0x87: {  	_ =	shalt  }
.Lfunc_end0:
.L_simem_size_0:
called_computation_lowered:
.L_overlay_start_0:
0x88: {  	s2 =	sld [smem:$0x3FD9]  }
0x89: {  	s3 =	sld [smem:$0x3FFE];
	_ =	sdelay $0x1  }
0x8a: {  	s1 =	srdreg.scid  }
0x8b: {  	s0 =	sand.u32 $0x1, s1  }
0x8c: {  	s16 =	sshll.u32 s0, $0xA;
	s2 =	sadd.s32 s3, s2  }
0x8d: {  	s2 =	sadd.s32 s2, s16  }
0x8e: {  	[smem:$0x3FC2] =	sst s2  }
0x8f: {  	_ = 	snop  }
0x90: {  	(tm) =	ssettm $0x1  }
0x91: {  	s17 =	sld [smem:$0x3FFB];
	_ =	sdelay $0x3  }
0x92: {  	_ =	strace s17  }
0x93: {  	s2 =	sld [smem:$0x3FFC];
	_ =	sdelay $0x3  }
0x94: {  	_ =	strace s2  }
0x95: {  	s2 =	sld [smem:$0x3FFD];
	_ =	sdelay $0x3  }
0x96: {  	_ =	strace s2  }
0x97: {  	_ =	strace $0x8FFFFFFF  }
0x98: {  	s18 =	sld [smem:$0x3FDB];
	_ =	sdelay $0x1  }
0x99: {  	s19 =	simm.s32 $_scs_section_size  }
0x9a: {  	s4 =	simm.s32 $_size__tile_overlayer_lowered;
	s5 =	simm.s32 $_tile_overlayer_lowered  }
0x9b: {  	s22 =	simm.s32 $0x1BFF;
	s21 =	sshll.u32 s5, $0x1;
	s2 =	sadd.s32 s19, s18  }
0x9c: {  	s6 =	simm.s32 $0x0;
	s20 =	sshll.u32 s4, $0x1;
	s4 =	sadd.s32 s21, s2  }
0x9d: {  	[timem:s6], [sflag:s22] =	dma.local [hbm:s4], s20  }
0x9e: {  	_ =	swait.ge [sflag:s22], s20  }
0x9f: {  	s3 =	ssub.s32 $0x0, s20;
	[sflag:s22] =	ssyncset.done $0x0  }
0xa0: {  	[sflag:s22] =	ssyncadd.s32 s3;
	_ =	sdelay $0x1  }
0xa1: {  	s23 =	simm.s32 $0x1B8B  }
0xa2: {  	_ =	swait.ge [sflag:s23], $0x1  }
0xa3: {  	[sflag:s23] =	ssyncset.done $0x0  }
0xa4: {  	s25 =	simm.s32 $0x1B8E;
	s24 =	sld [smem:$0x3FFE];
	[sflag:s23] =	ssyncadd.s32 $0xFFFFFFFF  }
0xa5: {  	s26 =	simm.s32 $execute0_lowered;
	[smem:$0x3FD2] =	sst s25  }
0xa6: {  	s4 =	sshll.u32 s26, $0x1;
	_ =	strace $0x80000046;
	[dreg:$0x1] =	wrdreg $0xFFFFFFFF  }
0xa7: {  	s28 =	simm.s32 $_size_execute0_lowered;
	s2 =	sadd.s32 s2, s4;
	[dreg:$0x0] =	wrdreg $0x0  }
0xa8: {  	s4 =	sshll.u32 s28, $0x1;
	[dreg:$0x2] =	wrdreg s2  }
0xa9: {  	[dreg:$0x3] =	wrdreg s4  }
0xaa: {  	[dreg:$0x4] =	wrdreg $0xC0  }
0xab: {  	_ =	task [dreg:s6], $0x5FFFF  }
0xac: {  	[dreg:$0x1] =	wrdreg $0xFFFFFFFF  }
0xad: {  	[dreg:$0x0] =	wrdreg $0x60  }
0xae: {  	[dreg:$0x2] =	wrdreg s24  }
0xaf: {  	[dreg:$0x3] =	wrdreg $0x1A7000  }
0xb0: {  	[dreg:$0x4] =	wrdreg $0x9  }
0xb1: {  	_ =	task.clear_ibuf [dreg:s6], $0x5FFFF;
	_ =	strace $0x90000046  }
0xb2: {  	s29 =	simm.s32 $0x9;
	_ =	strace $0x80000048  }
0xb3: {  	_ =	swait.ge [sflag:s29], $0x1  }
0xb4: {  	[sflag:s29] =	ssyncadd.s32 $0xFFFFFFFF  }
0xb5: {  	_ =	strace $0x90000048  }
0xb6: {  	_ =	sfence  }
0xb7: {  	s30 =	sld [smem:$0x0];
	_ =	sdelay $0x2  }
0xb8: {  	s31 =	sshll.u32 s1, $0xD;
	s1 =	sshrl.u32 s1, $0x2  }
0xb9: {  	s3 =	sand.u32 $0x4000, s31;
	s1 =	sadd.s32 s1, s30  }
0xba: {  	s0 =	sor.u32 s3, s0;
	s1 =	sshll.u32 s1, $0x11  }
0xbb: {  	s0 =	sor.u32 s1, s0  }
0xbc: {  	s0 =	sadd.s32 $0x8F2B, s0  }
0xbd: {  	[sflag:s0] =	ssyncadd.remote.s32 $0x1  }
0xbe: {  	_ =	sfence.sel $0xFFFF  }
0xbf: {  	[dreg:$0x0] =	wrdreg $0xFFFFFFFF;
	(pc) =	sbr.abs _section_cstart, $3  }
0xc0: {  	[dreg:$0x1] =	wrdreg $0xFFFFFFFF  }
0xc1: {  	_ =	task.clear_ibuf [dreg:s6], $0x2FFFF;
	_ =	strace $0x9FFFFFFF  }
0xc2: {  	(tm) =	ssettm $0x7FFFFFFF  }
0xc3: {  	_ =	shalt  }
tec
execute0_lowered:
.L_overlay_start_1:
0x0: {  	(tag) =	ssettag $0x1  }
0x1: {  	s0 =	rddreg [dreg:$0x0]  }
0x2: {  	s1 =	rddreg [dreg:$0x1]  }
0x3: {  	s3 =	simm.s32 $0x0;
	s2 =	srdreg.scid;
	s5 =	stileid.u32  }
0x4: {  	s14 =	simm.s32 $0x62;
	s16 =	simm.s32 $0x19780;
	s18 =	simm.s32 $0x19000  }
0x5: {  	s20 =	simm.s32 $0x19800;
	s28 =	simm.s32 $0x19380;
	s29 =	simm.s32 $0x19B80  }
0x6: {  	s30 =	simm.s32 $0x19400;
	s31 =	simm.s32 $0x19C00;
	[smem:$0x7FF] =	sst s3  }
0x7: {  	s2 =	sand.u32 $0x1, s2;
	s6 =	smul.u32 $0x1870, s5;
	s7 =	sadd.s32 $0x186C00, s0  }
0x8: {  	s21 =	sadd.s32 $0x189E00, s0;
	_ =	strace $0x80000047;
	[dreg:$0xf] =	wrdreg s7  }
0x9: {  	s9 =	sshll.u32 s5, $0x1;
	s4 =	ssub.s32 $0x2, s2;
	[dreg:$0x6] =	wrdreg s16  }
0xa: {  	s10 =	smul.u32 $0x18700, s2;
	s22 =	sor.u32 s2, s9;
	[dreg:$0x7] =	wrdreg s18  }
0xb: {  	s9 =	simm.s32 $0x18700;
	s2 =	smul.u32 $0x61, s2;
	[dreg:$0x8] =	wrdreg s20  }
0xc: {  	s18 =	simm.s32 $0x1;
	s20 =	simm.s32 $0x80;
	s16 =	simm.s32 $0x19E00  }
0xd: {  	s8 =	sshrl.u32 s4, $0x1;
	s17 =	sadd.s32 s6, s1;
	s23 =	sadd.s32 $0x1800, s6  }
0xe: {  	p0 =	slt.u32 s22, $0x15;
	[dreg:$0x3] =	wrdreg s9;
	s19 =	smin.u32 s22, $0x15  }
0xf: {  	s22 =	simm.s32 $0x19880;
	s9 =	simm.s32 $0x19E80;
	s4 =	ssub.s32 s4, s8  }
0x10: {  	s11 =	sadd.s32 $0x800, s17;
	s12 =	sadd.s32 $0x1000, s17;
	s6 =	sadd.s32 s6, s10  }
0x11: {  	s13 =	sadd.s32 s23, s1;
	s24 =	sadd.s32 s10, s23;
	s14 =	simm.s32 @!p0 $0x61  }
0x12: {  	s10 =	smul.u32 $0xC2, s5;
	[dreg:$0xa] =	wrdreg s22;
	s23 =	simm.s32 $0x19100  }
0x13: {  	s8 =	simm.s32 $0x19F00;
	s22 =	simm.s32 $0x19A00;
	[dreg:$0x10] =	wrdreg s17  }
0x14: {  	s6 =	sshrl.u32 s6, $0x3;
	[dreg:$0x14] =	wrdreg s14;
	s5 =	smov.u32 s11  }
0x15: {  	s14 =	simm.s32 $0x19700;
	s4 =	smax.u32 s4, $0x1;
	[dreg:$0xb] =	wrdreg s23  }
0x16: {  	s7 =	smov.u32 s13;
	s23 =	simm.s32 $0x19280;
	[dreg:$0x4] =	wrdreg s14  }
0x17: {  	s11 =	simm.s32 $0x19D00;
	s13 =	simm.s32 $0x19D80;
	[dreg:$0x19] =	wrdreg s4  }
0x18: {  	s15 =	sadd.s32 s21, s6;
	s6 =	sshrl.u32 s24, $0x3;
	[dreg:$0x11] =	wrdreg s5  }
0x19: {  	s2 =	sadd.s32 s2, s10;
	s24 =	simm.s32 $0x19900;
	[dreg:$0x13] =	wrdreg s7  }
0x1a: {  	s4 =	simm.s32 $0x19500;
	s14 =	simm.s32 $0x19600;
	[dreg:$0x15] =	wrdreg s15  }
0x1b: {  	s10 =	simm.s32 $0x19680;
	s25 =	sadd.s32 $0x100, s15;
	[dreg:$0xc] =	wrdreg s24  }
0x1c: {  	s26 =	sadd.s32 $0x200, s15;
	s6 =	sadd.s32 s21, s6;
	[dreg:$0x16] =	wrdreg s25  }
0x1d: {  	s15 =	simm.s32 $0x18F80;
	s2 =	sadd.s32 s19, s2;
	[dreg:$0x17] =	wrdreg s26  }
0x1e: {  	s21 =	simm.s32 $0x19080;
	s19 =	simm.s32 $0x18F00;
	[dreg:$0x18] =	wrdreg s6  }
0x1f: {  	s24 =	simm.s32 $0x19A80;
	[dreg:$0x5] =	wrdreg s15;
	s6 =	smov.u32 s12  }
0x20: {  	s2 =	sshll.u32 s2, $0x8;
	[dreg:$0x9] =	wrdreg s21;
	s25 =	simm.s32 $0x19180  }
0x21: {  	s26 =	simm.s32 $0x19980;
	s21 =	simm.s32 $0x19200;
	[dreg:$0xd] =	wrdreg s25  }
0x22: {  	s12 =	simm.s32 $0x19580;
	s15 =	simm.s32 $0x0;
	[dreg:$0xe] =	wrdreg s26  }
0x23: {  	s2 =	sadd.s32 s2, s0;
	s25 =	simm.s32 $0x19300;
	[dreg:$0x12] =	wrdreg s6  }
0x24: {  	s26 =	simm.s32 $0x19B00;
	[dreg:$0x1a] =	wrdreg s2;
	s2 =	sadd.s32 $0xC3600, s2  }
0x25: {  	v0 =	vimm.f32 $0.0e+00;
	s0 =	simm.s32 $0x19480;
	[dreg:$0x1b] =	wrdreg s2;
	s2 =	simm.s32 $0x19C80  }
.LBB2_1:
0x26: {  	[tilespmem:$0x19F00] =	vst v0  }
0x27: {  	[tilespmem:$0x19F10] =	vst v0  }
0x28: {  	[tilespmem:$0x19F20] =	vst v0  }
0x29: {  	[tilespmem:$0x19F30] =	vst v0  }
0x2a: {  	[tilespmem:$0x19F40] =	vst v0  }
0x2b: {  	[tilespmem:$0x19F50] =	vst v0  }
0x2c: {  	[tilespmem:$0x19F60] =	vst v0  }
0x2d: {  	[tilespmem:$0x19F70] =	vst v0  }
0x2e: {  	[tilespmem:$0x19F80] =	vst v0  }
0x2f: {  	[tilespmem:$0x19F90] =	vst v0  }
0x30: {  	[tilespmem:$0x19FA0] =	vst v0  }
0x31: {  	[tilespmem:$0x19FB0] =	vst v0  }
0x32: {  	[tilespmem:$0x19FC0] =	vst v0  }
0x33: {  	[tilespmem:$0x19FD0] =	vst v0  }
0x34: {  	[tilespmem:$0x19FE0] =	vst v0  }
0x35: {  	[tilespmem:$0x19FF0] =	vst v0  }
0x36: {  	[tilespmem:$0x1A000] =	vst v0  }
0x37: {  	[tilespmem:$0x1A010] =	vst v0  }
0x38: {  	[tilespmem:$0x1A020] =	vst v0  }
0x39: {  	[tilespmem:$0x1A030] =	vst v0  }
0x3a: {  	[tilespmem:$0x1A040] =	vst v0  }
0x3b: {  	[tilespmem:$0x1A050] =	vst v0  }
0x3c: {  	[tilespmem:$0x1A060] =	vst v0  }
0x3d: {  	[tilespmem:$0x1A070] =	vst v0  }
0x3e: {  	[tilespmem:$0x1A080] =	vst v0  }
0x3f: {  	[tilespmem:$0x1A090] =	vst v0  }
0x40: {  	[tilespmem:$0x1A0A0] =	vst v0  }
0x41: {  	[tilespmem:$0x1A0B0] =	vst v0  }
0x42: {  	[tilespmem:$0x1A0C0] =	vst v0  }
0x43: {  	[tilespmem:$0x1A0D0] =	vst v0  }
0x44: {  	[tilespmem:$0x1A0E0] =	vst v0  }
0x45: {  	[tilespmem:$0x1A0F0] =	vst v0  }
0x46: {  	[tilespmem:$0x1A100] =	vst v0  }
0x47: {  	[tilespmem:$0x1A110] =	vst v0  }
0x48: {  	[tilespmem:$0x1A120] =	vst v0  }
0x49: {  	[tilespmem:$0x1A130] =	vst v0  }
0x4a: {  	[tilespmem:$0x1A140] =	vst v0  }
0x4b: {  	[tilespmem:$0x1A150] =	vst v0  }
0x4c: {  	[tilespmem:$0x1A160] =	vst v0  }
0x4d: {  	[tilespmem:$0x1A170] =	vst v0  }
0x4e: {  	[tilespmem:$0x1A180] =	vst v0  }
0x4f: {  	[tilespmem:$0x1A190] =	vst v0  }
0x50: {  	[tilespmem:$0x1A1A0] =	vst v0  }
0x51: {  	[tilespmem:$0x1A1B0] =	vst v0  }
0x52: {  	[tilespmem:$0x1A1C0] =	vst v0  }
0x53: {  	[tilespmem:$0x1A1D0] =	vst v0  }
0x54: {  	[tilespmem:$0x1A1E0] =	vst v0  }
0x55: {  	[tilespmem:$0x1A1F0] =	vst v0  }
0x56: {  	[tilespmem:$0x1A200] =	vst v0  }
0x57: {  	[tilespmem:$0x1A210] =	vst v0  }
0x58: {  	[tilespmem:$0x1A220] =	vst v0  }
0x59: {  	[tilespmem:$0x1A230] =	vst v0  }
0x5a: {  	[tilespmem:$0x1A240] =	vst v0  }
0x5b: {  	[tilespmem:$0x1A250] =	vst v0  }
0x5c: {  	[tilespmem:$0x1A260] =	vst v0  }
0x5d: {  	[tilespmem:$0x1A270] =	vst v0  }
0x5e: {  	[tilespmem:$0x1A280] =	vst v0  }
0x5f: {  	[tilespmem:$0x1A290] =	vst v0  }
0x60: {  	[tilespmem:$0x1A2A0] =	vst v0  }
0x61: {  	[tilespmem:$0x1A2B0] =	vst v0  }
0x62: {  	[tilespmem:$0x1A2C0] =	vst v0  }
0x63: {  	[tilespmem:$0x1A2D0] =	vst v0  }
0x64: {  	[tilespmem:$0x1A2E0] =	vst v0  }
0x65: {  	[tilespmem:$0x1A2F0] =	vst v0  }
0x66: {  	[tilespmem:$0x1A300] =	vst v0  }
0x67: {  	[tilespmem:$0x1A310] =	vst v0  }
0x68: {  	[tilespmem:$0x1A320] =	vst v0  }
0x69: {  	[tilespmem:$0x1A330] =	vst v0  }
0x6a: {  	[tilespmem:$0x1A340] =	vst v0  }
0x6b: {  	[tilespmem:$0x1A350] =	vst v0  }
0x6c: {  	[tilespmem:$0x1A360] =	vst v0  }
0x6d: {  	[tilespmem:$0x1A370] =	vst v0  }
0x6e: {  	[tilespmem:$0x1A380] =	vst v0  }
0x6f: {  	[tilespmem:$0x1A390] =	vst v0  }
0x70: {  	[tilespmem:$0x1A3A0] =	vst v0  }
0x71: {  	[tilespmem:$0x1A3B0] =	vst v0  }
0x72: {  	[tilespmem:$0x1A3C0] =	vst v0  }
0x73: {  	[tilespmem:$0x1A3D0] =	vst v0  }
0x74: {  	[tilespmem:$0x1A3E0] =	vst v0  }
0x75: {  	[tilespmem:$0x1A3F0] =	vst v0  }
0x76: {  	[tilespmem:$0x1A400] =	vst v0  }
0x77: {  	[tilespmem:$0x1A410] =	vst v0  }
0x78: {  	[tilespmem:$0x1A420] =	vst v0  }
0x79: {  	[tilespmem:$0x1A430] =	vst v0  }
0x7a: {  	[tilespmem:$0x1A440] =	vst v0  }
0x7b: {  	[tilespmem:$0x1A450] =	vst v0  }
0x7c: {  	[tilespmem:$0x1A460] =	vst v0  }
0x7d: {  	[tilespmem:$0x1A470] =	vst v0  }
0x7e: {  	[tilespmem:$0x1A480] =	vst v0  }
0x7f: {  	[tilespmem:$0x1A490] =	vst v0  }
0x80: {  	[tilespmem:$0x1A4A0] =	vst v0  }
0x81: {  	[tilespmem:$0x1A4B0] =	vst v0  }
0x82: {  	[tilespmem:$0x1A4C0] =	vst v0  }
0x83: {  	[tilespmem:$0x1A4D0] =	vst v0  }
0x84: {  	[tilespmem:$0x1A4E0] =	vst v0  }
0x85: {  	[tilespmem:$0x1A4F0] =	vst v0  }
0x86: {  	[tilespmem:$0x1A500] =	vst v0  }
0x87: {  	[tilespmem:$0x1A510] =	vst v0  }
0x88: {  	[tilespmem:$0x1A520] =	vst v0  }
0x89: {  	[tilespmem:$0x1A530] =	vst v0  }
0x8a: {  	[tilespmem:$0x1A540] =	vst v0  }
0x8b: {  	[tilespmem:$0x1A550] =	vst v0  }
0x8c: {  	[tilespmem:$0x1A560] =	vst v0  }
0x8d: {  	[tilespmem:$0x1A570] =	vst v0  }
0x8e: {  	[tilespmem:$0x1A580] =	vst v0  }
0x8f: {  	[tilespmem:$0x1A590] =	vst v0  }
0x90: {  	[tilespmem:$0x1A5A0] =	vst v0  }
0x91: {  	[tilespmem:$0x1A5B0] =	vst v0  }
0x92: {  	[tilespmem:$0x1A5C0] =	vst v0  }
0x93: {  	[tilespmem:$0x1A5D0] =	vst v0  }
0x94: {  	[tilespmem:$0x1A5E0] =	vst v0  }
0x95: {  	[tilespmem:$0x1A5F0] =	vst v0  }
0x96: {  	[tilespmem:$0x1A600] =	vst v0  }
0x97: {  	[tilespmem:$0x1A610] =	vst v0  }
0x98: {  	[tilespmem:$0x1A620] =	vst v0  }
0x99: {  	[tilespmem:$0x1A630] =	vst v0  }
0x9a: {  	[tilespmem:$0x1A640] =	vst v0  }
0x9b: {  	[tilespmem:$0x1A650] =	vst v0  }
0x9c: {  	[tilespmem:$0x1A660] =	vst v0  }
0x9d: {  	[tilespmem:$0x1A670] =	vst v0  }
0x9e: {  	[tilespmem:$0x1A680] =	vst v0  }
0x9f: {  	[tilespmem:$0x1A690] =	vst v0  }
0xa0: {  	[tilespmem:$0x1A6A0] =	vst v0  }
0xa1: {  	[tilespmem:$0x1A6B0] =	vst v0  }
0xa2: {  	[tilespmem:$0x1A6C0] =	vst v0  }
0xa3: {  	[tilespmem:$0x1A6D0] =	vst v0  }
0xa4: {  	[tilespmem:$0x1A6E0] =	vst v0  }
0xa5: {  	[dreg:$0x1c] =	wrdreg s15;
	[tilespmem:$0x1A6F0] =	vst v0  }
0xa6: {  	[spmem:s17] =	stream.linear.scatter [tilespmem:s8], [sflag:$0x1], $0x800, $0x38;
	[tilespmem:$0x1BF70] =	vst v63  }
0xa7: {  	_ =	swait.ge [sflag:s18], $0x800  }
0xa8: {  	[sflag:s18] =	ssyncset.done $0x0  }
0xa9: {  	[sflag:s18] =	ssyncadd.s32 $0xFFFFF800  }
0xaa: {  	[spmem:s5] =	stream.linear.scatter [tilespmem:s8], [sflag:$0x1], $0x800, $0x38;
	[tilespmem:$0x1BF70] =	vst v63  }
0xab: {  	_ =	swait.ge [sflag:s18], $0x800  }
0xac: {  	[sflag:s18] =	ssyncset.done $0x0  }
0xad: {  	[sflag:s18] =	ssyncadd.s32 $0xFFFFF800  }
0xae: {  	[spmem:s6] =	stream.linear.scatter [tilespmem:s8], [sflag:$0x1], $0x800, $0x38;
	[tilespmem:$0x1BF70] =	vst v63  }
0xaf: {  	_ =	swait.ge [sflag:s18], $0x800  }
0xb0: {  	[sflag:s18] =	ssyncset.done $0x0  }
0xb1: {  	[sflag:s18] =	ssyncadd.s32 $0xFFFFF800  }
0xb2: {  	[spmem:s7] =	stream.linear.scatter [tilespmem:s8], [sflag:$0x1], $0x70, $0x38;
	[tilespmem:$0x1BF70] =	vst v63  }
0xb3: {  	_ =	swait.ge [sflag:s18], $0x70  }
0xb4: {  	[sflag:s18] =	ssyncset.done $0x0  }
0xb5: {  	s17 =	rddreg [dreg:$0xf];
	[sflag:s18] =	ssyncadd.s32 $0xFFFFFF90  }
0xb6: {  	[tilespmem:s3], [sflag:$0x1] =	stream.linear.gather [hbm4b:s17+s3], $0x18700, $0x38;
	[tilespmem:$0x1BF70] =	vst v63  }
0xb7: {  	_ =	swait.ge [sflag:s18], $0x18700  }
0xb8: {  	[sflag:s18] =	ssyncset.done $0x0  }
0xb9: {  	[sflag:s18] =	ssyncadd.s32 $0xFFFE7900  }
0xba: {  	[bflag:$0x0] =	sbarrier.arrive $0xFFFF  }
0xbb: {  	s6 =	rddreg [dreg:$0x1a]  }
0xbc: {  	s7 =	rddreg [dreg:$0x1b]  }
0xbd: {  	s8 =	rddreg [dreg:$0x14]  }
.LBB2_2:
0xbe: {  	s5 =	rddreg [dreg:$0x3]  }
0xbf: {  	[tilespmem:s5], [sflag:$0x1] =	stream.linear.gather [hbm4b:s7+s3], $0x800, $0x38;
	[tilespmem:$0x1BF70] =	vst v63  }
0xc0: {  	_ =	swait.ge [sflag:s18], $0x800  }
0xc1: {  	[sflag:s18] =	ssyncset.done $0x0  }
0xc2: {  	[sflag:s18] =	ssyncadd.s32 $0xFFFFF800  }
0xc3: {  	[tilespmem:s19], [sflag:$0x1] =	stream.linear.gather [hbm4b:s6+s3], $0x800, $0x38;
	[tilespmem:$0x1BF70] =	vst v63  }
0xc4: {  	_ =	swait.ge [sflag:s18], $0x800  }
0xc5: {  	[sflag:s18] =	ssyncset.done $0x0  }
0xc6: {  	[sflag:s18] =	ssyncadd.s32 $0xFFFFF800  }
0xc7: {  	v1 =	vld [tilespmem:$0x18700];
	_ =	sdelay $0x5  }
0xc8: {  	v2 =	vld [tilespmem:$0x18710];
	_ =	sdelay $0x1  }
0xc9: {  	v1 =	vld.idx.msk [tilespmem:v1+s3+$0x0], $0xffff;
	_ =	sdelay $0x3  }
0xca: {  	v3 =	vld [tilespmem:$0x18720]  }
0xcb: {  	[tilespmem:$0x19700] =	vst v1  }
0xcc: {  	v1 =	vld.idx.msk [tilespmem:v2+s3+$0x0], $0xffff;
	_ =	sdelay $0x3  }
0xcd: {  	v2 =	vld [tilespmem:$0x18730]  }
0xce: {  	[tilespmem:$0x19710] =	vst v1  }
0xcf: {  	v1 =	vld.idx.msk [tilespmem:v3+s3+$0x0], $0xffff;
	_ =	sdelay $0x3  }
0xd0: {  	v3 =	vld [tilespmem:$0x18740]  }
0xd1: {  	[tilespmem:$0x19720] =	vst v1  }
0xd2: {  	v1 =	vld.idx.msk [tilespmem:v2+s3+$0x0], $0xffff;
	_ =	sdelay $0x3  }
0xd3: {  	v2 =	vld [tilespmem:$0x18750]  }
0xd4: {  	[tilespmem:$0x19730] =	vst v1  }
0xd5: {  	v1 =	vld.idx.msk [tilespmem:v3+s3+$0x0], $0xffff;
	_ =	sdelay $0x3  }
0xd6: {  	v3 =	vld [tilespmem:$0x18760]  }
0xd7: {  	[tilespmem:$0x19740] =	vst v1  }
0xd8: {  	v1 =	vld.idx.msk [tilespmem:v2+s3+$0x0], $0xffff;
	_ =	sdelay $0x3  }
0xd9: {  	v2 =	vld [tilespmem:$0x18770]  }
0xda: {  	[tilespmem:$0x19750] =	vst v1  }
0xdb: {  	v1 =	vld.idx.msk [tilespmem:v3+s3+$0x0], $0xffff;
	_ =	sdelay $0x3  }
0xdc: {  	v3 =	vld [tilespmem:$0x18780]  }
0xdd: {  	[tilespmem:$0x19760] =	vst v1  }
0xde: {  	v1 =	vld.idx.msk [tilespmem:v2+s3+$0x0], $0xffff;
	_ =	sdelay $0x3  }
0xdf: {  	v2 =	vld [tilespmem:$0x18790]  }
0xe0: {  	[tilespmem:$0x19770] =	vst v1  }
0xe1: {  	v1 =	vld.idx.msk [tilespmem:v3+s3+$0x0], $0xffff;
	_ =	sdelay $0x3  }
0xe2: {  	v3 =	vld [tilespmem:$0x187A0]  }
0xe3: {  	[tilespmem:$0x19780] =	vst v1  }
0xe4: {  	v1 =	vld.idx.msk [tilespmem:v2+s3+$0x0], $0xffff;
	_ =	sdelay $0x3  }
0xe5: {  	v2 =	vld [tilespmem:$0x187B0]  }
0xe6: {  	[tilespmem:$0x19790] =	vst v1  }
0xe7: {  	v1 =	vld.idx.msk [tilespmem:v3+s3+$0x0], $0xffff;
	_ =	sdelay $0x3  }
0xe8: {  	v3 =	vld [tilespmem:$0x187C0]  }
0xe9: {  	[tilespmem:$0x197A0] =	vst v1  }
0xea: {  	v1 =	vld.idx.msk [tilespmem:v2+s3+$0x0], $0xffff;
	_ =	sdelay $0x3  }
0xeb: {  	v2 =	vld [tilespmem:$0x187D0]  }
0xec: {  	[tilespmem:$0x197B0] =	vst v1  }
0xed: {  	v1 =	vld.idx.msk [tilespmem:v3+s3+$0x0], $0xffff;
	_ =	sdelay $0x3  }
0xee: {  	v3 =	vld [tilespmem:$0x187E0]  }
0xef: {  	[tilespmem:$0x197C0] =	vst v1  }
0xf0: {  	v1 =	vld.idx.msk [tilespmem:v2+s3+$0x0], $0xffff;
	_ =	sdelay $0x3  }
0xf1: {  	v2 =	vld [tilespmem:$0x187F0]  }
0xf2: {  	[tilespmem:$0x197D0] =	vst v1  }
0xf3: {  	v1 =	vld.idx.msk [tilespmem:v3+s3+$0x0], $0xffff;
	_ =	sdelay $0x3  }
0xf4: {  	v3 =	vld [tilespmem:$0x18800]  }
0xf5: {  	[tilespmem:$0x197E0] =	vst v1  }
0xf6: {  	v1 =	vld.idx.msk [tilespmem:v2+s3+$0x0], $0xffff;
	_ =	sdelay $0x3  }
0xf7: {  	v2 =	vld [tilespmem:$0x18810]  }
0xf8: {  	[tilespmem:$0x197F0] =	vst v1  }
0xf9: {  	v1 =	vld.idx.msk [tilespmem:v3+s3+$0x0], $0xffff;
	_ =	sdelay $0x3  }
0xfa: {  	v3 =	vld [tilespmem:$0x18820]  }
0xfb: {  	[tilespmem:$0x19800] =	vst v1  }
0xfc: {  	v1 =	vld.idx.msk [tilespmem:v2+s3+$0x0], $0xffff;
	_ =	sdelay $0x3  }
0xfd: {  	v2 =	vld [tilespmem:$0x18830]  }
0xfe: {  	[tilespmem:$0x19810] =	vst v1  }
0xff: {  	v1 =	vld.idx.msk [tilespmem:v3+s3+$0x0], $0xffff;
	_ =	sdelay $0x3  }
0x100: {  	v3 =	vld [tilespmem:$0x18840]  }
0x101: {  	[tilespmem:$0x19820] =	vst v1  }
0x102: {  	v1 =	vld.idx.msk [tilespmem:v2+s3+$0x0], $0xffff;
	_ =	sdelay $0x3  }
0x103: {  	v2 =	vld [tilespmem:$0x18850]  }
0x104: {  	[tilespmem:$0x19830] =	vst v1  }
0x105: {  	v1 =	vld.idx.msk [tilespmem:v3+s3+$0x0], $0xffff;
	_ =	sdelay $0x3  }
0x106: {  	v3 =	vld [tilespmem:$0x18860]  }
0x107: {  	[tilespmem:$0x19840] =	vst v1  }
0x108: {  	v1 =	vld.idx.msk [tilespmem:v2+s3+$0x0], $0xffff;
	_ =	sdelay $0x3  }
0x109: {  	v2 =	vld [tilespmem:$0x18870]  }
0x10a: {  	[tilespmem:$0x19850] =	vst v1  }
0x10b: {  	v1 =	vld.idx.msk [tilespmem:v3+s3+$0x0], $0xffff;
	_ =	sdelay $0x3  }
0x10c: {  	v3 =	vld [tilespmem:$0x18880]  }
0x10d: {  	[tilespmem:$0x19860] =	vst v1  }
0x10e: {  	v1 =	vld.idx.msk [tilespmem:v2+s3+$0x0], $0xffff;
	_ =	sdelay $0x3  }
0x10f: {  	v2 =	vld [tilespmem:$0x18890]  }
0x110: {  	[tilespmem:$0x19870] =	vst v1  }
0x111: {  	v1 =	vld.idx.msk [tilespmem:v3+s3+$0x0], $0xffff;
	_ =	sdelay $0x3  }
0x112: {  	v3 =	vld [tilespmem:$0x188A0]  }
0x113: {  	[tilespmem:$0x19880] =	vst v1  }
0x114: {  	v1 =	vld.idx.msk [tilespmem:v2+s3+$0x0], $0xffff;
	_ =	sdelay $0x3  }
0x115: {  	v2 =	vld [tilespmem:$0x188B0]  }
0x116: {  	[tilespmem:$0x19890] =	vst v1  }
0x117: {  	v1 =	vld.idx.msk [tilespmem:v3+s3+$0x0], $0xffff;
	_ =	sdelay $0x3  }
0x118: {  	v3 =	vld [tilespmem:$0x188C0]  }
0x119: {  	[tilespmem:$0x198A0] =	vst v1  }
0x11a: {  	v1 =	vld.idx.msk [tilespmem:v2+s3+$0x0], $0xffff;
	_ =	sdelay $0x3  }
0x11b: {  	v2 =	vld [tilespmem:$0x188D0]  }
0x11c: {  	[tilespmem:$0x198B0] =	vst v1  }
0x11d: {  	v1 =	vld.idx.msk [tilespmem:v3+s3+$0x0], $0xffff;
	_ =	sdelay $0x3  }
0x11e: {  	v3 =	vld [tilespmem:$0x188E0]  }
0x11f: {  	[tilespmem:$0x198C0] =	vst v1  }
0x120: {  	v1 =	vld.idx.msk [tilespmem:v2+s3+$0x0], $0xffff;
	_ =	sdelay $0x3  }
0x121: {  	v2 =	vld [tilespmem:$0x188F0]  }
0x122: {  	[tilespmem:$0x198D0] =	vst v1  }
0x123: {  	v1 =	vld.idx.msk [tilespmem:v3+s3+$0x0], $0xffff;
	_ =	sdelay $0x3  }
0x124: {  	v3 =	vld [tilespmem:$0x18900]  }
0x125: {  	[tilespmem:$0x198E0] =	vst v1  }
0x126: {  	v1 =	vld.idx.msk [tilespmem:v2+s3+$0x0], $0xffff;
	_ =	sdelay $0x3  }
0x127: {  	v2 =	vld [tilespmem:$0x18910]  }
0x128: {  	[tilespmem:$0x198F0] =	vst v1  }
0x129: {  	v1 =	vld.idx.msk [tilespmem:v3+s3+$0x0], $0xffff;
	_ =	sdelay $0x3  }
0x12a: {  	v3 =	vld [tilespmem:$0x18920]  }
0x12b: {  	[tilespmem:$0x19900] =	vst v1  }
0x12c: {  	v1 =	vld.idx.msk [tilespmem:v2+s3+$0x0], $0xffff;
	_ =	sdelay $0x3  }
0x12d: {  	v2 =	vld [tilespmem:$0x18930]  }
0x12e: {  	[tilespmem:$0x19910] =	vst v1  }
0x12f: {  	v1 =	vld.idx.msk [tilespmem:v3+s3+$0x0], $0xffff;
	_ =	sdelay $0x3  }
0x130: {  	v3 =	vld [tilespmem:$0x18940]  }
0x131: {  	[tilespmem:$0x19920] =	vst v1  }
0x132: {  	v1 =	vld.idx.msk [tilespmem:v2+s3+$0x0], $0xffff;
	_ =	sdelay $0x3  }
0x133: {  	v2 =	vld [tilespmem:$0x18950]  }
0x134: {  	[tilespmem:$0x19930] =	vst v1  }
0x135: {  	v1 =	vld.idx.msk [tilespmem:v3+s3+$0x0], $0xffff;
	_ =	sdelay $0x3  }
0x136: {  	v3 =	vld [tilespmem:$0x18960]  }
0x137: {  	[tilespmem:$0x19940] =	vst v1  }
0x138: {  	v1 =	vld.idx.msk [tilespmem:v2+s3+$0x0], $0xffff;
	_ =	sdelay $0x3  }
0x139: {  	v2 =	vld [tilespmem:$0x18970]  }
0x13a: {  	[tilespmem:$0x19950] =	vst v1  }
0x13b: {  	v1 =	vld.idx.msk [tilespmem:v3+s3+$0x0], $0xffff;
	_ =	sdelay $0x3  }
0x13c: {  	v3 =	vld [tilespmem:$0x18980]  }
0x13d: {  	[tilespmem:$0x19960] =	vst v1  }
0x13e: {  	v1 =	vld.idx.msk [tilespmem:v2+s3+$0x0], $0xffff;
	_ =	sdelay $0x3  }
0x13f: {  	v2 =	vld [tilespmem:$0x18990]  }
0x140: {  	[tilespmem:$0x19970] =	vst v1  }
0x141: {  	v1 =	vld.idx.msk [tilespmem:v3+s3+$0x0], $0xffff;
	_ =	sdelay $0x3  }
0x142: {  	v3 =	vld [tilespmem:$0x189A0]  }
0x143: {  	[tilespmem:$0x19980] =	vst v1  }
0x144: {  	v1 =	vld.idx.msk [tilespmem:v2+s3+$0x0], $0xffff;
	_ =	sdelay $0x3  }
0x145: {  	v2 =	vld [tilespmem:$0x189B0]  }
0x146: {  	[tilespmem:$0x19990] =	vst v1  }
0x147: {  	v1 =	vld.idx.msk [tilespmem:v3+s3+$0x0], $0xffff;
	_ =	sdelay $0x3  }
0x148: {  	v3 =	vld [tilespmem:$0x189C0]  }
0x149: {  	[tilespmem:$0x199A0] =	vst v1  }
0x14a: {  	v1 =	vld.idx.msk [tilespmem:v2+s3+$0x0], $0xffff;
	_ =	sdelay $0x3  }
0x14b: {  	v2 =	vld [tilespmem:$0x189D0]  }
0x14c: {  	[tilespmem:$0x199B0] =	vst v1  }
0x14d: {  	v1 =	vld.idx.msk [tilespmem:v3+s3+$0x0], $0xffff;
	_ =	sdelay $0x3  }
0x14e: {  	v3 =	vld [tilespmem:$0x189E0]  }
0x14f: {  	[tilespmem:$0x199C0] =	vst v1  }
0x150: {  	v1 =	vld.idx.msk [tilespmem:v2+s3+$0x0], $0xffff;
	_ =	sdelay $0x3  }
0x151: {  	v2 =	vld [tilespmem:$0x189F0]  }
0x152: {  	[tilespmem:$0x199D0] =	vst v1  }
0x153: {  	v1 =	vld.idx.msk [tilespmem:v3+s3+$0x0], $0xffff;
	_ =	sdelay $0x3  }
0x154: {  	v3 =	vld [tilespmem:$0x18A00]  }
0x155: {  	[tilespmem:$0x199E0] =	vst v1  }
0x156: {  	v1 =	vld.idx.msk [tilespmem:v2+s3+$0x0], $0xffff;
	_ =	sdelay $0x3  }
0x157: {  	v2 =	vld [tilespmem:$0x18A10]  }
0x158: {  	[tilespmem:$0x199F0] =	vst v1  }
0x159: {  	v1 =	vld.idx.msk [tilespmem:v3+s3+$0x0], $0xffff;
	_ =	sdelay $0x3  }
0x15a: {  	v3 =	vld [tilespmem:$0x18A20]  }
0x15b: {  	[tilespmem:$0x19A00] =	vst v1  }
0x15c: {  	v1 =	vld.idx.msk [tilespmem:v2+s3+$0x0], $0xffff;
	_ =	sdelay $0x3  }
0x15d: {  	v2 =	vld [tilespmem:$0x18A30]  }
0x15e: {  	[tilespmem:$0x19A10] =	vst v1  }
0x15f: {  	v1 =	vld.idx.msk [tilespmem:v3+s3+$0x0], $0xffff;
	_ =	sdelay $0x3  }
0x160: {  	v3 =	vld [tilespmem:$0x18A40]  }
0x161: {  	[tilespmem:$0x19A20] =	vst v1  }
0x162: {  	v1 =	vld.idx.msk [tilespmem:v2+s3+$0x0], $0xffff;
	_ =	sdelay $0x3  }
0x163: {  	v2 =	vld [tilespmem:$0x18A50]  }
0x164: {  	[tilespmem:$0x19A30] =	vst v1  }
0x165: {  	v1 =	vld.idx.msk [tilespmem:v3+s3+$0x0], $0xffff;
	_ =	sdelay $0x3  }
0x166: {  	v3 =	vld [tilespmem:$0x18A60]  }
0x167: {  	[tilespmem:$0x19A40] =	vst v1  }
0x168: {  	v1 =	vld.idx.msk [tilespmem:v2+s3+$0x0], $0xffff;
	_ =	sdelay $0x3  }
0x169: {  	v2 =	vld [tilespmem:$0x18A70]  }
0x16a: {  	[tilespmem:$0x19A50] =	vst v1  }
0x16b: {  	v1 =	vld.idx.msk [tilespmem:v3+s3+$0x0], $0xffff;
	_ =	sdelay $0x3  }
0x16c: {  	v3 =	vld [tilespmem:$0x18A80]  }
0x16d: {  	[tilespmem:$0x19A60] =	vst v1  }
0x16e: {  	v1 =	vld.idx.msk [tilespmem:v2+s3+$0x0], $0xffff;
	_ =	sdelay $0x3  }
0x16f: {  	v2 =	vld [tilespmem:$0x18A90]  }
0x170: {  	[tilespmem:$0x19A70] =	vst v1  }
0x171: {  	v1 =	vld.idx.msk [tilespmem:v3+s3+$0x0], $0xffff;
	_ =	sdelay $0x3  }
0x172: {  	v3 =	vld [tilespmem:$0x18AA0]  }
0x173: {  	[tilespmem:$0x19A80] =	vst v1  }
0x174: {  	v1 =	vld.idx.msk [tilespmem:v2+s3+$0x0], $0xffff;
	_ =	sdelay $0x3  }
0x175: {  	v2 =	vld [tilespmem:$0x18AB0]  }
0x176: {  	[tilespmem:$0x19A90] =	vst v1  }
0x177: {  	v1 =	vld.idx.msk [tilespmem:v3+s3+$0x0], $0xffff;
	_ =	sdelay $0x3  }
0x178: {  	v3 =	vld [tilespmem:$0x18AC0]  }
0x179: {  	[tilespmem:$0x19AA0] =	vst v1  }
0x17a: {  	v1 =	vld.idx.msk [tilespmem:v2+s3+$0x0], $0xffff;
	_ =	sdelay $0x3  }
0x17b: {  	v2 =	vld [tilespmem:$0x18AD0]  }
0x17c: {  	[tilespmem:$0x19AB0] =	vst v1  }
0x17d: {  	v1 =	vld.idx.msk [tilespmem:v3+s3+$0x0], $0xffff;
	_ =	sdelay $0x3  }
0x17e: {  	v3 =	vld [tilespmem:$0x18AE0]  }
0x17f: {  	[tilespmem:$0x19AC0] =	vst v1  }
0x180: {  	v1 =	vld.idx.msk [tilespmem:v2+s3+$0x0], $0xffff;
	_ =	sdelay $0x3  }
0x181: {  	v2 =	vld [tilespmem:$0x18AF0]  }
0x182: {  	[tilespmem:$0x19AD0] =	vst v1  }
0x183: {  	v1 =	vld.idx.msk [tilespmem:v3+s3+$0x0], $0xffff;
	_ =	sdelay $0x3  }
0x184: {  	v3 =	vld [tilespmem:$0x18B00]  }
0x185: {  	[tilespmem:$0x19AE0] =	vst v1  }
0x186: {  	v1 =	vld.idx.msk [tilespmem:v2+s3+$0x0], $0xffff;
	_ =	sdelay $0x3  }
0x187: {  	v2 =	vld [tilespmem:$0x18B10]  }
0x188: {  	[tilespmem:$0x19AF0] =	vst v1  }
0x189: {  	v1 =	vld.idx.msk [tilespmem:v3+s3+$0x0], $0xffff;
	_ =	sdelay $0x3  }
0x18a: {  	v3 =	vld [tilespmem:$0x18B20]  }
0x18b: {  	[tilespmem:$0x19B00] =	vst v1  }
0x18c: {  	v1 =	vld.idx.msk [tilespmem:v2+s3+$0x0], $0xffff;
	_ =	sdelay $0x3  }
0x18d: {  	v2 =	vld [tilespmem:$0x18B30]  }
0x18e: {  	[tilespmem:$0x19B10] =	vst v1  }
0x18f: {  	v1 =	vld.idx.msk [tilespmem:v3+s3+$0x0], $0xffff;
	_ =	sdelay $0x3  }
0x190: {  	v3 =	vld [tilespmem:$0x18B40]  }
0x191: {  	[tilespmem:$0x19B20] =	vst v1  }
0x192: {  	v1 =	vld.idx.msk [tilespmem:v2+s3+$0x0], $0xffff;
	_ =	sdelay $0x3  }
0x193: {  	v2 =	vld [tilespmem:$0x18B50]  }
0x194: {  	[tilespmem:$0x19B30] =	vst v1  }
0x195: {  	v1 =	vld.idx.msk [tilespmem:v3+s3+$0x0], $0xffff;
	_ =	sdelay $0x3  }
0x196: {  	v3 =	vld [tilespmem:$0x18B60]  }
0x197: {  	[tilespmem:$0x19B40] =	vst v1  }
0x198: {  	v1 =	vld.idx.msk [tilespmem:v2+s3+$0x0], $0xffff;
	_ =	sdelay $0x3  }
0x199: {  	v2 =	vld [tilespmem:$0x18B70]  }
0x19a: {  	[tilespmem:$0x19B50] =	vst v1  }
0x19b: {  	v1 =	vld.idx.msk [tilespmem:v3+s3+$0x0], $0xffff;
	_ =	sdelay $0x3  }
0x19c: {  	v3 =	vld [tilespmem:$0x18B80]  }
0x19d: {  	[tilespmem:$0x19B60] =	vst v1  }
0x19e: {  	v1 =	vld.idx.msk [tilespmem:v2+s3+$0x0], $0xffff;
	_ =	sdelay $0x3  }
0x19f: {  	v2 =	vld [tilespmem:$0x18B90]  }
0x1a0: {  	[tilespmem:$0x19B70] =	vst v1  }
0x1a1: {  	v1 =	vld.idx.msk [tilespmem:v3+s3+$0x0], $0xffff;
	_ =	sdelay $0x3  }
0x1a2: {  	v3 =	vld [tilespmem:$0x18BA0]  }
0x1a3: {  	[tilespmem:$0x19B80] =	vst v1  }
0x1a4: {  	v1 =	vld.idx.msk [tilespmem:v2+s3+$0x0], $0xffff;
	_ =	sdelay $0x3  }
0x1a5: {  	v2 =	vld [tilespmem:$0x18BB0]  }
0x1a6: {  	[tilespmem:$0x19B90] =	vst v1  }
0x1a7: {  	v1 =	vld.idx.msk [tilespmem:v3+s3+$0x0], $0xffff;
	_ =	sdelay $0x3  }
0x1a8: {  	v3 =	vld [tilespmem:$0x18BC0]  }
0x1a9: {  	[tilespmem:$0x19BA0] =	vst v1  }
0x1aa: {  	v1 =	vld.idx.msk [tilespmem:v2+s3+$0x0], $0xffff;
	_ =	sdelay $0x3  }
0x1ab: {  	v2 =	vld [tilespmem:$0x18BD0]  }
0x1ac: {  	[tilespmem:$0x19BB0] =	vst v1  }
0x1ad: {  	v1 =	vld.idx.msk [tilespmem:v3+s3+$0x0], $0xffff;
	_ =	sdelay $0x3  }
0x1ae: {  	v3 =	vld [tilespmem:$0x18BE0]  }
0x1af: {  	[tilespmem:$0x19BC0] =	vst v1  }
0x1b0: {  	v1 =	vld.idx.msk [tilespmem:v2+s3+$0x0], $0xffff;
	_ =	sdelay $0x3  }
0x1b1: {  	v2 =	vld [tilespmem:$0x18BF0]  }
0x1b2: {  	[tilespmem:$0x19BD0] =	vst v1  }
0x1b3: {  	v1 =	vld.idx.msk [tilespmem:v3+s3+$0x0], $0xffff;
	_ =	sdelay $0x3  }
0x1b4: {  	v3 =	vld [tilespmem:$0x18C00]  }
0x1b5: {  	[tilespmem:$0x19BE0] =	vst v1  }
0x1b6: {  	v1 =	vld.idx.msk [tilespmem:v2+s3+$0x0], $0xffff;
	_ =	sdelay $0x3  }
0x1b7: {  	v2 =	vld [tilespmem:$0x18C10]  }
0x1b8: {  	[tilespmem:$0x19BF0] =	vst v1  }
0x1b9: {  	v1 =	vld.idx.msk [tilespmem:v3+s3+$0x0], $0xffff;
	_ =	sdelay $0x3  }
0x1ba: {  	v3 =	vld [tilespmem:$0x18C20]  }
0x1bb: {  	[tilespmem:$0x19C00] =	vst v1  }
0x1bc: {  	v1 =	vld.idx.msk [tilespmem:v2+s3+$0x0], $0xffff;
	_ =	sdelay $0x3  }
0x1bd: {  	v2 =	vld [tilespmem:$0x18C30]  }
0x1be: {  	[tilespmem:$0x19C10] =	vst v1  }
0x1bf: {  	v1 =	vld.idx.msk [tilespmem:v3+s3+$0x0], $0xffff;
	_ =	sdelay $0x3  }
0x1c0: {  	v3 =	vld [tilespmem:$0x18C40]  }
0x1c1: {  	[tilespmem:$0x19C20] =	vst v1  }
0x1c2: {  	v1 =	vld.idx.msk [tilespmem:v2+s3+$0x0], $0xffff;
	_ =	sdelay $0x3  }
0x1c3: {  	v2 =	vld [tilespmem:$0x18C50]  }
0x1c4: {  	[tilespmem:$0x19C30] =	vst v1  }
0x1c5: {  	v1 =	vld.idx.msk [tilespmem:v3+s3+$0x0], $0xffff;
	_ =	sdelay $0x3  }
0x1c6: {  	v3 =	vld [tilespmem:$0x18C60]  }
0x1c7: {  	[tilespmem:$0x19C40] =	vst v1  }
0x1c8: {  	v1 =	vld.idx.msk [tilespmem:v2+s3+$0x0], $0xffff;
	_ =	sdelay $0x3  }
0x1c9: {  	v2 =	vld [tilespmem:$0x18C70]  }
0x1ca: {  	[tilespmem:$0x19C50] =	vst v1  }
0x1cb: {  	v1 =	vld.idx.msk [tilespmem:v3+s3+$0x0], $0xffff;
	_ =	sdelay $0x3  }
0x1cc: {  	v3 =	vld [tilespmem:$0x18C80]  }
0x1cd: {  	[tilespmem:$0x19C60] =	vst v1  }
0x1ce: {  	v1 =	vld.idx.msk [tilespmem:v2+s3+$0x0], $0xffff;
	_ =	sdelay $0x3  }
0x1cf: {  	v2 =	vld [tilespmem:$0x18C90]  }
0x1d0: {  	[tilespmem:$0x19C70] =	vst v1  }
0x1d1: {  	v1 =	vld.idx.msk [tilespmem:v3+s3+$0x0], $0xffff;
	_ =	sdelay $0x3  }
0x1d2: {  	v3 =	vld [tilespmem:$0x18CA0]  }
0x1d3: {  	[tilespmem:$0x19C80] =	vst v1  }
0x1d4: {  	v1 =	vld.idx.msk [tilespmem:v2+s3+$0x0], $0xffff;
	_ =	sdelay $0x3  }
0x1d5: {  	v2 =	vld [tilespmem:$0x18CB0]  }
0x1d6: {  	[tilespmem:$0x19C90] =	vst v1  }
0x1d7: {  	v1 =	vld.idx.msk [tilespmem:v3+s3+$0x0], $0xffff;
	_ =	sdelay $0x3  }
0x1d8: {  	v3 =	vld [tilespmem:$0x18CC0]  }
0x1d9: {  	[tilespmem:$0x19CA0] =	vst v1  }
0x1da: {  	v1 =	vld.idx.msk [tilespmem:v2+s3+$0x0], $0xffff;
	_ =	sdelay $0x3  }
0x1db: {  	v2 =	vld [tilespmem:$0x18CD0]  }
0x1dc: {  	[tilespmem:$0x19CB0] =	vst v1  }
0x1dd: {  	v1 =	vld.idx.msk [tilespmem:v3+s3+$0x0], $0xffff;
	_ =	sdelay $0x3  }
0x1de: {  	v3 =	vld [tilespmem:$0x18CE0]  }
0x1df: {  	[tilespmem:$0x19CC0] =	vst v1  }
0x1e0: {  	v1 =	vld.idx.msk [tilespmem:v2+s3+$0x0], $0xffff;
	_ =	sdelay $0x3  }
0x1e1: {  	v2 =	vld [tilespmem:$0x18CF0]  }
0x1e2: {  	[tilespmem:$0x19CD0] =	vst v1  }
0x1e3: {  	v1 =	vld.idx.msk [tilespmem:v3+s3+$0x0], $0xffff;
	_ =	sdelay $0x3  }
0x1e4: {  	v3 =	vld [tilespmem:$0x18D00]  }
0x1e5: {  	[tilespmem:$0x19CE0] =	vst v1  }
0x1e6: {  	v1 =	vld.idx.msk [tilespmem:v2+s3+$0x0], $0xffff;
	_ =	sdelay $0x3  }
0x1e7: {  	v2 =	vld [tilespmem:$0x18D10]  }
0x1e8: {  	[tilespmem:$0x19CF0] =	vst v1  }
0x1e9: {  	v1 =	vld.idx.msk [tilespmem:v3+s3+$0x0], $0xffff;
	_ =	sdelay $0x3  }
0x1ea: {  	v3 =	vld [tilespmem:$0x18D20]  }
0x1eb: {  	[tilespmem:$0x19D00] =	vst v1  }
0x1ec: {  	v1 =	vld.idx.msk [tilespmem:v2+s3+$0x0], $0xffff;
	_ =	sdelay $0x3  }
0x1ed: {  	v2 =	vld [tilespmem:$0x18D30]  }
0x1ee: {  	[tilespmem:$0x19D10] =	vst v1  }
0x1ef: {  	v1 =	vld.idx.msk [tilespmem:v3+s3+$0x0], $0xffff;
	_ =	sdelay $0x3  }
0x1f0: {  	v3 =	vld [tilespmem:$0x18D40]  }
0x1f1: {  	[tilespmem:$0x19D20] =	vst v1  }
0x1f2: {  	v1 =	vld.idx.msk [tilespmem:v2+s3+$0x0], $0xffff;
	_ =	sdelay $0x3  }
0x1f3: {  	v2 =	vld [tilespmem:$0x18D50]  }
0x1f4: {  	[tilespmem:$0x19D30] =	vst v1  }
0x1f5: {  	v1 =	vld.idx.msk [tilespmem:v3+s3+$0x0], $0xffff;
	_ =	sdelay $0x3  }
0x1f6: {  	v3 =	vld [tilespmem:$0x18D60]  }
0x1f7: {  	[tilespmem:$0x19D40] =	vst v1  }
0x1f8: {  	v1 =	vld.idx.msk [tilespmem:v2+s3+$0x0], $0xffff;
	_ =	sdelay $0x3  }
0x1f9: {  	v2 =	vld [tilespmem:$0x18D70]  }
0x1fa: {  	[tilespmem:$0x19D50] =	vst v1  }
0x1fb: {  	v1 =	vld.idx.msk [tilespmem:v3+s3+$0x0], $0xffff;
	_ =	sdelay $0x3  }
0x1fc: {  	v3 =	vld [tilespmem:$0x18D80]  }
0x1fd: {  	[tilespmem:$0x19D60] =	vst v1  }
0x1fe: {  	v1 =	vld.idx.msk [tilespmem:v2+s3+$0x0], $0xffff;
	_ =	sdelay $0x3  }
0x1ff: {  	v2 =	vld [tilespmem:$0x18D90]  }
0x200: {  	[tilespmem:$0x19D70] =	vst v1  }
0x201: {  	v1 =	vld.idx.msk [tilespmem:v3+s3+$0x0], $0xffff;
	_ =	sdelay $0x3  }
0x202: {  	v3 =	vld [tilespmem:$0x18DA0]  }
0x203: {  	[tilespmem:$0x19D80] =	vst v1  }
0x204: {  	v1 =	vld.idx.msk [tilespmem:v2+s3+$0x0], $0xffff;
	_ =	sdelay $0x3  }
0x205: {  	v2 =	vld [tilespmem:$0x18DB0]  }
0x206: {  	[tilespmem:$0x19D90] =	vst v1  }
0x207: {  	v1 =	vld.idx.msk [tilespmem:v3+s3+$0x0], $0xffff;
	_ =	sdelay $0x3  }
0x208: {  	v3 =	vld [tilespmem:$0x18DC0]  }
0x209: {  	[tilespmem:$0x19DA0] =	vst v1  }
0x20a: {  	v1 =	vld.idx.msk [tilespmem:v2+s3+$0x0], $0xffff;
	_ =	sdelay $0x3  }
0x20b: {  	v2 =	vld [tilespmem:$0x18DD0]  }
0x20c: {  	[tilespmem:$0x19DB0] =	vst v1  }
0x20d: {  	v1 =	vld.idx.msk [tilespmem:v3+s3+$0x0], $0xffff;
	_ =	sdelay $0x3  }
0x20e: {  	v3 =	vld [tilespmem:$0x18DE0]  }
0x20f: {  	[tilespmem:$0x19DC0] =	vst v1  }
0x210: {  	v1 =	vld.idx.msk [tilespmem:v2+s3+$0x0], $0xffff;
	_ =	sdelay $0x3  }
0x211: {  	v2 =	vld [tilespmem:$0x18DF0]  }
0x212: {  	[tilespmem:$0x19DD0] =	vst v1  }
0x213: {  	v1 =	vld.idx.msk [tilespmem:v3+s3+$0x0], $0xffff;
	_ =	sdelay $0x3  }
0x214: {  	v3 =	vld [tilespmem:$0x18E00]  }
0x215: {  	[tilespmem:$0x19DE0] =	vst v1  }
0x216: {  	v1 =	vld.idx.msk [tilespmem:v2+s3+$0x0], $0xffff;
	_ =	sdelay $0x3  }
0x217: {  	v2 =	vld [tilespmem:$0x18E10]  }
0x218: {  	[tilespmem:$0x19DF0] =	vst v1  }
0x219: {  	v1 =	vld.idx.msk [tilespmem:v3+s3+$0x0], $0xffff;
	_ =	sdelay $0x3  }
0x21a: {  	v3 =	vld [tilespmem:$0x18E20]  }
0x21b: {  	[tilespmem:$0x19E00] =	vst v1  }
0x21c: {  	v1 =	vld.idx.msk [tilespmem:v2+s3+$0x0], $0xffff;
	_ =	sdelay $0x3  }
0x21d: {  	v2 =	vld [tilespmem:$0x18E30]  }
0x21e: {  	[tilespmem:$0x19E10] =	vst v1  }
0x21f: {  	v1 =	vld.idx.msk [tilespmem:v3+s3+$0x0], $0xffff;
	_ =	sdelay $0x3  }
0x220: {  	v3 =	vld [tilespmem:$0x18E40]  }
0x221: {  	[tilespmem:$0x19E20] =	vst v1  }
0x222: {  	v1 =	vld.idx.msk [tilespmem:v2+s3+$0x0], $0xffff;
	_ =	sdelay $0x3  }
0x223: {  	v2 =	vld [tilespmem:$0x18E50]  }
0x224: {  	[tilespmem:$0x19E30] =	vst v1  }
0x225: {  	v1 =	vld.idx.msk [tilespmem:v3+s3+$0x0], $0xffff;
	_ =	sdelay $0x3  }
0x226: {  	v3 =	vld [tilespmem:$0x18E60]  }
0x227: {  	[tilespmem:$0x19E40] =	vst v1  }
0x228: {  	v1 =	vld.idx.msk [tilespmem:v2+s3+$0x0], $0xffff;
	_ =	sdelay $0x3  }
0x229: {  	v2 =	vld [tilespmem:$0x18E70]  }
0x22a: {  	[tilespmem:$0x19E50] =	vst v1  }
0x22b: {  	v1 =	vld.idx.msk [tilespmem:v3+s3+$0x0], $0xffff;
	_ =	sdelay $0x3  }
0x22c: {  	v3 =	vld [tilespmem:$0x18E80]  }
0x22d: {  	[tilespmem:$0x19E60] =	vst v1  }
0x22e: {  	v1 =	vld.idx.msk [tilespmem:v2+s3+$0x0], $0xffff;
	_ =	sdelay $0x3  }
0x22f: {  	v2 =	vld [tilespmem:$0x18E90]  }
0x230: {  	[tilespmem:$0x19E70] =	vst v1  }
0x231: {  	v1 =	vld.idx.msk [tilespmem:v3+s3+$0x0], $0xffff;
	_ =	sdelay $0x3  }
0x232: {  	v3 =	vld [tilespmem:$0x18EA0]  }
0x233: {  	[tilespmem:$0x19E80] =	vst v1  }
0x234: {  	v1 =	vld.idx.msk [tilespmem:v2+s3+$0x0], $0xffff;
	_ =	sdelay $0x3  }
0x235: {  	v2 =	vld [tilespmem:$0x18EB0]  }
0x236: {  	[tilespmem:$0x19E90] =	vst v1  }
0x237: {  	v1 =	vld.idx.msk [tilespmem:v3+s3+$0x0], $0xffff;
	_ =	sdelay $0x3  }
0x238: {  	v3 =	vld [tilespmem:$0x18EC0]  }
0x239: {  	[tilespmem:$0x19EA0] =	vst v1  }
0x23a: {  	v1 =	vld.idx.msk [tilespmem:v2+s3+$0x0], $0xffff;
	_ =	sdelay $0x3  }
0x23b: {  	v2 =	vld [tilespmem:$0x18ED0]  }
0x23c: {  	[tilespmem:$0x19EB0] =	vst v1  }
0x23d: {  	v1 =	vld.idx.msk [tilespmem:v3+s3+$0x0], $0xffff;
	_ =	sdelay $0x3  }
0x23e: {  	v3 =	vld [tilespmem:$0x18EE0]  }
0x23f: {  	[tilespmem:$0x19EC0] =	vst v1  }
0x240: {  	v1 =	vld.idx.msk [tilespmem:v2+s3+$0x0], $0xffff;
	_ =	sdelay $0x3  }
0x241: {  	v2 =	vld [tilespmem:$0x18EF0]  }
0x242: {  	[tilespmem:$0x19ED0] =	vst v1  }
0x243: {  	v1 =	vld.idx.msk [tilespmem:v3+s3+$0x0], $0xffff;
	_ =	sdelay $0x4  }
0x244: {  	[tilespmem:$0x19EE0] =	vst v1  }
0x245: {  	v1 =	vld.idx.msk [tilespmem:v2+s3+$0x0], $0xffff;
	_ =	sdelay $0x4  }
0x246: {  	s17 =	rddreg [dreg:$0x4];
	[tilespmem:$0x19EF0] =	vst v1  }
0x247: {  	[spmem:s1] =	stream.indirect.scatter.add.f32 [tilespmem:s17], [sflag:$0x1], $0x1, s19, s20, $0xb8;
	[tilespmem:$0x1BF70] =	vst v63  }
0x248: {  	_ =	swait.ge [sflag:s18], $0x80  }
0x249: {  	s15 =	rddreg [dreg:$0x5];
	[sflag:s18] =	ssyncset.done $0x0  }
0x24a: {  	s17 =	rddreg [dreg:$0x6];
	[sflag:s18] =	ssyncadd.s32 $0xFFFFFF80  }
0x24b: {  	[spmem:s1] =	stream.indirect.scatter.add.f32 [tilespmem:s17], [sflag:$0x1], $0x1, s15, s20, $0xb8;
	[tilespmem:$0x1BF70] =	vst v63  }
0x24c: {  	_ =	swait.ge [sflag:s18], $0x80  }
0x24d: {  	s17 =	rddreg [dreg:$0x7];
	[sflag:s18] =	ssyncset.done $0x0  }
0x24e: {  	s15 =	rddreg [dreg:$0x8];
	[sflag:s18] =	ssyncadd.s32 $0xFFFFFF80  }
0x24f: {  	[spmem:s1] =	stream.indirect.scatter.add.f32 [tilespmem:s15], [sflag:$0x1], $0x1, s17, s20, $0xb8;
	[tilespmem:$0x1BF70] =	vst v63  }
0x250: {  	_ =	swait.ge [sflag:s18], $0x80  }
0x251: {  	s17 =	rddreg [dreg:$0x9];
	[sflag:s18] =	ssyncset.done $0x0  }
0x252: {  	s15 =	rddreg [dreg:$0xa];
	[sflag:s18] =	ssyncadd.s32 $0xFFFFFF80  }
0x253: {  	[spmem:s1] =	stream.indirect.scatter.add.f32 [tilespmem:s15], [sflag:$0x1], $0x1, s17, s20, $0xb8;
	[tilespmem:$0x1BF70] =	vst v63  }
0x254: {  	_ =	swait.ge [sflag:s18], $0x80  }
0x255: {  	s17 =	rddreg [dreg:$0xb];
	[sflag:s18] =	ssyncset.done $0x0  }
0x256: {  	s15 =	rddreg [dreg:$0xc];
	[sflag:s18] =	ssyncadd.s32 $0xFFFFFF80  }
0x257: {  	[spmem:s1] =	stream.indirect.scatter.add.f32 [tilespmem:s15], [sflag:$0x1], $0x1, s17, s20, $0xb8;
	[tilespmem:$0x1BF70] =	vst v63  }
0x258: {  	_ =	swait.ge [sflag:s18], $0x80  }
0x259: {  	s17 =	rddreg [dreg:$0xd];
	[sflag:s18] =	ssyncset.done $0x0  }
0x25a: {  	s15 =	rddreg [dreg:$0xe];
	[sflag:s18] =	ssyncadd.s32 $0xFFFFFF80  }
0x25b: {  	[spmem:s1] =	stream.indirect.scatter.add.f32 [tilespmem:s15], [sflag:$0x1], $0x1, s17, s20, $0xb8;
	[tilespmem:$0x1BF70] =	vst v63  }
0x25c: {  	_ =	swait.ge [sflag:s18], $0x80  }
0x25d: {  	[sflag:s18] =	ssyncset.done $0x0  }
0x25e: {  	[sflag:s18] =	ssyncadd.s32 $0xFFFFFF80  }
0x25f: {  	[spmem:s1] =	stream.indirect.scatter.add.f32 [tilespmem:s22], [sflag:$0x1], $0x1, s21, s20, $0xb8;
	[tilespmem:$0x1BF70] =	vst v63  }
0x260: {  	_ =	swait.ge [sflag:s18], $0x80  }
0x261: {  	[sflag:s18] =	ssyncset.done $0x0  }
0x262: {  	[sflag:s18] =	ssyncadd.s32 $0xFFFFFF80  }
0x263: {  	[spmem:s1] =	stream.indirect.scatter.add.f32 [tilespmem:s24], [sflag:$0x1], $0x1, s23, s20, $0xb8;
	[tilespmem:$0x1BF70] =	vst v63  }
0x264: {  	_ =	swait.ge [sflag:s18], $0x80  }
0x265: {  	[sflag:s18] =	ssyncset.done $0x0  }
0x266: {  	[sflag:s18] =	ssyncadd.s32 $0xFFFFFF80  }
0x267: {  	[spmem:s1] =	stream.indirect.scatter.add.f32 [tilespmem:s26], [sflag:$0x1], $0x1, s25, s20, $0xb8;
	[tilespmem:$0x1BF70] =	vst v63  }
0x268: {  	_ =	swait.ge [sflag:s18], $0x80  }
0x269: {  	[sflag:s18] =	ssyncset.done $0x0  }
0x26a: {  	[sflag:s18] =	ssyncadd.s32 $0xFFFFFF80  }
0x26b: {  	[spmem:s1] =	stream.indirect.scatter.add.f32 [tilespmem:s29], [sflag:$0x1], $0x1, s28, s20, $0xb8;
	[tilespmem:$0x1BF70] =	vst v63  }
0x26c: {  	_ =	swait.ge [sflag:s18], $0x80  }
0x26d: {  	[sflag:s18] =	ssyncset.done $0x0  }
0x26e: {  	[sflag:s18] =	ssyncadd.s32 $0xFFFFFF80  }
0x26f: {  	[spmem:s1] =	stream.indirect.scatter.add.f32 [tilespmem:s31], [sflag:$0x1], $0x1, s30, s20, $0xb8;
	[tilespmem:$0x1BF70] =	vst v63  }
0x270: {  	_ =	swait.ge [sflag:s18], $0x80  }
0x271: {  	[sflag:s18] =	ssyncset.done $0x0  }
0x272: {  	[sflag:s18] =	ssyncadd.s32 $0xFFFFFF80  }
0x273: {  	[spmem:s1] =	stream.indirect.scatter.add.f32 [tilespmem:s2], [sflag:$0x1], $0x1, s0, s20, $0xb8;
	[tilespmem:$0x1BF70] =	vst v63  }
0x274: {  	_ =	swait.ge [sflag:s18], $0x80  }
0x275: {  	[sflag:s18] =	ssyncset.done $0x0  }
0x276: {  	[sflag:s18] =	ssyncadd.s32 $0xFFFFFF80  }
0x277: {  	[spmem:s1] =	stream.indirect.scatter.add.f32 [tilespmem:s11], [sflag:$0x1], $0x1, s4, s20, $0xb8;
	[tilespmem:$0x1BF70] =	vst v63  }
0x278: {  	_ =	swait.ge [sflag:s18], $0x80  }
0x279: {  	[sflag:s18] =	ssyncset.done $0x0  }
0x27a: {  	[sflag:s18] =	ssyncadd.s32 $0xFFFFFF80  }
0x27b: {  	[spmem:s1] =	stream.indirect.scatter.add.f32 [tilespmem:s13], [sflag:$0x1], $0x1, s12, s20, $0xb8;
	[tilespmem:$0x1BF70] =	vst v63  }
0x27c: {  	_ =	swait.ge [sflag:s18], $0x80  }
0x27d: {  	[sflag:s18] =	ssyncset.done $0x0  }
0x27e: {  	[sflag:s18] =	ssyncadd.s32 $0xFFFFFF80  }
0x27f: {  	[spmem:s1] =	stream.indirect.scatter.add.f32 [tilespmem:s16], [sflag:$0x1], $0x1, s14, s20, $0xb8;
	[tilespmem:$0x1BF70] =	vst v63  }
0x280: {  	_ =	swait.ge [sflag:s18], $0x80  }
0x281: {  	p0 =	sne.s32 s8, $0x1;
	[sflag:s18] =	ssyncset.done $0x0  }
.Ltmp0:
0x282: {  	[sflag:s18] =	ssyncadd.s32 $0xFFFFFF80;
	(pc) =	sbr.rel @p0 .LBB2_2-.Ltmp0, $4  }
0x283: {  	[spmem:s1] =	stream.indirect.scatter.add.f32 [tilespmem:s9], [sflag:$0x1], $0x1, s10, s20, $0xb8;
	[tilespmem:$0x1BF70] =	vst v63  }
0x284: {  	_ =	swait.ge [sflag:s18], $0x80  }
0x285: {  	s8 =	sadd.s32 $0xFFFFFFFF, s8;
	[sflag:s18] =	ssyncset.done $0x0  }
0x286: {  	s7 =	sadd.s32 $0x100, s7;
	s6 =	sadd.s32 $0x100, s6;
	[sflag:s18] =	ssyncadd.s32 $0xFFFFFF80  }
0x287: {  	[bflag:$0x0] =	sbarrier.arrive $0xFFFF  }
0x288: {  	s15 =	simm.s32 $0x19F00;
	s17 =	rddreg [dreg:$0x10]  }
0x289: {  	[tilespmem:s15], [sflag:$0x1] =	stream.linear.gather [spmem:s17], $0x800, $0x38;
	[tilespmem:$0x1BF70] =	vst v63  }
0x28a: {  	_ =	swait.ge [sflag:s18], $0x800  }
0x28b: {  	[sflag:s18] =	ssyncset.done $0x0  }
0x28c: {  	s5 =	rddreg [dreg:$0x15];
	[sflag:s18] =	ssyncadd.s32 $0xFFFFF800  }
0x28d: {  	[hbm4b:s5+s3] =	stream.linear.scatter [tilespmem:s15], [sflag:$0x1], $0x800, $0x38;
	[tilespmem:$0x1BF70] =	vst v63  }
0x28e: {  	_ =	swait.ge [sflag:s18], $0x800  }
0x28f: {  	[sflag:s18] =	ssyncset.done $0x0  }
0x290: {  	s5 =	rddreg [dreg:$0x11];
	[sflag:s18] =	ssyncadd.s32 $0xFFFFF800  }
0x291: {  	[tilespmem:s15], [sflag:$0x1] =	stream.linear.gather [spmem:s5], $0x800, $0x38;
	[tilespmem:$0x1BF70] =	vst v63  }
0x292: {  	_ =	swait.ge [sflag:s18], $0x800  }
0x293: {  	[sflag:s18] =	ssyncset.done $0x0  }
0x294: {  	s6 =	rddreg [dreg:$0x16];
	[sflag:s18] =	ssyncadd.s32 $0xFFFFF800  }
0x295: {  	[hbm4b:s6+s3] =	stream.linear.scatter [tilespmem:s15], [sflag:$0x1], $0x800, $0x38;
	[tilespmem:$0x1BF70] =	vst v63  }
0x296: {  	_ =	swait.ge [sflag:s18], $0x800  }
0x297: {  	[sflag:s18] =	ssyncset.done $0x0  }
0x298: {  	s6 =	rddreg [dreg:$0x12];
	[sflag:s18] =	ssyncadd.s32 $0xFFFFF800  }
0x299: {  	[tilespmem:s15], [sflag:$0x1] =	stream.linear.gather [spmem:s6], $0x800, $0x38;
	[tilespmem:$0x1BF70] =	vst v63  }
0x29a: {  	_ =	swait.ge [sflag:s18], $0x800  }
0x29b: {  	[sflag:s18] =	ssyncset.done $0x0  }
0x29c: {  	s7 =	rddreg [dreg:$0x17];
	[sflag:s18] =	ssyncadd.s32 $0xFFFFF800  }
0x29d: {  	[hbm4b:s7+s3] =	stream.linear.scatter [tilespmem:s15], [sflag:$0x1], $0x800, $0x38;
	[tilespmem:$0x1BF70] =	vst v63  }
0x29e: {  	_ =	swait.ge [sflag:s18], $0x800  }
0x29f: {  	[sflag:s18] =	ssyncset.done $0x0  }
0x2a0: {  	s7 =	rddreg [dreg:$0x13];
	[sflag:s18] =	ssyncadd.s32 $0xFFFFF800  }
0x2a1: {  	[tilespmem:s15], [sflag:$0x1] =	stream.linear.gather [spmem:s7], $0x70, $0x38;
	[tilespmem:$0x1BF70] =	vst v63  }
0x2a2: {  	_ =	swait.ge [sflag:s18], $0x70  }
0x2a3: {  	[sflag:s18] =	ssyncset.done $0x0  }
0x2a4: {  	s8 =	rddreg [dreg:$0x18];
	[sflag:s18] =	ssyncadd.s32 $0xFFFFFF90  }
0x2a5: {  	[hbm4b:s8+s3] =	stream.linear.scatter [tilespmem:s15], [sflag:$0x1], $0x70, $0x38;
	[tilespmem:$0x1BF70] =	vst v63  }
0x2a6: {  	_ =	swait.ge [sflag:s18], $0x70  }
0x2a7: {  	s8 =	rddreg [dreg:$0x1c]  }
0x2a8: {  	s15 =	sadd.s32 $0x1, s8;
	s8 =	rddreg [dreg:$0x19]  }
0x2a9: {  	p0 =	sne.s32 s15, s8  }
.Ltmp1:
0x2aa: {  	_ = 	snop;
	(pc) =	sbr.rel @p0 .LBB2_1-.Ltmp1, $3  }
0x2ab: {  	_ =	sdelay $0x1  }
0x2ac: {  	[sflag:s18] =	ssyncset.done $0x0  }
0x2ad: {  	[sflag:s18] =	ssyncadd.s32 $0xFFFFFF90;
	s8 =	simm.s32 $0x19F00  }
0x2ae: {  	_ =	sfence.sel $0x180000  }
0x2af: {  	[bflag:$0x0] =	sbarrier.arrive $0xFFFF  }
0x2b0: {  	_ =	strace $0x90000047  }
0x2b1: {  	s0 =	stileid.u32;
	[bflag:$0x2] =	sbarrier.arrive $0xFFFF  }
0x2b2: {  	p0 =	sne.s32 s0, $0x0;
	s0 =	rddreg [dreg:$0x2]  }
0x2b3: {  	s0 =	sadd.s32 @!p0 $0x100000, s0  }
0x2b4: {  	[sflag:s0] =	ssyncadd.tile.s32 @!p0 $0x1;
	_ =	shalt  }
.Lfunc_end2:
_tile_overlayer_lowered:
.L_overlay_start_2:
0x2b5: {  	(tag) =	ssettag $0x2  }
0x2b6: {  	s0 =	rddreg [dreg:$0x0];
	s2 =	stileid.u32  }
0x2b7: {  	s1 =	rddreg [dreg:$0x1];
	p0 =	sne.s32 s2, $0x0  }
0x2b8: {  	s3 =	rddreg [dreg:$0x2];
	[bflag:$0x3] =	sbarrier.arrive $0xFFFF;
	s2 =	simm.s32 @!p0 $0x1C01  }
0x2b9: {  	[timem:s3], [sflag:s2] =	dma.local @!p0 [hbm:s0], s1  }
0x2ba: {  	s0 =	simm.s32 @!p0 $0x1  }
0x2bb: {  	_ =	swait.ge @!p0 [sflag:s0], s1  }
0x2bc: {  	s1 =	ssub.s32 @!p0 $0x0, s1;
	[sflag:s0] =	ssyncset.done @!p0 $0x0  }
0x2bd: {  	[sflag:s0] =	ssyncadd.s32 @!p0 s1  }
0x2be: {  	[bflag:$0x3] =	sbarrier.arrive $0xFFFF  }
0x2bf: {  	_ =	shalt  }

</sc_bundles>
